<compile_context>
chip_gen: v7x
topology: tpu7x:2x2x1
jax: 0.10.2.dev20260603
libtpu: 0.0.44.dev20260713+nightly
codegen_flags: <defaults>
</compile_context>

<pallas_src>
import jax
import jax.numpy as jnp
from jax import lax
from jax.experimental import pallas as pl
from jax.experimental.pallas import tpu as pltpu
from jax.experimental.pallas import tpu_sc as plsc

NC = 2
NS = 16
NW = NC * NS
EB = 128
F = 128


def _lin1_body(x_ref, w_ref, o_ref):
    o_ref[...] = jnp.dot(x_ref[...], w_ref[...],
                         preferred_element_type=jnp.float32)


def _lin1(x, w1t):
    n = x.shape[0]
    blk = 2000
    return pl.pallas_call(
        _lin1_body,
        grid=(n // blk,),
        in_specs=[
            pl.BlockSpec((blk, F), lambda i: (i, 0)),
            pl.BlockSpec((F, F), lambda i: (0, 0)),
        ],
        out_specs=pl.BlockSpec((blk, F), lambda i: (i, 0)),
        out_shape=jax.ShapeDtypeStruct((n, F), jnp.float32),
    )(x, w1t)


CH = 8
BPB = 16
NBUF = 2


def _make_agg(npad, nb, with_deg):
    rows_per_tile = npad // NS
    nz = rows_per_tile // EB
    nch = nb // CH
    nbod = nch // 2

    def body(g_hbm, src_hbm, dst_hbm, outp_hbm, outd_hbm,
             acc_sh, deg_sh, src_a, dst_a, src_b, dst_b,
             r0, r1, ones_v, zdeg_v,
             sg0, sg1, ss0, ss1, sd, si0, si1):
        c = lax.axis_index("c")
        s = lax.axis_index("s")
        wid = s * NC + c
        rows = (r0, r1)
        gsem = (sg0, sg1)
        ssem = (ss0, ss1)
        isrc = (src_a, src_b)
        idst = (dst_a, dst_b)
        isem = (si0, si1)

        z16 = jnp.zeros((16,), jnp.float32)
        one16 = jnp.full((16,), 1.0, jnp.float32)

        def zrow(r, carry):
            for lg in range(F // 16):
                r0[r, pl.ds(lg * 16, 16)] = z16
            return carry

        lax.fori_loop(0, EB, zrow, 0)
        if with_deg:
            for i in range(EB // 16):
                ones_v[pl.ds(i * 16, 16)] = one16
            for i in range(rows_per_tile // 16):
                zdeg_v[pl.ds(i * 16, 16)] = z16

        row0 = s * rows_per_tile
        for b in range(nz):
            pltpu.sync_copy(r0, acc_sh.at[pl.ds(row0 + b * EB, EB)])
        if with_deg:
            pltpu.sync_copy(zdeg_v, deg_sh.at[pl.ds(row0, rows_per_tile)])

        def g_desc(t):
            buf = idst[0] if t < CH else idst[1]
            return pltpu.make_async_copy(
                g_hbm.at[buf.at[t % CH]], rows[t % NBUF], gsem[t % NBUF])

        def s_desc(t):
            buf = isrc[0] if t < CH else isrc[1]
            return pltpu.make_async_copy(
                rows[t % NBUF], acc_sh.at[buf.at[t % CH]], ssem[t % NBUF])

        def d_desc(t):
            buf = isrc[0] if t < CH else isrc[1]
            return pltpu.make_async_copy(
                ones_v, deg_sh.at[buf.at[t % CH]], sd)

        def idx_start(k, p):
            pltpu.make_async_copy(
                src_hbm.at[wid].at[pl.ds(k * CH, CH)], isrc[p],
                isem[p]).start()
            pltpu.make_async_copy(
                dst_hbm.at[wid].at[pl.ds(k * CH, CH)], idst[p],
                isem[p]).start()

        def idx_wait(p):
            pltpu.make_async_copy(
                src_hbm.at[wid].at[pl.ds(0, CH)], isrc[p], isem[p]).wait()
            pltpu.make_async_copy(
                dst_hbm.at[wid].at[pl.ds(0, CH)], idst[p], isem[p]).wait()

        idx_start(0, 0)
        idx_start(1, 1)
        idx_wait(0)
        g_desc(0).start()

        plsc.subcore_barrier()

        def fbody(i, carry):
            for t in range(BPB):
                g_desc(t).wait()
                s_desc(t).start(add=True)
                if with_deg:
                    if t < 2:
                        @pl.when(i > 0)
                        def _():
                            d_desc(t).wait()
                    else:
                        d_desc(t - 2).wait()
                    d_desc(t).start(add=True)
                if t == 0:
                    @pl.when(i > 0)
                    def _():
                        s_desc(BPB - 1).wait()
                    g_desc(1).start()
                else:
                    s_desc(t - 1).wait()
                    if t == 2:
                        @pl.when(i > 0)
                        def _():
                            idx_start(2 * i + 1, 1)
                    if t == 6:
                        idx_wait(1)
                    if t == 9:
                        @pl.when(i < nbod - 1)
                        def _():
                            idx_start(2 * i + 2, 0)
                    if t == 12:
                        @pl.when(i < nbod - 1)
                        def _():
                            idx_wait(0)
                    if t < BPB - 1:
                        g_desc(t + 1).start()
                    else:
                        @pl.when(i < nbod - 1)
                        def _():
                            g_desc(t + 1 - BPB).start()
            return carry

        lax.fori_loop(0, nbod, fbody, 0)

        s_desc(BPB - 1).wait()
        if with_deg:
            for t in range(2):
                d_desc(t).wait()

        plsc.subcore_barrier()

        pltpu.sync_copy(acc_sh.at[pl.ds(row0, rows_per_tile)],
                        outp_hbm.at[c, pl.ds(row0, rows_per_tile)])
        if with_deg:
            pltpu.sync_copy(deg_sh.at[pl.ds(row0, rows_per_tile)],
                            outd_hbm.at[c, pl.ds(row0, rows_per_tile)])

    return pl.kernel(
        body,
        mesh=plsc.VectorSubcoreMesh(core_axis_name="c", subcore_axis_name="s"),
        out_type=(
            jax.ShapeDtypeStruct((NC, npad, F), jnp.float32),
            jax.ShapeDtypeStruct((NC, npad), jnp.float32),
        ),
        scratch_types=(
            pltpu.VMEM_SHARED((npad, F), jnp.float32),
            pltpu.VMEM_SHARED((npad,), jnp.float32),
            pltpu.VMEM((CH, EB), jnp.int32),
            pltpu.VMEM((CH, EB), jnp.int32),
            pltpu.VMEM((CH, EB), jnp.int32),
            pltpu.VMEM((CH, EB), jnp.int32),
            pltpu.VMEM((EB, F), jnp.float32),
            pltpu.VMEM((EB, F), jnp.float32),
            pltpu.VMEM((EB,), jnp.float32),
            pltpu.VMEM((rows_per_tile,), jnp.float32),
            pltpu.SemaphoreType.DMA,
            pltpu.SemaphoreType.DMA,
            pltpu.SemaphoreType.DMA,
            pltpu.SemaphoreType.DMA,
            pltpu.SemaphoreType.DMA,
            pltpu.SemaphoreType.DMA,
            pltpu.SemaphoreType.DMA,
        ),
    )


def _mid_body(p0, p1, d0, d1, b_ref, w_ref, o_ref):
    deg = d0[...] + d1[...]
    m1n = (p0[...] + p1[...]) * (1.0 / deg)
    h = jnp.maximum(m1n + b_ref[...], 0.0)
    o_ref[...] = jnp.dot(h, w_ref[...], preferred_element_type=jnp.float32)


def _mid(p0, p1, d0, d1, b1r, w2t):
    n = p0.shape[0]
    blk = 2000
    return pl.pallas_call(
        _mid_body,
        grid=(n // blk,),
        in_specs=[
            pl.BlockSpec((blk, F), lambda i: (i, 0)),
            pl.BlockSpec((blk, F), lambda i: (i, 0)),
            pl.BlockSpec((blk, 1), lambda i: (i, 0)),
            pl.BlockSpec((blk, 1), lambda i: (i, 0)),
            pl.BlockSpec((1, F), lambda i: (0, 0)),
            pl.BlockSpec((F, F), lambda i: (0, 0)),
        ],
        out_specs=pl.BlockSpec((blk, F), lambda i: (i, 0)),
        out_shape=jax.ShapeDtypeStruct((n, F), jnp.float32),
    )(p0, p1, d0, d1, b1r, w2t)


def _out_body(q0, q1, d0, d1, b_ref, o_ref):
    ncls = o_ref.shape[1]
    deg = d0[...] + d1[...]
    z = (q0[...] + q1[...]) * (1.0 / deg) + b_ref[...]
    lane = lax.broadcasted_iota(jnp.int32, z.shape, 1)
    valid = lane < ncls
    zm = jnp.where(valid, z, -jnp.inf)
    m = jnp.max(zm, axis=1, keepdims=True)
    e = jnp.where(valid, jnp.exp(z - m), 0.0)
    sz = jnp.sum(e, axis=1, keepdims=True)
    res = z - m - jnp.log(sz)
    o_ref[...] = res[:, :ncls]


def _out(q0, q1, d0, d1, b2r, ncls):
    n = q0.shape[0]
    blk = 2000
    return pl.pallas_call(
        _out_body,
        grid=(n // blk,),
        in_specs=[
            pl.BlockSpec((blk, F), lambda i: (i, 0)),
            pl.BlockSpec((blk, F), lambda i: (i, 0)),
            pl.BlockSpec((blk, 1), lambda i: (i, 0)),
            pl.BlockSpec((blk, 1), lambda i: (i, 0)),
            pl.BlockSpec((1, F), lambda i: (0, 0)),
        ],
        out_specs=pl.BlockSpec((blk, ncls), lambda i: (i, 0)),
        out_shape=jax.ShapeDtypeStruct((n, ncls), jnp.float32),
    )(q0, q1, d0, d1, b2r)


def kernel(x, edge_index, W1, b1, W2, b2):
    n = x.shape[0]
    e = edge_index.shape[1]
    ncls = W2.shape[0]

    npad = ((n + NS * EB) // (NS * EB)) * (NS * EB)

    epw = -(-e // NW)
    nb = (-(-(-(-epw // EB)) // CH)) * CH
    slot = nb * EB
    flat_pad = NW * epw - e
    spare = npad - n
    padcols = slot - epw
    srcw = jnp.concatenate(
        [edge_index[0], jnp.full((flat_pad,), n, jnp.int32)]).reshape(NW, epw)
    dstw = jnp.concatenate(
        [edge_index[1], jnp.zeros((flat_pad,), jnp.int32)]).reshape(NW, epw)
    dump = jnp.broadcast_to(
        n + (jnp.arange(padcols, dtype=jnp.int32) % spare), (NW, padcols))
    zpad = jnp.zeros((NW, padcols), jnp.int32)
    src3 = jnp.concatenate([srcw, dump], axis=1).reshape(NW, nb, EB)
    dst3 = jnp.concatenate([dstw, zpad], axis=1).reshape(NW, nb, EB)

    w1t = W1.T
    b1r = b1.reshape(1, F)
    w2t = jnp.zeros((F, F), jnp.float32).at[:, :ncls].set(W2.T)
    b2r = jnp.zeros((1, F), jnp.float32).at[:, :ncls].set(b2.reshape(1, ncls))

    g1 = _lin1(x, w1t)

    acc1, degp = _make_agg(npad, nb, True)(g1, src3, dst3)
    d0 = degp[0, :n, None]
    d1 = degp[1, :n, None]

    g2 = _mid(acc1[0, :n], acc1[1, :n], d0, d1, b1r, w2t)

    acc2, _ = _make_agg(npad, nb, False)(g2, src3, dst3)

    return _out(acc2[0, :n], acc2[1, :n], d0, d1, b2r, ncls)

# --- scband reference (transcript-rebuilt; emitter-appended) ---
"""Pipeline reference for scband-graphsage-86260123173600 (READ-ONLY COPY).

The authoritative reference and input builder live on the scoring server;
editing this copy changes nothing except your own understanding.
"""

import jax, jax.numpy as jnp
import numpy as np

N = 10000
E = 320000
F_IN = 128
HID = 128
NCLS = 47


def setup_inputs(seed: int = 0) -> dict:
    key = jax.random.key(seed)
    k1, k2, k3, k4, k5, k6 = jax.random.split(key, 6)
    x = jax.random.normal(k1, (N, F_IN), dtype=jnp.float32)
    edge_index = jax.random.randint(k2, (2, E), 0, N, dtype=jnp.int32)
    # Linear layer params (torch nn.Linear: W[out,in], b[out])
    W1 = jax.random.normal(k3, (HID, F_IN), dtype=jnp.float32) / np.sqrt(F_IN)
    b1 = jax.random.normal(k4, (HID,), dtype=jnp.float32) * 0.01
    W2 = jax.random.normal(k5, (NCLS, HID), dtype=jnp.float32) / np.sqrt(HID)
    b2 = jax.random.normal(k6, (NCLS,), dtype=jnp.float32) * 0.01
    return {"x": x, "edge_index": edge_index, "W1": W1, "b1": b1, "W2": W2, "b2": b2}


def _mean_agg_layer(h, src, dst, W, b):
    # MeanAggregator: linear then degree-normalized sparse matmul (mean over neighbors)
    h = h @ W.T + b
    msg = jnp.take(h, dst, axis=0)                       # gather neighbor features
    agg = jax.ops.segment_sum(msg, src, num_segments=N)  # adj @ h  (scatter-add)
    deg = jax.ops.segment_sum(jnp.ones((E,), dtype=h.dtype), src, num_segments=N)
    deg_inv = 1.0 / deg  # torch: deg.pow(-1)
    return agg * deg_inv[:, None]


def reference(x, edge_index, W1, b1, W2, b2):
    src = edge_index[0]
    dst = edge_index[1]
    h = _mean_agg_layer(x, src, dst, W1, b1)
    h = jax.nn.relu(h)
    # dropout is identity in eval mode
    h = _mean_agg_layer(h, src, dst, W2, b2)
    return jax.nn.log_softmax(h, axis=1)

if __name__ == "__main__":
    import jax
    _d = setup_inputs()
    print(jax.jit(kernel)(*tuple(_d.values())))

</pallas_src>

<mosaic_0001>
#map = affine_map<(d0, d1) -> (0, 0)>
#map1 = affine_map<(d0, d1) -> (0, 0, 0)>
module attributes {stable_mosaic.version = 14 : i64} {
  func.func @body(%arg0: i32, %arg1: i32, %arg2: memref<10000x128xf32, #tpu.memory_space<hbm>>, %arg3: memref<32x80x128xi32, #tpu.memory_space<hbm>>, %arg4: memref<32x80x128xi32, #tpu.memory_space<hbm>>, %arg5: memref<2x10240x128xf32, #tpu.memory_space<hbm>>, %arg6: memref<2x10240xf32, #tpu.memory_space<hbm>>, %arg7: memref<10240x128xf32, #tpu.memory_space<vmem_shared>>, %arg8: memref<10240xf32, #tpu.memory_space<vmem_shared>>, %arg9: memref<8x128xi32, #tpu.memory_space<vmem>>, %arg10: memref<8x128xi32, #tpu.memory_space<vmem>>, %arg11: memref<8x128xi32, #tpu.memory_space<vmem>>, %arg12: memref<8x128xi32, #tpu.memory_space<vmem>>, %arg13: memref<128x128xf32, #tpu.memory_space<vmem>>, %arg14: memref<128x128xf32, #tpu.memory_space<vmem>>, %arg15: memref<128xf32, #tpu.memory_space<vmem>>, %arg16: memref<640xf32, #tpu.memory_space<vmem>>, %arg17: memref<!tpu.dma_semaphore, #tpu.memory_space<semaphore_mem>>, %arg18: memref<!tpu.dma_semaphore, #tpu.memory_space<semaphore_mem>>, %arg19: memref<!tpu.dma_semaphore, #tpu.memory_space<semaphore_mem>>, %arg20: memref<!tpu.dma_semaphore, #tpu.memory_space<semaphore_mem>>, %arg21: memref<!tpu.dma_semaphore, #tpu.memory_space<semaphore_mem>>, %arg22: memref<!tpu.dma_semaphore, #tpu.memory_space<semaphore_mem>>, %arg23: memref<!tpu.dma_semaphore, #tpu.memory_space<semaphore_mem>>) attributes {dimension_semantics = [#tpu.dimension_semantics<core_parallel>, #tpu.dimension_semantics<subcore_parallel>], iteration_bounds = array<i64: 2, 16>, scalar_prefetch = 0 : i64, scratch_operands = 17 : i64, tpu.core_type = #tpu.core_type<sc_vector_subcore>, window_params = [{transform_indices = #map}, {transform_indices = #map1}, {transform_indices = #map1}, {transform_indices = #map1}, {transform_indices = #map}]} {
    %mul3A = arith.constant 2 : i32
    %mul3A_0 = arith.muli %arg1, %mul3A : i32
    %add3A = arith.addi %mul3A_0, %arg0 : i32
    %broadcast_in_dim3A = arith.constant 0.000000e+00 : f32
    %broadcast_in_dim3A_1 = vector.broadcast %broadcast_in_dim3A : f32 to vector<16xf32>
    %broadcast_in_dim3A_2 = arith.constant 1.000000e+00 : f32
    %broadcast_in_dim3A_3 = vector.broadcast %broadcast_in_dim3A_2 : f32 to vector<16xf32>
    %scan3A = arith.constant 0 : i32
    %scan3A_4 = arith.constant 0 : i32
    %scan3A_5 = arith.constant 128 : i32
    %scan3A_6 = arith.addi %scan3A_4, %scan3A_5 : i32
    %scan3A_7 = arith.constant 1 : i32
    scf.for %scan3A_124 = %scan3A_4 to %scan3A_6 step %scan3A_7  : i32 {
      %swap3A = arith.index_cast %scan3A_124 : i32 to index
      %swap3A_125 = arith.constant 0 : index
      %swap3A_126 = tpu.vector_load %arg13[%swap3A, %swap3A_125] {strides = array<i32>} : memref<128x128xf32, #tpu.memory_space<vmem>>, vector<1x16xf32>,
      %swap3A_127 = vector.shape_cast %swap3A_126 : vector<1x16xf32> to vector<16xf32>
      %swap3A_128 = vector.shape_cast %broadcast_in_dim3A_1 : vector<16xf32> to vector<1x16xf32>
      tpu.vector_store %arg13[%swap3A, %swap3A_125], %swap3A_128 {strides = array<i32>} : memref<128x128xf32, #tpu.memory_space<vmem>>, vector<1x16xf32>,
      %swap3A_129 = arith.index_cast %scan3A_124 : i32 to index
      %swap3A_130 = arith.constant 16 : index
      %swap3A_131 = tpu.vector_load %arg13[%swap3A_129, %swap3A_130] {strides = array<i32>} : memref<128x128xf32, #tpu.memory_space<vmem>>, vector<1x16xf32>,
      %swap3A_132 = vector.shape_cast %swap3A_131 : vector<1x16xf32> to vector<16xf32>
      %swap3A_133 = vector.shape_cast %broadcast_in_dim3A_1 : vector<16xf32> to vector<1x16xf32>
      tpu.vector_store %arg13[%swap3A_129, %swap3A_130], %swap3A_133 {strides = array<i32>} : memref<128x128xf32, #tpu.memory_space<vmem>>, vector<1x16xf32>,
      %swap3A_134 = arith.index_cast %scan3A_124 : i32 to index
      %swap3A_135 = arith.constant 32 : index
      %swap3A_136 = tpu.vector_load %arg13[%swap3A_134, %swap3A_135] {strides = array<i32>} : memref<128x128xf32, #tpu.memory_space<vmem>>, vector<1x16xf32>,
      %swap3A_137 = vector.shape_cast %swap3A_136 : vector<1x16xf32> to vector<16xf32>
      %swap3A_138 = vector.shape_cast %broadcast_in_dim3A_1 : vector<16xf32> to vector<1x16xf32>
      tpu.vector_store %arg13[%swap3A_134, %swap3A_135], %swap3A_138 {strides = array<i32>} : memref<128x128xf32, #tpu.memory_space<vmem>>, vector<1x16xf32>,
      %swap3A_139 = arith.index_cast %scan3A_124 : i32 to index
      %swap3A_140 = arith.constant 48 : index
      %swap3A_141 = tpu.vector_load %arg13[%swap3A_139, %swap3A_140] {strides = array<i32>} : memref<128x128xf32, #tpu.memory_space<vmem>>, vector<1x16xf32>,
      %swap3A_142 = vector.shape_cast %swap3A_141 : vector<1x16xf32> to vector<16xf32>
      %swap3A_143 = vector.shape_cast %broadcast_in_dim3A_1 : vector<16xf32> to vector<1x16xf32>
      tpu.vector_store %arg13[%swap3A_139, %swap3A_140], %swap3A_143 {strides = array<i32>} : memref<128x128xf32, #tpu.memory_space<vmem>>, vector<1x16xf32>,
      %swap3A_144 = arith.index_cast %scan3A_124 : i32 to index
      %swap3A_145 = arith.constant 64 : index
      %swap3A_146 = tpu.vector_load %arg13[%swap3A_144, %swap3A_145] {strides = array<i32>} : memref<128x128xf32, #tpu.memory_space<vmem>>, vector<1x16xf32>,
      %swap3A_147 = vector.shape_cast %swap3A_146 : vector<1x16xf32> to vector<16xf32>
      %swap3A_148 = vector.shape_cast %broadcast_in_dim3A_1 : vector<16xf32> to vector<1x16xf32>
      tpu.vector_store %arg13[%swap3A_144, %swap3A_145], %swap3A_148 {strides = array<i32>} : memref<128x128xf32, #tpu.memory_space<vmem>>, vector<1x16xf32>,
      %swap3A_149 = arith.index_cast %scan3A_124 : i32 to index
      %swap3A_150 = arith.constant 80 : index
      %swap3A_151 = tpu.vector_load %arg13[%swap3A_149, %swap3A_150] {strides = array<i32>} : memref<128x128xf32, #tpu.memory_space<vmem>>, vector<1x16xf32>,
      %swap3A_152 = vector.shape_cast %swap3A_151 : vector<1x16xf32> to vector<16xf32>
      %swap3A_153 = vector.shape_cast %broadcast_in_dim3A_1 : vector<16xf32> to vector<1x16xf32>
      tpu.vector_store %arg13[%swap3A_149, %swap3A_150], %swap3A_153 {strides = array<i32>} : memref<128x128xf32, #tpu.memory_space<vmem>>, vector<1x16xf32>,
      %swap3A_154 = arith.index_cast %scan3A_124 : i32 to index
      %swap3A_155 = arith.constant 96 : index
      %swap3A_156 = tpu.vector_load %arg13[%swap3A_154, %swap3A_155] {strides = array<i32>} : memref<128x128xf32, #tpu.memory_space<vmem>>, vector<1x16xf32>,
      %swap3A_157 = vector.shape_cast %swap3A_156 : vector<1x16xf32> to vector<16xf32>
      %swap3A_158 = vector.shape_cast %broadcast_in_dim3A_1 : vector<16xf32> to vector<1x16xf32>
      tpu.vector_store %arg13[%swap3A_154, %swap3A_155], %swap3A_158 {strides = array<i32>} : memref<128x128xf32, #tpu.memory_space<vmem>>, vector<1x16xf32>,
      %swap3A_159 = arith.index_cast %scan3A_124 : i32 to index
      %swap3A_160 = arith.constant 112 : index
      %swap3A_161 = tpu.vector_load %arg13[%swap3A_159, %swap3A_160] {strides = array<i32>} : memref<128x128xf32, #tpu.memory_space<vmem>>, vector<1x16xf32>,
      %swap3A_162 = vector.shape_cast %swap3A_161 : vector<1x16xf32> to vector<16xf32>
      %swap3A_163 = vector.shape_cast %broadcast_in_dim3A_1 : vector<16xf32> to vector<1x16xf32>
      tpu.vector_store %arg13[%swap3A_159, %swap3A_160], %swap3A_163 {strides = array<i32>} : memref<128x128xf32, #tpu.memory_space<vmem>>, vector<1x16xf32>,
    }
    %scan3A_8 = arith.constant 128 : i32
    %mul3A_9 = arith.constant 640 : i32
    %mul3A_10 = arith.muli %arg1, %mul3A_9 : i32
    %add3A_11 = arith.constant 0 : i32
    %add3A_12 = arith.addi %mul3A_10, %add3A_11 : i32
    "tpu.region"() ({
      %run_scoped3A = tpu.sem_alloc : memref<!tpu.dma_semaphore, #tpu.memory_space<semaphore_mem>>
      %dma_start3A_124 = arith.constant 0 : i32
      %dma_start3A_125 = tpu.memref_slice %arg7[%add3A_12, %dma_start3A_124] : memref<10240x128xf32, #tpu.memory_space<vmem_shared>> -> memref<128x128xf32, #tpu.memory_space<vmem_shared>>
      %dma_start3A_126 = arith.constant 0 : i32
      %dma_start3A_127 = tpu.memref_slice %arg7[%add3A_12, %dma_start3A_126] : memref<10240x128xf32, #tpu.memory_space<vmem_shared>> -> memref<128x128xf32, #tpu.memory_space<vmem_shared>>
      tpu.enqueue_dma source(%arg13 : memref<128x128xf32, #tpu.memory_space<vmem>>) target(%dma_start3A_127 : memref<128x128xf32, #tpu.memory_space<vmem_shared>>) target_semaphore(%run_scoped3A : memref<!tpu.dma_semaphore, #tpu.memory_space<semaphore_mem>>)
      %dma_wait3A_128 = arith.constant 0 : i32
      %dma_wait3A_129 = tpu.memref_slice %arg7[%add3A_12, %dma_wait3A_128] : memref<10240x128xf32, #tpu.memory_space<vmem_shared>> -> memref<128x128xf32, #tpu.memory_space<vmem_shared>>
      %dma_wait3A_130 = arith.constant 0 : i32
      %dma_wait3A_131 = tpu.memref_slice %arg7[%add3A_12, %dma_wait3A_130] : memref<10240x128xf32, #tpu.memory_space<vmem_shared>> -> memref<128x128xf32, #tpu.memory_space<vmem_shared>>
      tpu.wait_dma2 semaphore(%run_scoped3A : memref<!tpu.dma_semaphore, #tpu.memory_space<semaphore_mem>>) src(%arg13 : memref<128x128xf32, #tpu.memory_space<vmem>>) dst(%dma_wait3A_131 : memref<128x128xf32, #tpu.memory_space<vmem_shared>>)
      tpu.yield
    }) : () -> ()
    %add3A_13 = arith.constant 128 : i32
    %add3A_14 = arith.addi %mul3A_10, %add3A_13 : i32
    "tpu.region"() ({
      %run_scoped3A = tpu.sem_alloc : memref<!tpu.dma_semaphore, #tpu.memory_space<semaphore_mem>>
      %dma_start3A_124 = arith.constant 0 : i32
      %dma_start3A_125 = tpu.memref_slice %arg7[%add3A_14, %dma_start3A_124] : memref<10240x128xf32, #tpu.memory_space<vmem_shared>> -> memref<128x128xf32, #tpu.memory_space<vmem_shared>>
      %dma_start3A_126 = arith.constant 0 : i32
      %dma_start3A_127 = tpu.memref_slice %arg7[%add3A_14, %dma_start3A_126] : memref<10240x128xf32, #tpu.memory_space<vmem_shared>> -> memref<128x128xf32, #tpu.memory_space<vmem_shared>>
      tpu.enqueue_dma source(%arg13 : memref<128x128xf32, #tpu.memory_space<vmem>>) target(%dma_start3A_127 : memref<128x128xf32, #tpu.memory_space<vmem_shared>>) target_semaphore(%run_scoped3A : memref<!tpu.dma_semaphore, #tpu.memory_space<semaphore_mem>>)
      %dma_wait3A_128 = arith.constant 0 : i32
      %dma_wait3A_129 = tpu.memref_slice %arg7[%add3A_14, %dma_wait3A_128] : memref<10240x128xf32, #tpu.memory_space<vmem_shared>> -> memref<128x128xf32, #tpu.memory_space<vmem_shared>>
      %dma_wait3A_130 = arith.constant 0 : i32
      %dma_wait3A_131 = tpu.memref_slice %arg7[%add3A_14, %dma_wait3A_130] : memref<10240x128xf32, #tpu.memory_space<vmem_shared>> -> memref<128x128xf32, #tpu.memory_space<vmem_shared>>
      tpu.wait_dma2 semaphore(%run_scoped3A : memref<!tpu.dma_semaphore, #tpu.memory_space<semaphore_mem>>) src(%arg13 : memref<128x128xf32, #tpu.memory_space<vmem>>) dst(%dma_wait3A_131 : memref<128x128xf32, #tpu.memory_space<vmem_shared>>)
      tpu.yield
    }) : () -> ()
    %add3A_15 = arith.constant 256 : i32
    %add3A_16 = arith.addi %mul3A_10, %add3A_15 : i32
    "tpu.region"() ({
      %run_scoped3A = tpu.sem_alloc : memref<!tpu.dma_semaphore, #tpu.memory_space<semaphore_mem>>
      %dma_start3A_124 = arith.constant 0 : i32
      %dma_start3A_125 = tpu.memref_slice %arg7[%add3A_16, %dma_start3A_124] : memref<10240x128xf32, #tpu.memory_space<vmem_shared>> -> memref<128x128xf32, #tpu.memory_space<vmem_shared>>
      %dma_start3A_126 = arith.constant 0 : i32
      %dma_start3A_127 = tpu.memref_slice %arg7[%add3A_16, %dma_start3A_126] : memref<10240x128xf32, #tpu.memory_space<vmem_shared>> -> memref<128x128xf32, #tpu.memory_space<vmem_shared>>
      tpu.enqueue_dma source(%arg13 : memref<128x128xf32, #tpu.memory_space<vmem>>) target(%dma_start3A_127 : memref<128x128xf32, #tpu.memory_space<vmem_shared>>) target_semaphore(%run_scoped3A : memref<!tpu.dma_semaphore, #tpu.memory_space<semaphore_mem>>)
      %dma_wait3A_128 = arith.constant 0 : i32
      %dma_wait3A_129 = tpu.memref_slice %arg7[%add3A_16, %dma_wait3A_128] : memref<10240x128xf32, #tpu.memory_space<vmem_shared>> -> memref<128x128xf32, #tpu.memory_space<vmem_shared>>
      %dma_wait3A_130 = arith.constant 0 : i32
      %dma_wait3A_131 = tpu.memref_slice %arg7[%add3A_16, %dma_wait3A_130] : memref<10240x128xf32, #tpu.memory_space<vmem_shared>> -> memref<128x128xf32, #tpu.memory_space<vmem_shared>>
      tpu.wait_dma2 semaphore(%run_scoped3A : memref<!tpu.dma_semaphore, #tpu.memory_space<semaphore_mem>>) src(%arg13 : memref<128x128xf32, #tpu.memory_space<vmem>>) dst(%dma_wait3A_131 : memref<128x128xf32, #tpu.memory_space<vmem_shared>>)
      tpu.yield
    }) : () -> ()
    %add3A_17 = arith.constant 384 : i32
    %add3A_18 = arith.addi %mul3A_10, %add3A_17 : i32
    "tpu.region"() ({
      %run_scoped3A = tpu.sem_alloc : memref<!tpu.dma_semaphore, #tpu.memory_space<semaphore_mem>>
      %dma_start3A_124 = arith.constant 0 : i32
      %dma_start3A_125 = tpu.memref_slice %arg7[%add3A_18, %dma_start3A_124] : memref<10240x128xf32, #tpu.memory_space<vmem_shared>> -> memref<128x128xf32, #tpu.memory_space<vmem_shared>>
      %dma_start3A_126 = arith.constant 0 : i32
      %dma_start3A_127 = tpu.memref_slice %arg7[%add3A_18, %dma_start3A_126] : memref<10240x128xf32, #tpu.memory_space<vmem_shared>> -> memref<128x128xf32, #tpu.memory_space<vmem_shared>>
      tpu.enqueue_dma source(%arg13 : memref<128x128xf32, #tpu.memory_space<vmem>>) target(%dma_start3A_127 : memref<128x128xf32, #tpu.memory_space<vmem_shared>>) target_semaphore(%run_scoped3A : memref<!tpu.dma_semaphore, #tpu.memory_space<semaphore_mem>>)
      %dma_wait3A_128 = arith.constant 0 : i32
      %dma_wait3A_129 = tpu.memref_slice %arg7[%add3A_18, %dma_wait3A_128] : memref<10240x128xf32, #tpu.memory_space<vmem_shared>> -> memref<128x128xf32, #tpu.memory_space<vmem_shared>>
      %dma_wait3A_130 = arith.constant 0 : i32
      %dma_wait3A_131 = tpu.memref_slice %arg7[%add3A_18, %dma_wait3A_130] : memref<10240x128xf32, #tpu.memory_space<vmem_shared>> -> memref<128x128xf32, #tpu.memory_space<vmem_shared>>
      tpu.wait_dma2 semaphore(%run_scoped3A : memref<!tpu.dma_semaphore, #tpu.memory_space<semaphore_mem>>) src(%arg13 : memref<128x128xf32, #tpu.memory_space<vmem>>) dst(%dma_wait3A_131 : memref<128x128xf32, #tpu.memory_space<vmem_shared>>)
      tpu.yield
    }) : () -> ()
    %add3A_19 = arith.constant 512 : i32
    %add3A_20 = arith.addi %mul3A_10, %add3A_19 : i32
    "tpu.region"() ({
      %run_scoped3A = tpu.sem_alloc : memref<!tpu.dma_semaphore, #tpu.memory_space<semaphore_mem>>
      %dma_start3A_124 = arith.constant 0 : i32
      %dma_start3A_125 = tpu.memref_slice %arg7[%add3A_20, %dma_start3A_124] : memref<10240x128xf32, #tpu.memory_space<vmem_shared>> -> memref<128x128xf32, #tpu.memory_space<vmem_shared>>
      %dma_start3A_126 = arith.constant 0 : i32
      %dma_start3A_127 = tpu.memref_slice %arg7[%add3A_20, %dma_start3A_126] : memref<10240x128xf32, #tpu.memory_space<vmem_shared>> -> memref<128x128xf32, #tpu.memory_space<vmem_shared>>
      tpu.enqueue_dma source(%arg13 : memref<128x128xf32, #tpu.memory_space<vmem>>) target(%dma_start3A_127 : memref<128x128xf32, #tpu.memory_space<vmem_shared>>) target_semaphore(%run_scoped3A : memref<!tpu.dma_semaphore, #tpu.memory_space<semaphore_mem>>)
      %dma_wait3A_128 = arith.constant 0 : i32
      %dma_wait3A_129 = tpu.memref_slice %arg7[%add3A_20, %dma_wait3A_128] : memref<10240x128xf32, #tpu.memory_space<vmem_shared>> -> memref<128x128xf32, #tpu.memory_space<vmem_shared>>
      %dma_wait3A_130 = arith.constant 0 : i32
      %dma_wait3A_131 = tpu.memref_slice %arg7[%add3A_20, %dma_wait3A_130] : memref<10240x128xf32, #tpu.memory_space<vmem_shared>> -> memref<128x128xf32, #tpu.memory_space<vmem_shared>>
      tpu.wait_dma2 semaphore(%run_scoped3A : memref<!tpu.dma_semaphore, #tpu.memory_space<semaphore_mem>>) src(%arg13 : memref<128x128xf32, #tpu.memory_space<vmem>>) dst(%dma_wait3A_131 : memref<128x128xf32, #tpu.memory_space<vmem_shared>>)
      tpu.yield
    }) : () -> ()
    %dma_start3A = arith.constant 0 : i32
    %dma_start3A_21 = arith.constant 0 : i32
    %dma_start3A_22 = tpu.memref_slice %arg3[%add3A, %dma_start3A, %dma_start3A_21] : memref<32x80x128xi32, #tpu.memory_space<hbm>> -> memref<1x80x128xi32, #tpu.memory_space<hbm>>
    %dma_start3A_23 = tpu.memref_squeeze %dma_start3A_22 : memref<1x80x128xi32, #tpu.memory_space<hbm>> -> memref<80x128xi32, #tpu.memory_space<hbm>>
    %dma_start3A_24 = arith.constant 0 : i32
    %dma_start3A_25 = arith.constant 0 : i32
    %dma_start3A_26 = tpu.memref_slice %dma_start3A_23[%dma_start3A_24, %dma_start3A_25] : memref<80x128xi32, #tpu.memory_space<hbm>> -> memref<8x128xi32, #tpu.memory_space<hbm>>
    %dma_start3A_27 = arith.constant 0 : i32
    %dma_start3A_28 = arith.constant 0 : i32
    %dma_start3A_29 = tpu.memref_slice %arg3[%add3A, %dma_start3A_27, %dma_start3A_28] : memref<32x80x128xi32, #tpu.memory_space<hbm>> -> memref<1x80x128xi32, #tpu.memory_space<hbm>>
    %dma_start3A_30 = tpu.memref_squeeze %dma_start3A_29 : memref<1x80x128xi32, #tpu.memory_space<hbm>> -> memref<80x128xi32, #tpu.memory_space<hbm>>
    %dma_start3A_31 = arith.constant 0 : i32
    %dma_start3A_32 = arith.constant 0 : i32
    %dma_start3A_33 = tpu.memref_slice %dma_start3A_30[%dma_start3A_31, %dma_start3A_32] : memref<80x128xi32, #tpu.memory_space<hbm>> -> memref<8x128xi32, #tpu.memory_space<hbm>>
    tpu.enqueue_dma source(%dma_start3A_33 : memref<8x128xi32, #tpu.memory_space<hbm>>) target(%arg9 : memref<8x128xi32, #tpu.memory_space<vmem>>) target_semaphore(%arg22 : memref<!tpu.dma_semaphore, #tpu.memory_space<semaphore_mem>>)
    %dma_start3A_34 = arith.constant 0 : i32
    %dma_start3A_35 = arith.constant 0 : i32
    %dma_start3A_36 = tpu.memref_slice %arg4[%add3A, %dma_start3A_34, %dma_start3A_35] : memref<32x80x128xi32, #tpu.memory_space<hbm>> -> memref<1x80x128xi32, #tpu.memory_space<hbm>>
    %dma_start3A_37 = tpu.memref_squeeze %dma_start3A_36 : memref<1x80x128xi32, #tpu.memory_space<hbm>> -> memref<80x128xi32, #tpu.memory_space<hbm>>
    %dma_start3A_38 = arith.constant 0 : i32
    %dma_start3A_39 = arith.constant 0 : i32
    %dma_start3A_40 = tpu.memref_slice %dma_start3A_37[%dma_start3A_38, %dma_start3A_39] : memref<80x128xi32, #tpu.memory_space<hbm>> -> memref<8x128xi32, #tpu.memory_space<hbm>>
    %dma_start3A_41 = arith.constant 0 : i32
    %dma_start3A_42 = arith.constant 0 : i32
    %dma_start3A_43 = tpu.memref_slice %arg4[%add3A, %dma_start3A_41, %dma_start3A_42] : memref<32x80x128xi32, #tpu.memory_space<hbm>> -> memref<1x80x128xi32, #tpu.memory_space<hbm>>
    %dma_start3A_44 = tpu.memref_squeeze %dma_start3A_43 : memref<1x80x128xi32, #tpu.memory_space<hbm>> -> memref<80x128xi32, #tpu.memory_space<hbm>>
    %dma_start3A_45 = arith.constant 0 : i32
    %dma_start3A_46 = arith.constant 0 : i32
    %dma_start3A_47 = tpu.memref_slice %dma_start3A_44[%dma_start3A_45, %dma_start3A_46] : memref<80x128xi32, #tpu.memory_space<hbm>> -> memref<8x128xi32, #tpu.memory_space<hbm>>
    tpu.enqueue_dma source(%dma_start3A_47 : memref<8x128xi32, #tpu.memory_space<hbm>>) target(%arg10 : memref<8x128xi32, #tpu.memory_space<vmem>>) target_semaphore(%arg22 : memref<!tpu.dma_semaphore, #tpu.memory_space<semaphore_mem>>)
    %dma_start3A_48 = arith.constant 0 : i32
    %dma_start3A_49 = arith.constant 0 : i32
    %dma_start3A_50 = tpu.memref_slice %arg3[%add3A, %dma_start3A_48, %dma_start3A_49] : memref<32x80x128xi32, #tpu.memory_space<hbm>> -> memref<1x80x128xi32, #tpu.memory_space<hbm>>
    %dma_start3A_51 = tpu.memref_squeeze %dma_start3A_50 : memref<1x80x128xi32, #tpu.memory_space<hbm>> -> memref<80x128xi32, #tpu.memory_space<hbm>>
    %dma_start3A_52 = arith.constant 8 : i32
    %dma_start3A_53 = arith.constant 0 : i32
    %dma_start3A_54 = tpu.memref_slice %dma_start3A_51[%dma_start3A_52, %dma_start3A_53] : memref<80x128xi32, #tpu.memory_space<hbm>> -> memref<8x128xi32, #tpu.memory_space<hbm>>
    %dma_start3A_55 = arith.constant 0 : i32
    %dma_start3A_56 = arith.constant 0 : i32
    %dma_start3A_57 = tpu.memref_slice %arg3[%add3A, %dma_start3A_55, %dma_start3A_56] : memref<32x80x128xi32, #tpu.memory_space<hbm>> -> memref<1x80x128xi32, #tpu.memory_space<hbm>>
    %dma_start3A_58 = tpu.memref_squeeze %dma_start3A_57 : memref<1x80x128xi32, #tpu.memory_space<hbm>> -> memref<80x128xi32, #tpu.memory_space<hbm>>
    %dma_start3A_59 = arith.constant 8 : i32
    %dma_start3A_60 = arith.constant 0 : i32
    %dma_start3A_61 = tpu.memref_slice %dma_start3A_58[%dma_start3A_59, %dma_start3A_60] : memref<80x128xi32, #tpu.memory_space<hbm>> -> memref<8x128xi32, #tpu.memory_space<hbm>>
    tpu.enqueue_dma source(%dma_start3A_61 : memref<8x128xi32, #tpu.memory_space<hbm>>) target(%arg11 : memref<8x128xi32, #tpu.memory_space<vmem>>) target_semaphore(%arg23 : memref<!tpu.dma_semaphore, #tpu.memory_space<semaphore_mem>>)
    %dma_start3A_62 = arith.constant 0 : i32
    %dma_start3A_63 = arith.constant 0 : i32
    %dma_start3A_64 = tpu.memref_slice %arg4[%add3A, %dma_start3A_62, %dma_start3A_63] : memref<32x80x128xi32, #tpu.memory_space<hbm>> -> memref<1x80x128xi32, #tpu.memory_space<hbm>>
    %dma_start3A_65 = tpu.memref_squeeze %dma_start3A_64 : memref<1x80x128xi32, #tpu.memory_space<hbm>> -> memref<80x128xi32, #tpu.memory_space<hbm>>
    %dma_start3A_66 = arith.constant 8 : i32
    %dma_start3A_67 = arith.constant 0 : i32
    %dma_start3A_68 = tpu.memref_slice %dma_start3A_65[%dma_start3A_66, %dma_start3A_67] : memref<80x128xi32, #tpu.memory_space<hbm>> -> memref<8x128xi32, #tpu.memory_space<hbm>>
    %dma_start3A_69 = arith.constant 0 : i32
    %dma_start3A_70 = arith.constant 0 : i32
    %dma_start3A_71 = tpu.memref_slice %arg4[%add3A, %dma_start3A_69, %dma_start3A_70] : memref<32x80x128xi32, #tpu.memory_space<hbm>> -> memref<1x80x128xi32, #tpu.memory_space<hbm>>
    %dma_start3A_72 = tpu.memref_squeeze %dma_start3A_71 : memref<1x80x128xi32, #tpu.memory_space<hbm>> -> memref<80x128xi32, #tpu.memory_space<hbm>>
    %dma_start3A_73 = arith.constant 8 : i32
    %dma_start3A_74 = arith.constant 0 : i32
    %dma_start3A_75 = tpu.memref_slice %dma_start3A_72[%dma_start3A_73, %dma_start3A_74] : memref<80x128xi32, #tpu.memory_space<hbm>> -> memref<8x128xi32, #tpu.memory_space<hbm>>
    tpu.enqueue_dma source(%dma_start3A_75 : memref<8x128xi32, #tpu.memory_space<hbm>>) target(%arg12 : memref<8x128xi32, #tpu.memory_space<vmem>>) target_semaphore(%arg23 : memref<!tpu.dma_semaphore, #tpu.memory_space<semaphore_mem>>)
    %dma_wait3A = arith.constant 0 : i32
    %dma_wait3A_76 = arith.constant 0 : i32
    %dma_wait3A_77 = tpu.memref_slice %arg3[%add3A, %dma_wait3A, %dma_wait3A_76] : memref<32x80x128xi32, #tpu.memory_space<hbm>> -> memref<1x80x128xi32, #tpu.memory_space<hbm>>
    %dma_wait3A_78 = tpu.memref_squeeze %dma_wait3A_77 : memref<1x80x128xi32, #tpu.memory_space<hbm>> -> memref<80x128xi32, #tpu.memory_space<hbm>>
    %dma_wait3A_79 = arith.constant 0 : i32
    %dma_wait3A_80 = arith.constant 0 : i32
    %dma_wait3A_81 = tpu.memref_slice %dma_wait3A_78[%dma_wait3A_79, %dma_wait3A_80] : memref<80x128xi32, #tpu.memory_space<hbm>> -> memref<8x128xi32, #tpu.memory_space<hbm>>
    %dma_wait3A_82 = arith.constant 0 : i32
    %dma_wait3A_83 = arith.constant 0 : i32
    %dma_wait3A_84 = tpu.memref_slice %arg3[%add3A, %dma_wait3A_82, %dma_wait3A_83] : memref<32x80x128xi32, #tpu.memory_space<hbm>> -> memref<1x80x128xi32, #tpu.memory_space<hbm>>
    %dma_wait3A_85 = tpu.memref_squeeze %dma_wait3A_84 : memref<1x80x128xi32, #tpu.memory_space<hbm>> -> memref<80x128xi32, #tpu.memory_space<hbm>>
    %dma_wait3A_86 = arith.constant 0 : i32
    %dma_wait3A_87 = arith.constant 0 : i32
    %dma_wait3A_88 = tpu.memref_slice %dma_wait3A_85[%dma_wait3A_86, %dma_wait3A_87] : memref<80x128xi32, #tpu.memory_space<hbm>> -> memref<8x128xi32, #tpu.memory_space<hbm>>
    tpu.wait_dma2 semaphore(%arg22 : memref<!tpu.dma_semaphore, #tpu.memory_space<semaphore_mem>>) src(%dma_wait3A_88 : memref<8x128xi32, #tpu.memory_space<hbm>>) dst(%arg9 : memref<8x128xi32, #tpu.memory_space<vmem>>)
    %dma_wait3A_89 = arith.constant 0 : i32
    %dma_wait3A_90 = arith.constant 0 : i32
    %dma_wait3A_91 = tpu.memref_slice %arg4[%add3A, %dma_wait3A_89, %dma_wait3A_90] : memref<32x80x128xi32, #tpu.memory_space<hbm>> -> memref<1x80x128xi32, #tpu.memory_space<hbm>>
    %dma_wait3A_92 = tpu.memref_squeeze %dma_wait3A_91 : memref<1x80x128xi32, #tpu.memory_space<hbm>> -> memref<80x128xi32, #tpu.memory_space<hbm>>
    %dma_wait3A_93 = arith.constant 0 : i32
    %dma_wait3A_94 = arith.constant 0 : i32
    %dma_wait3A_95 = tpu.memref_slice %dma_wait3A_92[%dma_wait3A_93, %dma_wait3A_94] : memref<80x128xi32, #tpu.memory_space<hbm>> -> memref<8x128xi32, #tpu.memory_space<hbm>>
    %dma_wait3A_96 = arith.constant 0 : i32
    %dma_wait3A_97 = arith.constant 0 : i32
    %dma_wait3A_98 = tpu.memref_slice %arg4[%add3A, %dma_wait3A_96, %dma_wait3A_97] : memref<32x80x128xi32, #tpu.memory_space<hbm>> -> memref<1x80x128xi32, #tpu.memory_space<hbm>>
    %dma_wait3A_99 = tpu.memref_squeeze %dma_wait3A_98 : memref<1x80x128xi32, #tpu.memory_space<hbm>> -> memref<80x128xi32, #tpu.memory_space<hbm>>
    %dma_wait3A_100 = arith.constant 0 : i32
    %dma_wait3A_101 = arith.constant 0 : i32
    %dma_wait3A_102 = tpu.memref_slice %dma_wait3A_99[%dma_wait3A_100, %dma_wait3A_101] : memref<80x128xi32, #tpu.memory_space<hbm>> -> memref<8x128xi32, #tpu.memory_space<hbm>>
    tpu.wait_dma2 semaphore(%arg22 : memref<!tpu.dma_semaphore, #tpu.memory_space<semaphore_mem>>) src(%dma_wait3A_102 : memref<8x128xi32, #tpu.memory_space<hbm>>) dst(%arg10 : memref<8x128xi32, #tpu.memory_space<vmem>>)
    %dma_start3A_103 = arith.constant 0 : i32
    %dma_start3A_104 = arith.constant 0 : i32
    %dma_start3A_105 = tpu.memref_slice %arg10[%dma_start3A_103, %dma_start3A_104] : memref<8x128xi32, #tpu.memory_space<vmem>> -> memref<1x128xi32, #tpu.memory_space<vmem>>
    %dma_start3A_106 = tpu.memref_squeeze %dma_start3A_105 : memref<1x128xi32, #tpu.memory_space<vmem>> -> memref<128xi32, #tpu.memory_space<vmem>>
    %dma_start3A_107 = arith.constant 0 : i32
    %dma_start3A_108 = arith.constant 0 : i32
    %dma_start3A_109 = tpu.memref_slice %arg2[%dma_start3A_107, %dma_start3A_108] : memref<10000x128xf32, #tpu.memory_space<hbm>> -> memref<10000x128xf32, #tpu.memory_space<hbm>>
    tpu.enqueue_indirect_dma source(%dma_start3A_109 : memref<10000x128xf32, #tpu.memory_space<hbm>>) target(%arg13 : memref<128x128xf32, #tpu.memory_space<vmem>>) offsets(%dma_start3A_106 : memref<128xi32, #tpu.memory_space<vmem>>) semaphore(%arg17 : memref<!tpu.dma_semaphore, #tpu.memory_space<semaphore_mem>>)
    %barrier3A = arith.constant 0 : index
    tpu.barrier barrier_id(%barrier3A)
    %scan3A_110 = arith.constant 0 : i32
    %scan3A_111 = arith.constant 0 : i32
    %scan3A_112 = arith.constant 5 : i32
    %scan3A_113 = arith.addi %scan3A_111, %scan3A_112 : i32
    %scan3A_114 = arith.constant 1 : i32
    scf.for %scan3A_124 = %scan3A_111 to %scan3A_113 step %scan3A_114  : i32 {
      %dma_wait3A_125 = arith.constant 0 : i32
      %dma_wait3A_126 = arith.constant 0 : i32
      %dma_wait3A_127 = tpu.memref_slice %arg10[%dma_wait3A_125, %dma_wait3A_126] : memref<8x128xi32, #tpu.memory_space<vmem>> -> memref<1x128xi32, #tpu.memory_space<vmem>>
      %dma_wait3A_128 = tpu.memref_squeeze %dma_wait3A_127 : memref<1x128xi32, #tpu.memory_space<vmem>> -> memref<128xi32, #tpu.memory_space<vmem>>
      %dma_wait3A_129 = arith.constant 0 : i32
      %dma_wait3A_130 = arith.constant 0 : i32
      %dma_wait3A_131 = tpu.memref_slice %arg2[%dma_wait3A_129, %dma_wait3A_130] : memref<10000x128xf32, #tpu.memory_space<hbm>> -> memref<10000x128xf32, #tpu.memory_space<hbm>>
      tpu.wait_indirect_dma semaphore(%arg17 : memref<!tpu.dma_semaphore, #tpu.memory_space<semaphore_mem>>) src(%dma_wait3A_131 : memref<10000x128xf32, #tpu.memory_space<hbm>>) dst(%arg13 : memref<128x128xf32, #tpu.memory_space<vmem>>)
      %dma_start3A_132 = arith.constant 0 : i32
      %dma_start3A_133 = arith.constant 0 : i32
      %dma_start3A_134 = tpu.memref_slice %arg9[%dma_start3A_132, %dma_start3A_133] : memref<8x128xi32, #tpu.memory_space<vmem>> -> memref<1x128xi32, #tpu.memory_space<vmem>>
      %dma_start3A_135 = tpu.memref_squeeze %dma_start3A_134 : memref<1x128xi32, #tpu.memory_space<vmem>> -> memref<128xi32, #tpu.memory_space<vmem>>
      %dma_start3A_136 = arith.constant 0 : i32
      %dma_start3A_137 = arith.constant 0 : i32
      %dma_start3A_138 = tpu.memref_slice %arg7[%dma_start3A_136, %dma_start3A_137] : memref<10240x128xf32, #tpu.memory_space<vmem_shared>> -> memref<10240x128xf32, #tpu.memory_space<vmem_shared>>
      tpu.enqueue_indirect_dma source(%arg13 : memref<128x128xf32, #tpu.memory_space<vmem>>) target(%dma_start3A_138 : memref<10240x128xf32, #tpu.memory_space<vmem_shared>>) offsets(%dma_start3A_135 : memref<128xi32, #tpu.memory_space<vmem>>) semaphore(%arg19 : memref<!tpu.dma_semaphore, #tpu.memory_space<semaphore_mem>>) {add = true}
      %gt3A = arith.constant 0 : i32
      %gt3A_139 = arith.cmpi sgt, %scan3A_124, %gt3A : i32
      %convert_element_type3A = arith.extui %gt3A_139 : i1 to i32
      %cond3A = arith.constant 0 : i32
      %cond3A_140 = arith.cmpi ne, %convert_element_type3A, %cond3A : i32
      scf.if %cond3A_140 {
        %dma_wait3A_608 = arith.constant 7 : i32
        %dma_wait3A_609 = arith.constant 0 : i32
        %dma_wait3A_610 = tpu.memref_slice %arg11[%dma_wait3A_608, %dma_wait3A_609] : memref<8x128xi32, #tpu.memory_space<vmem>> -> memref<1x128xi32, #tpu.memory_space<vmem>>
        %dma_wait3A_611 = tpu.memref_squeeze %dma_wait3A_610 : memref<1x128xi32, #tpu.memory_space<vmem>> -> memref<128xi32, #tpu.memory_space<vmem>>
        %dma_wait3A_612 = arith.constant 0 : i32
        %dma_wait3A_613 = arith.constant 0 : i32
        %dma_wait3A_614 = tpu.memref_slice %arg7[%dma_wait3A_612, %dma_wait3A_613] : memref<10240x128xf32, #tpu.memory_space<vmem_shared>> -> memref<10240x128xf32, #tpu.memory_space<vmem_shared>>
        tpu.wait_indirect_dma semaphore(%arg20 : memref<!tpu.dma_semaphore, #tpu.memory_space<semaphore_mem>>) src(%arg14 : memref<128x128xf32, #tpu.memory_space<vmem>>) dst(%dma_wait3A_614 : memref<10240x128xf32, #tpu.memory_space<vmem_shared>>)
      } else {
      }
      %dma_start3A_141 = arith.constant 1 : i32
      %dma_start3A_142 = arith.constant 0 : i32
      %dma_start3A_143 = tpu.memref_slice %arg10[%dma_start3A_141, %dma_start3A_142] : memref<8x128xi32, #tpu.memory_space<vmem>> -> memref<1x128xi32, #tpu.memory_space<vmem>>
      %dma_start3A_144 = tpu.memref_squeeze %dma_start3A_143 : memref<1x128xi32, #tpu.memory_space<vmem>> -> memref<128xi32, #tpu.memory_space<vmem>>
      %dma_start3A_145 = arith.constant 0 : i32
      %dma_start3A_146 = arith.constant 0 : i32
      %dma_start3A_147 = tpu.memref_slice %arg2[%dma_start3A_145, %dma_start3A_146] : memref<10000x128xf32, #tpu.memory_space<hbm>> -> memref<10000x128xf32, #tpu.memory_space<hbm>>
      tpu.enqueue_indirect_dma source(%dma_start3A_147 : memref<10000x128xf32, #tpu.memory_space<hbm>>) target(%arg14 : memref<128x128xf32, #tpu.memory_space<vmem>>) offsets(%dma_start3A_144 : memref<128xi32, #tpu.memory_space<vmem>>) semaphore(%arg18 : memref<!tpu.dma_semaphore, #tpu.memory_space<semaphore_mem>>)
      %dma_wait3A_148 = arith.constant 1 : i32
      %dma_wait3A_149 = arith.constant 0 : i32
      %dma_wait3A_150 = tpu.memref_slice %arg10[%dma_wait3A_148, %dma_wait3A_149] : memref<8x128xi32, #tpu.memory_space<vmem>> -> memref<1x128xi32, #tpu.memory_space<vmem>>
      %dma_wait3A_151 = tpu.memref_squeeze %dma_wait3A_150 : memref<1x128xi32, #tpu.memory_space<vmem>> -> memref<128xi32, #tpu.memory_space<vmem>>
      %dma_wait3A_152 = arith.constant 0 : i32
      %dma_wait3A_153 = arith.constant 0 : i32
      %dma_wait3A_154 = tpu.memref_slice %arg2[%dma_wait3A_152, %dma_wait3A_153] : memref<10000x128xf32, #tpu.memory_space<hbm>> -> memref<10000x128xf32, #tpu.memory_space<hbm>>
      tpu.wait_indirect_dma semaphore(%arg18 : memref<!tpu.dma_semaphore, #tpu.memory_space<semaphore_mem>>) src(%dma_wait3A_154 : memref<10000x128xf32, #tpu.memory_space<hbm>>) dst(%arg14 : memref<128x128xf32, #tpu.memory_space<vmem>>)
      %dma_start3A_155 = arith.constant 1 : i32
      %dma_start3A_156 = arith.constant 0 : i32
      %dma_start3A_157 = tpu.memref_slice %arg9[%dma_start3A_155, %dma_start3A_156] : memref<8x128xi32, #tpu.memory_space<vmem>> -> memref<1x128xi32, #tpu.memory_space<vmem>>
      %dma_start3A_158 = tpu.memref_squeeze %dma_start3A_157 : memref<1x128xi32, #tpu.memory_space<vmem>> -> memref<128xi32, #tpu.memory_space<vmem>>
      %dma_start3A_159 = arith.constant 0 : i32
      %dma_start3A_160 = arith.constant 0 : i32
      %dma_start3A_161 = tpu.memref_slice %arg7[%dma_start3A_159, %dma_start3A_160] : memref<10240x128xf32, #tpu.memory_space<vmem_shared>> -> memref<10240x128xf32, #tpu.memory_space<vmem_shared>>
      tpu.enqueue_indirect_dma source(%arg14 : memref<128x128xf32, #tpu.memory_space<vmem>>) target(%dma_start3A_161 : memref<10240x128xf32, #tpu.memory_space<vmem_shared>>) offsets(%dma_start3A_158 : memref<128xi32, #tpu.memory_space<vmem>>) semaphore(%arg20 : memref<!tpu.dma_semaphore, #tpu.memory_space<semaphore_mem>>) {add = true}
      %dma_wait3A_162 = arith.constant 0 : i32
      %dma_wait3A_163 = arith.constant 0 : i32
      %dma_wait3A_164 = tpu.memref_slice %arg9[%dma_wait3A_162, %dma_wait3A_163] : memref<8x128xi32, #tpu.memory_space<vmem>> -> memref<1x128xi32, #tpu.memory_space<vmem>>
      %dma_wait3A_165 = tpu.memref_squeeze %dma_wait3A_164 : memref<1x128xi32, #tpu.memory_space<vmem>> -> memref<128xi32, #tpu.memory_space<vmem>>
      %dma_wait3A_166 = arith.constant 0 : i32
      %dma_wait3A_167 = arith.constant 0 : i32
      %dma_wait3A_168 = tpu.memref_slice %arg7[%dma_wait3A_166, %dma_wait3A_167] : memref<10240x128xf32, #tpu.memory_space<vmem_shared>> -> memref<10240x128xf32, #tpu.memory_space<vmem_shared>>
      tpu.wait_indirect_dma semaphore(%arg19 : memref<!tpu.dma_semaphore, #tpu.memory_space<semaphore_mem>>) src(%arg13 : memref<128x128xf32, #tpu.memory_space<vmem>>) dst(%dma_wait3A_168 : memref<10240x128xf32, #tpu.memory_space<vmem_shared>>)
      %dma_start3A_169 = arith.constant 2 : i32
      %dma_start3A_170 = arith.constant 0 : i32
      %dma_start3A_171 = tpu.memref_slice %arg10[%dma_start3A_169, %dma_start3A_170] : memref<8x128xi32, #tpu.memory_space<vmem>> -> memref<1x128xi32, #tpu.memory_space<vmem>>
      %dma_start3A_172 = tpu.memref_squeeze %dma_start3A_171 : memref<1x128xi32, #tpu.memory_space<vmem>> -> memref<128xi32, #tpu.memory_space<vmem>>
      %dma_start3A_173 = arith.constant 0 : i32
      %dma_start3A_174 = arith.constant 0 : i32
      %dma_start3A_175 = tpu.memref_slice %arg2[%dma_start3A_173, %dma_start3A_174] : memref<10000x128xf32, #tpu.memory_space<hbm>> -> memref<10000x128xf32, #tpu.memory_space<hbm>>
      tpu.enqueue_indirect_dma source(%dma_start3A_175 : memref<10000x128xf32, #tpu.memory_space<hbm>>) target(%arg13 : memref<128x128xf32, #tpu.memory_space<vmem>>) offsets(%dma_start3A_172 : memref<128xi32, #tpu.memory_space<vmem>>) semaphore(%arg17 : memref<!tpu.dma_semaphore, #tpu.memory_space<semaphore_mem>>)
      %dma_wait3A_176 = arith.constant 2 : i32
      %dma_wait3A_177 = arith.constant 0 : i32
      %dma_wait3A_178 = tpu.memref_slice %arg10[%dma_wait3A_176, %dma_wait3A_177] : memref<8x128xi32, #tpu.memory_space<vmem>> -> memref<1x128xi32, #tpu.memory_space<vmem>>
      %dma_wait3A_179 = tpu.memref_squeeze %dma_wait3A_178 : memref<1x128xi32, #tpu.memory_space<vmem>> -> memref<128xi32, #tpu.memory_space<vmem>>
      %dma_wait3A_180 = arith.constant 0 : i32
      %dma_wait3A_181 = arith.constant 0 : i32
      %dma_wait3A_182 = tpu.memref_slice %arg2[%dma_wait3A_180, %dma_wait3A_181] : memref<10000x128xf32, #tpu.memory_space<hbm>> -> memref<10000x128xf32, #tpu.memory_space<hbm>>
      tpu.wait_indirect_dma semaphore(%arg17 : memref<!tpu.dma_semaphore, #tpu.memory_space<semaphore_mem>>) src(%dma_wait3A_182 : memref<10000x128xf32, #tpu.memory_space<hbm>>) dst(%arg13 : memref<128x128xf32, #tpu.memory_space<vmem>>)
      %dma_start3A_183 = arith.constant 2 : i32
      %dma_start3A_184 = arith.constant 0 : i32
      %dma_start3A_185 = tpu.memref_slice %arg9[%dma_start3A_183, %dma_start3A_184] : memref<8x128xi32, #tpu.memory_space<vmem>> -> memref<1x128xi32, #tpu.memory_space<vmem>>
      %dma_start3A_186 = tpu.memref_squeeze %dma_start3A_185 : memref<1x128xi32, #tpu.memory_space<vmem>> -> memref<128xi32, #tpu.memory_space<vmem>>
      %dma_start3A_187 = arith.constant 0 : i32
      %dma_start3A_188 = arith.constant 0 : i32
      %dma_start3A_189 = tpu.memref_slice %arg7[%dma_start3A_187, %dma_start3A_188] : memref<10240x128xf32, #tpu.memory_space<vmem_shared>> -> memref<10240x128xf32, #tpu.memory_space<vmem_shared>>
      tpu.enqueue_indirect_dma source(%arg13 : memref<128x128xf32, #tpu.memory_space<vmem>>) target(%dma_start3A_189 : memref<10240x128xf32, #tpu.memory_space<vmem_shared>>) offsets(%dma_start3A_186 : memref<128xi32, #tpu.memory_space<vmem>>) semaphore(%arg19 : memref<!tpu.dma_semaphore, #tpu.memory_space<semaphore_mem>>) {add = true}
      %dma_wait3A_190 = arith.constant 1 : i32
      %dma_wait3A_191 = arith.constant 0 : i32
      %dma_wait3A_192 = tpu.memref_slice %arg9[%dma_wait3A_190, %dma_wait3A_191] : memref<8x128xi32, #tpu.memory_space<vmem>> -> memref<1x128xi32, #tpu.memory_space<vmem>>
      %dma_wait3A_193 = tpu.memref_squeeze %dma_wait3A_192 : memref<1x128xi32, #tpu.memory_space<vmem>> -> memref<128xi32, #tpu.memory_space<vmem>>
      %dma_wait3A_194 = arith.constant 0 : i32
      %dma_wait3A_195 = arith.constant 0 : i32
      %dma_wait3A_196 = tpu.memref_slice %arg7[%dma_wait3A_194, %dma_wait3A_195] : memref<10240x128xf32, #tpu.memory_space<vmem_shared>> -> memref<10240x128xf32, #tpu.memory_space<vmem_shared>>
      tpu.wait_indirect_dma semaphore(%arg20 : memref<!tpu.dma_semaphore, #tpu.memory_space<semaphore_mem>>) src(%arg14 : memref<128x128xf32, #tpu.memory_space<vmem>>) dst(%dma_wait3A_196 : memref<10240x128xf32, #tpu.memory_space<vmem_shared>>)
      %gt3A_197 = arith.constant 0 : i32
      %gt3A_198 = arith.cmpi sgt, %scan3A_124, %gt3A_197 : i32
      %convert_element_type3A_199 = arith.extui %gt3A_198 : i1 to i32
      %cond3A_200 = arith.constant 0 : i32
      %cond3A_201 = arith.cmpi ne, %convert_element_type3A_199, %cond3A_200 : i32
      scf.if %cond3A_201 {
        %mul3A_608 = arith.constant 2 : i32
        %mul3A_609 = arith.muli %mul3A_608, %scan3A_124 : i32
        %add3A_610 = arith.constant 1 : i32
        %add3A_611 = arith.addi %mul3A_609, %add3A_610 : i32
        %mul3A_612 = arith.constant 8 : i32
        %mul3A_613 = arith.muli %add3A_611, %mul3A_612 : i32
        %dma_start3A_614 = arith.constant 0 : i32
        %dma_start3A_615 = arith.constant 0 : i32
        %dma_start3A_616 = tpu.memref_slice %arg3[%add3A, %dma_start3A_614, %dma_start3A_615] : memref<32x80x128xi32, #tpu.memory_space<hbm>> -> memref<1x80x128xi32, #tpu.memory_space<hbm>>
        %dma_start3A_617 = tpu.memref_squeeze %dma_start3A_616 : memref<1x80x128xi32, #tpu.memory_space<hbm>> -> memref<80x128xi32, #tpu.memory_space<hbm>>
        %dma_start3A_618 = arith.constant 0 : i32
        %dma_start3A_619 = tpu.memref_slice %dma_start3A_617[%mul3A_613, %dma_start3A_618] : memref<80x128xi32, #tpu.memory_space<hbm>> -> memref<8x128xi32, #tpu.memory_space<hbm>>
        %dma_start3A_620 = arith.constant 0 : i32
        %dma_start3A_621 = arith.constant 0 : i32
        %dma_start3A_622 = tpu.memref_slice %arg3[%add3A, %dma_start3A_620, %dma_start3A_621] : memref<32x80x128xi32, #tpu.memory_space<hbm>> -> memref<1x80x128xi32, #tpu.memory_space<hbm>>
        %dma_start3A_623 = tpu.memref_squeeze %dma_start3A_622 : memref<1x80x128xi32, #tpu.memory_space<hbm>> -> memref<80x128xi32, #tpu.memory_space<hbm>>
        %dma_start3A_624 = arith.constant 0 : i32
        %dma_start3A_625 = tpu.memref_slice %dma_start3A_623[%mul3A_613, %dma_start3A_624] : memref<80x128xi32, #tpu.memory_space<hbm>> -> memref<8x128xi32, #tpu.memory_space<hbm>>
        tpu.enqueue_dma source(%dma_start3A_625 : memref<8x128xi32, #tpu.memory_space<hbm>>) target(%arg11 : memref<8x128xi32, #tpu.memory_space<vmem>>) target_semaphore(%arg23 : memref<!tpu.dma_semaphore, #tpu.memory_space<semaphore_mem>>)
        %mul3A_626 = arith.constant 8 : i32
        %mul3A_627 = arith.muli %add3A_611, %mul3A_626 : i32
        %dma_start3A_628 = arith.constant 0 : i32
        %dma_start3A_629 = arith.constant 0 : i32
        %dma_start3A_630 = tpu.memref_slice %arg4[%add3A, %dma_start3A_628, %dma_start3A_629] : memref<32x80x128xi32, #tpu.memory_space<hbm>> -> memref<1x80x128xi32, #tpu.memory_space<hbm>>
        %dma_start3A_631 = tpu.memref_squeeze %dma_start3A_630 : memref<1x80x128xi32, #tpu.memory_space<hbm>> -> memref<80x128xi32, #tpu.memory_space<hbm>>
        %dma_start3A_632 = arith.constant 0 : i32
        %dma_start3A_633 = tpu.memref_slice %dma_start3A_631[%mul3A_627, %dma_start3A_632] : memref<80x128xi32, #tpu.memory_space<hbm>> -> memref<8x128xi32, #tpu.memory_space<hbm>>
        %dma_start3A_634 = arith.constant 0 : i32
        %dma_start3A_635 = arith.constant 0 : i32
        %dma_start3A_636 = tpu.memref_slice %arg4[%add3A, %dma_start3A_634, %dma_start3A_635] : memref<32x80x128xi32, #tpu.memory_space<hbm>> -> memref<1x80x128xi32, #tpu.memory_space<hbm>>
        %dma_start3A_637 = tpu.memref_squeeze %dma_start3A_636 : memref<1x80x128xi32, #tpu.memory_space<hbm>> -> memref<80x128xi32, #tpu.memory_space<hbm>>
        %dma_start3A_638 = arith.constant 0 : i32
        %dma_start3A_639 = tpu.memref_slice %dma_start3A_637[%mul3A_627, %dma_start3A_638] : memref<80x128xi32, #tpu.memory_space<hbm>> -> memref<8x128xi32, #tpu.memory_space<hbm>>
        tpu.enqueue_dma source(%dma_start3A_639 : memref<8x128xi32, #tpu.memory_space<hbm>>) target(%arg12 : memref<8x128xi32, #tpu.memory_space<vmem>>) target_semaphore(%arg23 : memref<!tpu.dma_semaphore, #tpu.memory_space<semaphore_mem>>)
      } else {
      }
      %dma_start3A_202 = arith.constant 3 : i32
      %dma_start3A_203 = arith.constant 0 : i32
      %dma_start3A_204 = tpu.memref_slice %arg10[%dma_start3A_202, %dma_start3A_203] : memref<8x128xi32, #tpu.memory_space<vmem>> -> memref<1x128xi32, #tpu.memory_space<vmem>>
      %dma_start3A_205 = tpu.memref_squeeze %dma_start3A_204 : memref<1x128xi32, #tpu.memory_space<vmem>> -> memref<128xi32, #tpu.memory_space<vmem>>
      %dma_start3A_206 = arith.constant 0 : i32
      %dma_start3A_207 = arith.constant 0 : i32
      %dma_start3A_208 = tpu.memref_slice %arg2[%dma_start3A_206, %dma_start3A_207] : memref<10000x128xf32, #tpu.memory_space<hbm>> -> memref<10000x128xf32, #tpu.memory_space<hbm>>
      tpu.enqueue_indirect_dma source(%dma_start3A_208 : memref<10000x128xf32, #tpu.memory_space<hbm>>) target(%arg14 : memref<128x128xf32, #tpu.memory_space<vmem>>) offsets(%dma_start3A_205 : memref<128xi32, #tpu.memory_space<vmem>>) semaphore(%arg18 : memref<!tpu.dma_semaphore, #tpu.memory_space<semaphore_mem>>)
      %dma_wait3A_209 = arith.constant 3 : i32
      %dma_wait3A_210 = arith.constant 0 : i32
      %dma_wait3A_211 = tpu.memref_slice %arg10[%dma_wait3A_209, %dma_wait3A_210] : memref<8x128xi32, #tpu.memory_space<vmem>> -> memref<1x128xi32, #tpu.memory_space<vmem>>
      %dma_wait3A_212 = tpu.memref_squeeze %dma_wait3A_211 : memref<1x128xi32, #tpu.memory_space<vmem>> -> memref<128xi32, #tpu.memory_space<vmem>>
      %dma_wait3A_213 = arith.constant 0 : i32
      %dma_wait3A_214 = arith.constant 0 : i32
      %dma_wait3A_215 = tpu.memref_slice %arg2[%dma_wait3A_213, %dma_wait3A_214] : memref<10000x128xf32, #tpu.memory_space<hbm>> -> memref<10000x128xf32, #tpu.memory_space<hbm>>
      tpu.wait_indirect_dma semaphore(%arg18 : memref<!tpu.dma_semaphore, #tpu.memory_space<semaphore_mem>>) src(%dma_wait3A_215 : memref<10000x128xf32, #tpu.memory_space<hbm>>) dst(%arg14 : memref<128x128xf32, #tpu.memory_space<vmem>>)
      %dma_start3A_216 = arith.constant 3 : i32
      %dma_start3A_217 = arith.constant 0 : i32
      %dma_start3A_218 = tpu.memref_slice %arg9[%dma_start3A_216, %dma_start3A_217] : memref<8x128xi32, #tpu.memory_space<vmem>> -> memref<1x128xi32, #tpu.memory_space<vmem>>
      %dma_start3A_219 = tpu.memref_squeeze %dma_start3A_218 : memref<1x128xi32, #tpu.memory_space<vmem>> -> memref<128xi32, #tpu.memory_space<vmem>>
      %dma_start3A_220 = arith.constant 0 : i32
      %dma_start3A_221 = arith.constant 0 : i32
      %dma_start3A_222 = tpu.memref_slice %arg7[%dma_start3A_220, %dma_start3A_221] : memref<10240x128xf32, #tpu.memory_space<vmem_shared>> -> memref<10240x128xf32, #tpu.memory_space<vmem_shared>>
      tpu.enqueue_indirect_dma source(%arg14 : memref<128x128xf32, #tpu.memory_space<vmem>>) target(%dma_start3A_222 : memref<10240x128xf32, #tpu.memory_space<vmem_shared>>) offsets(%dma_start3A_219 : memref<128xi32, #tpu.memory_space<vmem>>) semaphore(%arg20 : memref<!tpu.dma_semaphore, #tpu.memory_space<semaphore_mem>>) {add = true}
      %dma_wait3A_223 = arith.constant 2 : i32
      %dma_wait3A_224 = arith.constant 0 : i32
      %dma_wait3A_225 = tpu.memref_slice %arg9[%dma_wait3A_223, %dma_wait3A_224] : memref<8x128xi32, #tpu.memory_space<vmem>> -> memref<1x128xi32, #tpu.memory_space<vmem>>
      %dma_wait3A_226 = tpu.memref_squeeze %dma_wait3A_225 : memref<1x128xi32, #tpu.memory_space<vmem>> -> memref<128xi32, #tpu.memory_space<vmem>>
      %dma_wait3A_227 = arith.constant 0 : i32
      %dma_wait3A_228 = arith.constant 0 : i32
      %dma_wait3A_229 = tpu.memref_slice %arg7[%dma_wait3A_227, %dma_wait3A_228] : memref<10240x128xf32, #tpu.memory_space<vmem_shared>> -> memref<10240x128xf32, #tpu.memory_space<vmem_shared>>
      tpu.wait_indirect_dma semaphore(%arg19 : memref<!tpu.dma_semaphore, #tpu.memory_space<semaphore_mem>>) src(%arg13 : memref<128x128xf32, #tpu.memory_space<vmem>>) dst(%dma_wait3A_229 : memref<10240x128xf32, #tpu.memory_space<vmem_shared>>)
      %dma_start3A_230 = arith.constant 4 : i32
      %dma_start3A_231 = arith.constant 0 : i32
      %dma_start3A_232 = tpu.memref_slice %arg10[%dma_start3A_230, %dma_start3A_231] : memref<8x128xi32, #tpu.memory_space<vmem>> -> memref<1x128xi32, #tpu.memory_space<vmem>>
      %dma_start3A_233 = tpu.memref_squeeze %dma_start3A_232 : memref<1x128xi32, #tpu.memory_space<vmem>> -> memref<128xi32, #tpu.memory_space<vmem>>
      %dma_start3A_234 = arith.constant 0 : i32
      %dma_start3A_235 = arith.constant 0 : i32
      %dma_start3A_236 = tpu.memref_slice %arg2[%dma_start3A_234, %dma_start3A_235] : memref<10000x128xf32, #tpu.memory_space<hbm>> -> memref<10000x128xf32, #tpu.memory_space<hbm>>
      tpu.enqueue_indirect_dma source(%dma_start3A_236 : memref<10000x128xf32, #tpu.memory_space<hbm>>) target(%arg13 : memref<128x128xf32, #tpu.memory_space<vmem>>) offsets(%dma_start3A_233 : memref<128xi32, #tpu.memory_space<vmem>>) semaphore(%arg17 : memref<!tpu.dma_semaphore, #tpu.memory_space<semaphore_mem>>)
      %dma_wait3A_237 = arith.constant 4 : i32
      %dma_wait3A_238 = arith.constant 0 : i32
      %dma_wait3A_239 = tpu.memref_slice %arg10[%dma_wait3A_237, %dma_wait3A_238] : memref<8x128xi32, #tpu.memory_space<vmem>> -> memref<1x128xi32, #tpu.memory_space<vmem>>
      %dma_wait3A_240 = tpu.memref_squeeze %dma_wait3A_239 : memref<1x128xi32, #tpu.memory_space<vmem>> -> memref<128xi32, #tpu.memory_space<vmem>>
      %dma_wait3A_241 = arith.constant 0 : i32
      %dma_wait3A_242 = arith.constant 0 : i32
      %dma_wait3A_243 = tpu.memref_slice %arg2[%dma_wait3A_241, %dma_wait3A_242] : memref<10000x128xf32, #tpu.memory_space<hbm>> -> memref<10000x128xf32, #tpu.memory_space<hbm>>
      tpu.wait_indirect_dma semaphore(%arg17 : memref<!tpu.dma_semaphore, #tpu.memory_space<semaphore_mem>>) src(%dma_wait3A_243 : memref<10000x128xf32, #tpu.memory_space<hbm>>) dst(%arg13 : memref<128x128xf32, #tpu.memory_space<vmem>>)
      %dma_start3A_244 = arith.constant 4 : i32
      %dma_start3A_245 = arith.constant 0 : i32
      %dma_start3A_246 = tpu.memref_slice %arg9[%dma_start3A_244, %dma_start3A_245] : memref<8x128xi32, #tpu.memory_space<vmem>> -> memref<1x128xi32, #tpu.memory_space<vmem>>
      %dma_start3A_247 = tpu.memref_squeeze %dma_start3A_246 : memref<1x128xi32, #tpu.memory_space<vmem>> -> memref<128xi32, #tpu.memory_space<vmem>>
      %dma_start3A_248 = arith.constant 0 : i32
      %dma_start3A_249 = arith.constant 0 : i32
      %dma_start3A_250 = tpu.memref_slice %arg7[%dma_start3A_248, %dma_start3A_249] : memref<10240x128xf32, #tpu.memory_space<vmem_shared>> -> memref<10240x128xf32, #tpu.memory_space<vmem_shared>>
      tpu.enqueue_indirect_dma source(%arg13 : memref<128x128xf32, #tpu.memory_space<vmem>>) target(%dma_start3A_250 : memref<10240x128xf32, #tpu.memory_space<vmem_shared>>) offsets(%dma_start3A_247 : memref<128xi32, #tpu.memory_space<vmem>>) semaphore(%arg19 : memref<!tpu.dma_semaphore, #tpu.memory_space<semaphore_mem>>) {add = true}
      %dma_wait3A_251 = arith.constant 3 : i32
      %dma_wait3A_252 = arith.constant 0 : i32
      %dma_wait3A_253 = tpu.memref_slice %arg9[%dma_wait3A_251, %dma_wait3A_252] : memref<8x128xi32, #tpu.memory_space<vmem>> -> memref<1x128xi32, #tpu.memory_space<vmem>>
      %dma_wait3A_254 = tpu.memref_squeeze %dma_wait3A_253 : memref<1x128xi32, #tpu.memory_space<vmem>> -> memref<128xi32, #tpu.memory_space<vmem>>
      %dma_wait3A_255 = arith.constant 0 : i32
      %dma_wait3A_256 = arith.constant 0 : i32
      %dma_wait3A_257 = tpu.memref_slice %arg7[%dma_wait3A_255, %dma_wait3A_256] : memref<10240x128xf32, #tpu.memory_space<vmem_shared>> -> memref<10240x128xf32, #tpu.memory_space<vmem_shared>>
      tpu.wait_indirect_dma semaphore(%arg20 : memref<!tpu.dma_semaphore, #tpu.memory_space<semaphore_mem>>) src(%arg14 : memref<128x128xf32, #tpu.memory_space<vmem>>) dst(%dma_wait3A_257 : memref<10240x128xf32, #tpu.memory_space<vmem_shared>>)
      %dma_start3A_258 = arith.constant 5 : i32
      %dma_start3A_259 = arith.constant 0 : i32
      %dma_start3A_260 = tpu.memref_slice %arg10[%dma_start3A_258, %dma_start3A_259] : memref<8x128xi32, #tpu.memory_space<vmem>> -> memref<1x128xi32, #tpu.memory_space<vmem>>
      %dma_start3A_261 = tpu.memref_squeeze %dma_start3A_260 : memref<1x128xi32, #tpu.memory_space<vmem>> -> memref<128xi32, #tpu.memory_space<vmem>>
      %dma_start3A_262 = arith.constant 0 : i32
      %dma_start3A_263 = arith.constant 0 : i32
      %dma_start3A_264 = tpu.memref_slice %arg2[%dma_start3A_262, %dma_start3A_263] : memref<10000x128xf32, #tpu.memory_space<hbm>> -> memref<10000x128xf32, #tpu.memory_space<hbm>>
      tpu.enqueue_indirect_dma source(%dma_start3A_264 : memref<10000x128xf32, #tpu.memory_space<hbm>>) target(%arg14 : memref<128x128xf32, #tpu.memory_space<vmem>>) offsets(%dma_start3A_261 : memref<128xi32, #tpu.memory_space<vmem>>) semaphore(%arg18 : memref<!tpu.dma_semaphore, #tpu.memory_space<semaphore_mem>>)
      %dma_wait3A_265 = arith.constant 5 : i32
      %dma_wait3A_266 = arith.constant 0 : i32
      %dma_wait3A_267 = tpu.memref_slice %arg10[%dma_wait3A_265, %dma_wait3A_266] : memref<8x128xi32, #tpu.memory_space<vmem>> -> memref<1x128xi32, #tpu.memory_space<vmem>>
      %dma_wait3A_268 = tpu.memref_squeeze %dma_wait3A_267 : memref<1x128xi32, #tpu.memory_space<vmem>> -> memref<128xi32, #tpu.memory_space<vmem>>
      %dma_wait3A_269 = arith.constant 0 : i32
      %dma_wait3A_270 = arith.constant 0 : i32
      %dma_wait3A_271 = tpu.memref_slice %arg2[%dma_wait3A_269, %dma_wait3A_270] : memref<10000x128xf32, #tpu.memory_space<hbm>> -> memref<10000x128xf32, #tpu.memory_space<hbm>>
      tpu.wait_indirect_dma semaphore(%arg18 : memref<!tpu.dma_semaphore, #tpu.memory_space<semaphore_mem>>) src(%dma_wait3A_271 : memref<10000x128xf32, #tpu.memory_space<hbm>>) dst(%arg14 : memref<128x128xf32, #tpu.memory_space<vmem>>)
      %dma_start3A_272 = arith.constant 5 : i32
      %dma_start3A_273 = arith.constant 0 : i32
      %dma_start3A_274 = tpu.memref_slice %arg9[%dma_start3A_272, %dma_start3A_273] : memref<8x128xi32, #tpu.memory_space<vmem>> -> memref<1x128xi32, #tpu.memory_space<vmem>>
      %dma_start3A_275 = tpu.memref_squeeze %dma_start3A_274 : memref<1x128xi32, #tpu.memory_space<vmem>> -> memref<128xi32, #tpu.memory_space<vmem>>
      %dma_start3A_276 = arith.constant 0 : i32
      %dma_start3A_277 = arith.constant 0 : i32
      %dma_start3A_278 = tpu.memref_slice %arg7[%dma_start3A_276, %dma_start3A_277] : memref<10240x128xf32, #tpu.memory_space<vmem_shared>> -> memref<10240x128xf32, #tpu.memory_space<vmem_shared>>
      tpu.enqueue_indirect_dma source(%arg14 : memref<128x128xf32, #tpu.memory_space<vmem>>) target(%dma_start3A_278 : memref<10240x128xf32, #tpu.memory_space<vmem_shared>>) offsets(%dma_start3A_275 : memref<128xi32, #tpu.memory_space<vmem>>) semaphore(%arg20 : memref<!tpu.dma_semaphore, #tpu.memory_space<semaphore_mem>>) {add = true}
      %dma_wait3A_279 = arith.constant 4 : i32
      %dma_wait3A_280 = arith.constant 0 : i32
      %dma_wait3A_281 = tpu.memref_slice %arg9[%dma_wait3A_279, %dma_wait3A_280] : memref<8x128xi32, #tpu.memory_space<vmem>> -> memref<1x128xi32, #tpu.memory_space<vmem>>
      %dma_wait3A_282 = tpu.memref_squeeze %dma_wait3A_281 : memref<1x128xi32, #tpu.memory_space<vmem>> -> memref<128xi32, #tpu.memory_space<vmem>>
      %dma_wait3A_283 = arith.constant 0 : i32
      %dma_wait3A_284 = arith.constant 0 : i32
      %dma_wait3A_285 = tpu.memref_slice %arg7[%dma_wait3A_283, %dma_wait3A_284] : memref<10240x128xf32, #tpu.memory_space<vmem_shared>> -> memref<10240x128xf32, #tpu.memory_space<vmem_shared>>
      tpu.wait_indirect_dma semaphore(%arg19 : memref<!tpu.dma_semaphore, #tpu.memory_space<semaphore_mem>>) src(%arg13 : memref<128x128xf32, #tpu.memory_space<vmem>>) dst(%dma_wait3A_285 : memref<10240x128xf32, #tpu.memory_space<vmem_shared>>)
      %dma_start3A_286 = arith.constant 6 : i32
      %dma_start3A_287 = arith.constant 0 : i32
      %dma_start3A_288 = tpu.memref_slice %arg10[%dma_start3A_286, %dma_start3A_287] : memref<8x128xi32, #tpu.memory_space<vmem>> -> memref<1x128xi32, #tpu.memory_space<vmem>>
      %dma_start3A_289 = tpu.memref_squeeze %dma_start3A_288 : memref<1x128xi32, #tpu.memory_space<vmem>> -> memref<128xi32, #tpu.memory_space<vmem>>
      %dma_start3A_290 = arith.constant 0 : i32
      %dma_start3A_291 = arith.constant 0 : i32
      %dma_start3A_292 = tpu.memref_slice %arg2[%dma_start3A_290, %dma_start3A_291] : memref<10000x128xf32, #tpu.memory_space<hbm>> -> memref<10000x128xf32, #tpu.memory_space<hbm>>
      tpu.enqueue_indirect_dma source(%dma_start3A_292 : memref<10000x128xf32, #tpu.memory_space<hbm>>) target(%arg13 : memref<128x128xf32, #tpu.memory_space<vmem>>) offsets(%dma_start3A_289 : memref<128xi32, #tpu.memory_space<vmem>>) semaphore(%arg17 : memref<!tpu.dma_semaphore, #tpu.memory_space<semaphore_mem>>)
      %dma_wait3A_293 = arith.constant 6 : i32
      %dma_wait3A_294 = arith.constant 0 : i32
      %dma_wait3A_295 = tpu.memref_slice %arg10[%dma_wait3A_293, %dma_wait3A_294] : memref<8x128xi32, #tpu.memory_space<vmem>> -> memref<1x128xi32, #tpu.memory_space<vmem>>
      %dma_wait3A_296 = tpu.memref_squeeze %dma_wait3A_295 : memref<1x128xi32, #tpu.memory_space<vmem>> -> memref<128xi32, #tpu.memory_space<vmem>>
      %dma_wait3A_297 = arith.constant 0 : i32
      %dma_wait3A_298 = arith.constant 0 : i32
      %dma_wait3A_299 = tpu.memref_slice %arg2[%dma_wait3A_297, %dma_wait3A_298] : memref<10000x128xf32, #tpu.memory_space<hbm>> -> memref<10000x128xf32, #tpu.memory_space<hbm>>
      tpu.wait_indirect_dma semaphore(%arg17 : memref<!tpu.dma_semaphore, #tpu.memory_space<semaphore_mem>>) src(%dma_wait3A_299 : memref<10000x128xf32, #tpu.memory_space<hbm>>) dst(%arg13 : memref<128x128xf32, #tpu.memory_space<vmem>>)
      %dma_start3A_300 = arith.constant 6 : i32
      %dma_start3A_301 = arith.constant 0 : i32
      %dma_start3A_302 = tpu.memref_slice %arg9[%dma_start3A_300, %dma_start3A_301] : memref<8x128xi32, #tpu.memory_space<vmem>> -> memref<1x128xi32, #tpu.memory_space<vmem>>
      %dma_start3A_303 = tpu.memref_squeeze %dma_start3A_302 : memref<1x128xi32, #tpu.memory_space<vmem>> -> memref<128xi32, #tpu.memory_space<vmem>>
      %dma_start3A_304 = arith.constant 0 : i32
      %dma_start3A_305 = arith.constant 0 : i32
      %dma_start3A_306 = tpu.memref_slice %arg7[%dma_start3A_304, %dma_start3A_305] : memref<10240x128xf32, #tpu.memory_space<vmem_shared>> -> memref<10240x128xf32, #tpu.memory_space<vmem_shared>>
      tpu.enqueue_indirect_dma source(%arg13 : memref<128x128xf32, #tpu.memory_space<vmem>>) target(%dma_start3A_306 : memref<10240x128xf32, #tpu.memory_space<vmem_shared>>) offsets(%dma_start3A_303 : memref<128xi32, #tpu.memory_space<vmem>>) semaphore(%arg19 : memref<!tpu.dma_semaphore, #tpu.memory_space<semaphore_mem>>) {add = true}
      %dma_wait3A_307 = arith.constant 5 : i32
      %dma_wait3A_308 = arith.constant 0 : i32
      %dma_wait3A_309 = tpu.memref_slice %arg9[%dma_wait3A_307, %dma_wait3A_308] : memref<8x128xi32, #tpu.memory_space<vmem>> -> memref<1x128xi32, #tpu.memory_space<vmem>>
      %dma_wait3A_310 = tpu.memref_squeeze %dma_wait3A_309 : memref<1x128xi32, #tpu.memory_space<vmem>> -> memref<128xi32, #tpu.memory_space<vmem>>
      %dma_wait3A_311 = arith.constant 0 : i32
      %dma_wait3A_312 = arith.constant 0 : i32
      %dma_wait3A_313 = tpu.memref_slice %arg7[%dma_wait3A_311, %dma_wait3A_312] : memref<10240x128xf32, #tpu.memory_space<vmem_shared>> -> memref<10240x128xf32, #tpu.memory_space<vmem_shared>>
      tpu.wait_indirect_dma semaphore(%arg20 : memref<!tpu.dma_semaphore, #tpu.memory_space<semaphore_mem>>) src(%arg14 : memref<128x128xf32, #tpu.memory_space<vmem>>) dst(%dma_wait3A_313 : memref<10240x128xf32, #tpu.memory_space<vmem_shared>>)
      %dma_wait3A_314 = arith.constant 0 : i32
      %dma_wait3A_315 = arith.constant 0 : i32
      %dma_wait3A_316 = tpu.memref_slice %arg3[%add3A, %dma_wait3A_314, %dma_wait3A_315] : memref<32x80x128xi32, #tpu.memory_space<hbm>> -> memref<1x80x128xi32, #tpu.memory_space<hbm>>
      %dma_wait3A_317 = tpu.memref_squeeze %dma_wait3A_316 : memref<1x80x128xi32, #tpu.memory_space<hbm>> -> memref<80x128xi32, #tpu.memory_space<hbm>>
      %dma_wait3A_318 = arith.constant 0 : i32
      %dma_wait3A_319 = arith.constant 0 : i32
      %dma_wait3A_320 = tpu.memref_slice %dma_wait3A_317[%dma_wait3A_318, %dma_wait3A_319] : memref<80x128xi32, #tpu.memory_space<hbm>> -> memref<8x128xi32, #tpu.memory_space<hbm>>
      %dma_wait3A_321 = arith.constant 0 : i32
      %dma_wait3A_322 = arith.constant 0 : i32
      %dma_wait3A_323 = tpu.memref_slice %arg3[%add3A, %dma_wait3A_321, %dma_wait3A_322] : memref<32x80x128xi32, #tpu.memory_space<hbm>> -> memref<1x80x128xi32, #tpu.memory_space<hbm>>
      %dma_wait3A_324 = tpu.memref_squeeze %dma_wait3A_323 : memref<1x80x128xi32, #tpu.memory_space<hbm>> -> memref<80x128xi32, #tpu.memory_space<hbm>>
      %dma_wait3A_325 = arith.constant 0 : i32
      %dma_wait3A_326 = arith.constant 0 : i32
      %dma_wait3A_327 = tpu.memref_slice %dma_wait3A_324[%dma_wait3A_325, %dma_wait3A_326] : memref<80x128xi32, #tpu.memory_space<hbm>> -> memref<8x128xi32, #tpu.memory_space<hbm>>
      tpu.wait_dma2 semaphore(%arg23 : memref<!tpu.dma_semaphore, #tpu.memory_space<semaphore_mem>>) src(%dma_wait3A_327 : memref<8x128xi32, #tpu.memory_space<hbm>>) dst(%arg11 : memref<8x128xi32, #tpu.memory_space<vmem>>)
      %dma_wait3A_328 = arith.constant 0 : i32
      %dma_wait3A_329 = arith.constant 0 : i32
      %dma_wait3A_330 = tpu.memref_slice %arg4[%add3A, %dma_wait3A_328, %dma_wait3A_329] : memref<32x80x128xi32, #tpu.memory_space<hbm>> -> memref<1x80x128xi32, #tpu.memory_space<hbm>>
      %dma_wait3A_331 = tpu.memref_squeeze %dma_wait3A_330 : memref<1x80x128xi32, #tpu.memory_space<hbm>> -> memref<80x128xi32, #tpu.memory_space<hbm>>
      %dma_wait3A_332 = arith.constant 0 : i32
      %dma_wait3A_333 = arith.constant 0 : i32
      %dma_wait3A_334 = tpu.memref_slice %dma_wait3A_331[%dma_wait3A_332, %dma_wait3A_333] : memref<80x128xi32, #tpu.memory_space<hbm>> -> memref<8x128xi32, #tpu.memory_space<hbm>>
      %dma_wait3A_335 = arith.constant 0 : i32
      %dma_wait3A_336 = arith.constant 0 : i32
      %dma_wait3A_337 = tpu.memref_slice %arg4[%add3A, %dma_wait3A_335, %dma_wait3A_336] : memref<32x80x128xi32, #tpu.memory_space<hbm>> -> memref<1x80x128xi32, #tpu.memory_space<hbm>>
      %dma_wait3A_338 = tpu.memref_squeeze %dma_wait3A_337 : memref<1x80x128xi32, #tpu.memory_space<hbm>> -> memref<80x128xi32, #tpu.memory_space<hbm>>
      %dma_wait3A_339 = arith.constant 0 : i32
      %dma_wait3A_340 = arith.constant 0 : i32
      %dma_wait3A_341 = tpu.memref_slice %dma_wait3A_338[%dma_wait3A_339, %dma_wait3A_340] : memref<80x128xi32, #tpu.memory_space<hbm>> -> memref<8x128xi32, #tpu.memory_space<hbm>>
      tpu.wait_dma2 semaphore(%arg23 : memref<!tpu.dma_semaphore, #tpu.memory_space<semaphore_mem>>) src(%dma_wait3A_341 : memref<8x128xi32, #tpu.memory_space<hbm>>) dst(%arg12 : memref<8x128xi32, #tpu.memory_space<vmem>>)
      %dma_start3A_342 = arith.constant 7 : i32
      %dma_start3A_343 = arith.constant 0 : i32
      %dma_start3A_344 = tpu.memref_slice %arg10[%dma_start3A_342, %dma_start3A_343] : memref<8x128xi32, #tpu.memory_space<vmem>> -> memref<1x128xi32, #tpu.memory_space<vmem>>
      %dma_start3A_345 = tpu.memref_squeeze %dma_start3A_344 : memref<1x128xi32, #tpu.memory_space<vmem>> -> memref<128xi32, #tpu.memory_space<vmem>>
      %dma_start3A_346 = arith.constant 0 : i32
      %dma_start3A_347 = arith.constant 0 : i32
      %dma_start3A_348 = tpu.memref_slice %arg2[%dma_start3A_346, %dma_start3A_347] : memref<10000x128xf32, #tpu.memory_space<hbm>> -> memref<10000x128xf32, #tpu.memory_space<hbm>>
      tpu.enqueue_indirect_dma source(%dma_start3A_348 : memref<10000x128xf32, #tpu.memory_space<hbm>>) target(%arg14 : memref<128x128xf32, #tpu.memory_space<vmem>>) offsets(%dma_start3A_345 : memref<128xi32, #tpu.memory_space<vmem>>) semaphore(%arg18 : memref<!tpu.dma_semaphore, #tpu.memory_space<semaphore_mem>>)
      %dma_wait3A_349 = arith.constant 7 : i32
      %dma_wait3A_350 = arith.constant 0 : i32
      %dma_wait3A_351 = tpu.memref_slice %arg10[%dma_wait3A_349, %dma_wait3A_350] : memref<8x128xi32, #tpu.memory_space<vmem>> -> memref<1x128xi32, #tpu.memory_space<vmem>>
      %dma_wait3A_352 = tpu.memref_squeeze %dma_wait3A_351 : memref<1x128xi32, #tpu.memory_space<vmem>> -> memref<128xi32, #tpu.memory_space<vmem>>
      %dma_wait3A_353 = arith.constant 0 : i32
      %dma_wait3A_354 = arith.constant 0 : i32
      %dma_wait3A_355 = tpu.memref_slice %arg2[%dma_wait3A_353, %dma_wait3A_354] : memref<10000x128xf32, #tpu.memory_space<hbm>> -> memref<10000x128xf32, #tpu.memory_space<hbm>>
      tpu.wait_indirect_dma semaphore(%arg18 : memref<!tpu.dma_semaphore, #tpu.memory_space<semaphore_mem>>) src(%dma_wait3A_355 : memref<10000x128xf32, #tpu.memory_space<hbm>>) dst(%arg14 : memref<128x128xf32, #tpu.memory_space<vmem>>)
      %dma_start3A_356 = arith.constant 7 : i32
      %dma_start3A_357 = arith.constant 0 : i32
      %dma_start3A_358 = tpu.memref_slice %arg9[%dma_start3A_356, %dma_start3A_357] : memref<8x128xi32, #tpu.memory_space<vmem>> -> memref<1x128xi32, #tpu.memory_space<vmem>>
      %dma_start3A_359 = tpu.memref_squeeze %dma_start3A_358 : memref<1x128xi32, #tpu.memory_space<vmem>> -> memref<128xi32, #tpu.memory_space<vmem>>
      %dma_start3A_360 = arith.constant 0 : i32
      %dma_start3A_361 = arith.constant 0 : i32
      %dma_start3A_362 = tpu.memref_slice %arg7[%dma_start3A_360, %dma_start3A_361] : memref<10240x128xf32, #tpu.memory_space<vmem_shared>> -> memref<10240x128xf32, #tpu.memory_space<vmem_shared>>
      tpu.enqueue_indirect_dma source(%arg14 : memref<128x128xf32, #tpu.memory_space<vmem>>) target(%dma_start3A_362 : memref<10240x128xf32, #tpu.memory_space<vmem_shared>>) offsets(%dma_start3A_359 : memref<128xi32, #tpu.memory_space<vmem>>) semaphore(%arg20 : memref<!tpu.dma_semaphore, #tpu.memory_space<semaphore_mem>>) {add = true}
      %dma_wait3A_363 = arith.constant 6 : i32
      %dma_wait3A_364 = arith.constant 0 : i32
      %dma_wait3A_365 = tpu.memref_slice %arg9[%dma_wait3A_363, %dma_wait3A_364] : memref<8x128xi32, #tpu.memory_space<vmem>> -> memref<1x128xi32, #tpu.memory_space<vmem>>
      %dma_wait3A_366 = tpu.memref_squeeze %dma_wait3A_365 : memref<1x128xi32, #tpu.memory_space<vmem>> -> memref<128xi32, #tpu.memory_space<vmem>>
      %dma_wait3A_367 = arith.constant 0 : i32
      %dma_wait3A_368 = arith.constant 0 : i32
      %dma_wait3A_369 = tpu.memref_slice %arg7[%dma_wait3A_367, %dma_wait3A_368] : memref<10240x128xf32, #tpu.memory_space<vmem_shared>> -> memref<10240x128xf32, #tpu.memory_space<vmem_shared>>
      tpu.wait_indirect_dma semaphore(%arg19 : memref<!tpu.dma_semaphore, #tpu.memory_space<semaphore_mem>>) src(%arg13 : memref<128x128xf32, #tpu.memory_space<vmem>>) dst(%dma_wait3A_369 : memref<10240x128xf32, #tpu.memory_space<vmem_shared>>)
      %dma_start3A_370 = arith.constant 0 : i32
      %dma_start3A_371 = arith.constant 0 : i32
      %dma_start3A_372 = tpu.memref_slice %arg12[%dma_start3A_370, %dma_start3A_371] : memref<8x128xi32, #tpu.memory_space<vmem>> -> memref<1x128xi32, #tpu.memory_space<vmem>>
      %dma_start3A_373 = tpu.memref_squeeze %dma_start3A_372 : memref<1x128xi32, #tpu.memory_space<vmem>> -> memref<128xi32, #tpu.memory_space<vmem>>
      %dma_start3A_374 = arith.constant 0 : i32
      %dma_start3A_375 = arith.constant 0 : i32
      %dma_start3A_376 = tpu.memref_slice %arg2[%dma_start3A_374, %dma_start3A_375] : memref<10000x128xf32, #tpu.memory_space<hbm>> -> memref<10000x128xf32, #tpu.memory_space<hbm>>
      tpu.enqueue_indirect_dma source(%dma_start3A_376 : memref<10000x128xf32, #tpu.memory_space<hbm>>) target(%arg13 : memref<128x128xf32, #tpu.memory_space<vmem>>) offsets(%dma_start3A_373 : memref<128xi32, #tpu.memory_space<vmem>>) semaphore(%arg17 : memref<!tpu.dma_semaphore, #tpu.memory_space<semaphore_mem>>)
      %dma_wait3A_377 = arith.constant 0 : i32
      %dma_wait3A_378 = arith.constant 0 : i32
      %dma_wait3A_379 = tpu.memref_slice %arg12[%dma_wait3A_377, %dma_wait3A_378] : memref<8x128xi32, #tpu.memory_space<vmem>> -> memref<1x128xi32, #tpu.memory_space<vmem>>
      %dma_wait3A_380 = tpu.memref_squeeze %dma_wait3A_379 : memref<1x128xi32, #tpu.memory_space<vmem>> -> memref<128xi32, #tpu.memory_space<vmem>>
      %dma_wait3A_381 = arith.constant 0 : i32
      %dma_wait3A_382 = arith.constant 0 : i32
      %dma_wait3A_383 = tpu.memref_slice %arg2[%dma_wait3A_381, %dma_wait3A_382] : memref<10000x128xf32, #tpu.memory_space<hbm>> -> memref<10000x128xf32, #tpu.memory_space<hbm>>
      tpu.wait_indirect_dma semaphore(%arg17 : memref<!tpu.dma_semaphore, #tpu.memory_space<semaphore_mem>>) src(%dma_wait3A_383 : memref<10000x128xf32, #tpu.memory_space<hbm>>) dst(%arg13 : memref<128x128xf32, #tpu.memory_space<vmem>>)
      %dma_start3A_384 = arith.constant 0 : i32
      %dma_start3A_385 = arith.constant 0 : i32
      %dma_start3A_386 = tpu.memref_slice %arg11[%dma_start3A_384, %dma_start3A_385] : memref<8x128xi32, #tpu.memory_space<vmem>> -> memref<1x128xi32, #tpu.memory_space<vmem>>
      %dma_start3A_387 = tpu.memref_squeeze %dma_start3A_386 : memref<1x128xi32, #tpu.memory_space<vmem>> -> memref<128xi32, #tpu.memory_space<vmem>>
      %dma_start3A_388 = arith.constant 0 : i32
      %dma_start3A_389 = arith.constant 0 : i32
      %dma_start3A_390 = tpu.memref_slice %arg7[%dma_start3A_388, %dma_start3A_389] : memref<10240x128xf32, #tpu.memory_space<vmem_shared>> -> memref<10240x128xf32, #tpu.memory_space<vmem_shared>>
      tpu.enqueue_indirect_dma source(%arg13 : memref<128x128xf32, #tpu.memory_space<vmem>>) target(%dma_start3A_390 : memref<10240x128xf32, #tpu.memory_space<vmem_shared>>) offsets(%dma_start3A_387 : memref<128xi32, #tpu.memory_space<vmem>>) semaphore(%arg19 : memref<!tpu.dma_semaphore, #tpu.memory_space<semaphore_mem>>) {add = true}
      %dma_wait3A_391 = arith.constant 7 : i32
      %dma_wait3A_392 = arith.constant 0 : i32
      %dma_wait3A_393 = tpu.memref_slice %arg9[%dma_wait3A_391, %dma_wait3A_392] : memref<8x128xi32, #tpu.memory_space<vmem>> -> memref<1x128xi32, #tpu.memory_space<vmem>>
      %dma_wait3A_394 = tpu.memref_squeeze %dma_wait3A_393 : memref<1x128xi32, #tpu.memory_space<vmem>> -> memref<128xi32, #tpu.memory_space<vmem>>
      %dma_wait3A_395 = arith.constant 0 : i32
      %dma_wait3A_396 = arith.constant 0 : i32
      %dma_wait3A_397 = tpu.memref_slice %arg7[%dma_wait3A_395, %dma_wait3A_396] : memref<10240x128xf32, #tpu.memory_space<vmem_shared>> -> memref<10240x128xf32, #tpu.memory_space<vmem_shared>>
      tpu.wait_indirect_dma semaphore(%arg20 : memref<!tpu.dma_semaphore, #tpu.memory_space<semaphore_mem>>) src(%arg14 : memref<128x128xf32, #tpu.memory_space<vmem>>) dst(%dma_wait3A_397 : memref<10240x128xf32, #tpu.memory_space<vmem_shared>>)
      %dma_start3A_398 = arith.constant 1 : i32
      %dma_start3A_399 = arith.constant 0 : i32
      %dma_start3A_400 = tpu.memref_slice %arg12[%dma_start3A_398, %dma_start3A_399] : memref<8x128xi32, #tpu.memory_space<vmem>> -> memref<1x128xi32, #tpu.memory_space<vmem>>
      %dma_start3A_401 = tpu.memref_squeeze %dma_start3A_400 : memref<1x128xi32, #tpu.memory_space<vmem>> -> memref<128xi32, #tpu.memory_space<vmem>>
      %dma_start3A_402 = arith.constant 0 : i32
      %dma_start3A_403 = arith.constant 0 : i32
      %dma_start3A_404 = tpu.memref_slice %arg2[%dma_start3A_402, %dma_start3A_403] : memref<10000x128xf32, #tpu.memory_space<hbm>> -> memref<10000x128xf32, #tpu.memory_space<hbm>>
      tpu.enqueue_indirect_dma source(%dma_start3A_404 : memref<10000x128xf32, #tpu.memory_space<hbm>>) target(%arg14 : memref<128x128xf32, #tpu.memory_space<vmem>>) offsets(%dma_start3A_401 : memref<128xi32, #tpu.memory_space<vmem>>) semaphore(%arg18 : memref<!tpu.dma_semaphore, #tpu.memory_space<semaphore_mem>>)
      %dma_wait3A_405 = arith.constant 1 : i32
      %dma_wait3A_406 = arith.constant 0 : i32
      %dma_wait3A_407 = tpu.memref_slice %arg12[%dma_wait3A_405, %dma_wait3A_406] : memref<8x128xi32, #tpu.memory_space<vmem>> -> memref<1x128xi32, #tpu.memory_space<vmem>>
      %dma_wait3A_408 = tpu.memref_squeeze %dma_wait3A_407 : memref<1x128xi32, #tpu.memory_space<vmem>> -> memref<128xi32, #tpu.memory_space<vmem>>
      %dma_wait3A_409 = arith.constant 0 : i32
      %dma_wait3A_410 = arith.constant 0 : i32
      %dma_wait3A_411 = tpu.memref_slice %arg2[%dma_wait3A_409, %dma_wait3A_410] : memref<10000x128xf32, #tpu.memory_space<hbm>> -> memref<10000x128xf32, #tpu.memory_space<hbm>>
      tpu.wait_indirect_dma semaphore(%arg18 : memref<!tpu.dma_semaphore, #tpu.memory_space<semaphore_mem>>) src(%dma_wait3A_411 : memref<10000x128xf32, #tpu.memory_space<hbm>>) dst(%arg14 : memref<128x128xf32, #tpu.memory_space<vmem>>)
      %dma_start3A_412 = arith.constant 1 : i32
      %dma_start3A_413 = arith.constant 0 : i32
      %dma_start3A_414 = tpu.memref_slice %arg11[%dma_start3A_412, %dma_start3A_413] : memref<8x128xi32, #tpu.memory_space<vmem>> -> memref<1x128xi32, #tpu.memory_space<vmem>>
      %dma_start3A_415 = tpu.memref_squeeze %dma_start3A_414 : memref<1x128xi32, #tpu.memory_space<vmem>> -> memref<128xi32, #tpu.memory_space<vmem>>
      %dma_start3A_416 = arith.constant 0 : i32
      %dma_start3A_417 = arith.constant 0 : i32
      %dma_start3A_418 = tpu.memref_slice %arg7[%dma_start3A_416, %dma_start3A_417] : memref<10240x128xf32, #tpu.memory_space<vmem_shared>> -> memref<10240x128xf32, #tpu.memory_space<vmem_shared>>
      tpu.enqueue_indirect_dma source(%arg14 : memref<128x128xf32, #tpu.memory_space<vmem>>) target(%dma_start3A_418 : memref<10240x128xf32, #tpu.memory_space<vmem_shared>>) offsets(%dma_start3A_415 : memref<128xi32, #tpu.memory_space<vmem>>) semaphore(%arg20 : memref<!tpu.dma_semaphore, #tpu.memory_space<semaphore_mem>>) {add = true}
      %dma_wait3A_419 = arith.constant 0 : i32
      %dma_wait3A_420 = arith.constant 0 : i32
      %dma_wait3A_421 = tpu.memref_slice %arg11[%dma_wait3A_419, %dma_wait3A_420] : memref<8x128xi32, #tpu.memory_space<vmem>> -> memref<1x128xi32, #tpu.memory_space<vmem>>
      %dma_wait3A_422 = tpu.memref_squeeze %dma_wait3A_421 : memref<1x128xi32, #tpu.memory_space<vmem>> -> memref<128xi32, #tpu.memory_space<vmem>>
      %dma_wait3A_423 = arith.constant 0 : i32
      %dma_wait3A_424 = arith.constant 0 : i32
      %dma_wait3A_425 = tpu.memref_slice %arg7[%dma_wait3A_423, %dma_wait3A_424] : memref<10240x128xf32, #tpu.memory_space<vmem_shared>> -> memref<10240x128xf32, #tpu.memory_space<vmem_shared>>
      tpu.wait_indirect_dma semaphore(%arg19 : memref<!tpu.dma_semaphore, #tpu.memory_space<semaphore_mem>>) src(%arg13 : memref<128x128xf32, #tpu.memory_space<vmem>>) dst(%dma_wait3A_425 : memref<10240x128xf32, #tpu.memory_space<vmem_shared>>)
      %lt3A = arith.constant 4 : i32
      %lt3A_426 = arith.cmpi slt, %scan3A_124, %lt3A : i32
      %convert_element_type3A_427 = arith.extui %lt3A_426 : i1 to i32
      %cond3A_428 = arith.constant 0 : i32
      %cond3A_429 = arith.cmpi ne, %convert_element_type3A_427, %cond3A_428 : i32
      scf.if %cond3A_429 {
        %mul3A_608 = arith.constant 2 : i32
        %mul3A_609 = arith.muli %mul3A_608, %scan3A_124 : i32
        %add3A_610 = arith.constant 2 : i32
        %add3A_611 = arith.addi %mul3A_609, %add3A_610 : i32
        %mul3A_612 = arith.constant 8 : i32
        %mul3A_613 = arith.muli %add3A_611, %mul3A_612 : i32
        %dma_start3A_614 = arith.constant 0 : i32
        %dma_start3A_615 = arith.constant 0 : i32
        %dma_start3A_616 = tpu.memref_slice %arg3[%add3A, %dma_start3A_614, %dma_start3A_615] : memref<32x80x128xi32, #tpu.memory_space<hbm>> -> memref<1x80x128xi32, #tpu.memory_space<hbm>>
        %dma_start3A_617 = tpu.memref_squeeze %dma_start3A_616 : memref<1x80x128xi32, #tpu.memory_space<hbm>> -> memref<80x128xi32, #tpu.memory_space<hbm>>
        %dma_start3A_618 = arith.constant 0 : i32
        %dma_start3A_619 = tpu.memref_slice %dma_start3A_617[%mul3A_613, %dma_start3A_618] : memref<80x128xi32, #tpu.memory_space<hbm>> -> memref<8x128xi32, #tpu.memory_space<hbm>>
        %dma_start3A_620 = arith.constant 0 : i32
        %dma_start3A_621 = arith.constant 0 : i32
        %dma_start3A_622 = tpu.memref_slice %arg3[%add3A, %dma_start3A_620, %dma_start3A_621] : memref<32x80x128xi32, #tpu.memory_space<hbm>> -> memref<1x80x128xi32, #tpu.memory_space<hbm>>
        %dma_start3A_623 = tpu.memref_squeeze %dma_start3A_622 : memref<1x80x128xi32, #tpu.memory_space<hbm>> -> memref<80x128xi32, #tpu.memory_space<hbm>>
        %dma_start3A_624 = arith.constant 0 : i32
        %dma_start3A_625 = tpu.memref_slice %dma_start3A_623[%mul3A_613, %dma_start3A_624] : memref<80x128xi32, #tpu.memory_space<hbm>> -> memref<8x128xi32, #tpu.memory_space<hbm>>
        tpu.enqueue_dma source(%dma_start3A_625 : memref<8x128xi32, #tpu.memory_space<hbm>>) target(%arg9 : memref<8x128xi32, #tpu.memory_space<vmem>>) target_semaphore(%arg22 : memref<!tpu.dma_semaphore, #tpu.memory_space<semaphore_mem>>)
        %mul3A_626 = arith.constant 8 : i32
        %mul3A_627 = arith.muli %add3A_611, %mul3A_626 : i32
        %dma_start3A_628 = arith.constant 0 : i32
        %dma_start3A_629 = arith.constant 0 : i32
        %dma_start3A_630 = tpu.memref_slice %arg4[%add3A, %dma_start3A_628, %dma_start3A_629] : memref<32x80x128xi32, #tpu.memory_space<hbm>> -> memref<1x80x128xi32, #tpu.memory_space<hbm>>
        %dma_start3A_631 = tpu.memref_squeeze %dma_start3A_630 : memref<1x80x128xi32, #tpu.memory_space<hbm>> -> memref<80x128xi32, #tpu.memory_space<hbm>>
        %dma_start3A_632 = arith.constant 0 : i32
        %dma_start3A_633 = tpu.memref_slice %dma_start3A_631[%mul3A_627, %dma_start3A_632] : memref<80x128xi32, #tpu.memory_space<hbm>> -> memref<8x128xi32, #tpu.memory_space<hbm>>
        %dma_start3A_634 = arith.constant 0 : i32
        %dma_start3A_635 = arith.constant 0 : i32
        %dma_start3A_636 = tpu.memref_slice %arg4[%add3A, %dma_start3A_634, %dma_start3A_635] : memref<32x80x128xi32, #tpu.memory_space<hbm>> -> memref<1x80x128xi32, #tpu.memory_space<hbm>>
        %dma_start3A_637 = tpu.memref_squeeze %dma_start3A_636 : memref<1x80x128xi32, #tpu.memory_space<hbm>> -> memref<80x128xi32, #tpu.memory_space<hbm>>
        %dma_start3A_638 = arith.constant 0 : i32
        %dma_start3A_639 = tpu.memref_slice %dma_start3A_637[%mul3A_627, %dma_start3A_638] : memref<80x128xi32, #tpu.memory_space<hbm>> -> memref<8x128xi32, #tpu.memory_space<hbm>>
        tpu.enqueue_dma source(%dma_start3A_639 : memref<8x128xi32, #tpu.memory_space<hbm>>) target(%arg10 : memref<8x128xi32, #tpu.memory_space<vmem>>) target_semaphore(%arg22 : memref<!tpu.dma_semaphore, #tpu.memory_space<semaphore_mem>>)
      } else {
      }
      %dma_start3A_430 = arith.constant 2 : i32
      %dma_start3A_431 = arith.constant 0 : i32
      %dma_start3A_432 = tpu.memref_slice %arg12[%dma_start3A_430, %dma_start3A_431] : memref<8x128xi32, #tpu.memory_space<vmem>> -> memref<1x128xi32, #tpu.memory_space<vmem>>
      %dma_start3A_433 = tpu.memref_squeeze %dma_start3A_432 : memref<1x128xi32, #tpu.memory_space<vmem>> -> memref<128xi32, #tpu.memory_space<vmem>>
      %dma_start3A_434 = arith.constant 0 : i32
      %dma_start3A_435 = arith.constant 0 : i32
      %dma_start3A_436 = tpu.memref_slice %arg2[%dma_start3A_434, %dma_start3A_435] : memref<10000x128xf32, #tpu.memory_space<hbm>> -> memref<10000x128xf32, #tpu.memory_space<hbm>>
      tpu.enqueue_indirect_dma source(%dma_start3A_436 : memref<10000x128xf32, #tpu.memory_space<hbm>>) target(%arg13 : memref<128x128xf32, #tpu.memory_space<vmem>>) offsets(%dma_start3A_433 : memref<128xi32, #tpu.memory_space<vmem>>) semaphore(%arg17 : memref<!tpu.dma_semaphore, #tpu.memory_space<semaphore_mem>>)
      %dma_wait3A_437 = arith.constant 2 : i32
      %dma_wait3A_438 = arith.constant 0 : i32
      %dma_wait3A_439 = tpu.memref_slice %arg12[%dma_wait3A_437, %dma_wait3A_438] : memref<8x128xi32, #tpu.memory_space<vmem>> -> memref<1x128xi32, #tpu.memory_space<vmem>>
      %dma_wait3A_440 = tpu.memref_squeeze %dma_wait3A_439 : memref<1x128xi32, #tpu.memory_space<vmem>> -> memref<128xi32, #tpu.memory_space<vmem>>
      %dma_wait3A_441 = arith.constant 0 : i32
      %dma_wait3A_442 = arith.constant 0 : i32
      %dma_wait3A_443 = tpu.memref_slice %arg2[%dma_wait3A_441, %dma_wait3A_442] : memref<10000x128xf32, #tpu.memory_space<hbm>> -> memref<10000x128xf32, #tpu.memory_space<hbm>>
      tpu.wait_indirect_dma semaphore(%arg17 : memref<!tpu.dma_semaphore, #tpu.memory_space<semaphore_mem>>) src(%dma_wait3A_443 : memref<10000x128xf32, #tpu.memory_space<hbm>>) dst(%arg13 : memref<128x128xf32, #tpu.memory_space<vmem>>)
      %dma_start3A_444 = arith.constant 2 : i32
      %dma_start3A_445 = arith.constant 0 : i32
      %dma_start3A_446 = tpu.memref_slice %arg11[%dma_start3A_444, %dma_start3A_445] : memref<8x128xi32, #tpu.memory_space<vmem>> -> memref<1x128xi32, #tpu.memory_space<vmem>>
      %dma_start3A_447 = tpu.memref_squeeze %dma_start3A_446 : memref<1x128xi32, #tpu.memory_space<vmem>> -> memref<128xi32, #tpu.memory_space<vmem>>
      %dma_start3A_448 = arith.constant 0 : i32
      %dma_start3A_449 = arith.constant 0 : i32
      %dma_start3A_450 = tpu.memref_slice %arg7[%dma_start3A_448, %dma_start3A_449] : memref<10240x128xf32, #tpu.memory_space<vmem_shared>> -> memref<10240x128xf32, #tpu.memory_space<vmem_shared>>
      tpu.enqueue_indirect_dma source(%arg13 : memref<128x128xf32, #tpu.memory_space<vmem>>) target(%dma_start3A_450 : memref<10240x128xf32, #tpu.memory_space<vmem_shared>>) offsets(%dma_start3A_447 : memref<128xi32, #tpu.memory_space<vmem>>) semaphore(%arg19 : memref<!tpu.dma_semaphore, #tpu.memory_space<semaphore_mem>>) {add = true}
      %dma_wait3A_451 = arith.constant 1 : i32
      %dma_wait3A_452 = arith.constant 0 : i32
      %dma_wait3A_453 = tpu.memref_slice %arg11[%dma_wait3A_451, %dma_wait3A_452] : memref<8x128xi32, #tpu.memory_space<vmem>> -> memref<1x128xi32, #tpu.memory_space<vmem>>
      %dma_wait3A_454 = tpu.memref_squeeze %dma_wait3A_453 : memref<1x128xi32, #tpu.memory_space<vmem>> -> memref<128xi32, #tpu.memory_space<vmem>>
      %dma_wait3A_455 = arith.constant 0 : i32
      %dma_wait3A_456 = arith.constant 0 : i32
      %dma_wait3A_457 = tpu.memref_slice %arg7[%dma_wait3A_455, %dma_wait3A_456] : memref<10240x128xf32, #tpu.memory_space<vmem_shared>> -> memref<10240x128xf32, #tpu.memory_space<vmem_shared>>
      tpu.wait_indirect_dma semaphore(%arg20 : memref<!tpu.dma_semaphore, #tpu.memory_space<semaphore_mem>>) src(%arg14 : memref<128x128xf32, #tpu.memory_space<vmem>>) dst(%dma_wait3A_457 : memref<10240x128xf32, #tpu.memory_space<vmem_shared>>)
      %dma_start3A_458 = arith.constant 3 : i32
      %dma_start3A_459 = arith.constant 0 : i32
      %dma_start3A_460 = tpu.memref_slice %arg12[%dma_start3A_458, %dma_start3A_459] : memref<8x128xi32, #tpu.memory_space<vmem>> -> memref<1x128xi32, #tpu.memory_space<vmem>>
      %dma_start3A_461 = tpu.memref_squeeze %dma_start3A_460 : memref<1x128xi32, #tpu.memory_space<vmem>> -> memref<128xi32, #tpu.memory_space<vmem>>
      %dma_start3A_462 = arith.constant 0 : i32
      %dma_start3A_463 = arith.constant 0 : i32
      %dma_start3A_464 = tpu.memref_slice %arg2[%dma_start3A_462, %dma_start3A_463] : memref<10000x128xf32, #tpu.memory_space<hbm>> -> memref<10000x128xf32, #tpu.memory_space<hbm>>
      tpu.enqueue_indirect_dma source(%dma_start3A_464 : memref<10000x128xf32, #tpu.memory_space<hbm>>) target(%arg14 : memref<128x128xf32, #tpu.memory_space<vmem>>) offsets(%dma_start3A_461 : memref<128xi32, #tpu.memory_space<vmem>>) semaphore(%arg18 : memref<!tpu.dma_semaphore, #tpu.memory_space<semaphore_mem>>)
      %dma_wait3A_465 = arith.constant 3 : i32
      %dma_wait3A_466 = arith.constant 0 : i32
      %dma_wait3A_467 = tpu.memref_slice %arg12[%dma_wait3A_465, %dma_wait3A_466] : memref<8x128xi32, #tpu.memory_space<vmem>> -> memref<1x128xi32, #tpu.memory_space<vmem>>
      %dma_wait3A_468 = tpu.memref_squeeze %dma_wait3A_467 : memref<1x128xi32, #tpu.memory_space<vmem>> -> memref<128xi32, #tpu.memory_space<vmem>>
      %dma_wait3A_469 = arith.constant 0 : i32
      %dma_wait3A_470 = arith.constant 0 : i32
      %dma_wait3A_471 = tpu.memref_slice %arg2[%dma_wait3A_469, %dma_wait3A_470] : memref<10000x128xf32, #tpu.memory_space<hbm>> -> memref<10000x128xf32, #tpu.memory_space<hbm>>
      tpu.wait_indirect_dma semaphore(%arg18 : memref<!tpu.dma_semaphore, #tpu.memory_space<semaphore_mem>>) src(%dma_wait3A_471 : memref<10000x128xf32, #tpu.memory_space<hbm>>) dst(%arg14 : memref<128x128xf32, #tpu.memory_space<vmem>>)
      %dma_start3A_472 = arith.constant 3 : i32
      %dma_start3A_473 = arith.constant 0 : i32
      %dma_start3A_474 = tpu.memref_slice %arg11[%dma_start3A_472, %dma_start3A_473] : memref<8x128xi32, #tpu.memory_space<vmem>> -> memref<1x128xi32, #tpu.memory_space<vmem>>
      %dma_start3A_475 = tpu.memref_squeeze %dma_start3A_474 : memref<1x128xi32, #tpu.memory_space<vmem>> -> memref<128xi32, #tpu.memory_space<vmem>>
      %dma_start3A_476 = arith.constant 0 : i32
      %dma_start3A_477 = arith.constant 0 : i32
      %dma_start3A_478 = tpu.memref_slice %arg7[%dma_start3A_476, %dma_start3A_477] : memref<10240x128xf32, #tpu.memory_space<vmem_shared>> -> memref<10240x128xf32, #tpu.memory_space<vmem_shared>>
      tpu.enqueue_indirect_dma source(%arg14 : memref<128x128xf32, #tpu.memory_space<vmem>>) target(%dma_start3A_478 : memref<10240x128xf32, #tpu.memory_space<vmem_shared>>) offsets(%dma_start3A_475 : memref<128xi32, #tpu.memory_space<vmem>>) semaphore(%arg20 : memref<!tpu.dma_semaphore, #tpu.memory_space<semaphore_mem>>) {add = true}
      %dma_wait3A_479 = arith.constant 2 : i32
      %dma_wait3A_480 = arith.constant 0 : i32
      %dma_wait3A_481 = tpu.memref_slice %arg11[%dma_wait3A_479, %dma_wait3A_480] : memref<8x128xi32, #tpu.memory_space<vmem>> -> memref<1x128xi32, #tpu.memory_space<vmem>>
      %dma_wait3A_482 = tpu.memref_squeeze %dma_wait3A_481 : memref<1x128xi32, #tpu.memory_space<vmem>> -> memref<128xi32, #tpu.memory_space<vmem>>
      %dma_wait3A_483 = arith.constant 0 : i32
      %dma_wait3A_484 = arith.constant 0 : i32
      %dma_wait3A_485 = tpu.memref_slice %arg7[%dma_wait3A_483, %dma_wait3A_484] : memref<10240x128xf32, #tpu.memory_space<vmem_shared>> -> memref<10240x128xf32, #tpu.memory_space<vmem_shared>>
      tpu.wait_indirect_dma semaphore(%arg19 : memref<!tpu.dma_semaphore, #tpu.memory_space<semaphore_mem>>) src(%arg13 : memref<128x128xf32, #tpu.memory_space<vmem>>) dst(%dma_wait3A_485 : memref<10240x128xf32, #tpu.memory_space<vmem_shared>>)
      %dma_start3A_486 = arith.constant 4 : i32
      %dma_start3A_487 = arith.constant 0 : i32
      %dma_start3A_488 = tpu.memref_slice %arg12[%dma_start3A_486, %dma_start3A_487] : memref<8x128xi32, #tpu.memory_space<vmem>> -> memref<1x128xi32, #tpu.memory_space<vmem>>
      %dma_start3A_489 = tpu.memref_squeeze %dma_start3A_488 : memref<1x128xi32, #tpu.memory_space<vmem>> -> memref<128xi32, #tpu.memory_space<vmem>>
      %dma_start3A_490 = arith.constant 0 : i32
      %dma_start3A_491 = arith.constant 0 : i32
      %dma_start3A_492 = tpu.memref_slice %arg2[%dma_start3A_490, %dma_start3A_491] : memref<10000x128xf32, #tpu.memory_space<hbm>> -> memref<10000x128xf32, #tpu.memory_space<hbm>>
      tpu.enqueue_indirect_dma source(%dma_start3A_492 : memref<10000x128xf32, #tpu.memory_space<hbm>>) target(%arg13 : memref<128x128xf32, #tpu.memory_space<vmem>>) offsets(%dma_start3A_489 : memref<128xi32, #tpu.memory_space<vmem>>) semaphore(%arg17 : memref<!tpu.dma_semaphore, #tpu.memory_space<semaphore_mem>>)
      %dma_wait3A_493 = arith.constant 4 : i32
      %dma_wait3A_494 = arith.constant 0 : i32
      %dma_wait3A_495 = tpu.memref_slice %arg12[%dma_wait3A_493, %dma_wait3A_494] : memref<8x128xi32, #tpu.memory_space<vmem>> -> memref<1x128xi32, #tpu.memory_space<vmem>>
      %dma_wait3A_496 = tpu.memref_squeeze %dma_wait3A_495 : memref<1x128xi32, #tpu.memory_space<vmem>> -> memref<128xi32, #tpu.memory_space<vmem>>
      %dma_wait3A_497 = arith.constant 0 : i32
      %dma_wait3A_498 = arith.constant 0 : i32
      %dma_wait3A_499 = tpu.memref_slice %arg2[%dma_wait3A_497, %dma_wait3A_498] : memref<10000x128xf32, #tpu.memory_space<hbm>> -> memref<10000x128xf32, #tpu.memory_space<hbm>>
      tpu.wait_indirect_dma semaphore(%arg17 : memref<!tpu.dma_semaphore, #tpu.memory_space<semaphore_mem>>) src(%dma_wait3A_499 : memref<10000x128xf32, #tpu.memory_space<hbm>>) dst(%arg13 : memref<128x128xf32, #tpu.memory_space<vmem>>)
      %dma_start3A_500 = arith.constant 4 : i32
      %dma_start3A_501 = arith.constant 0 : i32
      %dma_start3A_502 = tpu.memref_slice %arg11[%dma_start3A_500, %dma_start3A_501] : memref<8x128xi32, #tpu.memory_space<vmem>> -> memref<1x128xi32, #tpu.memory_space<vmem>>
      %dma_start3A_503 = tpu.memref_squeeze %dma_start3A_502 : memref<1x128xi32, #tpu.memory_space<vmem>> -> memref<128xi32, #tpu.memory_space<vmem>>
      %dma_start3A_504 = arith.constant 0 : i32
      %dma_start3A_505 = arith.constant 0 : i32
      %dma_start3A_506 = tpu.memref_slice %arg7[%dma_start3A_504, %dma_start3A_505] : memref<10240x128xf32, #tpu.memory_space<vmem_shared>> -> memref<10240x128xf32, #tpu.memory_space<vmem_shared>>
      tpu.enqueue_indirect_dma source(%arg13 : memref<128x128xf32, #tpu.memory_space<vmem>>) target(%dma_start3A_506 : memref<10240x128xf32, #tpu.memory_space<vmem_shared>>) offsets(%dma_start3A_503 : memref<128xi32, #tpu.memory_space<vmem>>) semaphore(%arg19 : memref<!tpu.dma_semaphore, #tpu.memory_space<semaphore_mem>>) {add = true}
      %dma_wait3A_507 = arith.constant 3 : i32
      %dma_wait3A_508 = arith.constant 0 : i32
      %dma_wait3A_509 = tpu.memref_slice %arg11[%dma_wait3A_507, %dma_wait3A_508] : memref<8x128xi32, #tpu.memory_space<vmem>> -> memref<1x128xi32, #tpu.memory_space<vmem>>
      %dma_wait3A_510 = tpu.memref_squeeze %dma_wait3A_509 : memref<1x128xi32, #tpu.memory_space<vmem>> -> memref<128xi32, #tpu.memory_space<vmem>>
      %dma_wait3A_511 = arith.constant 0 : i32
      %dma_wait3A_512 = arith.constant 0 : i32
      %dma_wait3A_513 = tpu.memref_slice %arg7[%dma_wait3A_511, %dma_wait3A_512] : memref<10240x128xf32, #tpu.memory_space<vmem_shared>> -> memref<10240x128xf32, #tpu.memory_space<vmem_shared>>
      tpu.wait_indirect_dma semaphore(%arg20 : memref<!tpu.dma_semaphore, #tpu.memory_space<semaphore_mem>>) src(%arg14 : memref<128x128xf32, #tpu.memory_space<vmem>>) dst(%dma_wait3A_513 : memref<10240x128xf32, #tpu.memory_space<vmem_shared>>)
      %lt3A_514 = arith.constant 4 : i32
      %lt3A_515 = arith.cmpi slt, %scan3A_124, %lt3A_514 : i32
      %convert_element_type3A_516 = arith.extui %lt3A_515 : i1 to i32
      %cond3A_517 = arith.constant 0 : i32
      %cond3A_518 = arith.cmpi ne, %convert_element_type3A_516, %cond3A_517 : i32
      scf.if %cond3A_518 {
        %dma_wait3A_608 = arith.constant 0 : i32
        %dma_wait3A_609 = arith.constant 0 : i32
        %dma_wait3A_610 = tpu.memref_slice %arg3[%add3A, %dma_wait3A_608, %dma_wait3A_609] : memref<32x80x128xi32, #tpu.memory_space<hbm>> -> memref<1x80x128xi32, #tpu.memory_space<hbm>>
        %dma_wait3A_611 = tpu.memref_squeeze %dma_wait3A_610 : memref<1x80x128xi32, #tpu.memory_space<hbm>> -> memref<80x128xi32, #tpu.memory_space<hbm>>
        %dma_wait3A_612 = arith.constant 0 : i32
        %dma_wait3A_613 = arith.constant 0 : i32
        %dma_wait3A_614 = tpu.memref_slice %dma_wait3A_611[%dma_wait3A_612, %dma_wait3A_613] : memref<80x128xi32, #tpu.memory_space<hbm>> -> memref<8x128xi32, #tpu.memory_space<hbm>>
        %dma_wait3A_615 = arith.constant 0 : i32
        %dma_wait3A_616 = arith.constant 0 : i32
        %dma_wait3A_617 = tpu.memref_slice %arg3[%add3A, %dma_wait3A_615, %dma_wait3A_616] : memref<32x80x128xi32, #tpu.memory_space<hbm>> -> memref<1x80x128xi32, #tpu.memory_space<hbm>>
        %dma_wait3A_618 = tpu.memref_squeeze %dma_wait3A_617 : memref<1x80x128xi32, #tpu.memory_space<hbm>> -> memref<80x128xi32, #tpu.memory_space<hbm>>
        %dma_wait3A_619 = arith.constant 0 : i32
        %dma_wait3A_620 = arith.constant 0 : i32
        %dma_wait3A_621 = tpu.memref_slice %dma_wait3A_618[%dma_wait3A_619, %dma_wait3A_620] : memref<80x128xi32, #tpu.memory_space<hbm>> -> memref<8x128xi32, #tpu.memory_space<hbm>>
        tpu.wait_dma2 semaphore(%arg22 : memref<!tpu.dma_semaphore, #tpu.memory_space<semaphore_mem>>) src(%dma_wait3A_621 : memref<8x128xi32, #tpu.memory_space<hbm>>) dst(%arg9 : memref<8x128xi32, #tpu.memory_space<vmem>>)
        %dma_wait3A_622 = arith.constant 0 : i32
        %dma_wait3A_623 = arith.constant 0 : i32
        %dma_wait3A_624 = tpu.memref_slice %arg4[%add3A, %dma_wait3A_622, %dma_wait3A_623] : memref<32x80x128xi32, #tpu.memory_space<hbm>> -> memref<1x80x128xi32, #tpu.memory_space<hbm>>
        %dma_wait3A_625 = tpu.memref_squeeze %dma_wait3A_624 : memref<1x80x128xi32, #tpu.memory_space<hbm>> -> memref<80x128xi32, #tpu.memory_space<hbm>>
        %dma_wait3A_626 = arith.constant 0 : i32
        %dma_wait3A_627 = arith.constant 0 : i32
        %dma_wait3A_628 = tpu.memref_slice %dma_wait3A_625[%dma_wait3A_626, %dma_wait3A_627] : memref<80x128xi32, #tpu.memory_space<hbm>> -> memref<8x128xi32, #tpu.memory_space<hbm>>
        %dma_wait3A_629 = arith.constant 0 : i32
        %dma_wait3A_630 = arith.constant 0 : i32
        %dma_wait3A_631 = tpu.memref_slice %arg4[%add3A, %dma_wait3A_629, %dma_wait3A_630] : memref<32x80x128xi32, #tpu.memory_space<hbm>> -> memref<1x80x128xi32, #tpu.memory_space<hbm>>
        %dma_wait3A_632 = tpu.memref_squeeze %dma_wait3A_631 : memref<1x80x128xi32, #tpu.memory_space<hbm>> -> memref<80x128xi32, #tpu.memory_space<hbm>>
        %dma_wait3A_633 = arith.constant 0 : i32
        %dma_wait3A_634 = arith.constant 0 : i32
        %dma_wait3A_635 = tpu.memref_slice %dma_wait3A_632[%dma_wait3A_633, %dma_wait3A_634] : memref<80x128xi32, #tpu.memory_space<hbm>> -> memref<8x128xi32, #tpu.memory_space<hbm>>
        tpu.wait_dma2 semaphore(%arg22 : memref<!tpu.dma_semaphore, #tpu.memory_space<semaphore_mem>>) src(%dma_wait3A_635 : memref<8x128xi32, #tpu.memory_space<hbm>>) dst(%arg10 : memref<8x128xi32, #tpu.memory_space<vmem>>)
      } else {
      }
      %dma_start3A_519 = arith.constant 5 : i32
      %dma_start3A_520 = arith.constant 0 : i32
      %dma_start3A_521 = tpu.memref_slice %arg12[%dma_start3A_519, %dma_start3A_520] : memref<8x128xi32, #tpu.memory_space<vmem>> -> memref<1x128xi32, #tpu.memory_space<vmem>>
      %dma_start3A_522 = tpu.memref_squeeze %dma_start3A_521 : memref<1x128xi32, #tpu.memory_space<vmem>> -> memref<128xi32, #tpu.memory_space<vmem>>
      %dma_start3A_523 = arith.constant 0 : i32
      %dma_start3A_524 = arith.constant 0 : i32
      %dma_start3A_525 = tpu.memref_slice %arg2[%dma_start3A_523, %dma_start3A_524] : memref<10000x128xf32, #tpu.memory_space<hbm>> -> memref<10000x128xf32, #tpu.memory_space<hbm>>
      tpu.enqueue_indirect_dma source(%dma_start3A_525 : memref<10000x128xf32, #tpu.memory_space<hbm>>) target(%arg14 : memref<128x128xf32, #tpu.memory_space<vmem>>) offsets(%dma_start3A_522 : memref<128xi32, #tpu.memory_space<vmem>>) semaphore(%arg18 : memref<!tpu.dma_semaphore, #tpu.memory_space<semaphore_mem>>)
      %dma_wait3A_526 = arith.constant 5 : i32
      %dma_wait3A_527 = arith.constant 0 : i32
      %dma_wait3A_528 = tpu.memref_slice %arg12[%dma_wait3A_526, %dma_wait3A_527] : memref<8x128xi32, #tpu.memory_space<vmem>> -> memref<1x128xi32, #tpu.memory_space<vmem>>
      %dma_wait3A_529 = tpu.memref_squeeze %dma_wait3A_528 : memref<1x128xi32, #tpu.memory_space<vmem>> -> memref<128xi32, #tpu.memory_space<vmem>>
      %dma_wait3A_530 = arith.constant 0 : i32
      %dma_wait3A_531 = arith.constant 0 : i32
      %dma_wait3A_532 = tpu.memref_slice %arg2[%dma_wait3A_530, %dma_wait3A_531] : memref<10000x128xf32, #tpu.memory_space<hbm>> -> memref<10000x128xf32, #tpu.memory_space<hbm>>
      tpu.wait_indirect_dma semaphore(%arg18 : memref<!tpu.dma_semaphore, #tpu.memory_space<semaphore_mem>>) src(%dma_wait3A_532 : memref<10000x128xf32, #tpu.memory_space<hbm>>) dst(%arg14 : memref<128x128xf32, #tpu.memory_space<vmem>>)
      %dma_start3A_533 = arith.constant 5 : i32
      %dma_start3A_534 = arith.constant 0 : i32
      %dma_start3A_535 = tpu.memref_slice %arg11[%dma_start3A_533, %dma_start3A_534] : memref<8x128xi32, #tpu.memory_space<vmem>> -> memref<1x128xi32, #tpu.memory_space<vmem>>
      %dma_start3A_536 = tpu.memref_squeeze %dma_start3A_535 : memref<1x128xi32, #tpu.memory_space<vmem>> -> memref<128xi32, #tpu.memory_space<vmem>>
      %dma_start3A_537 = arith.constant 0 : i32
      %dma_start3A_538 = arith.constant 0 : i32
      %dma_start3A_539 = tpu.memref_slice %arg7[%dma_start3A_537, %dma_start3A_538] : memref<10240x128xf32, #tpu.memory_space<vmem_shared>> -> memref<10240x128xf32, #tpu.memory_space<vmem_shared>>
      tpu.enqueue_indirect_dma source(%arg14 : memref<128x128xf32, #tpu.memory_space<vmem>>) target(%dma_start3A_539 : memref<10240x128xf32, #tpu.memory_space<vmem_shared>>) offsets(%dma_start3A_536 : memref<128xi32, #tpu.memory_space<vmem>>) semaphore(%arg20 : memref<!tpu.dma_semaphore, #tpu.memory_space<semaphore_mem>>) {add = true}
      %dma_wait3A_540 = arith.constant 4 : i32
      %dma_wait3A_541 = arith.constant 0 : i32
      %dma_wait3A_542 = tpu.memref_slice %arg11[%dma_wait3A_540, %dma_wait3A_541] : memref<8x128xi32, #tpu.memory_space<vmem>> -> memref<1x128xi32, #tpu.memory_space<vmem>>
      %dma_wait3A_543 = tpu.memref_squeeze %dma_wait3A_542 : memref<1x128xi32, #tpu.memory_space<vmem>> -> memref<128xi32, #tpu.memory_space<vmem>>
      %dma_wait3A_544 = arith.constant 0 : i32
      %dma_wait3A_545 = arith.constant 0 : i32
      %dma_wait3A_546 = tpu.memref_slice %arg7[%dma_wait3A_544, %dma_wait3A_545] : memref<10240x128xf32, #tpu.memory_space<vmem_shared>> -> memref<10240x128xf32, #tpu.memory_space<vmem_shared>>
      tpu.wait_indirect_dma semaphore(%arg19 : memref<!tpu.dma_semaphore, #tpu.memory_space<semaphore_mem>>) src(%arg13 : memref<128x128xf32, #tpu.memory_space<vmem>>) dst(%dma_wait3A_546 : memref<10240x128xf32, #tpu.memory_space<vmem_shared>>)
      %dma_start3A_547 = arith.constant 6 : i32
      %dma_start3A_548 = arith.constant 0 : i32
      %dma_start3A_549 = tpu.memref_slice %arg12[%dma_start3A_547, %dma_start3A_548] : memref<8x128xi32, #tpu.memory_space<vmem>> -> memref<1x128xi32, #tpu.memory_space<vmem>>
      %dma_start3A_550 = tpu.memref_squeeze %dma_start3A_549 : memref<1x128xi32, #tpu.memory_space<vmem>> -> memref<128xi32, #tpu.memory_space<vmem>>
      %dma_start3A_551 = arith.constant 0 : i32
      %dma_start3A_552 = arith.constant 0 : i32
      %dma_start3A_553 = tpu.memref_slice %arg2[%dma_start3A_551, %dma_start3A_552] : memref<10000x128xf32, #tpu.memory_space<hbm>> -> memref<10000x128xf32, #tpu.memory_space<hbm>>
      tpu.enqueue_indirect_dma source(%dma_start3A_553 : memref<10000x128xf32, #tpu.memory_space<hbm>>) target(%arg13 : memref<128x128xf32, #tpu.memory_space<vmem>>) offsets(%dma_start3A_550 : memref<128xi32, #tpu.memory_space<vmem>>) semaphore(%arg17 : memref<!tpu.dma_semaphore, #tpu.memory_space<semaphore_mem>>)
      %dma_wait3A_554 = arith.constant 6 : i32
      %dma_wait3A_555 = arith.constant 0 : i32
      %dma_wait3A_556 = tpu.memref_slice %arg12[%dma_wait3A_554, %dma_wait3A_555] : memref<8x128xi32, #tpu.memory_space<vmem>> -> memref<1x128xi32, #tpu.memory_space<vmem>>
      %dma_wait3A_557 = tpu.memref_squeeze %dma_wait3A_556 : memref<1x128xi32, #tpu.memory_space<vmem>> -> memref<128xi32, #tpu.memory_space<vmem>>
      %dma_wait3A_558 = arith.constant 0 : i32
      %dma_wait3A_559 = arith.constant 0 : i32
      %dma_wait3A_560 = tpu.memref_slice %arg2[%dma_wait3A_558, %dma_wait3A_559] : memref<10000x128xf32, #tpu.memory_space<hbm>> -> memref<10000x128xf32, #tpu.memory_space<hbm>>
      tpu.wait_indirect_dma semaphore(%arg17 : memref<!tpu.dma_semaphore, #tpu.memory_space<semaphore_mem>>) src(%dma_wait3A_560 : memref<10000x128xf32, #tpu.memory_space<hbm>>) dst(%arg13 : memref<128x128xf32, #tpu.memory_space<vmem>>)
      %dma_start3A_561 = arith.constant 6 : i32
      %dma_start3A_562 = arith.constant 0 : i32
      %dma_start3A_563 = tpu.memref_slice %arg11[%dma_start3A_561, %dma_start3A_562] : memref<8x128xi32, #tpu.memory_space<vmem>> -> memref<1x128xi32, #tpu.memory_space<vmem>>
      %dma_start3A_564 = tpu.memref_squeeze %dma_start3A_563 : memref<1x128xi32, #tpu.memory_space<vmem>> -> memref<128xi32, #tpu.memory_space<vmem>>
      %dma_start3A_565 = arith.constant 0 : i32
      %dma_start3A_566 = arith.constant 0 : i32
      %dma_start3A_567 = tpu.memref_slice %arg7[%dma_start3A_565, %dma_start3A_566] : memref<10240x128xf32, #tpu.memory_space<vmem_shared>> -> memref<10240x128xf32, #tpu.memory_space<vmem_shared>>
      tpu.enqueue_indirect_dma source(%arg13 : memref<128x128xf32, #tpu.memory_space<vmem>>) target(%dma_start3A_567 : memref<10240x128xf32, #tpu.memory_space<vmem_shared>>) offsets(%dma_start3A_564 : memref<128xi32, #tpu.memory_space<vmem>>) semaphore(%arg19 : memref<!tpu.dma_semaphore, #tpu.memory_space<semaphore_mem>>) {add = true}
      %dma_wait3A_568 = arith.constant 5 : i32
      %dma_wait3A_569 = arith.constant 0 : i32
      %dma_wait3A_570 = tpu.memref_slice %arg11[%dma_wait3A_568, %dma_wait3A_569] : memref<8x128xi32, #tpu.memory_space<vmem>> -> memref<1x128xi32, #tpu.memory_space<vmem>>
      %dma_wait3A_571 = tpu.memref_squeeze %dma_wait3A_570 : memref<1x128xi32, #tpu.memory_space<vmem>> -> memref<128xi32, #tpu.memory_space<vmem>>
      %dma_wait3A_572 = arith.constant 0 : i32
      %dma_wait3A_573 = arith.constant 0 : i32
      %dma_wait3A_574 = tpu.memref_slice %arg7[%dma_wait3A_572, %dma_wait3A_573] : memref<10240x128xf32, #tpu.memory_space<vmem_shared>> -> memref<10240x128xf32, #tpu.memory_space<vmem_shared>>
      tpu.wait_indirect_dma semaphore(%arg20 : memref<!tpu.dma_semaphore, #tpu.memory_space<semaphore_mem>>) src(%arg14 : memref<128x128xf32, #tpu.memory_space<vmem>>) dst(%dma_wait3A_574 : memref<10240x128xf32, #tpu.memory_space<vmem_shared>>)
      %dma_start3A_575 = arith.constant 7 : i32
      %dma_start3A_576 = arith.constant 0 : i32
      %dma_start3A_577 = tpu.memref_slice %arg12[%dma_start3A_575, %dma_start3A_576] : memref<8x128xi32, #tpu.memory_space<vmem>> -> memref<1x128xi32, #tpu.memory_space<vmem>>
      %dma_start3A_578 = tpu.memref_squeeze %dma_start3A_577 : memref<1x128xi32, #tpu.memory_space<vmem>> -> memref<128xi32, #tpu.memory_space<vmem>>
      %dma_start3A_579 = arith.constant 0 : i32
      %dma_start3A_580 = arith.constant 0 : i32
      %dma_start3A_581 = tpu.memref_slice %arg2[%dma_start3A_579, %dma_start3A_580] : memref<10000x128xf32, #tpu.memory_space<hbm>> -> memref<10000x128xf32, #tpu.memory_space<hbm>>
      tpu.enqueue_indirect_dma source(%dma_start3A_581 : memref<10000x128xf32, #tpu.memory_space<hbm>>) target(%arg14 : memref<128x128xf32, #tpu.memory_space<vmem>>) offsets(%dma_start3A_578 : memref<128xi32, #tpu.memory_space<vmem>>) semaphore(%arg18 : memref<!tpu.dma_semaphore, #tpu.memory_space<semaphore_mem>>)
      %dma_wait3A_582 = arith.constant 7 : i32
      %dma_wait3A_583 = arith.constant 0 : i32
      %dma_wait3A_584 = tpu.memref_slice %arg12[%dma_wait3A_582, %dma_wait3A_583] : memref<8x128xi32, #tpu.memory_space<vmem>> -> memref<1x128xi32, #tpu.memory_space<vmem>>
      %dma_wait3A_585 = tpu.memref_squeeze %dma_wait3A_584 : memref<1x128xi32, #tpu.memory_space<vmem>> -> memref<128xi32, #tpu.memory_space<vmem>>
      %dma_wait3A_586 = arith.constant 0 : i32
      %dma_wait3A_587 = arith.constant 0 : i32
      %dma_wait3A_588 = tpu.memref_slice %arg2[%dma_wait3A_586, %dma_wait3A_587] : memref<10000x128xf32, #tpu.memory_space<hbm>> -> memref<10000x128xf32, #tpu.memory_space<hbm>>
      tpu.wait_indirect_dma semaphore(%arg18 : memref<!tpu.dma_semaphore, #tpu.memory_space<semaphore_mem>>) src(%dma_wait3A_588 : memref<10000x128xf32, #tpu.memory_space<hbm>>) dst(%arg14 : memref<128x128xf32, #tpu.memory_space<vmem>>)
      %dma_start3A_589 = arith.constant 7 : i32
      %dma_start3A_590 = arith.constant 0 : i32
      %dma_start3A_591 = tpu.memref_slice %arg11[%dma_start3A_589, %dma_start3A_590] : memref<8x128xi32, #tpu.memory_space<vmem>> -> memref<1x128xi32, #tpu.memory_space<vmem>>
      %dma_start3A_592 = tpu.memref_squeeze %dma_start3A_591 : memref<1x128xi32, #tpu.memory_space<vmem>> -> memref<128xi32, #tpu.memory_space<vmem>>
      %dma_start3A_593 = arith.constant 0 : i32
      %dma_start3A_594 = arith.constant 0 : i32
      %dma_start3A_595 = tpu.memref_slice %arg7[%dma_start3A_593, %dma_start3A_594] : memref<10240x128xf32, #tpu.memory_space<vmem_shared>> -> memref<10240x128xf32, #tpu.memory_space<vmem_shared>>
      tpu.enqueue_indirect_dma source(%arg14 : memref<128x128xf32, #tpu.memory_space<vmem>>) target(%dma_start3A_595 : memref<10240x128xf32, #tpu.memory_space<vmem_shared>>) offsets(%dma_start3A_592 : memref<128xi32, #tpu.memory_space<vmem>>) semaphore(%arg20 : memref<!tpu.dma_semaphore, #tpu.memory_space<semaphore_mem>>) {add = true}
      %dma_wait3A_596 = arith.constant 6 : i32
      %dma_wait3A_597 = arith.constant 0 : i32
      %dma_wait3A_598 = tpu.memref_slice %arg11[%dma_wait3A_596, %dma_wait3A_597] : memref<8x128xi32, #tpu.memory_space<vmem>> -> memref<1x128xi32, #tpu.memory_space<vmem>>
      %dma_wait3A_599 = tpu.memref_squeeze %dma_wait3A_598 : memref<1x128xi32, #tpu.memory_space<vmem>> -> memref<128xi32, #tpu.memory_space<vmem>>
      %dma_wait3A_600 = arith.constant 0 : i32
      %dma_wait3A_601 = arith.constant 0 : i32
      %dma_wait3A_602 = tpu.memref_slice %arg7[%dma_wait3A_600, %dma_wait3A_601] : memref<10240x128xf32, #tpu.memory_space<vmem_shared>> -> memref<10240x128xf32, #tpu.memory_space<vmem_shared>>
      tpu.wait_indirect_dma semaphore(%arg19 : memref<!tpu.dma_semaphore, #tpu.memory_space<semaphore_mem>>) src(%arg13 : memref<128x128xf32, #tpu.memory_space<vmem>>) dst(%dma_wait3A_602 : memref<10240x128xf32, #tpu.memory_space<vmem_shared>>)
      %lt3A_603 = arith.constant 4 : i32
      %lt3A_604 = arith.cmpi slt, %scan3A_124, %lt3A_603 : i32
      %convert_element_type3A_605 = arith.extui %lt3A_604 : i1 to i32
      %cond3A_606 = arith.constant 0 : i32
      %cond3A_607 = arith.cmpi ne, %convert_element_type3A_605, %cond3A_606 : i32
      scf.if %cond3A_607 {
        %dma_start3A_608 = arith.constant 0 : i32
        %dma_start3A_609 = arith.constant 0 : i32
        %dma_start3A_610 = tpu.memref_slice %arg10[%dma_start3A_608, %dma_start3A_609] : memref<8x128xi32, #tpu.memory_space<vmem>> -> memref<1x128xi32, #tpu.memory_space<vmem>>
        %dma_start3A_611 = tpu.memref_squeeze %dma_start3A_610 : memref<1x128xi32, #tpu.memory_space<vmem>> -> memref<128xi32, #tpu.memory_space<vmem>>
        %dma_start3A_612 = arith.constant 0 : i32
        %dma_start3A_613 = arith.constant 0 : i32
        %dma_start3A_614 = tpu.memref_slice %arg2[%dma_start3A_612, %dma_start3A_613] : memref<10000x128xf32, #tpu.memory_space<hbm>> -> memref<10000x128xf32, #tpu.memory_space<hbm>>
        tpu.enqueue_indirect_dma source(%dma_start3A_614 : memref<10000x128xf32, #tpu.memory_space<hbm>>) target(%arg13 : memref<128x128xf32, #tpu.memory_space<vmem>>) offsets(%dma_start3A_611 : memref<128xi32, #tpu.memory_space<vmem>>) semaphore(%arg17 : memref<!tpu.dma_semaphore, #tpu.memory_space<semaphore_mem>>)
      } else {
      }
    }
    %scan3A_115 = arith.constant 5 : i32
    %dma_wait3A_116 = arith.constant 7 : i32
    %dma_wait3A_117 = arith.constant 0 : i32
    %dma_wait3A_118 = tpu.memref_slice %arg11[%dma_wait3A_116, %dma_wait3A_117] : memref<8x128xi32, #tpu.memory_space<vmem>> -> memref<1x128xi32, #tpu.memory_space<vmem>>
    %dma_wait3A_119 = tpu.memref_squeeze %dma_wait3A_118 : memref<1x128xi32, #tpu.memory_space<vmem>> -> memref<128xi32, #tpu.memory_space<vmem>>
    %dma_wait3A_120 = arith.constant 0 : i32
    %dma_wait3A_121 = arith.constant 0 : i32
    %dma_wait3A_122 = tpu.memref_slice %arg7[%dma_wait3A_120, %dma_wait3A_121] : memref<10240x128xf32, #tpu.memory_space<vmem_shared>> -> memref<10240x128xf32, #tpu.memory_space<vmem_shared>>
    tpu.wait_indirect_dma semaphore(%arg20 : memref<!tpu.dma_semaphore, #tpu.memory_space<semaphore_mem>>) src(%arg14 : memref<128x128xf32, #tpu.memory_space<vmem>>) dst(%dma_wait3A_122 : memref<10240x128xf32, #tpu.memory_space<vmem_shared>>)
    %barrier3A_123 = arith.constant 0 : index
    tpu.barrier barrier_id(%barrier3A_123)
    "tpu.region"() ({
      %run_scoped3A = tpu.sem_alloc : memref<!tpu.dma_semaphore, #tpu.memory_space<semaphore_mem>>
      %dma_start3A_124 = arith.constant 0 : i32
      %dma_start3A_125 = tpu.memref_slice %arg5[%arg0, %mul3A_10, %dma_start3A_124] : memref<2x10240x128xf32, #tpu.memory_space<hbm>> -> memref<1x640x128xf32, #tpu.memory_space<hbm>>
      %dma_start3A_126 = tpu.memref_squeeze %dma_start3A_125 : memref<1x640x128xf32, #tpu.memory_space<hbm>> -> memref<640x128xf32, #tpu.memory_space<hbm>>
      %dma_start3A_127 = arith.constant 0 : i32
      %dma_start3A_128 = tpu.memref_slice %arg7[%mul3A_10, %dma_start3A_127] : memref<10240x128xf32, #tpu.memory_space<vmem_shared>> -> memref<640x128xf32, #tpu.memory_space<vmem_shared>>
      tpu.enqueue_dma source(%dma_start3A_128 : memref<640x128xf32, #tpu.memory_space<vmem_shared>>) target(%dma_start3A_126 : memref<640x128xf32, #tpu.memory_space<hbm>>) target_semaphore(%run_scoped3A : memref<!tpu.dma_semaphore, #tpu.memory_space<semaphore_mem>>)
      %dma_wait3A_129 = arith.constant 0 : i32
      %dma_wait3A_130 = tpu.memref_slice %arg5[%arg0, %mul3A_10, %dma_wait3A_129] : memref<2x10240x128xf32, #tpu.memory_space<hbm>> -> memref<1x640x128xf32, #tpu.memory_space<hbm>>
      %dma_wait3A_131 = tpu.memref_squeeze %dma_wait3A_130 : memref<1x640x128xf32, #tpu.memory_space<hbm>> -> memref<640x128xf32, #tpu.memory_space<hbm>>
      %dma_wait3A_132 = arith.constant 0 : i32
      %dma_wait3A_133 = tpu.memref_slice %arg7[%mul3A_10, %dma_wait3A_132] : memref<10240x128xf32, #tpu.memory_space<vmem_shared>> -> memref<640x128xf32, #tpu.memory_space<vmem_shared>>
      tpu.wait_dma2 semaphore(%run_scoped3A : memref<!tpu.dma_semaphore, #tpu.memory_space<semaphore_mem>>) src(%dma_wait3A_133 : memref<640x128xf32, #tpu.memory_space<vmem_shared>>) dst(%dma_wait3A_131 : memref<640x128xf32, #tpu.memory_space<hbm>>)
      tpu.yield
    }) : () -> ()
    return
  }
}

#map = affine_map<(d0, d1) -> (0, 0)>
#map1 = affine_map<(d0, d1) -> (0, 0, 0)>
module attributes {stable_mosaic.version = 14 : i64} {
  func.func @body(%arg0: i32, %arg1: i32, %arg2: memref<10000x128xf32, #tpu.memory_space<hbm>>, %arg3: memref<32x80x128xi32, #tpu.memory_space<hbm>>, %arg4: memref<32x80x128xi32, #tpu.memory_space<hbm>>, %arg5: memref<2x10240x128xf32, #tpu.memory_space<hbm>>, %arg6: memref<2x10240xf32, #tpu.memory_space<hbm>>, %arg7: memref<10240x128xf32, #tpu.memory_space<vmem_shared>>, %arg8: memref<10240xf32, #tpu.memory_space<vmem_shared>>, %arg9: memref<8x128xi32, #tpu.memory_space<vmem>>, %arg10: memref<8x128xi32, #tpu.memory_space<vmem>>, %arg11: memref<8x128xi32, #tpu.memory_space<vmem>>, %arg12: memref<8x128xi32, #tpu.memory_space<vmem>>, %arg13: memref<128x128xf32, #tpu.memory_space<vmem>>, %arg14: memref<128x128xf32, #tpu.memory_space<vmem>>, %arg15: memref<128xf32, #tpu.memory_space<vmem>>, %arg16: memref<640xf32, #tpu.memory_space<vmem>>, %arg17: memref<!tpu.dma_semaphore, #tpu.memory_space<semaphore_mem>>, %arg18: memref<!tpu.dma_semaphore, #tpu.memory_space<semaphore_mem>>, %arg19: memref<!tpu.dma_semaphore, #tpu.memory_space<semaphore_mem>>, %arg20: memref<!tpu.dma_semaphore, #tpu.memory_space<semaphore_mem>>, %arg21: memref<!tpu.dma_semaphore, #tpu.memory_space<semaphore_mem>>, %arg22: memref<!tpu.dma_semaphore, #tpu.memory_space<semaphore_mem>>, %arg23: memref<!tpu.dma_semaphore, #tpu.memory_space<semaphore_mem>>) attributes {dimension_semantics = [#tpu.dimension_semantics<core_parallel>, #tpu.dimension_semantics<subcore_parallel>], iteration_bounds = array<i64: 2, 16>, scalar_prefetch = 0 : i64, scratch_operands = 17 : i64, tpu.core_type = #tpu.core_type<sc_vector_subcore>, window_params = [{transform_indices = #map}, {transform_indices = #map1}, {transform_indices = #map1}, {transform_indices = #map1}, {transform_indices = #map}]} {
    %mul3A = arith.constant 2 : i32
    %mul3A_0 = arith.muli %arg1, %mul3A : i32
    %add3A = arith.addi %mul3A_0, %arg0 : i32
    %broadcast_in_dim3A = arith.constant 0.000000e+00 : f32
    %broadcast_in_dim3A_1 = vector.broadcast %broadcast_in_dim3A : f32 to vector<16xf32>
    %broadcast_in_dim3A_2 = arith.constant 1.000000e+00 : f32
    %broadcast_in_dim3A_3 = vector.broadcast %broadcast_in_dim3A_2 : f32 to vector<16xf32>
    %scan3A = arith.constant 0 : i32
    %scan3A_4 = arith.constant 0 : i32
    %scan3A_5 = arith.constant 128 : i32
    %scan3A_6 = arith.addi %scan3A_4, %scan3A_5 : i32
    %scan3A_7 = arith.constant 1 : i32
    scf.for %scan3A_327 = %scan3A_4 to %scan3A_6 step %scan3A_7  : i32 {
      %swap3A_328 = arith.index_cast %scan3A_327 : i32 to index
      %swap3A_329 = arith.constant 0 : index
      %swap3A_330 = tpu.vector_load %arg13[%swap3A_328, %swap3A_329] {strides = array<i32>} : memref<128x128xf32, #tpu.memory_space<vmem>>, vector<1x16xf32>,
      %swap3A_331 = vector.shape_cast %swap3A_330 : vector<1x16xf32> to vector<16xf32>
      %swap3A_332 = vector.shape_cast %broadcast_in_dim3A_1 : vector<16xf32> to vector<1x16xf32>
      tpu.vector_store %arg13[%swap3A_328, %swap3A_329], %swap3A_332 {strides = array<i32>} : memref<128x128xf32, #tpu.memory_space<vmem>>, vector<1x16xf32>,
      %swap3A_333 = arith.index_cast %scan3A_327 : i32 to index
      %swap3A_334 = arith.constant 16 : index
      %swap3A_335 = tpu.vector_load %arg13[%swap3A_333, %swap3A_334] {strides = array<i32>} : memref<128x128xf32, #tpu.memory_space<vmem>>, vector<1x16xf32>,
      %swap3A_336 = vector.shape_cast %swap3A_335 : vector<1x16xf32> to vector<16xf32>
      %swap3A_337 = vector.shape_cast %broadcast_in_dim3A_1 : vector<16xf32> to vector<1x16xf32>
      tpu.vector_store %arg13[%swap3A_333, %swap3A_334], %swap3A_337 {strides = array<i32>} : memref<128x128xf32, #tpu.memory_space<vmem>>, vector<1x16xf32>,
      %swap3A_338 = arith.index_cast %scan3A_327 : i32 to index
      %swap3A_339 = arith.constant 32 : index
      %swap3A_340 = tpu.vector_load %arg13[%swap3A_338, %swap3A_339] {strides = array<i32>} : memref<128x128xf32, #tpu.memory_space<vmem>>, vector<1x16xf32>,
      %swap3A_341 = vector.shape_cast %swap3A_340 : vector<1x16xf32> to vector<16xf32>
      %swap3A_342 = vector.shape_cast %broadcast_in_dim3A_1 : vector<16xf32> to vector<1x16xf32>
      tpu.vector_store %arg13[%swap3A_338, %swap3A_339], %swap3A_342 {strides = array<i32>} : memref<128x128xf32, #tpu.memory_space<vmem>>, vector<1x16xf32>,
      %swap3A_343 = arith.index_cast %scan3A_327 : i32 to index
      %swap3A_344 = arith.constant 48 : index
      %swap3A_345 = tpu.vector_load %arg13[%swap3A_343, %swap3A_344] {strides = array<i32>} : memref<128x128xf32, #tpu.memory_space<vmem>>, vector<1x16xf32>,
      %swap3A_346 = vector.shape_cast %swap3A_345 : vector<1x16xf32> to vector<16xf32>
      %swap3A_347 = vector.shape_cast %broadcast_in_dim3A_1 : vector<16xf32> to vector<1x16xf32>
      tpu.vector_store %arg13[%swap3A_343, %swap3A_344], %swap3A_347 {strides = array<i32>} : memref<128x128xf32, #tpu.memory_space<vmem>>, vector<1x16xf32>,
      %swap3A_348 = arith.index_cast %scan3A_327 : i32 to index
      %swap3A_349 = arith.constant 64 : index
      %swap3A_350 = tpu.vector_load %arg13[%swap3A_348, %swap3A_349] {strides = array<i32>} : memref<128x128xf32, #tpu.memory_space<vmem>>, vector<1x16xf32>,
      %swap3A_351 = vector.shape_cast %swap3A_350 : vector<1x16xf32> to vector<16xf32>
      %swap3A_352 = vector.shape_cast %broadcast_in_dim3A_1 : vector<16xf32> to vector<1x16xf32>
      tpu.vector_store %arg13[%swap3A_348, %swap3A_349], %swap3A_352 {strides = array<i32>} : memref<128x128xf32, #tpu.memory_space<vmem>>, vector<1x16xf32>,
      %swap3A_353 = arith.index_cast %scan3A_327 : i32 to index
      %swap3A_354 = arith.constant 80 : index
      %swap3A_355 = tpu.vector_load %arg13[%swap3A_353, %swap3A_354] {strides = array<i32>} : memref<128x128xf32, #tpu.memory_space<vmem>>, vector<1x16xf32>,
      %swap3A_356 = vector.shape_cast %swap3A_355 : vector<1x16xf32> to vector<16xf32>
      %swap3A_357 = vector.shape_cast %broadcast_in_dim3A_1 : vector<16xf32> to vector<1x16xf32>
      tpu.vector_store %arg13[%swap3A_353, %swap3A_354], %swap3A_357 {strides = array<i32>} : memref<128x128xf32, #tpu.memory_space<vmem>>, vector<1x16xf32>,
      %swap3A_358 = arith.index_cast %scan3A_327 : i32 to index
      %swap3A_359 = arith.constant 96 : index
      %swap3A_360 = tpu.vector_load %arg13[%swap3A_358, %swap3A_359] {strides = array<i32>} : memref<128x128xf32, #tpu.memory_space<vmem>>, vector<1x16xf32>,
      %swap3A_361 = vector.shape_cast %swap3A_360 : vector<1x16xf32> to vector<16xf32>
      %swap3A_362 = vector.shape_cast %broadcast_in_dim3A_1 : vector<16xf32> to vector<1x16xf32>
      tpu.vector_store %arg13[%swap3A_358, %swap3A_359], %swap3A_362 {strides = array<i32>} : memref<128x128xf32, #tpu.memory_space<vmem>>, vector<1x16xf32>,
      %swap3A_363 = arith.index_cast %scan3A_327 : i32 to index
      %swap3A_364 = arith.constant 112 : index
      %swap3A_365 = tpu.vector_load %arg13[%swap3A_363, %swap3A_364] {strides = array<i32>} : memref<128x128xf32, #tpu.memory_space<vmem>>, vector<1x16xf32>,
      %swap3A_366 = vector.shape_cast %swap3A_365 : vector<1x16xf32> to vector<16xf32>
      %swap3A_367 = vector.shape_cast %broadcast_in_dim3A_1 : vector<16xf32> to vector<1x16xf32>
      tpu.vector_store %arg13[%swap3A_363, %swap3A_364], %swap3A_367 {strides = array<i32>} : memref<128x128xf32, #tpu.memory_space<vmem>>, vector<1x16xf32>,
    }
    %scan3A_8 = arith.constant 128 : i32
    %swap3A = arith.constant 0 : index
    %swap3A_9 = tpu.vector_load %arg15[%swap3A] {strides = array<i32>} : memref<128xf32, #tpu.memory_space<vmem>>, vector<16xf32>,
    %swap3A_10 = vector.shape_cast %swap3A_9 : vector<16xf32> to vector<16xf32>
    %swap3A_11 = vector.shape_cast %broadcast_in_dim3A_3 : vector<16xf32> to vector<16xf32>
    tpu.vector_store %arg15[%swap3A], %swap3A_11 {strides = array<i32>} : memref<128xf32, #tpu.memory_space<vmem>>, vector<16xf32>,
    %swap3A_12 = arith.constant 16 : index
    %swap3A_13 = tpu.vector_load %arg15[%swap3A_12] {strides = array<i32>} : memref<128xf32, #tpu.memory_space<vmem>>, vector<16xf32>,
    %swap3A_14 = vector.shape_cast %swap3A_13 : vector<16xf32> to vector<16xf32>
    %swap3A_15 = vector.shape_cast %broadcast_in_dim3A_3 : vector<16xf32> to vector<16xf32>
    tpu.vector_store %arg15[%swap3A_12], %swap3A_15 {strides = array<i32>} : memref<128xf32, #tpu.memory_space<vmem>>, vector<16xf32>,
    %swap3A_16 = arith.constant 32 : index
    %swap3A_17 = tpu.vector_load %arg15[%swap3A_16] {strides = array<i32>} : memref<128xf32, #tpu.memory_space<vmem>>, vector<16xf32>,
    %swap3A_18 = vector.shape_cast %swap3A_17 : vector<16xf32> to vector<16xf32>
    %swap3A_19 = vector.shape_cast %broadcast_in_dim3A_3 : vector<16xf32> to vector<16xf32>
    tpu.vector_store %arg15[%swap3A_16], %swap3A_19 {strides = array<i32>} : memref<128xf32, #tpu.memory_space<vmem>>, vector<16xf32>,
    %swap3A_20 = arith.constant 48 : index
    %swap3A_21 = tpu.vector_load %arg15[%swap3A_20] {strides = array<i32>} : memref<128xf32, #tpu.memory_space<vmem>>, vector<16xf32>,
    %swap3A_22 = vector.shape_cast %swap3A_21 : vector<16xf32> to vector<16xf32>
    %swap3A_23 = vector.shape_cast %broadcast_in_dim3A_3 : vector<16xf32> to vector<16xf32>
    tpu.vector_store %arg15[%swap3A_20], %swap3A_23 {strides = array<i32>} : memref<128xf32, #tpu.memory_space<vmem>>, vector<16xf32>,
    %swap3A_24 = arith.constant 64 : index
    %swap3A_25 = tpu.vector_load %arg15[%swap3A_24] {strides = array<i32>} : memref<128xf32, #tpu.memory_space<vmem>>, vector<16xf32>,
    %swap3A_26 = vector.shape_cast %swap3A_25 : vector<16xf32> to vector<16xf32>
    %swap3A_27 = vector.shape_cast %broadcast_in_dim3A_3 : vector<16xf32> to vector<16xf32>
    tpu.vector_store %arg15[%swap3A_24], %swap3A_27 {strides = array<i32>} : memref<128xf32, #tpu.memory_space<vmem>>, vector<16xf32>,
    %swap3A_28 = arith.constant 80 : index
    %swap3A_29 = tpu.vector_load %arg15[%swap3A_28] {strides = array<i32>} : memref<128xf32, #tpu.memory_space<vmem>>, vector<16xf32>,
    %swap3A_30 = vector.shape_cast %swap3A_29 : vector<16xf32> to vector<16xf32>
    %swap3A_31 = vector.shape_cast %broadcast_in_dim3A_3 : vector<16xf32> to vector<16xf32>
    tpu.vector_store %arg15[%swap3A_28], %swap3A_31 {strides = array<i32>} : memref<128xf32, #tpu.memory_space<vmem>>, vector<16xf32>,
    %swap3A_32 = arith.constant 96 : index
    %swap3A_33 = tpu.vector_load %arg15[%swap3A_32] {strides = array<i32>} : memref<128xf32, #tpu.memory_space<vmem>>, vector<16xf32>,
    %swap3A_34 = vector.shape_cast %swap3A_33 : vector<16xf32> to vector<16xf32>
    %swap3A_35 = vector.shape_cast %broadcast_in_dim3A_3 : vector<16xf32> to vector<16xf32>
    tpu.vector_store %arg15[%swap3A_32], %swap3A_35 {strides = array<i32>} : memref<128xf32, #tpu.memory_space<vmem>>, vector<16xf32>,
    %swap3A_36 = arith.constant 112 : index
    %swap3A_37 = tpu.vector_load %arg15[%swap3A_36] {strides = array<i32>} : memref<128xf32, #tpu.memory_space<vmem>>, vector<16xf32>,
    %swap3A_38 = vector.shape_cast %swap3A_37 : vector<16xf32> to vector<16xf32>
    %swap3A_39 = vector.shape_cast %broadcast_in_dim3A_3 : vector<16xf32> to vector<16xf32>
    tpu.vector_store %arg15[%swap3A_36], %swap3A_39 {strides = array<i32>} : memref<128xf32, #tpu.memory_space<vmem>>, vector<16xf32>,
    %swap3A_40 = arith.constant 0 : index
    %swap3A_41 = tpu.vector_load %arg16[%swap3A_40] {strides = array<i32>} : memref<640xf32, #tpu.memory_space<vmem>>, vector<16xf32>,
    %swap3A_42 = vector.shape_cast %swap3A_41 : vector<16xf32> to vector<16xf32>
    %swap3A_43 = vector.shape_cast %broadcast_in_dim3A_1 : vector<16xf32> to vector<16xf32>
    tpu.vector_store %arg16[%swap3A_40], %swap3A_43 {strides = array<i32>} : memref<640xf32, #tpu.memory_space<vmem>>, vector<16xf32>,
    %swap3A_44 = arith.constant 16 : index
    %swap3A_45 = tpu.vector_load %arg16[%swap3A_44] {strides = array<i32>} : memref<640xf32, #tpu.memory_space<vmem>>, vector<16xf32>,
    %swap3A_46 = vector.shape_cast %swap3A_45 : vector<16xf32> to vector<16xf32>
    %swap3A_47 = vector.shape_cast %broadcast_in_dim3A_1 : vector<16xf32> to vector<16xf32>
    tpu.vector_store %arg16[%swap3A_44], %swap3A_47 {strides = array<i32>} : memref<640xf32, #tpu.memory_space<vmem>>, vector<16xf32>,
    %swap3A_48 = arith.constant 32 : index
    %swap3A_49 = tpu.vector_load %arg16[%swap3A_48] {strides = array<i32>} : memref<640xf32, #tpu.memory_space<vmem>>, vector<16xf32>,
    %swap3A_50 = vector.shape_cast %swap3A_49 : vector<16xf32> to vector<16xf32>
    %swap3A_51 = vector.shape_cast %broadcast_in_dim3A_1 : vector<16xf32> to vector<16xf32>
    tpu.vector_store %arg16[%swap3A_48], %swap3A_51 {strides = array<i32>} : memref<640xf32, #tpu.memory_space<vmem>>, vector<16xf32>,
    %swap3A_52 = arith.constant 48 : index
    %swap3A_53 = tpu.vector_load %arg16[%swap3A_52] {strides = array<i32>} : memref<640xf32, #tpu.memory_space<vmem>>, vector<16xf32>,
    %swap3A_54 = vector.shape_cast %swap3A_53 : vector<16xf32> to vector<16xf32>
    %swap3A_55 = vector.shape_cast %broadcast_in_dim3A_1 : vector<16xf32> to vector<16xf32>
    tpu.vector_store %arg16[%swap3A_52], %swap3A_55 {strides = array<i32>} : memref<640xf32, #tpu.memory_space<vmem>>, vector<16xf32>,
    %swap3A_56 = arith.constant 64 : index
    %swap3A_57 = tpu.vector_load %arg16[%swap3A_56] {strides = array<i32>} : memref<640xf32, #tpu.memory_space<vmem>>, vector<16xf32>,
    %swap3A_58 = vector.shape_cast %swap3A_57 : vector<16xf32> to vector<16xf32>
    %swap3A_59 = vector.shape_cast %broadcast_in_dim3A_1 : vector<16xf32> to vector<16xf32>
    tpu.vector_store %arg16[%swap3A_56], %swap3A_59 {strides = array<i32>} : memref<640xf32, #tpu.memory_space<vmem>>, vector<16xf32>,
    %swap3A_60 = arith.constant 80 : index
    %swap3A_61 = tpu.vector_load %arg16[%swap3A_60] {strides = array<i32>} : memref<640xf32, #tpu.memory_space<vmem>>, vector<16xf32>,
    %swap3A_62 = vector.shape_cast %swap3A_61 : vector<16xf32> to vector<16xf32>
    %swap3A_63 = vector.shape_cast %broadcast_in_dim3A_1 : vector<16xf32> to vector<16xf32>
    tpu.vector_store %arg16[%swap3A_60], %swap3A_63 {strides = array<i32>} : memref<640xf32, #tpu.memory_space<vmem>>, vector<16xf32>,
    %swap3A_64 = arith.constant 96 : index
    %swap3A_65 = tpu.vector_load %arg16[%swap3A_64] {strides = array<i32>} : memref<640xf32, #tpu.memory_space<vmem>>, vector<16xf32>,
    %swap3A_66 = vector.shape_cast %swap3A_65 : vector<16xf32> to vector<16xf32>
    %swap3A_67 = vector.shape_cast %broadcast_in_dim3A_1 : vector<16xf32> to vector<16xf32>
    tpu.vector_store %arg16[%swap3A_64], %swap3A_67 {strides = array<i32>} : memref<640xf32, #tpu.memory_space<vmem>>, vector<16xf32>,
    %swap3A_68 = arith.constant 112 : index
    %swap3A_69 = tpu.vector_load %arg16[%swap3A_68] {strides = array<i32>} : memref<640xf32, #tpu.memory_space<vmem>>, vector<16xf32>,
    %swap3A_70 = vector.shape_cast %swap3A_69 : vector<16xf32> to vector<16xf32>
    %swap3A_71 = vector.shape_cast %broadcast_in_dim3A_1 : vector<16xf32> to vector<16xf32>
    tpu.vector_store %arg16[%swap3A_68], %swap3A_71 {strides = array<i32>} : memref<640xf32, #tpu.memory_space<vmem>>, vector<16xf32>,
    %swap3A_72 = arith.constant 128 : index
    %swap3A_73 = tpu.vector_load %arg16[%swap3A_72] {strides = array<i32>} : memref<640xf32, #tpu.memory_space<vmem>>, vector<16xf32>,
    %swap3A_74 = vector.shape_cast %swap3A_73 : vector<16xf32> to vector<16xf32>
    %swap3A_75 = vector.shape_cast %broadcast_in_dim3A_1 : vector<16xf32> to vector<16xf32>
    tpu.vector_store %arg16[%swap3A_72], %swap3A_75 {strides = array<i32>} : memref<640xf32, #tpu.memory_space<vmem>>, vector<16xf32>,
    %swap3A_76 = arith.constant 144 : index
    %swap3A_77 = tpu.vector_load %arg16[%swap3A_76] {strides = array<i32>} : memref<640xf32, #tpu.memory_space<vmem>>, vector<16xf32>,
    %swap3A_78 = vector.shape_cast %swap3A_77 : vector<16xf32> to vector<16xf32>
    %swap3A_79 = vector.shape_cast %broadcast_in_dim3A_1 : vector<16xf32> to vector<16xf32>
    tpu.vector_store %arg16[%swap3A_76], %swap3A_79 {strides = array<i32>} : memref<640xf32, #tpu.memory_space<vmem>>, vector<16xf32>,
    %swap3A_80 = arith.constant 160 : index
    %swap3A_81 = tpu.vector_load %arg16[%swap3A_80] {strides = array<i32>} : memref<640xf32, #tpu.memory_space<vmem>>, vector<16xf32>,
    %swap3A_82 = vector.shape_cast %swap3A_81 : vector<16xf32> to vector<16xf32>
    %swap3A_83 = vector.shape_cast %broadcast_in_dim3A_1 : vector<16xf32> to vector<16xf32>
    tpu.vector_store %arg16[%swap3A_80], %swap3A_83 {strides = array<i32>} : memref<640xf32, #tpu.memory_space<vmem>>, vector<16xf32>,
    %swap3A_84 = arith.constant 176 : index
    %swap3A_85 = tpu.vector_load %arg16[%swap3A_84] {strides = array<i32>} : memref<640xf32, #tpu.memory_space<vmem>>, vector<16xf32>,
    %swap3A_86 = vector.shape_cast %swap3A_85 : vector<16xf32> to vector<16xf32>
    %swap3A_87 = vector.shape_cast %broadcast_in_dim3A_1 : vector<16xf32> to vector<16xf32>
    tpu.vector_store %arg16[%swap3A_84], %swap3A_87 {strides = array<i32>} : memref<640xf32, #tpu.memory_space<vmem>>, vector<16xf32>,
    %swap3A_88 = arith.constant 192 : index
    %swap3A_89 = tpu.vector_load %arg16[%swap3A_88] {strides = array<i32>} : memref<640xf32, #tpu.memory_space<vmem>>, vector<16xf32>,
    %swap3A_90 = vector.shape_cast %swap3A_89 : vector<16xf32> to vector<16xf32>
    %swap3A_91 = vector.shape_cast %broadcast_in_dim3A_1 : vector<16xf32> to vector<16xf32>
    tpu.vector_store %arg16[%swap3A_88], %swap3A_91 {strides = array<i32>} : memref<640xf32, #tpu.memory_space<vmem>>, vector<16xf32>,
    %swap3A_92 = arith.constant 208 : index
    %swap3A_93 = tpu.vector_load %arg16[%swap3A_92] {strides = array<i32>} : memref<640xf32, #tpu.memory_space<vmem>>, vector<16xf32>,
    %swap3A_94 = vector.shape_cast %swap3A_93 : vector<16xf32> to vector<16xf32>
    %swap3A_95 = vector.shape_cast %broadcast_in_dim3A_1 : vector<16xf32> to vector<16xf32>
    tpu.vector_store %arg16[%swap3A_92], %swap3A_95 {strides = array<i32>} : memref<640xf32, #tpu.memory_space<vmem>>, vector<16xf32>,
    %swap3A_96 = arith.constant 224 : index
    %swap3A_97 = tpu.vector_load %arg16[%swap3A_96] {strides = array<i32>} : memref<640xf32, #tpu.memory_space<vmem>>, vector<16xf32>,
    %swap3A_98 = vector.shape_cast %swap3A_97 : vector<16xf32> to vector<16xf32>
    %swap3A_99 = vector.shape_cast %broadcast_in_dim3A_1 : vector<16xf32> to vector<16xf32>
    tpu.vector_store %arg16[%swap3A_96], %swap3A_99 {strides = array<i32>} : memref<640xf32, #tpu.memory_space<vmem>>, vector<16xf32>,
    %swap3A_100 = arith.constant 240 : index
    %swap3A_101 = tpu.vector_load %arg16[%swap3A_100] {strides = array<i32>} : memref<640xf32, #tpu.memory_space<vmem>>, vector<16xf32>,
    %swap3A_102 = vector.shape_cast %swap3A_101 : vector<16xf32> to vector<16xf32>
    %swap3A_103 = vector.shape_cast %broadcast_in_dim3A_1 : vector<16xf32> to vector<16xf32>
    tpu.vector_store %arg16[%swap3A_100], %swap3A_103 {strides = array<i32>} : memref<640xf32, #tpu.memory_space<vmem>>, vector<16xf32>,
    %swap3A_104 = arith.constant 256 : index
    %swap3A_105 = tpu.vector_load %arg16[%swap3A_104] {strides = array<i32>} : memref<640xf32, #tpu.memory_space<vmem>>, vector<16xf32>,
    %swap3A_106 = vector.shape_cast %swap3A_105 : vector<16xf32> to vector<16xf32>
    %swap3A_107 = vector.shape_cast %broadcast_in_dim3A_1 : vector<16xf32> to vector<16xf32>
    tpu.vector_store %arg16[%swap3A_104], %swap3A_107 {strides = array<i32>} : memref<640xf32, #tpu.memory_space<vmem>>, vector<16xf32>,
    %swap3A_108 = arith.constant 272 : index
    %swap3A_109 = tpu.vector_load %arg16[%swap3A_108] {strides = array<i32>} : memref<640xf32, #tpu.memory_space<vmem>>, vector<16xf32>,
    %swap3A_110 = vector.shape_cast %swap3A_109 : vector<16xf32> to vector<16xf32>
    %swap3A_111 = vector.shape_cast %broadcast_in_dim3A_1 : vector<16xf32> to vector<16xf32>
    tpu.vector_store %arg16[%swap3A_108], %swap3A_111 {strides = array<i32>} : memref<640xf32, #tpu.memory_space<vmem>>, vector<16xf32>,
    %swap3A_112 = arith.constant 288 : index
    %swap3A_113 = tpu.vector_load %arg16[%swap3A_112] {strides = array<i32>} : memref<640xf32, #tpu.memory_space<vmem>>, vector<16xf32>,
    %swap3A_114 = vector.shape_cast %swap3A_113 : vector<16xf32> to vector<16xf32>
    %swap3A_115 = vector.shape_cast %broadcast_in_dim3A_1 : vector<16xf32> to vector<16xf32>
    tpu.vector_store %arg16[%swap3A_112], %swap3A_115 {strides = array<i32>} : memref<640xf32, #tpu.memory_space<vmem>>, vector<16xf32>,
    %swap3A_116 = arith.constant 304 : index
    %swap3A_117 = tpu.vector_load %arg16[%swap3A_116] {strides = array<i32>} : memref<640xf32, #tpu.memory_space<vmem>>, vector<16xf32>,
    %swap3A_118 = vector.shape_cast %swap3A_117 : vector<16xf32> to vector<16xf32>
    %swap3A_119 = vector.shape_cast %broadcast_in_dim3A_1 : vector<16xf32> to vector<16xf32>
    tpu.vector_store %arg16[%swap3A_116], %swap3A_119 {strides = array<i32>} : memref<640xf32, #tpu.memory_space<vmem>>, vector<16xf32>,
    %swap3A_120 = arith.constant 320 : index
    %swap3A_121 = tpu.vector_load %arg16[%swap3A_120] {strides = array<i32>} : memref<640xf32, #tpu.memory_space<vmem>>, vector<16xf32>,
    %swap3A_122 = vector.shape_cast %swap3A_121 : vector<16xf32> to vector<16xf32>
    %swap3A_123 = vector.shape_cast %broadcast_in_dim3A_1 : vector<16xf32> to vector<16xf32>
    tpu.vector_store %arg16[%swap3A_120], %swap3A_123 {strides = array<i32>} : memref<640xf32, #tpu.memory_space<vmem>>, vector<16xf32>,
    %swap3A_124 = arith.constant 336 : index
    %swap3A_125 = tpu.vector_load %arg16[%swap3A_124] {strides = array<i32>} : memref<640xf32, #tpu.memory_space<vmem>>, vector<16xf32>,
    %swap3A_126 = vector.shape_cast %swap3A_125 : vector<16xf32> to vector<16xf32>
    %swap3A_127 = vector.shape_cast %broadcast_in_dim3A_1 : vector<16xf32> to vector<16xf32>
    tpu.vector_store %arg16[%swap3A_124], %swap3A_127 {strides = array<i32>} : memref<640xf32, #tpu.memory_space<vmem>>, vector<16xf32>,
    %swap3A_128 = arith.constant 352 : index
    %swap3A_129 = tpu.vector_load %arg16[%swap3A_128] {strides = array<i32>} : memref<640xf32, #tpu.memory_space<vmem>>, vector<16xf32>,
    %swap3A_130 = vector.shape_cast %swap3A_129 : vector<16xf32> to vector<16xf32>
    %swap3A_131 = vector.shape_cast %broadcast_in_dim3A_1 : vector<16xf32> to vector<16xf32>
    tpu.vector_store %arg16[%swap3A_128], %swap3A_131 {strides = array<i32>} : memref<640xf32, #tpu.memory_space<vmem>>, vector<16xf32>,
    %swap3A_132 = arith.constant 368 : index
    %swap3A_133 = tpu.vector_load %arg16[%swap3A_132] {strides = array<i32>} : memref<640xf32, #tpu.memory_space<vmem>>, vector<16xf32>,
    %swap3A_134 = vector.shape_cast %swap3A_133 : vector<16xf32> to vector<16xf32>
    %swap3A_135 = vector.shape_cast %broadcast_in_dim3A_1 : vector<16xf32> to vector<16xf32>
    tpu.vector_store %arg16[%swap3A_132], %swap3A_135 {strides = array<i32>} : memref<640xf32, #tpu.memory_space<vmem>>, vector<16xf32>,
    %swap3A_136 = arith.constant 384 : index
    %swap3A_137 = tpu.vector_load %arg16[%swap3A_136] {strides = array<i32>} : memref<640xf32, #tpu.memory_space<vmem>>, vector<16xf32>,
    %swap3A_138 = vector.shape_cast %swap3A_137 : vector<16xf32> to vector<16xf32>
    %swap3A_139 = vector.shape_cast %broadcast_in_dim3A_1 : vector<16xf32> to vector<16xf32>
    tpu.vector_store %arg16[%swap3A_136], %swap3A_139 {strides = array<i32>} : memref<640xf32, #tpu.memory_space<vmem>>, vector<16xf32>,
    %swap3A_140 = arith.constant 400 : index
    %swap3A_141 = tpu.vector_load %arg16[%swap3A_140] {strides = array<i32>} : memref<640xf32, #tpu.memory_space<vmem>>, vector<16xf32>,
    %swap3A_142 = vector.shape_cast %swap3A_141 : vector<16xf32> to vector<16xf32>
    %swap3A_143 = vector.shape_cast %broadcast_in_dim3A_1 : vector<16xf32> to vector<16xf32>
    tpu.vector_store %arg16[%swap3A_140], %swap3A_143 {strides = array<i32>} : memref<640xf32, #tpu.memory_space<vmem>>, vector<16xf32>,
    %swap3A_144 = arith.constant 416 : index
    %swap3A_145 = tpu.vector_load %arg16[%swap3A_144] {strides = array<i32>} : memref<640xf32, #tpu.memory_space<vmem>>, vector<16xf32>,
    %swap3A_146 = vector.shape_cast %swap3A_145 : vector<16xf32> to vector<16xf32>
    %swap3A_147 = vector.shape_cast %broadcast_in_dim3A_1 : vector<16xf32> to vector<16xf32>
    tpu.vector_store %arg16[%swap3A_144], %swap3A_147 {strides = array<i32>} : memref<640xf32, #tpu.memory_space<vmem>>, vector<16xf32>,
    %swap3A_148 = arith.constant 432 : index
    %swap3A_149 = tpu.vector_load %arg16[%swap3A_148] {strides = array<i32>} : memref<640xf32, #tpu.memory_space<vmem>>, vector<16xf32>,
    %swap3A_150 = vector.shape_cast %swap3A_149 : vector<16xf32> to vector<16xf32>
    %swap3A_151 = vector.shape_cast %broadcast_in_dim3A_1 : vector<16xf32> to vector<16xf32>
    tpu.vector_store %arg16[%swap3A_148], %swap3A_151 {strides = array<i32>} : memref<640xf32, #tpu.memory_space<vmem>>, vector<16xf32>,
    %swap3A_152 = arith.constant 448 : index
    %swap3A_153 = tpu.vector_load %arg16[%swap3A_152] {strides = array<i32>} : memref<640xf32, #tpu.memory_space<vmem>>, vector<16xf32>,
    %swap3A_154 = vector.shape_cast %swap3A_153 : vector<16xf32> to vector<16xf32>
    %swap3A_155 = vector.shape_cast %broadcast_in_dim3A_1 : vector<16xf32> to vector<16xf32>
    tpu.vector_store %arg16[%swap3A_152], %swap3A_155 {strides = array<i32>} : memref<640xf32, #tpu.memory_space<vmem>>, vector<16xf32>,
    %swap3A_156 = arith.constant 464 : index
    %swap3A_157 = tpu.vector_load %arg16[%swap3A_156] {strides = array<i32>} : memref<640xf32, #tpu.memory_space<vmem>>, vector<16xf32>,
    %swap3A_158 = vector.shape_cast %swap3A_157 : vector<16xf32> to vector<16xf32>
    %swap3A_159 = vector.shape_cast %broadcast_in_dim3A_1 : vector<16xf32> to vector<16xf32>
    tpu.vector_store %arg16[%swap3A_156], %swap3A_159 {strides = array<i32>} : memref<640xf32, #tpu.memory_space<vmem>>, vector<16xf32>,
    %swap3A_160 = arith.constant 480 : index
    %swap3A_161 = tpu.vector_load %arg16[%swap3A_160] {strides = array<i32>} : memref<640xf32, #tpu.memory_space<vmem>>, vector<16xf32>,
    %swap3A_162 = vector.shape_cast %swap3A_161 : vector<16xf32> to vector<16xf32>
    %swap3A_163 = vector.shape_cast %broadcast_in_dim3A_1 : vector<16xf32> to vector<16xf32>
    tpu.vector_store %arg16[%swap3A_160], %swap3A_163 {strides = array<i32>} : memref<640xf32, #tpu.memory_space<vmem>>, vector<16xf32>,
    %swap3A_164 = arith.constant 496 : index
    %swap3A_165 = tpu.vector_load %arg16[%swap3A_164] {strides = array<i32>} : memref<640xf32, #tpu.memory_space<vmem>>, vector<16xf32>,
    %swap3A_166 = vector.shape_cast %swap3A_165 : vector<16xf32> to vector<16xf32>
    %swap3A_167 = vector.shape_cast %broadcast_in_dim3A_1 : vector<16xf32> to vector<16xf32>
    tpu.vector_store %arg16[%swap3A_164], %swap3A_167 {strides = array<i32>} : memref<640xf32, #tpu.memory_space<vmem>>, vector<16xf32>,
    %swap3A_168 = arith.constant 512 : index
    %swap3A_169 = tpu.vector_load %arg16[%swap3A_168] {strides = array<i32>} : memref<640xf32, #tpu.memory_space<vmem>>, vector<16xf32>,
    %swap3A_170 = vector.shape_cast %swap3A_169 : vector<16xf32> to vector<16xf32>
    %swap3A_171 = vector.shape_cast %broadcast_in_dim3A_1 : vector<16xf32> to vector<16xf32>
    tpu.vector_store %arg16[%swap3A_168], %swap3A_171 {strides = array<i32>} : memref<640xf32, #tpu.memory_space<vmem>>, vector<16xf32>,
    %swap3A_172 = arith.constant 528 : index
    %swap3A_173 = tpu.vector_load %arg16[%swap3A_172] {strides = array<i32>} : memref<640xf32, #tpu.memory_space<vmem>>, vector<16xf32>,
    %swap3A_174 = vector.shape_cast %swap3A_173 : vector<16xf32> to vector<16xf32>
    %swap3A_175 = vector.shape_cast %broadcast_in_dim3A_1 : vector<16xf32> to vector<16xf32>
    tpu.vector_store %arg16[%swap3A_172], %swap3A_175 {strides = array<i32>} : memref<640xf32, #tpu.memory_space<vmem>>, vector<16xf32>,
    %swap3A_176 = arith.constant 544 : index
    %swap3A_177 = tpu.vector_load %arg16[%swap3A_176] {strides = array<i32>} : memref<640xf32, #tpu.memory_space<vmem>>, vector<16xf32>,
    %swap3A_178 = vector.shape_cast %swap3A_177 : vector<16xf32> to vector<16xf32>
    %swap3A_179 = vector.shape_cast %broadcast_in_dim3A_1 : vector<16xf32> to vector<16xf32>
    tpu.vector_store %arg16[%swap3A_176], %swap3A_179 {strides = array<i32>} : memref<640xf32, #tpu.memory_space<vmem>>, vector<16xf32>,
    %swap3A_180 = arith.constant 560 : index
    %swap3A_181 = tpu.vector_load %arg16[%swap3A_180] {strides = array<i32>} : memref<640xf32, #tpu.memory_space<vmem>>, vector<16xf32>,
    %swap3A_182 = vector.shape_cast %swap3A_181 : vector<16xf32> to vector<16xf32>
    %swap3A_183 = vector.shape_cast %broadcast_in_dim3A_1 : vector<16xf32> to vector<16xf32>
    tpu.vector_store %arg16[%swap3A_180], %swap3A_183 {strides = array<i32>} : memref<640xf32, #tpu.memory_space<vmem>>, vector<16xf32>,
    %swap3A_184 = arith.constant 576 : index
    %swap3A_185 = tpu.vector_load %arg16[%swap3A_184] {strides = array<i32>} : memref<640xf32, #tpu.memory_space<vmem>>, vector<16xf32>,
    %swap3A_186 = vector.shape_cast %swap3A_185 : vector<16xf32> to vector<16xf32>
    %swap3A_187 = vector.shape_cast %broadcast_in_dim3A_1 : vector<16xf32> to vector<16xf32>
    tpu.vector_store %arg16[%swap3A_184], %swap3A_187 {strides = array<i32>} : memref<640xf32, #tpu.memory_space<vmem>>, vector<16xf32>,
    %swap3A_188 = arith.constant 592 : index
    %swap3A_189 = tpu.vector_load %arg16[%swap3A_188] {strides = array<i32>} : memref<640xf32, #tpu.memory_space<vmem>>, vector<16xf32>,
    %swap3A_190 = vector.shape_cast %swap3A_189 : vector<16xf32> to vector<16xf32>
    %swap3A_191 = vector.shape_cast %broadcast_in_dim3A_1 : vector<16xf32> to vector<16xf32>
    tpu.vector_store %arg16[%swap3A_188], %swap3A_191 {strides = array<i32>} : memref<640xf32, #tpu.memory_space<vmem>>, vector<16xf32>,
    %swap3A_192 = arith.constant 608 : index
    %swap3A_193 = tpu.vector_load %arg16[%swap3A_192] {strides = array<i32>} : memref<640xf32, #tpu.memory_space<vmem>>, vector<16xf32>,
    %swap3A_194 = vector.shape_cast %swap3A_193 : vector<16xf32> to vector<16xf32>
    %swap3A_195 = vector.shape_cast %broadcast_in_dim3A_1 : vector<16xf32> to vector<16xf32>
    tpu.vector_store %arg16[%swap3A_192], %swap3A_195 {strides = array<i32>} : memref<640xf32, #tpu.memory_space<vmem>>, vector<16xf32>,
    %swap3A_196 = arith.constant 624 : index
    %swap3A_197 = tpu.vector_load %arg16[%swap3A_196] {strides = array<i32>} : memref<640xf32, #tpu.memory_space<vmem>>, vector<16xf32>,
    %swap3A_198 = vector.shape_cast %swap3A_197 : vector<16xf32> to vector<16xf32>
    %swap3A_199 = vector.shape_cast %broadcast_in_dim3A_1 : vector<16xf32> to vector<16xf32>
    tpu.vector_store %arg16[%swap3A_196], %swap3A_199 {strides = array<i32>} : memref<640xf32, #tpu.memory_space<vmem>>, vector<16xf32>,
    %mul3A_200 = arith.constant 640 : i32
    %mul3A_201 = arith.muli %arg1, %mul3A_200 : i32
    %add3A_202 = arith.constant 0 : i32
    %add3A_203 = arith.addi %mul3A_201, %add3A_202 : i32
    "tpu.region"() ({
      %run_scoped3A = tpu.sem_alloc : memref<!tpu.dma_semaphore, #tpu.memory_space<semaphore_mem>>
      %dma_start3A_327 = arith.constant 0 : i32
      %dma_start3A_328 = tpu.memref_slice %arg7[%add3A_203, %dma_start3A_327] : memref<10240x128xf32, #tpu.memory_space<vmem_shared>> -> memref<128x128xf32, #tpu.memory_space<vmem_shared>>
      %dma_start3A_329 = arith.constant 0 : i32
      %dma_start3A_330 = tpu.memref_slice %arg7[%add3A_203, %dma_start3A_329] : memref<10240x128xf32, #tpu.memory_space<vmem_shared>> -> memref<128x128xf32, #tpu.memory_space<vmem_shared>>
      tpu.enqueue_dma source(%arg13 : memref<128x128xf32, #tpu.memory_space<vmem>>) target(%dma_start3A_330 : memref<128x128xf32, #tpu.memory_space<vmem_shared>>) target_semaphore(%run_scoped3A : memref<!tpu.dma_semaphore, #tpu.memory_space<semaphore_mem>>)
      %dma_wait3A_331 = arith.constant 0 : i32
      %dma_wait3A_332 = tpu.memref_slice %arg7[%add3A_203, %dma_wait3A_331] : memref<10240x128xf32, #tpu.memory_space<vmem_shared>> -> memref<128x128xf32, #tpu.memory_space<vmem_shared>>
      %dma_wait3A_333 = arith.constant 0 : i32
      %dma_wait3A_334 = tpu.memref_slice %arg7[%add3A_203, %dma_wait3A_333] : memref<10240x128xf32, #tpu.memory_space<vmem_shared>> -> memref<128x128xf32, #tpu.memory_space<vmem_shared>>
      tpu.wait_dma2 semaphore(%run_scoped3A : memref<!tpu.dma_semaphore, #tpu.memory_space<semaphore_mem>>) src(%arg13 : memref<128x128xf32, #tpu.memory_space<vmem>>) dst(%dma_wait3A_334 : memref<128x128xf32, #tpu.memory_space<vmem_shared>>)
      tpu.yield
    }) : () -> ()
    %add3A_204 = arith.constant 128 : i32
    %add3A_205 = arith.addi %mul3A_201, %add3A_204 : i32
    "tpu.region"() ({
      %run_scoped3A = tpu.sem_alloc : memref<!tpu.dma_semaphore, #tpu.memory_space<semaphore_mem>>
      %dma_start3A_327 = arith.constant 0 : i32
      %dma_start3A_328 = tpu.memref_slice %arg7[%add3A_205, %dma_start3A_327] : memref<10240x128xf32, #tpu.memory_space<vmem_shared>> -> memref<128x128xf32, #tpu.memory_space<vmem_shared>>
      %dma_start3A_329 = arith.constant 0 : i32
      %dma_start3A_330 = tpu.memref_slice %arg7[%add3A_205, %dma_start3A_329] : memref<10240x128xf32, #tpu.memory_space<vmem_shared>> -> memref<128x128xf32, #tpu.memory_space<vmem_shared>>
      tpu.enqueue_dma source(%arg13 : memref<128x128xf32, #tpu.memory_space<vmem>>) target(%dma_start3A_330 : memref<128x128xf32, #tpu.memory_space<vmem_shared>>) target_semaphore(%run_scoped3A : memref<!tpu.dma_semaphore, #tpu.memory_space<semaphore_mem>>)
      %dma_wait3A_331 = arith.constant 0 : i32
      %dma_wait3A_332 = tpu.memref_slice %arg7[%add3A_205, %dma_wait3A_331] : memref<10240x128xf32, #tpu.memory_space<vmem_shared>> -> memref<128x128xf32, #tpu.memory_space<vmem_shared>>
      %dma_wait3A_333 = arith.constant 0 : i32
      %dma_wait3A_334 = tpu.memref_slice %arg7[%add3A_205, %dma_wait3A_333] : memref<10240x128xf32, #tpu.memory_space<vmem_shared>> -> memref<128x128xf32, #tpu.memory_space<vmem_shared>>
      tpu.wait_dma2 semaphore(%run_scoped3A : memref<!tpu.dma_semaphore, #tpu.memory_space<semaphore_mem>>) src(%arg13 : memref<128x128xf32, #tpu.memory_space<vmem>>) dst(%dma_wait3A_334 : memref<128x128xf32, #tpu.memory_space<vmem_shared>>)
      tpu.yield
    }) : () -> ()
    %add3A_206 = arith.constant 256 : i32
    %add3A_207 = arith.addi %mul3A_201, %add3A_206 : i32
    "tpu.region"() ({
      %run_scoped3A = tpu.sem_alloc : memref<!tpu.dma_semaphore, #tpu.memory_space<semaphore_mem>>
      %dma_start3A_327 = arith.constant 0 : i32
      %dma_start3A_328 = tpu.memref_slice %arg7[%add3A_207, %dma_start3A_327] : memref<10240x128xf32, #tpu.memory_space<vmem_shared>> -> memref<128x128xf32, #tpu.memory_space<vmem_shared>>
      %dma_start3A_329 = arith.constant 0 : i32
      %dma_start3A_330 = tpu.memref_slice %arg7[%add3A_207, %dma_start3A_329] : memref<10240x128xf32, #tpu.memory_space<vmem_shared>> -> memref<128x128xf32, #tpu.memory_space<vmem_shared>>
      tpu.enqueue_dma source(%arg13 : memref<128x128xf32, #tpu.memory_space<vmem>>) target(%dma_start3A_330 : memref<128x128xf32, #tpu.memory_space<vmem_shared>>) target_semaphore(%run_scoped3A : memref<!tpu.dma_semaphore, #tpu.memory_space<semaphore_mem>>)
      %dma_wait3A_331 = arith.constant 0 : i32
      %dma_wait3A_332 = tpu.memref_slice %arg7[%add3A_207, %dma_wait3A_331] : memref<10240x128xf32, #tpu.memory_space<vmem_shared>> -> memref<128x128xf32, #tpu.memory_space<vmem_shared>>
      %dma_wait3A_333 = arith.constant 0 : i32
      %dma_wait3A_334 = tpu.memref_slice %arg7[%add3A_207, %dma_wait3A_333] : memref<10240x128xf32, #tpu.memory_space<vmem_shared>> -> memref<128x128xf32, #tpu.memory_space<vmem_shared>>
      tpu.wait_dma2 semaphore(%run_scoped3A : memref<!tpu.dma_semaphore, #tpu.memory_space<semaphore_mem>>) src(%arg13 : memref<128x128xf32, #tpu.memory_space<vmem>>) dst(%dma_wait3A_334 : memref<128x128xf32, #tpu.memory_space<vmem_shared>>)
      tpu.yield
    }) : () -> ()
    %add3A_208 = arith.constant 384 : i32
    %add3A_209 = arith.addi %mul3A_201, %add3A_208 : i32
    "tpu.region"() ({
      %run_scoped3A = tpu.sem_alloc : memref<!tpu.dma_semaphore, #tpu.memory_space<semaphore_mem>>
      %dma_start3A_327 = arith.constant 0 : i32
      %dma_start3A_328 = tpu.memref_slice %arg7[%add3A_209, %dma_start3A_327] : memref<10240x128xf32, #tpu.memory_space<vmem_shared>> -> memref<128x128xf32, #tpu.memory_space<vmem_shared>>
      %dma_start3A_329 = arith.constant 0 : i32
      %dma_start3A_330 = tpu.memref_slice %arg7[%add3A_209, %dma_start3A_329] : memref<10240x128xf32, #tpu.memory_space<vmem_shared>> -> memref<128x128xf32, #tpu.memory_space<vmem_shared>>
      tpu.enqueue_dma source(%arg13 : memref<128x128xf32, #tpu.memory_space<vmem>>) target(%dma_start3A_330 : memref<128x128xf32, #tpu.memory_space<vmem_shared>>) target_semaphore(%run_scoped3A : memref<!tpu.dma_semaphore, #tpu.memory_space<semaphore_mem>>)
      %dma_wait3A_331 = arith.constant 0 : i32
      %dma_wait3A_332 = tpu.memref_slice %arg7[%add3A_209, %dma_wait3A_331] : memref<10240x128xf32, #tpu.memory_space<vmem_shared>> -> memref<128x128xf32, #tpu.memory_space<vmem_shared>>
      %dma_wait3A_333 = arith.constant 0 : i32
      %dma_wait3A_334 = tpu.memref_slice %arg7[%add3A_209, %dma_wait3A_333] : memref<10240x128xf32, #tpu.memory_space<vmem_shared>> -> memref<128x128xf32, #tpu.memory_space<vmem_shared>>
      tpu.wait_dma2 semaphore(%run_scoped3A : memref<!tpu.dma_semaphore, #tpu.memory_space<semaphore_mem>>) src(%arg13 : memref<128x128xf32, #tpu.memory_space<vmem>>) dst(%dma_wait3A_334 : memref<128x128xf32, #tpu.memory_space<vmem_shared>>)
      tpu.yield
    }) : () -> ()
    %add3A_210 = arith.constant 512 : i32
    %add3A_211 = arith.addi %mul3A_201, %add3A_210 : i32
    "tpu.region"() ({
      %run_scoped3A = tpu.sem_alloc : memref<!tpu.dma_semaphore, #tpu.memory_space<semaphore_mem>>
      %dma_start3A_327 = arith.constant 0 : i32
      %dma_start3A_328 = tpu.memref_slice %arg7[%add3A_211, %dma_start3A_327] : memref<10240x128xf32, #tpu.memory_space<vmem_shared>> -> memref<128x128xf32, #tpu.memory_space<vmem_shared>>
      %dma_start3A_329 = arith.constant 0 : i32
      %dma_start3A_330 = tpu.memref_slice %arg7[%add3A_211, %dma_start3A_329] : memref<10240x128xf32, #tpu.memory_space<vmem_shared>> -> memref<128x128xf32, #tpu.memory_space<vmem_shared>>
      tpu.enqueue_dma source(%arg13 : memref<128x128xf32, #tpu.memory_space<vmem>>) target(%dma_start3A_330 : memref<128x128xf32, #tpu.memory_space<vmem_shared>>) target_semaphore(%run_scoped3A : memref<!tpu.dma_semaphore, #tpu.memory_space<semaphore_mem>>)
      %dma_wait3A_331 = arith.constant 0 : i32
      %dma_wait3A_332 = tpu.memref_slice %arg7[%add3A_211, %dma_wait3A_331] : memref<10240x128xf32, #tpu.memory_space<vmem_shared>> -> memref<128x128xf32, #tpu.memory_space<vmem_shared>>
      %dma_wait3A_333 = arith.constant 0 : i32
      %dma_wait3A_334 = tpu.memref_slice %arg7[%add3A_211, %dma_wait3A_333] : memref<10240x128xf32, #tpu.memory_space<vmem_shared>> -> memref<128x128xf32, #tpu.memory_space<vmem_shared>>
      tpu.wait_dma2 semaphore(%run_scoped3A : memref<!tpu.dma_semaphore, #tpu.memory_space<semaphore_mem>>) src(%arg13 : memref<128x128xf32, #tpu.memory_space<vmem>>) dst(%dma_wait3A_334 : memref<128x128xf32, #tpu.memory_space<vmem_shared>>)
      tpu.yield
    }) : () -> ()
    "tpu.region"() ({
      %run_scoped3A = tpu.sem_alloc : memref<!tpu.dma_semaphore, #tpu.memory_space<semaphore_mem>>
      %dma_start3A_327 = tpu.memref_slice %arg8[%mul3A_201] : memref<10240xf32, #tpu.memory_space<vmem_shared>> -> memref<640xf32, #tpu.memory_space<vmem_shared>>
      %dma_start3A_328 = tpu.memref_slice %arg8[%mul3A_201] : memref<10240xf32, #tpu.memory_space<vmem_shared>> -> memref<640xf32, #tpu.memory_space<vmem_shared>>
      tpu.enqueue_dma source(%arg16 : memref<640xf32, #tpu.memory_space<vmem>>) target(%dma_start3A_328 : memref<640xf32, #tpu.memory_space<vmem_shared>>) target_semaphore(%run_scoped3A : memref<!tpu.dma_semaphore, #tpu.memory_space<semaphore_mem>>)
      %dma_wait3A_329 = tpu.memref_slice %arg8[%mul3A_201] : memref<10240xf32, #tpu.memory_space<vmem_shared>> -> memref<640xf32, #tpu.memory_space<vmem_shared>>
      %dma_wait3A_330 = tpu.memref_slice %arg8[%mul3A_201] : memref<10240xf32, #tpu.memory_space<vmem_shared>> -> memref<640xf32, #tpu.memory_space<vmem_shared>>
      tpu.wait_dma2 semaphore(%run_scoped3A : memref<!tpu.dma_semaphore, #tpu.memory_space<semaphore_mem>>) src(%arg16 : memref<640xf32, #tpu.memory_space<vmem>>) dst(%dma_wait3A_330 : memref<640xf32, #tpu.memory_space<vmem_shared>>)
      tpu.yield
    }) : () -> ()
    %dma_start3A = arith.constant 0 : i32
    %dma_start3A_212 = arith.constant 0 : i32
    %dma_start3A_213 = tpu.memref_slice %arg3[%add3A, %dma_start3A, %dma_start3A_212] : memref<32x80x128xi32, #tpu.memory_space<hbm>> -> memref<1x80x128xi32, #tpu.memory_space<hbm>>
    %dma_start3A_214 = tpu.memref_squeeze %dma_start3A_213 : memref<1x80x128xi32, #tpu.memory_space<hbm>> -> memref<80x128xi32, #tpu.memory_space<hbm>>
    %dma_start3A_215 = arith.constant 0 : i32
    %dma_start3A_216 = arith.constant 0 : i32
    %dma_start3A_217 = tpu.memref_slice %dma_start3A_214[%dma_start3A_215, %dma_start3A_216] : memref<80x128xi32, #tpu.memory_space<hbm>> -> memref<8x128xi32, #tpu.memory_space<hbm>>
    %dma_start3A_218 = arith.constant 0 : i32
    %dma_start3A_219 = arith.constant 0 : i32
    %dma_start3A_220 = tpu.memref_slice %arg3[%add3A, %dma_start3A_218, %dma_start3A_219] : memref<32x80x128xi32, #tpu.memory_space<hbm>> -> memref<1x80x128xi32, #tpu.memory_space<hbm>>
    %dma_start3A_221 = tpu.memref_squeeze %dma_start3A_220 : memref<1x80x128xi32, #tpu.memory_space<hbm>> -> memref<80x128xi32, #tpu.memory_space<hbm>>
    %dma_start3A_222 = arith.constant 0 : i32
    %dma_start3A_223 = arith.constant 0 : i32
    %dma_start3A_224 = tpu.memref_slice %dma_start3A_221[%dma_start3A_222, %dma_start3A_223] : memref<80x128xi32, #tpu.memory_space<hbm>> -> memref<8x128xi32, #tpu.memory_space<hbm>>
    tpu.enqueue_dma source(%dma_start3A_224 : memref<8x128xi32, #tpu.memory_space<hbm>>) target(%arg9 : memref<8x128xi32, #tpu.memory_space<vmem>>) target_semaphore(%arg22 : memref<!tpu.dma_semaphore, #tpu.memory_space<semaphore_mem>>)
    %dma_start3A_225 = arith.constant 0 : i32
    %dma_start3A_226 = arith.constant 0 : i32
    %dma_start3A_227 = tpu.memref_slice %arg4[%add3A, %dma_start3A_225, %dma_start3A_226] : memref<32x80x128xi32, #tpu.memory_space<hbm>> -> memref<1x80x128xi32, #tpu.memory_space<hbm>>
    %dma_start3A_228 = tpu.memref_squeeze %dma_start3A_227 : memref<1x80x128xi32, #tpu.memory_space<hbm>> -> memref<80x128xi32, #tpu.memory_space<hbm>>
    %dma_start3A_229 = arith.constant 0 : i32
    %dma_start3A_230 = arith.constant 0 : i32
    %dma_start3A_231 = tpu.memref_slice %dma_start3A_228[%dma_start3A_229, %dma_start3A_230] : memref<80x128xi32, #tpu.memory_space<hbm>> -> memref<8x128xi32, #tpu.memory_space<hbm>>
    %dma_start3A_232 = arith.constant 0 : i32
    %dma_start3A_233 = arith.constant 0 : i32
    %dma_start3A_234 = tpu.memref_slice %arg4[%add3A, %dma_start3A_232, %dma_start3A_233] : memref<32x80x128xi32, #tpu.memory_space<hbm>> -> memref<1x80x128xi32, #tpu.memory_space<hbm>>
    %dma_start3A_235 = tpu.memref_squeeze %dma_start3A_234 : memref<1x80x128xi32, #tpu.memory_space<hbm>> -> memref<80x128xi32, #tpu.memory_space<hbm>>
    %dma_start3A_236 = arith.constant 0 : i32
    %dma_start3A_237 = arith.constant 0 : i32
    %dma_start3A_238 = tpu.memref_slice %dma_start3A_235[%dma_start3A_236, %dma_start3A_237] : memref<80x128xi32, #tpu.memory_space<hbm>> -> memref<8x128xi32, #tpu.memory_space<hbm>>
    tpu.enqueue_dma source(%dma_start3A_238 : memref<8x128xi32, #tpu.memory_space<hbm>>) target(%arg10 : memref<8x128xi32, #tpu.memory_space<vmem>>) target_semaphore(%arg22 : memref<!tpu.dma_semaphore, #tpu.memory_space<semaphore_mem>>)
    %dma_start3A_239 = arith.constant 0 : i32
    %dma_start3A_240 = arith.constant 0 : i32
    %dma_start3A_241 = tpu.memref_slice %arg3[%add3A, %dma_start3A_239, %dma_start3A_240] : memref<32x80x128xi32, #tpu.memory_space<hbm>> -> memref<1x80x128xi32, #tpu.memory_space<hbm>>
    %dma_start3A_242 = tpu.memref_squeeze %dma_start3A_241 : memref<1x80x128xi32, #tpu.memory_space<hbm>> -> memref<80x128xi32, #tpu.memory_space<hbm>>
    %dma_start3A_243 = arith.constant 8 : i32
    %dma_start3A_244 = arith.constant 0 : i32
    %dma_start3A_245 = tpu.memref_slice %dma_start3A_242[%dma_start3A_243, %dma_start3A_244] : memref<80x128xi32, #tpu.memory_space<hbm>> -> memref<8x128xi32, #tpu.memory_space<hbm>>
    %dma_start3A_246 = arith.constant 0 : i32
    %dma_start3A_247 = arith.constant 0 : i32
    %dma_start3A_248 = tpu.memref_slice %arg3[%add3A, %dma_start3A_246, %dma_start3A_247] : memref<32x80x128xi32, #tpu.memory_space<hbm>> -> memref<1x80x128xi32, #tpu.memory_space<hbm>>
    %dma_start3A_249 = tpu.memref_squeeze %dma_start3A_248 : memref<1x80x128xi32, #tpu.memory_space<hbm>> -> memref<80x128xi32, #tpu.memory_space<hbm>>
    %dma_start3A_250 = arith.constant 8 : i32
    %dma_start3A_251 = arith.constant 0 : i32
    %dma_start3A_252 = tpu.memref_slice %dma_start3A_249[%dma_start3A_250, %dma_start3A_251] : memref<80x128xi32, #tpu.memory_space<hbm>> -> memref<8x128xi32, #tpu.memory_space<hbm>>
    tpu.enqueue_dma source(%dma_start3A_252 : memref<8x128xi32, #tpu.memory_space<hbm>>) target(%arg11 : memref<8x128xi32, #tpu.memory_space<vmem>>) target_semaphore(%arg23 : memref<!tpu.dma_semaphore, #tpu.memory_space<semaphore_mem>>)
    %dma_start3A_253 = arith.constant 0 : i32
    %dma_start3A_254 = arith.constant 0 : i32
    %dma_start3A_255 = tpu.memref_slice %arg4[%add3A, %dma_start3A_253, %dma_start3A_254] : memref<32x80x128xi32, #tpu.memory_space<hbm>> -> memref<1x80x128xi32, #tpu.memory_space<hbm>>
    %dma_start3A_256 = tpu.memref_squeeze %dma_start3A_255 : memref<1x80x128xi32, #tpu.memory_space<hbm>> -> memref<80x128xi32, #tpu.memory_space<hbm>>
    %dma_start3A_257 = arith.constant 8 : i32
    %dma_start3A_258 = arith.constant 0 : i32
    %dma_start3A_259 = tpu.memref_slice %dma_start3A_256[%dma_start3A_257, %dma_start3A_258] : memref<80x128xi32, #tpu.memory_space<hbm>> -> memref<8x128xi32, #tpu.memory_space<hbm>>
    %dma_start3A_260 = arith.constant 0 : i32
    %dma_start3A_261 = arith.constant 0 : i32
    %dma_start3A_262 = tpu.memref_slice %arg4[%add3A, %dma_start3A_260, %dma_start3A_261] : memref<32x80x128xi32, #tpu.memory_space<hbm>> -> memref<1x80x128xi32, #tpu.memory_space<hbm>>
    %dma_start3A_263 = tpu.memref_squeeze %dma_start3A_262 : memref<1x80x128xi32, #tpu.memory_space<hbm>> -> memref<80x128xi32, #tpu.memory_space<hbm>>
    %dma_start3A_264 = arith.constant 8 : i32
    %dma_start3A_265 = arith.constant 0 : i32
    %dma_start3A_266 = tpu.memref_slice %dma_start3A_263[%dma_start3A_264, %dma_start3A_265] : memref<80x128xi32, #tpu.memory_space<hbm>> -> memref<8x128xi32, #tpu.memory_space<hbm>>
    tpu.enqueue_dma source(%dma_start3A_266 : memref<8x128xi32, #tpu.memory_space<hbm>>) target(%arg12 : memref<8x128xi32, #tpu.memory_space<vmem>>) target_semaphore(%arg23 : memref<!tpu.dma_semaphore, #tpu.memory_space<semaphore_mem>>)
    %dma_wait3A = arith.constant 0 : i32
    %dma_wait3A_267 = arith.constant 0 : i32
    %dma_wait3A_268 = tpu.memref_slice %arg3[%add3A, %dma_wait3A, %dma_wait3A_267] : memref<32x80x128xi32, #tpu.memory_space<hbm>> -> memref<1x80x128xi32, #tpu.memory_space<hbm>>
    %dma_wait3A_269 = tpu.memref_squeeze %dma_wait3A_268 : memref<1x80x128xi32, #tpu.memory_space<hbm>> -> memref<80x128xi32, #tpu.memory_space<hbm>>
    %dma_wait3A_270 = arith.constant 0 : i32
    %dma_wait3A_271 = arith.constant 0 : i32
    %dma_wait3A_272 = tpu.memref_slice %dma_wait3A_269[%dma_wait3A_270, %dma_wait3A_271] : memref<80x128xi32, #tpu.memory_space<hbm>> -> memref<8x128xi32, #tpu.memory_space<hbm>>
    %dma_wait3A_273 = arith.constant 0 : i32
    %dma_wait3A_274 = arith.constant 0 : i32
    %dma_wait3A_275 = tpu.memref_slice %arg3[%add3A, %dma_wait3A_273, %dma_wait3A_274] : memref<32x80x128xi32, #tpu.memory_space<hbm>> -> memref<1x80x128xi32, #tpu.memory_space<hbm>>
    %dma_wait3A_276 = tpu.memref_squeeze %dma_wait3A_275 : memref<1x80x128xi32, #tpu.memory_space<hbm>> -> memref<80x128xi32, #tpu.memory_space<hbm>>
    %dma_wait3A_277 = arith.constant 0 : i32
    %dma_wait3A_278 = arith.constant 0 : i32
    %dma_wait3A_279 = tpu.memref_slice %dma_wait3A_276[%dma_wait3A_277, %dma_wait3A_278] : memref<80x128xi32, #tpu.memory_space<hbm>> -> memref<8x128xi32, #tpu.memory_space<hbm>>
    tpu.wait_dma2 semaphore(%arg22 : memref<!tpu.dma_semaphore, #tpu.memory_space<semaphore_mem>>) src(%dma_wait3A_279 : memref<8x128xi32, #tpu.memory_space<hbm>>) dst(%arg9 : memref<8x128xi32, #tpu.memory_space<vmem>>)
    %dma_wait3A_280 = arith.constant 0 : i32
    %dma_wait3A_281 = arith.constant 0 : i32
    %dma_wait3A_282 = tpu.memref_slice %arg4[%add3A, %dma_wait3A_280, %dma_wait3A_281] : memref<32x80x128xi32, #tpu.memory_space<hbm>> -> memref<1x80x128xi32, #tpu.memory_space<hbm>>
    %dma_wait3A_283 = tpu.memref_squeeze %dma_wait3A_282 : memref<1x80x128xi32, #tpu.memory_space<hbm>> -> memref<80x128xi32, #tpu.memory_space<hbm>>
    %dma_wait3A_284 = arith.constant 0 : i32
    %dma_wait3A_285 = arith.constant 0 : i32
    %dma_wait3A_286 = tpu.memref_slice %dma_wait3A_283[%dma_wait3A_284, %dma_wait3A_285] : memref<80x128xi32, #tpu.memory_space<hbm>> -> memref<8x128xi32, #tpu.memory_space<hbm>>
    %dma_wait3A_287 = arith.constant 0 : i32
    %dma_wait3A_288 = arith.constant 0 : i32
    %dma_wait3A_289 = tpu.memref_slice %arg4[%add3A, %dma_wait3A_287, %dma_wait3A_288] : memref<32x80x128xi32, #tpu.memory_space<hbm>> -> memref<1x80x128xi32, #tpu.memory_space<hbm>>
    %dma_wait3A_290 = tpu.memref_squeeze %dma_wait3A_289 : memref<1x80x128xi32, #tpu.memory_space<hbm>> -> memref<80x128xi32, #tpu.memory_space<hbm>>
    %dma_wait3A_291 = arith.constant 0 : i32
    %dma_wait3A_292 = arith.constant 0 : i32
    %dma_wait3A_293 = tpu.memref_slice %dma_wait3A_290[%dma_wait3A_291, %dma_wait3A_292] : memref<80x128xi32, #tpu.memory_space<hbm>> -> memref<8x128xi32, #tpu.memory_space<hbm>>
    tpu.wait_dma2 semaphore(%arg22 : memref<!tpu.dma_semaphore, #tpu.memory_space<semaphore_mem>>) src(%dma_wait3A_293 : memref<8x128xi32, #tpu.memory_space<hbm>>) dst(%arg10 : memref<8x128xi32, #tpu.memory_space<vmem>>)
    %dma_start3A_294 = arith.constant 0 : i32
    %dma_start3A_295 = arith.constant 0 : i32
    %dma_start3A_296 = tpu.memref_slice %arg10[%dma_start3A_294, %dma_start3A_295] : memref<8x128xi32, #tpu.memory_space<vmem>> -> memref<1x128xi32, #tpu.memory_space<vmem>>
    %dma_start3A_297 = tpu.memref_squeeze %dma_start3A_296 : memref<1x128xi32, #tpu.memory_space<vmem>> -> memref<128xi32, #tpu.memory_space<vmem>>
    %dma_start3A_298 = arith.constant 0 : i32
    %dma_start3A_299 = arith.constant 0 : i32
    %dma_start3A_300 = tpu.memref_slice %arg2[%dma_start3A_298, %dma_start3A_299] : memref<10000x128xf32, #tpu.memory_space<hbm>> -> memref<10000x128xf32, #tpu.memory_space<hbm>>
    tpu.enqueue_indirect_dma source(%dma_start3A_300 : memref<10000x128xf32, #tpu.memory_space<hbm>>) target(%arg13 : memref<128x128xf32, #tpu.memory_space<vmem>>) offsets(%dma_start3A_297 : memref<128xi32, #tpu.memory_space<vmem>>) semaphore(%arg17 : memref<!tpu.dma_semaphore, #tpu.memory_space<semaphore_mem>>)
    %barrier3A = arith.constant 0 : index
    tpu.barrier barrier_id(%barrier3A)
    %scan3A_301 = arith.constant 0 : i32
    %scan3A_302 = arith.constant 0 : i32
    %scan3A_303 = arith.constant 5 : i32
    %scan3A_304 = arith.addi %scan3A_302, %scan3A_303 : i32
    %scan3A_305 = arith.constant 1 : i32
    scf.for %scan3A_327 = %scan3A_302 to %scan3A_304 step %scan3A_305  : i32 {
      %dma_wait3A_328 = arith.constant 0 : i32
      %dma_wait3A_329 = arith.constant 0 : i32
      %dma_wait3A_330 = tpu.memref_slice %arg10[%dma_wait3A_328, %dma_wait3A_329] : memref<8x128xi32, #tpu.memory_space<vmem>> -> memref<1x128xi32, #tpu.memory_space<vmem>>
      %dma_wait3A_331 = tpu.memref_squeeze %dma_wait3A_330 : memref<1x128xi32, #tpu.memory_space<vmem>> -> memref<128xi32, #tpu.memory_space<vmem>>
      %dma_wait3A_332 = arith.constant 0 : i32
      %dma_wait3A_333 = arith.constant 0 : i32
      %dma_wait3A_334 = tpu.memref_slice %arg2[%dma_wait3A_332, %dma_wait3A_333] : memref<10000x128xf32, #tpu.memory_space<hbm>> -> memref<10000x128xf32, #tpu.memory_space<hbm>>
      tpu.wait_indirect_dma semaphore(%arg17 : memref<!tpu.dma_semaphore, #tpu.memory_space<semaphore_mem>>) src(%dma_wait3A_334 : memref<10000x128xf32, #tpu.memory_space<hbm>>) dst(%arg13 : memref<128x128xf32, #tpu.memory_space<vmem>>)
      %dma_start3A_335 = arith.constant 0 : i32
      %dma_start3A_336 = arith.constant 0 : i32
      %dma_start3A_337 = tpu.memref_slice %arg9[%dma_start3A_335, %dma_start3A_336] : memref<8x128xi32, #tpu.memory_space<vmem>> -> memref<1x128xi32, #tpu.memory_space<vmem>>
      %dma_start3A_338 = tpu.memref_squeeze %dma_start3A_337 : memref<1x128xi32, #tpu.memory_space<vmem>> -> memref<128xi32, #tpu.memory_space<vmem>>
      %dma_start3A_339 = arith.constant 0 : i32
      %dma_start3A_340 = arith.constant 0 : i32
      %dma_start3A_341 = tpu.memref_slice %arg7[%dma_start3A_339, %dma_start3A_340] : memref<10240x128xf32, #tpu.memory_space<vmem_shared>> -> memref<10240x128xf32, #tpu.memory_space<vmem_shared>>
      tpu.enqueue_indirect_dma source(%arg13 : memref<128x128xf32, #tpu.memory_space<vmem>>) target(%dma_start3A_341 : memref<10240x128xf32, #tpu.memory_space<vmem_shared>>) offsets(%dma_start3A_338 : memref<128xi32, #tpu.memory_space<vmem>>) semaphore(%arg19 : memref<!tpu.dma_semaphore, #tpu.memory_space<semaphore_mem>>) {add = true}
      %gt3A = arith.constant 0 : i32
      %gt3A_342 = arith.cmpi sgt, %scan3A_327, %gt3A : i32
      %convert_element_type3A = arith.extui %gt3A_342 : i1 to i32
      %cond3A = arith.constant 0 : i32
      %cond3A_343 = arith.cmpi ne, %convert_element_type3A, %cond3A : i32
      scf.if %cond3A_343 {
        %dma_wait3A_1001 = arith.constant 0 : i32
        %dma_wait3A_1002 = arith.constant 0 : i32
        %dma_wait3A_1003 = tpu.memref_slice %arg9[%dma_wait3A_1001, %dma_wait3A_1002] : memref<8x128xi32, #tpu.memory_space<vmem>> -> memref<1x128xi32, #tpu.memory_space<vmem>>
        %dma_wait3A_1004 = tpu.memref_squeeze %dma_wait3A_1003 : memref<1x128xi32, #tpu.memory_space<vmem>> -> memref<128xi32, #tpu.memory_space<vmem>>
        %dma_wait3A_1005 = arith.constant 0 : i32
        %dma_wait3A_1006 = tpu.memref_slice %arg8[%dma_wait3A_1005] : memref<10240xf32, #tpu.memory_space<vmem_shared>> -> memref<10240xf32, #tpu.memory_space<vmem_shared>>
        tpu.wait_indirect_dma semaphore(%arg21 : memref<!tpu.dma_semaphore, #tpu.memory_space<semaphore_mem>>) src(%arg15 : memref<128xf32, #tpu.memory_space<vmem>>) dst(%dma_wait3A_1006 : memref<10240xf32, #tpu.memory_space<vmem_shared>>)
      } else {
      }
      %dma_start3A_344 = arith.constant 0 : i32
      %dma_start3A_345 = arith.constant 0 : i32
      %dma_start3A_346 = tpu.memref_slice %arg9[%dma_start3A_344, %dma_start3A_345] : memref<8x128xi32, #tpu.memory_space<vmem>> -> memref<1x128xi32, #tpu.memory_space<vmem>>
      %dma_start3A_347 = tpu.memref_squeeze %dma_start3A_346 : memref<1x128xi32, #tpu.memory_space<vmem>> -> memref<128xi32, #tpu.memory_space<vmem>>
      %dma_start3A_348 = arith.constant 0 : i32
      %dma_start3A_349 = tpu.memref_slice %arg8[%dma_start3A_348] : memref<10240xf32, #tpu.memory_space<vmem_shared>> -> memref<10240xf32, #tpu.memory_space<vmem_shared>>
      tpu.enqueue_indirect_dma source(%arg15 : memref<128xf32, #tpu.memory_space<vmem>>) target(%dma_start3A_349 : memref<10240xf32, #tpu.memory_space<vmem_shared>>) offsets(%dma_start3A_347 : memref<128xi32, #tpu.memory_space<vmem>>) semaphore(%arg21 : memref<!tpu.dma_semaphore, #tpu.memory_space<semaphore_mem>>) {add = true}
      %gt3A_350 = arith.constant 0 : i32
      %gt3A_351 = arith.cmpi sgt, %scan3A_327, %gt3A_350 : i32
      %convert_element_type3A_352 = arith.extui %gt3A_351 : i1 to i32
      %cond3A_353 = arith.constant 0 : i32
      %cond3A_354 = arith.cmpi ne, %convert_element_type3A_352, %cond3A_353 : i32
      scf.if %cond3A_354 {
        %dma_wait3A_1001 = arith.constant 7 : i32
        %dma_wait3A_1002 = arith.constant 0 : i32
        %dma_wait3A_1003 = tpu.memref_slice %arg11[%dma_wait3A_1001, %dma_wait3A_1002] : memref<8x128xi32, #tpu.memory_space<vmem>> -> memref<1x128xi32, #tpu.memory_space<vmem>>
        %dma_wait3A_1004 = tpu.memref_squeeze %dma_wait3A_1003 : memref<1x128xi32, #tpu.memory_space<vmem>> -> memref<128xi32, #tpu.memory_space<vmem>>
        %dma_wait3A_1005 = arith.constant 0 : i32
        %dma_wait3A_1006 = arith.constant 0 : i32
        %dma_wait3A_1007 = tpu.memref_slice %arg7[%dma_wait3A_1005, %dma_wait3A_1006] : memref<10240x128xf32, #tpu.memory_space<vmem_shared>> -> memref<10240x128xf32, #tpu.memory_space<vmem_shared>>
        tpu.wait_indirect_dma semaphore(%arg20 : memref<!tpu.dma_semaphore, #tpu.memory_space<semaphore_mem>>) src(%arg14 : memref<128x128xf32, #tpu.memory_space<vmem>>) dst(%dma_wait3A_1007 : memref<10240x128xf32, #tpu.memory_space<vmem_shared>>)
      } else {
      }
      %dma_start3A_355 = arith.constant 1 : i32
      %dma_start3A_356 = arith.constant 0 : i32
      %dma_start3A_357 = tpu.memref_slice %arg10[%dma_start3A_355, %dma_start3A_356] : memref<8x128xi32, #tpu.memory_space<vmem>> -> memref<1x128xi32, #tpu.memory_space<vmem>>
      %dma_start3A_358 = tpu.memref_squeeze %dma_start3A_357 : memref<1x128xi32, #tpu.memory_space<vmem>> -> memref<128xi32, #tpu.memory_space<vmem>>
      %dma_start3A_359 = arith.constant 0 : i32
      %dma_start3A_360 = arith.constant 0 : i32
      %dma_start3A_361 = tpu.memref_slice %arg2[%dma_start3A_359, %dma_start3A_360] : memref<10000x128xf32, #tpu.memory_space<hbm>> -> memref<10000x128xf32, #tpu.memory_space<hbm>>
      tpu.enqueue_indirect_dma source(%dma_start3A_361 : memref<10000x128xf32, #tpu.memory_space<hbm>>) target(%arg14 : memref<128x128xf32, #tpu.memory_space<vmem>>) offsets(%dma_start3A_358 : memref<128xi32, #tpu.memory_space<vmem>>) semaphore(%arg18 : memref<!tpu.dma_semaphore, #tpu.memory_space<semaphore_mem>>)
      %dma_wait3A_362 = arith.constant 1 : i32
      %dma_wait3A_363 = arith.constant 0 : i32
      %dma_wait3A_364 = tpu.memref_slice %arg10[%dma_wait3A_362, %dma_wait3A_363] : memref<8x128xi32, #tpu.memory_space<vmem>> -> memref<1x128xi32, #tpu.memory_space<vmem>>
      %dma_wait3A_365 = tpu.memref_squeeze %dma_wait3A_364 : memref<1x128xi32, #tpu.memory_space<vmem>> -> memref<128xi32, #tpu.memory_space<vmem>>
      %dma_wait3A_366 = arith.constant 0 : i32
      %dma_wait3A_367 = arith.constant 0 : i32
      %dma_wait3A_368 = tpu.memref_slice %arg2[%dma_wait3A_366, %dma_wait3A_367] : memref<10000x128xf32, #tpu.memory_space<hbm>> -> memref<10000x128xf32, #tpu.memory_space<hbm>>
      tpu.wait_indirect_dma semaphore(%arg18 : memref<!tpu.dma_semaphore, #tpu.memory_space<semaphore_mem>>) src(%dma_wait3A_368 : memref<10000x128xf32, #tpu.memory_space<hbm>>) dst(%arg14 : memref<128x128xf32, #tpu.memory_space<vmem>>)
      %dma_start3A_369 = arith.constant 1 : i32
      %dma_start3A_370 = arith.constant 0 : i32
      %dma_start3A_371 = tpu.memref_slice %arg9[%dma_start3A_369, %dma_start3A_370] : memref<8x128xi32, #tpu.memory_space<vmem>> -> memref<1x128xi32, #tpu.memory_space<vmem>>
      %dma_start3A_372 = tpu.memref_squeeze %dma_start3A_371 : memref<1x128xi32, #tpu.memory_space<vmem>> -> memref<128xi32, #tpu.memory_space<vmem>>
      %dma_start3A_373 = arith.constant 0 : i32
      %dma_start3A_374 = arith.constant 0 : i32
      %dma_start3A_375 = tpu.memref_slice %arg7[%dma_start3A_373, %dma_start3A_374] : memref<10240x128xf32, #tpu.memory_space<vmem_shared>> -> memref<10240x128xf32, #tpu.memory_space<vmem_shared>>
      tpu.enqueue_indirect_dma source(%arg14 : memref<128x128xf32, #tpu.memory_space<vmem>>) target(%dma_start3A_375 : memref<10240x128xf32, #tpu.memory_space<vmem_shared>>) offsets(%dma_start3A_372 : memref<128xi32, #tpu.memory_space<vmem>>) semaphore(%arg20 : memref<!tpu.dma_semaphore, #tpu.memory_space<semaphore_mem>>) {add = true}
      %gt3A_376 = arith.constant 0 : i32
      %gt3A_377 = arith.cmpi sgt, %scan3A_327, %gt3A_376 : i32
      %convert_element_type3A_378 = arith.extui %gt3A_377 : i1 to i32
      %cond3A_379 = arith.constant 0 : i32
      %cond3A_380 = arith.cmpi ne, %convert_element_type3A_378, %cond3A_379 : i32
      scf.if %cond3A_380 {
        %dma_wait3A_1001 = arith.constant 1 : i32
        %dma_wait3A_1002 = arith.constant 0 : i32
        %dma_wait3A_1003 = tpu.memref_slice %arg9[%dma_wait3A_1001, %dma_wait3A_1002] : memref<8x128xi32, #tpu.memory_space<vmem>> -> memref<1x128xi32, #tpu.memory_space<vmem>>
        %dma_wait3A_1004 = tpu.memref_squeeze %dma_wait3A_1003 : memref<1x128xi32, #tpu.memory_space<vmem>> -> memref<128xi32, #tpu.memory_space<vmem>>
        %dma_wait3A_1005 = arith.constant 0 : i32
        %dma_wait3A_1006 = tpu.memref_slice %arg8[%dma_wait3A_1005] : memref<10240xf32, #tpu.memory_space<vmem_shared>> -> memref<10240xf32, #tpu.memory_space<vmem_shared>>
        tpu.wait_indirect_dma semaphore(%arg21 : memref<!tpu.dma_semaphore, #tpu.memory_space<semaphore_mem>>) src(%arg15 : memref<128xf32, #tpu.memory_space<vmem>>) dst(%dma_wait3A_1006 : memref<10240xf32, #tpu.memory_space<vmem_shared>>)
      } else {
      }
      %dma_start3A_381 = arith.constant 1 : i32
      %dma_start3A_382 = arith.constant 0 : i32
      %dma_start3A_383 = tpu.memref_slice %arg9[%dma_start3A_381, %dma_start3A_382] : memref<8x128xi32, #tpu.memory_space<vmem>> -> memref<1x128xi32, #tpu.memory_space<vmem>>
      %dma_start3A_384 = tpu.memref_squeeze %dma_start3A_383 : memref<1x128xi32, #tpu.memory_space<vmem>> -> memref<128xi32, #tpu.memory_space<vmem>>
      %dma_start3A_385 = arith.constant 0 : i32
      %dma_start3A_386 = tpu.memref_slice %arg8[%dma_start3A_385] : memref<10240xf32, #tpu.memory_space<vmem_shared>> -> memref<10240xf32, #tpu.memory_space<vmem_shared>>
      tpu.enqueue_indirect_dma source(%arg15 : memref<128xf32, #tpu.memory_space<vmem>>) target(%dma_start3A_386 : memref<10240xf32, #tpu.memory_space<vmem_shared>>) offsets(%dma_start3A_384 : memref<128xi32, #tpu.memory_space<vmem>>) semaphore(%arg21 : memref<!tpu.dma_semaphore, #tpu.memory_space<semaphore_mem>>) {add = true}
      %dma_wait3A_387 = arith.constant 0 : i32
      %dma_wait3A_388 = arith.constant 0 : i32
      %dma_wait3A_389 = tpu.memref_slice %arg9[%dma_wait3A_387, %dma_wait3A_388] : memref<8x128xi32, #tpu.memory_space<vmem>> -> memref<1x128xi32, #tpu.memory_space<vmem>>
      %dma_wait3A_390 = tpu.memref_squeeze %dma_wait3A_389 : memref<1x128xi32, #tpu.memory_space<vmem>> -> memref<128xi32, #tpu.memory_space<vmem>>
      %dma_wait3A_391 = arith.constant 0 : i32
      %dma_wait3A_392 = arith.constant 0 : i32
      %dma_wait3A_393 = tpu.memref_slice %arg7[%dma_wait3A_391, %dma_wait3A_392] : memref<10240x128xf32, #tpu.memory_space<vmem_shared>> -> memref<10240x128xf32, #tpu.memory_space<vmem_shared>>
      tpu.wait_indirect_dma semaphore(%arg19 : memref<!tpu.dma_semaphore, #tpu.memory_space<semaphore_mem>>) src(%arg13 : memref<128x128xf32, #tpu.memory_space<vmem>>) dst(%dma_wait3A_393 : memref<10240x128xf32, #tpu.memory_space<vmem_shared>>)
      %dma_start3A_394 = arith.constant 2 : i32
      %dma_start3A_395 = arith.constant 0 : i32
      %dma_start3A_396 = tpu.memref_slice %arg10[%dma_start3A_394, %dma_start3A_395] : memref<8x128xi32, #tpu.memory_space<vmem>> -> memref<1x128xi32, #tpu.memory_space<vmem>>
      %dma_start3A_397 = tpu.memref_squeeze %dma_start3A_396 : memref<1x128xi32, #tpu.memory_space<vmem>> -> memref<128xi32, #tpu.memory_space<vmem>>
      %dma_start3A_398 = arith.constant 0 : i32
      %dma_start3A_399 = arith.constant 0 : i32
      %dma_start3A_400 = tpu.memref_slice %arg2[%dma_start3A_398, %dma_start3A_399] : memref<10000x128xf32, #tpu.memory_space<hbm>> -> memref<10000x128xf32, #tpu.memory_space<hbm>>
      tpu.enqueue_indirect_dma source(%dma_start3A_400 : memref<10000x128xf32, #tpu.memory_space<hbm>>) target(%arg13 : memref<128x128xf32, #tpu.memory_space<vmem>>) offsets(%dma_start3A_397 : memref<128xi32, #tpu.memory_space<vmem>>) semaphore(%arg17 : memref<!tpu.dma_semaphore, #tpu.memory_space<semaphore_mem>>)
      %dma_wait3A_401 = arith.constant 2 : i32
      %dma_wait3A_402 = arith.constant 0 : i32
      %dma_wait3A_403 = tpu.memref_slice %arg10[%dma_wait3A_401, %dma_wait3A_402] : memref<8x128xi32, #tpu.memory_space<vmem>> -> memref<1x128xi32, #tpu.memory_space<vmem>>
      %dma_wait3A_404 = tpu.memref_squeeze %dma_wait3A_403 : memref<1x128xi32, #tpu.memory_space<vmem>> -> memref<128xi32, #tpu.memory_space<vmem>>
      %dma_wait3A_405 = arith.constant 0 : i32
      %dma_wait3A_406 = arith.constant 0 : i32
      %dma_wait3A_407 = tpu.memref_slice %arg2[%dma_wait3A_405, %dma_wait3A_406] : memref<10000x128xf32, #tpu.memory_space<hbm>> -> memref<10000x128xf32, #tpu.memory_space<hbm>>
      tpu.wait_indirect_dma semaphore(%arg17 : memref<!tpu.dma_semaphore, #tpu.memory_space<semaphore_mem>>) src(%dma_wait3A_407 : memref<10000x128xf32, #tpu.memory_space<hbm>>) dst(%arg13 : memref<128x128xf32, #tpu.memory_space<vmem>>)
      %dma_start3A_408 = arith.constant 2 : i32
      %dma_start3A_409 = arith.constant 0 : i32
      %dma_start3A_410 = tpu.memref_slice %arg9[%dma_start3A_408, %dma_start3A_409] : memref<8x128xi32, #tpu.memory_space<vmem>> -> memref<1x128xi32, #tpu.memory_space<vmem>>
      %dma_start3A_411 = tpu.memref_squeeze %dma_start3A_410 : memref<1x128xi32, #tpu.memory_space<vmem>> -> memref<128xi32, #tpu.memory_space<vmem>>
      %dma_start3A_412 = arith.constant 0 : i32
      %dma_start3A_413 = arith.constant 0 : i32
      %dma_start3A_414 = tpu.memref_slice %arg7[%dma_start3A_412, %dma_start3A_413] : memref<10240x128xf32, #tpu.memory_space<vmem_shared>> -> memref<10240x128xf32, #tpu.memory_space<vmem_shared>>
      tpu.enqueue_indirect_dma source(%arg13 : memref<128x128xf32, #tpu.memory_space<vmem>>) target(%dma_start3A_414 : memref<10240x128xf32, #tpu.memory_space<vmem_shared>>) offsets(%dma_start3A_411 : memref<128xi32, #tpu.memory_space<vmem>>) semaphore(%arg19 : memref<!tpu.dma_semaphore, #tpu.memory_space<semaphore_mem>>) {add = true}
      %dma_wait3A_415 = arith.constant 0 : i32
      %dma_wait3A_416 = arith.constant 0 : i32
      %dma_wait3A_417 = tpu.memref_slice %arg9[%dma_wait3A_415, %dma_wait3A_416] : memref<8x128xi32, #tpu.memory_space<vmem>> -> memref<1x128xi32, #tpu.memory_space<vmem>>
      %dma_wait3A_418 = tpu.memref_squeeze %dma_wait3A_417 : memref<1x128xi32, #tpu.memory_space<vmem>> -> memref<128xi32, #tpu.memory_space<vmem>>
      %dma_wait3A_419 = arith.constant 0 : i32
      %dma_wait3A_420 = tpu.memref_slice %arg8[%dma_wait3A_419] : memref<10240xf32, #tpu.memory_space<vmem_shared>> -> memref<10240xf32, #tpu.memory_space<vmem_shared>>
      tpu.wait_indirect_dma semaphore(%arg21 : memref<!tpu.dma_semaphore, #tpu.memory_space<semaphore_mem>>) src(%arg15 : memref<128xf32, #tpu.memory_space<vmem>>) dst(%dma_wait3A_420 : memref<10240xf32, #tpu.memory_space<vmem_shared>>)
      %dma_start3A_421 = arith.constant 2 : i32
      %dma_start3A_422 = arith.constant 0 : i32
      %dma_start3A_423 = tpu.memref_slice %arg9[%dma_start3A_421, %dma_start3A_422] : memref<8x128xi32, #tpu.memory_space<vmem>> -> memref<1x128xi32, #tpu.memory_space<vmem>>
      %dma_start3A_424 = tpu.memref_squeeze %dma_start3A_423 : memref<1x128xi32, #tpu.memory_space<vmem>> -> memref<128xi32, #tpu.memory_space<vmem>>
      %dma_start3A_425 = arith.constant 0 : i32
      %dma_start3A_426 = tpu.memref_slice %arg8[%dma_start3A_425] : memref<10240xf32, #tpu.memory_space<vmem_shared>> -> memref<10240xf32, #tpu.memory_space<vmem_shared>>
      tpu.enqueue_indirect_dma source(%arg15 : memref<128xf32, #tpu.memory_space<vmem>>) target(%dma_start3A_426 : memref<10240xf32, #tpu.memory_space<vmem_shared>>) offsets(%dma_start3A_424 : memref<128xi32, #tpu.memory_space<vmem>>) semaphore(%arg21 : memref<!tpu.dma_semaphore, #tpu.memory_space<semaphore_mem>>) {add = true}
      %dma_wait3A_427 = arith.constant 1 : i32
      %dma_wait3A_428 = arith.constant 0 : i32
      %dma_wait3A_429 = tpu.memref_slice %arg9[%dma_wait3A_427, %dma_wait3A_428] : memref<8x128xi32, #tpu.memory_space<vmem>> -> memref<1x128xi32, #tpu.memory_space<vmem>>
      %dma_wait3A_430 = tpu.memref_squeeze %dma_wait3A_429 : memref<1x128xi32, #tpu.memory_space<vmem>> -> memref<128xi32, #tpu.memory_space<vmem>>
      %dma_wait3A_431 = arith.constant 0 : i32
      %dma_wait3A_432 = arith.constant 0 : i32
      %dma_wait3A_433 = tpu.memref_slice %arg7[%dma_wait3A_431, %dma_wait3A_432] : memref<10240x128xf32, #tpu.memory_space<vmem_shared>> -> memref<10240x128xf32, #tpu.memory_space<vmem_shared>>
      tpu.wait_indirect_dma semaphore(%arg20 : memref<!tpu.dma_semaphore, #tpu.memory_space<semaphore_mem>>) src(%arg14 : memref<128x128xf32, #tpu.memory_space<vmem>>) dst(%dma_wait3A_433 : memref<10240x128xf32, #tpu.memory_space<vmem_shared>>)
      %gt3A_434 = arith.constant 0 : i32
      %gt3A_435 = arith.cmpi sgt, %scan3A_327, %gt3A_434 : i32
      %convert_element_type3A_436 = arith.extui %gt3A_435 : i1 to i32
      %cond3A_437 = arith.constant 0 : i32
      %cond3A_438 = arith.cmpi ne, %convert_element_type3A_436, %cond3A_437 : i32
      scf.if %cond3A_438 {
        %mul3A_1001 = arith.constant 2 : i32
        %mul3A_1002 = arith.muli %mul3A_1001, %scan3A_327 : i32
        %add3A_1003 = arith.constant 1 : i32
        %add3A_1004 = arith.addi %mul3A_1002, %add3A_1003 : i32
        %mul3A_1005 = arith.constant 8 : i32
        %mul3A_1006 = arith.muli %add3A_1004, %mul3A_1005 : i32
        %dma_start3A_1007 = arith.constant 0 : i32
        %dma_start3A_1008 = arith.constant 0 : i32
        %dma_start3A_1009 = tpu.memref_slice %arg3[%add3A, %dma_start3A_1007, %dma_start3A_1008] : memref<32x80x128xi32, #tpu.memory_space<hbm>> -> memref<1x80x128xi32, #tpu.memory_space<hbm>>
        %dma_start3A_1010 = tpu.memref_squeeze %dma_start3A_1009 : memref<1x80x128xi32, #tpu.memory_space<hbm>> -> memref<80x128xi32, #tpu.memory_space<hbm>>
        %dma_start3A_1011 = arith.constant 0 : i32
        %dma_start3A_1012 = tpu.memref_slice %dma_start3A_1010[%mul3A_1006, %dma_start3A_1011] : memref<80x128xi32, #tpu.memory_space<hbm>> -> memref<8x128xi32, #tpu.memory_space<hbm>>
        %dma_start3A_1013 = arith.constant 0 : i32
        %dma_start3A_1014 = arith.constant 0 : i32
        %dma_start3A_1015 = tpu.memref_slice %arg3[%add3A, %dma_start3A_1013, %dma_start3A_1014] : memref<32x80x128xi32, #tpu.memory_space<hbm>> -> memref<1x80x128xi32, #tpu.memory_space<hbm>>
        %dma_start3A_1016 = tpu.memref_squeeze %dma_start3A_1015 : memref<1x80x128xi32, #tpu.memory_space<hbm>> -> memref<80x128xi32, #tpu.memory_space<hbm>>
        %dma_start3A_1017 = arith.constant 0 : i32
        %dma_start3A_1018 = tpu.memref_slice %dma_start3A_1016[%mul3A_1006, %dma_start3A_1017] : memref<80x128xi32, #tpu.memory_space<hbm>> -> memref<8x128xi32, #tpu.memory_space<hbm>>
        tpu.enqueue_dma source(%dma_start3A_1018 : memref<8x128xi32, #tpu.memory_space<hbm>>) target(%arg11 : memref<8x128xi32, #tpu.memory_space<vmem>>) target_semaphore(%arg23 : memref<!tpu.dma_semaphore, #tpu.memory_space<semaphore_mem>>)
        %mul3A_1019 = arith.constant 8 : i32
        %mul3A_1020 = arith.muli %add3A_1004, %mul3A_1019 : i32
        %dma_start3A_1021 = arith.constant 0 : i32
        %dma_start3A_1022 = arith.constant 0 : i32
        %dma_start3A_1023 = tpu.memref_slice %arg4[%add3A, %dma_start3A_1021, %dma_start3A_1022] : memref<32x80x128xi32, #tpu.memory_space<hbm>> -> memref<1x80x128xi32, #tpu.memory_space<hbm>>
        %dma_start3A_1024 = tpu.memref_squeeze %dma_start3A_1023 : memref<1x80x128xi32, #tpu.memory_space<hbm>> -> memref<80x128xi32, #tpu.memory_space<hbm>>
        %dma_start3A_1025 = arith.constant 0 : i32
        %dma_start3A_1026 = tpu.memref_slice %dma_start3A_1024[%mul3A_1020, %dma_start3A_1025] : memref<80x128xi32, #tpu.memory_space<hbm>> -> memref<8x128xi32, #tpu.memory_space<hbm>>
        %dma_start3A_1027 = arith.constant 0 : i32
        %dma_start3A_1028 = arith.constant 0 : i32
        %dma_start3A_1029 = tpu.memref_slice %arg4[%add3A, %dma_start3A_1027, %dma_start3A_1028] : memref<32x80x128xi32, #tpu.memory_space<hbm>> -> memref<1x80x128xi32, #tpu.memory_space<hbm>>
        %dma_start3A_1030 = tpu.memref_squeeze %dma_start3A_1029 : memref<1x80x128xi32, #tpu.memory_space<hbm>> -> memref<80x128xi32, #tpu.memory_space<hbm>>
        %dma_start3A_1031 = arith.constant 0 : i32
        %dma_start3A_1032 = tpu.memref_slice %dma_start3A_1030[%mul3A_1020, %dma_start3A_1031] : memref<80x128xi32, #tpu.memory_space<hbm>> -> memref<8x128xi32, #tpu.memory_space<hbm>>
        tpu.enqueue_dma source(%dma_start3A_1032 : memref<8x128xi32, #tpu.memory_space<hbm>>) target(%arg12 : memref<8x128xi32, #tpu.memory_space<vmem>>) target_semaphore(%arg23 : memref<!tpu.dma_semaphore, #tpu.memory_space<semaphore_mem>>)
      } else {
      }
      %dma_start3A_439 = arith.constant 3 : i32
      %dma_start3A_440 = arith.constant 0 : i32
      %dma_start3A_441 = tpu.memref_slice %arg10[%dma_start3A_439, %dma_start3A_440] : memref<8x128xi32, #tpu.memory_space<vmem>> -> memref<1x128xi32, #tpu.memory_space<vmem>>
      %dma_start3A_442 = tpu.memref_squeeze %dma_start3A_441 : memref<1x128xi32, #tpu.memory_space<vmem>> -> memref<128xi32, #tpu.memory_space<vmem>>
      %dma_start3A_443 = arith.constant 0 : i32
      %dma_start3A_444 = arith.constant 0 : i32
      %dma_start3A_445 = tpu.memref_slice %arg2[%dma_start3A_443, %dma_start3A_444] : memref<10000x128xf32, #tpu.memory_space<hbm>> -> memref<10000x128xf32, #tpu.memory_space<hbm>>
      tpu.enqueue_indirect_dma source(%dma_start3A_445 : memref<10000x128xf32, #tpu.memory_space<hbm>>) target(%arg14 : memref<128x128xf32, #tpu.memory_space<vmem>>) offsets(%dma_start3A_442 : memref<128xi32, #tpu.memory_space<vmem>>) semaphore(%arg18 : memref<!tpu.dma_semaphore, #tpu.memory_space<semaphore_mem>>)
      %dma_wait3A_446 = arith.constant 3 : i32
      %dma_wait3A_447 = arith.constant 0 : i32
      %dma_wait3A_448 = tpu.memref_slice %arg10[%dma_wait3A_446, %dma_wait3A_447] : memref<8x128xi32, #tpu.memory_space<vmem>> -> memref<1x128xi32, #tpu.memory_space<vmem>>
      %dma_wait3A_449 = tpu.memref_squeeze %dma_wait3A_448 : memref<1x128xi32, #tpu.memory_space<vmem>> -> memref<128xi32, #tpu.memory_space<vmem>>
      %dma_wait3A_450 = arith.constant 0 : i32
      %dma_wait3A_451 = arith.constant 0 : i32
      %dma_wait3A_452 = tpu.memref_slice %arg2[%dma_wait3A_450, %dma_wait3A_451] : memref<10000x128xf32, #tpu.memory_space<hbm>> -> memref<10000x128xf32, #tpu.memory_space<hbm>>
      tpu.wait_indirect_dma semaphore(%arg18 : memref<!tpu.dma_semaphore, #tpu.memory_space<semaphore_mem>>) src(%dma_wait3A_452 : memref<10000x128xf32, #tpu.memory_space<hbm>>) dst(%arg14 : memref<128x128xf32, #tpu.memory_space<vmem>>)
      %dma_start3A_453 = arith.constant 3 : i32
      %dma_start3A_454 = arith.constant 0 : i32
      %dma_start3A_455 = tpu.memref_slice %arg9[%dma_start3A_453, %dma_start3A_454] : memref<8x128xi32, #tpu.memory_space<vmem>> -> memref<1x128xi32, #tpu.memory_space<vmem>>
      %dma_start3A_456 = tpu.memref_squeeze %dma_start3A_455 : memref<1x128xi32, #tpu.memory_space<vmem>> -> memref<128xi32, #tpu.memory_space<vmem>>
      %dma_start3A_457 = arith.constant 0 : i32
      %dma_start3A_458 = arith.constant 0 : i32
      %dma_start3A_459 = tpu.memref_slice %arg7[%dma_start3A_457, %dma_start3A_458] : memref<10240x128xf32, #tpu.memory_space<vmem_shared>> -> memref<10240x128xf32, #tpu.memory_space<vmem_shared>>
      tpu.enqueue_indirect_dma source(%arg14 : memref<128x128xf32, #tpu.memory_space<vmem>>) target(%dma_start3A_459 : memref<10240x128xf32, #tpu.memory_space<vmem_shared>>) offsets(%dma_start3A_456 : memref<128xi32, #tpu.memory_space<vmem>>) semaphore(%arg20 : memref<!tpu.dma_semaphore, #tpu.memory_space<semaphore_mem>>) {add = true}
      %dma_wait3A_460 = arith.constant 1 : i32
      %dma_wait3A_461 = arith.constant 0 : i32
      %dma_wait3A_462 = tpu.memref_slice %arg9[%dma_wait3A_460, %dma_wait3A_461] : memref<8x128xi32, #tpu.memory_space<vmem>> -> memref<1x128xi32, #tpu.memory_space<vmem>>
      %dma_wait3A_463 = tpu.memref_squeeze %dma_wait3A_462 : memref<1x128xi32, #tpu.memory_space<vmem>> -> memref<128xi32, #tpu.memory_space<vmem>>
      %dma_wait3A_464 = arith.constant 0 : i32
      %dma_wait3A_465 = tpu.memref_slice %arg8[%dma_wait3A_464] : memref<10240xf32, #tpu.memory_space<vmem_shared>> -> memref<10240xf32, #tpu.memory_space<vmem_shared>>
      tpu.wait_indirect_dma semaphore(%arg21 : memref<!tpu.dma_semaphore, #tpu.memory_space<semaphore_mem>>) src(%arg15 : memref<128xf32, #tpu.memory_space<vmem>>) dst(%dma_wait3A_465 : memref<10240xf32, #tpu.memory_space<vmem_shared>>)
      %dma_start3A_466 = arith.constant 3 : i32
      %dma_start3A_467 = arith.constant 0 : i32
      %dma_start3A_468 = tpu.memref_slice %arg9[%dma_start3A_466, %dma_start3A_467] : memref<8x128xi32, #tpu.memory_space<vmem>> -> memref<1x128xi32, #tpu.memory_space<vmem>>
      %dma_start3A_469 = tpu.memref_squeeze %dma_start3A_468 : memref<1x128xi32, #tpu.memory_space<vmem>> -> memref<128xi32, #tpu.memory_space<vmem>>
      %dma_start3A_470 = arith.constant 0 : i32
      %dma_start3A_471 = tpu.memref_slice %arg8[%dma_start3A_470] : memref<10240xf32, #tpu.memory_space<vmem_shared>> -> memref<10240xf32, #tpu.memory_space<vmem_shared>>
      tpu.enqueue_indirect_dma source(%arg15 : memref<128xf32, #tpu.memory_space<vmem>>) target(%dma_start3A_471 : memref<10240xf32, #tpu.memory_space<vmem_shared>>) offsets(%dma_start3A_469 : memref<128xi32, #tpu.memory_space<vmem>>) semaphore(%arg21 : memref<!tpu.dma_semaphore, #tpu.memory_space<semaphore_mem>>) {add = true}
      %dma_wait3A_472 = arith.constant 2 : i32
      %dma_wait3A_473 = arith.constant 0 : i32
      %dma_wait3A_474 = tpu.memref_slice %arg9[%dma_wait3A_472, %dma_wait3A_473] : memref<8x128xi32, #tpu.memory_space<vmem>> -> memref<1x128xi32, #tpu.memory_space<vmem>>
      %dma_wait3A_475 = tpu.memref_squeeze %dma_wait3A_474 : memref<1x128xi32, #tpu.memory_space<vmem>> -> memref<128xi32, #tpu.memory_space<vmem>>
      %dma_wait3A_476 = arith.constant 0 : i32
      %dma_wait3A_477 = arith.constant 0 : i32
      %dma_wait3A_478 = tpu.memref_slice %arg7[%dma_wait3A_476, %dma_wait3A_477] : memref<10240x128xf32, #tpu.memory_space<vmem_shared>> -> memref<10240x128xf32, #tpu.memory_space<vmem_shared>>
      tpu.wait_indirect_dma semaphore(%arg19 : memref<!tpu.dma_semaphore, #tpu.memory_space<semaphore_mem>>) src(%arg13 : memref<128x128xf32, #tpu.memory_space<vmem>>) dst(%dma_wait3A_478 : memref<10240x128xf32, #tpu.memory_space<vmem_shared>>)
      %dma_start3A_479 = arith.constant 4 : i32
      %dma_start3A_480 = arith.constant 0 : i32
      %dma_start3A_481 = tpu.memref_slice %arg10[%dma_start3A_479, %dma_start3A_480] : memref<8x128xi32, #tpu.memory_space<vmem>> -> memref<1x128xi32, #tpu.memory_space<vmem>>
      %dma_start3A_482 = tpu.memref_squeeze %dma_start3A_481 : memref<1x128xi32, #tpu.memory_space<vmem>> -> memref<128xi32, #tpu.memory_space<vmem>>
      %dma_start3A_483 = arith.constant 0 : i32
      %dma_start3A_484 = arith.constant 0 : i32
      %dma_start3A_485 = tpu.memref_slice %arg2[%dma_start3A_483, %dma_start3A_484] : memref<10000x128xf32, #tpu.memory_space<hbm>> -> memref<10000x128xf32, #tpu.memory_space<hbm>>
      tpu.enqueue_indirect_dma source(%dma_start3A_485 : memref<10000x128xf32, #tpu.memory_space<hbm>>) target(%arg13 : memref<128x128xf32, #tpu.memory_space<vmem>>) offsets(%dma_start3A_482 : memref<128xi32, #tpu.memory_space<vmem>>) semaphore(%arg17 : memref<!tpu.dma_semaphore, #tpu.memory_space<semaphore_mem>>)
      %dma_wait3A_486 = arith.constant 4 : i32
      %dma_wait3A_487 = arith.constant 0 : i32
      %dma_wait3A_488 = tpu.memref_slice %arg10[%dma_wait3A_486, %dma_wait3A_487] : memref<8x128xi32, #tpu.memory_space<vmem>> -> memref<1x128xi32, #tpu.memory_space<vmem>>
      %dma_wait3A_489 = tpu.memref_squeeze %dma_wait3A_488 : memref<1x128xi32, #tpu.memory_space<vmem>> -> memref<128xi32, #tpu.memory_space<vmem>>
      %dma_wait3A_490 = arith.constant 0 : i32
      %dma_wait3A_491 = arith.constant 0 : i32
      %dma_wait3A_492 = tpu.memref_slice %arg2[%dma_wait3A_490, %dma_wait3A_491] : memref<10000x128xf32, #tpu.memory_space<hbm>> -> memref<10000x128xf32, #tpu.memory_space<hbm>>
      tpu.wait_indirect_dma semaphore(%arg17 : memref<!tpu.dma_semaphore, #tpu.memory_space<semaphore_mem>>) src(%dma_wait3A_492 : memref<10000x128xf32, #tpu.memory_space<hbm>>) dst(%arg13 : memref<128x128xf32, #tpu.memory_space<vmem>>)
      %dma_start3A_493 = arith.constant 4 : i32
      %dma_start3A_494 = arith.constant 0 : i32
      %dma_start3A_495 = tpu.memref_slice %arg9[%dma_start3A_493, %dma_start3A_494] : memref<8x128xi32, #tpu.memory_space<vmem>> -> memref<1x128xi32, #tpu.memory_space<vmem>>
      %dma_start3A_496 = tpu.memref_squeeze %dma_start3A_495 : memref<1x128xi32, #tpu.memory_space<vmem>> -> memref<128xi32, #tpu.memory_space<vmem>>
      %dma_start3A_497 = arith.constant 0 : i32
      %dma_start3A_498 = arith.constant 0 : i32
      %dma_start3A_499 = tpu.memref_slice %arg7[%dma_start3A_497, %dma_start3A_498] : memref<10240x128xf32, #tpu.memory_space<vmem_shared>> -> memref<10240x128xf32, #tpu.memory_space<vmem_shared>>
      tpu.enqueue_indirect_dma source(%arg13 : memref<128x128xf32, #tpu.memory_space<vmem>>) target(%dma_start3A_499 : memref<10240x128xf32, #tpu.memory_space<vmem_shared>>) offsets(%dma_start3A_496 : memref<128xi32, #tpu.memory_space<vmem>>) semaphore(%arg19 : memref<!tpu.dma_semaphore, #tpu.memory_space<semaphore_mem>>) {add = true}
      %dma_wait3A_500 = arith.constant 2 : i32
      %dma_wait3A_501 = arith.constant 0 : i32
      %dma_wait3A_502 = tpu.memref_slice %arg9[%dma_wait3A_500, %dma_wait3A_501] : memref<8x128xi32, #tpu.memory_space<vmem>> -> memref<1x128xi32, #tpu.memory_space<vmem>>
      %dma_wait3A_503 = tpu.memref_squeeze %dma_wait3A_502 : memref<1x128xi32, #tpu.memory_space<vmem>> -> memref<128xi32, #tpu.memory_space<vmem>>
      %dma_wait3A_504 = arith.constant 0 : i32
      %dma_wait3A_505 = tpu.memref_slice %arg8[%dma_wait3A_504] : memref<10240xf32, #tpu.memory_space<vmem_shared>> -> memref<10240xf32, #tpu.memory_space<vmem_shared>>
      tpu.wait_indirect_dma semaphore(%arg21 : memref<!tpu.dma_semaphore, #tpu.memory_space<semaphore_mem>>) src(%arg15 : memref<128xf32, #tpu.memory_space<vmem>>) dst(%dma_wait3A_505 : memref<10240xf32, #tpu.memory_space<vmem_shared>>)
      %dma_start3A_506 = arith.constant 4 : i32
      %dma_start3A_507 = arith.constant 0 : i32
      %dma_start3A_508 = tpu.memref_slice %arg9[%dma_start3A_506, %dma_start3A_507] : memref<8x128xi32, #tpu.memory_space<vmem>> -> memref<1x128xi32, #tpu.memory_space<vmem>>
      %dma_start3A_509 = tpu.memref_squeeze %dma_start3A_508 : memref<1x128xi32, #tpu.memory_space<vmem>> -> memref<128xi32, #tpu.memory_space<vmem>>
      %dma_start3A_510 = arith.constant 0 : i32
      %dma_start3A_511 = tpu.memref_slice %arg8[%dma_start3A_510] : memref<10240xf32, #tpu.memory_space<vmem_shared>> -> memref<10240xf32, #tpu.memory_space<vmem_shared>>
      tpu.enqueue_indirect_dma source(%arg15 : memref<128xf32, #tpu.memory_space<vmem>>) target(%dma_start3A_511 : memref<10240xf32, #tpu.memory_space<vmem_shared>>) offsets(%dma_start3A_509 : memref<128xi32, #tpu.memory_space<vmem>>) semaphore(%arg21 : memref<!tpu.dma_semaphore, #tpu.memory_space<semaphore_mem>>) {add = true}
      %dma_wait3A_512 = arith.constant 3 : i32
      %dma_wait3A_513 = arith.constant 0 : i32
      %dma_wait3A_514 = tpu.memref_slice %arg9[%dma_wait3A_512, %dma_wait3A_513] : memref<8x128xi32, #tpu.memory_space<vmem>> -> memref<1x128xi32, #tpu.memory_space<vmem>>
      %dma_wait3A_515 = tpu.memref_squeeze %dma_wait3A_514 : memref<1x128xi32, #tpu.memory_space<vmem>> -> memref<128xi32, #tpu.memory_space<vmem>>
      %dma_wait3A_516 = arith.constant 0 : i32
      %dma_wait3A_517 = arith.constant 0 : i32
      %dma_wait3A_518 = tpu.memref_slice %arg7[%dma_wait3A_516, %dma_wait3A_517] : memref<10240x128xf32, #tpu.memory_space<vmem_shared>> -> memref<10240x128xf32, #tpu.memory_space<vmem_shared>>
      tpu.wait_indirect_dma semaphore(%arg20 : memref<!tpu.dma_semaphore, #tpu.memory_space<semaphore_mem>>) src(%arg14 : memref<128x128xf32, #tpu.memory_space<vmem>>) dst(%dma_wait3A_518 : memref<10240x128xf32, #tpu.memory_space<vmem_shared>>)
      %dma_start3A_519 = arith.constant 5 : i32
      %dma_start3A_520 = arith.constant 0 : i32
      %dma_start3A_521 = tpu.memref_slice %arg10[%dma_start3A_519, %dma_start3A_520] : memref<8x128xi32, #tpu.memory_space<vmem>> -> memref<1x128xi32, #tpu.memory_space<vmem>>
      %dma_start3A_522 = tpu.memref_squeeze %dma_start3A_521 : memref<1x128xi32, #tpu.memory_space<vmem>> -> memref<128xi32, #tpu.memory_space<vmem>>
      %dma_start3A_523 = arith.constant 0 : i32
      %dma_start3A_524 = arith.constant 0 : i32
      %dma_start3A_525 = tpu.memref_slice %arg2[%dma_start3A_523, %dma_start3A_524] : memref<10000x128xf32, #tpu.memory_space<hbm>> -> memref<10000x128xf32, #tpu.memory_space<hbm>>
      tpu.enqueue_indirect_dma source(%dma_start3A_525 : memref<10000x128xf32, #tpu.memory_space<hbm>>) target(%arg14 : memref<128x128xf32, #tpu.memory_space<vmem>>) offsets(%dma_start3A_522 : memref<128xi32, #tpu.memory_space<vmem>>) semaphore(%arg18 : memref<!tpu.dma_semaphore, #tpu.memory_space<semaphore_mem>>)
      %dma_wait3A_526 = arith.constant 5 : i32
      %dma_wait3A_527 = arith.constant 0 : i32
      %dma_wait3A_528 = tpu.memref_slice %arg10[%dma_wait3A_526, %dma_wait3A_527] : memref<8x128xi32, #tpu.memory_space<vmem>> -> memref<1x128xi32, #tpu.memory_space<vmem>>
      %dma_wait3A_529 = tpu.memref_squeeze %dma_wait3A_528 : memref<1x128xi32, #tpu.memory_space<vmem>> -> memref<128xi32, #tpu.memory_space<vmem>>
      %dma_wait3A_530 = arith.constant 0 : i32
      %dma_wait3A_531 = arith.constant 0 : i32
      %dma_wait3A_532 = tpu.memref_slice %arg2[%dma_wait3A_530, %dma_wait3A_531] : memref<10000x128xf32, #tpu.memory_space<hbm>> -> memref<10000x128xf32, #tpu.memory_space<hbm>>
      tpu.wait_indirect_dma semaphore(%arg18 : memref<!tpu.dma_semaphore, #tpu.memory_space<semaphore_mem>>) src(%dma_wait3A_532 : memref<10000x128xf32, #tpu.memory_space<hbm>>) dst(%arg14 : memref<128x128xf32, #tpu.memory_space<vmem>>)
      %dma_start3A_533 = arith.constant 5 : i32
      %dma_start3A_534 = arith.constant 0 : i32
      %dma_start3A_535 = tpu.memref_slice %arg9[%dma_start3A_533, %dma_start3A_534] : memref<8x128xi32, #tpu.memory_space<vmem>> -> memref<1x128xi32, #tpu.memory_space<vmem>>
      %dma_start3A_536 = tpu.memref_squeeze %dma_start3A_535 : memref<1x128xi32, #tpu.memory_space<vmem>> -> memref<128xi32, #tpu.memory_space<vmem>>
      %dma_start3A_537 = arith.constant 0 : i32
      %dma_start3A_538 = arith.constant 0 : i32
      %dma_start3A_539 = tpu.memref_slice %arg7[%dma_start3A_537, %dma_start3A_538] : memref<10240x128xf32, #tpu.memory_space<vmem_shared>> -> memref<10240x128xf32, #tpu.memory_space<vmem_shared>>
      tpu.enqueue_indirect_dma source(%arg14 : memref<128x128xf32, #tpu.memory_space<vmem>>) target(%dma_start3A_539 : memref<10240x128xf32, #tpu.memory_space<vmem_shared>>) offsets(%dma_start3A_536 : memref<128xi32, #tpu.memory_space<vmem>>) semaphore(%arg20 : memref<!tpu.dma_semaphore, #tpu.memory_space<semaphore_mem>>) {add = true}
      %dma_wait3A_540 = arith.constant 3 : i32
      %dma_wait3A_541 = arith.constant 0 : i32
      %dma_wait3A_542 = tpu.memref_slice %arg9[%dma_wait3A_540, %dma_wait3A_541] : memref<8x128xi32, #tpu.memory_space<vmem>> -> memref<1x128xi32, #tpu.memory_space<vmem>>
      %dma_wait3A_543 = tpu.memref_squeeze %dma_wait3A_542 : memref<1x128xi32, #tpu.memory_space<vmem>> -> memref<128xi32, #tpu.memory_space<vmem>>
      %dma_wait3A_544 = arith.constant 0 : i32
      %dma_wait3A_545 = tpu.memref_slice %arg8[%dma_wait3A_544] : memref<10240xf32, #tpu.memory_space<vmem_shared>> -> memref<10240xf32, #tpu.memory_space<vmem_shared>>
      tpu.wait_indirect_dma semaphore(%arg21 : memref<!tpu.dma_semaphore, #tpu.memory_space<semaphore_mem>>) src(%arg15 : memref<128xf32, #tpu.memory_space<vmem>>) dst(%dma_wait3A_545 : memref<10240xf32, #tpu.memory_space<vmem_shared>>)
      %dma_start3A_546 = arith.constant 5 : i32
      %dma_start3A_547 = arith.constant 0 : i32
      %dma_start3A_548 = tpu.memref_slice %arg9[%dma_start3A_546, %dma_start3A_547] : memref<8x128xi32, #tpu.memory_space<vmem>> -> memref<1x128xi32, #tpu.memory_space<vmem>>
      %dma_start3A_549 = tpu.memref_squeeze %dma_start3A_548 : memref<1x128xi32, #tpu.memory_space<vmem>> -> memref<128xi32, #tpu.memory_space<vmem>>
      %dma_start3A_550 = arith.constant 0 : i32
      %dma_start3A_551 = tpu.memref_slice %arg8[%dma_start3A_550] : memref<10240xf32, #tpu.memory_space<vmem_shared>> -> memref<10240xf32, #tpu.memory_space<vmem_shared>>
      tpu.enqueue_indirect_dma source(%arg15 : memref<128xf32, #tpu.memory_space<vmem>>) target(%dma_start3A_551 : memref<10240xf32, #tpu.memory_space<vmem_shared>>) offsets(%dma_start3A_549 : memref<128xi32, #tpu.memory_space<vmem>>) semaphore(%arg21 : memref<!tpu.dma_semaphore, #tpu.memory_space<semaphore_mem>>) {add = true}
      %dma_wait3A_552 = arith.constant 4 : i32
      %dma_wait3A_553 = arith.constant 0 : i32
      %dma_wait3A_554 = tpu.memref_slice %arg9[%dma_wait3A_552, %dma_wait3A_553] : memref<8x128xi32, #tpu.memory_space<vmem>> -> memref<1x128xi32, #tpu.memory_space<vmem>>
      %dma_wait3A_555 = tpu.memref_squeeze %dma_wait3A_554 : memref<1x128xi32, #tpu.memory_space<vmem>> -> memref<128xi32, #tpu.memory_space<vmem>>
      %dma_wait3A_556 = arith.constant 0 : i32
      %dma_wait3A_557 = arith.constant 0 : i32
      %dma_wait3A_558 = tpu.memref_slice %arg7[%dma_wait3A_556, %dma_wait3A_557] : memref<10240x128xf32, #tpu.memory_space<vmem_shared>> -> memref<10240x128xf32, #tpu.memory_space<vmem_shared>>
      tpu.wait_indirect_dma semaphore(%arg19 : memref<!tpu.dma_semaphore, #tpu.memory_space<semaphore_mem>>) src(%arg13 : memref<128x128xf32, #tpu.memory_space<vmem>>) dst(%dma_wait3A_558 : memref<10240x128xf32, #tpu.memory_space<vmem_shared>>)
      %dma_start3A_559 = arith.constant 6 : i32
      %dma_start3A_560 = arith.constant 0 : i32
      %dma_start3A_561 = tpu.memref_slice %arg10[%dma_start3A_559, %dma_start3A_560] : memref<8x128xi32, #tpu.memory_space<vmem>> -> memref<1x128xi32, #tpu.memory_space<vmem>>
      %dma_start3A_562 = tpu.memref_squeeze %dma_start3A_561 : memref<1x128xi32, #tpu.memory_space<vmem>> -> memref<128xi32, #tpu.memory_space<vmem>>
      %dma_start3A_563 = arith.constant 0 : i32
      %dma_start3A_564 = arith.constant 0 : i32
      %dma_start3A_565 = tpu.memref_slice %arg2[%dma_start3A_563, %dma_start3A_564] : memref<10000x128xf32, #tpu.memory_space<hbm>> -> memref<10000x128xf32, #tpu.memory_space<hbm>>
      tpu.enqueue_indirect_dma source(%dma_start3A_565 : memref<10000x128xf32, #tpu.memory_space<hbm>>) target(%arg13 : memref<128x128xf32, #tpu.memory_space<vmem>>) offsets(%dma_start3A_562 : memref<128xi32, #tpu.memory_space<vmem>>) semaphore(%arg17 : memref<!tpu.dma_semaphore, #tpu.memory_space<semaphore_mem>>)
      %dma_wait3A_566 = arith.constant 6 : i32
      %dma_wait3A_567 = arith.constant 0 : i32
      %dma_wait3A_568 = tpu.memref_slice %arg10[%dma_wait3A_566, %dma_wait3A_567] : memref<8x128xi32, #tpu.memory_space<vmem>> -> memref<1x128xi32, #tpu.memory_space<vmem>>
      %dma_wait3A_569 = tpu.memref_squeeze %dma_wait3A_568 : memref<1x128xi32, #tpu.memory_space<vmem>> -> memref<128xi32, #tpu.memory_space<vmem>>
      %dma_wait3A_570 = arith.constant 0 : i32
      %dma_wait3A_571 = arith.constant 0 : i32
      %dma_wait3A_572 = tpu.memref_slice %arg2[%dma_wait3A_570, %dma_wait3A_571] : memref<10000x128xf32, #tpu.memory_space<hbm>> -> memref<10000x128xf32, #tpu.memory_space<hbm>>
      tpu.wait_indirect_dma semaphore(%arg17 : memref<!tpu.dma_semaphore, #tpu.memory_space<semaphore_mem>>) src(%dma_wait3A_572 : memref<10000x128xf32, #tpu.memory_space<hbm>>) dst(%arg13 : memref<128x128xf32, #tpu.memory_space<vmem>>)
      %dma_start3A_573 = arith.constant 6 : i32
      %dma_start3A_574 = arith.constant 0 : i32
      %dma_start3A_575 = tpu.memref_slice %arg9[%dma_start3A_573, %dma_start3A_574] : memref<8x128xi32, #tpu.memory_space<vmem>> -> memref<1x128xi32, #tpu.memory_space<vmem>>
      %dma_start3A_576 = tpu.memref_squeeze %dma_start3A_575 : memref<1x128xi32, #tpu.memory_space<vmem>> -> memref<128xi32, #tpu.memory_space<vmem>>
      %dma_start3A_577 = arith.constant 0 : i32
      %dma_start3A_578 = arith.constant 0 : i32
      %dma_start3A_579 = tpu.memref_slice %arg7[%dma_start3A_577, %dma_start3A_578] : memref<10240x128xf32, #tpu.memory_space<vmem_shared>> -> memref<10240x128xf32, #tpu.memory_space<vmem_shared>>
      tpu.enqueue_indirect_dma source(%arg13 : memref<128x128xf32, #tpu.memory_space<vmem>>) target(%dma_start3A_579 : memref<10240x128xf32, #tpu.memory_space<vmem_shared>>) offsets(%dma_start3A_576 : memref<128xi32, #tpu.memory_space<vmem>>) semaphore(%arg19 : memref<!tpu.dma_semaphore, #tpu.memory_space<semaphore_mem>>) {add = true}
      %dma_wait3A_580 = arith.constant 4 : i32
      %dma_wait3A_581 = arith.constant 0 : i32
      %dma_wait3A_582 = tpu.memref_slice %arg9[%dma_wait3A_580, %dma_wait3A_581] : memref<8x128xi32, #tpu.memory_space<vmem>> -> memref<1x128xi32, #tpu.memory_space<vmem>>
      %dma_wait3A_583 = tpu.memref_squeeze %dma_wait3A_582 : memref<1x128xi32, #tpu.memory_space<vmem>> -> memref<128xi32, #tpu.memory_space<vmem>>
      %dma_wait3A_584 = arith.constant 0 : i32
      %dma_wait3A_585 = tpu.memref_slice %arg8[%dma_wait3A_584] : memref<10240xf32, #tpu.memory_space<vmem_shared>> -> memref<10240xf32, #tpu.memory_space<vmem_shared>>
      tpu.wait_indirect_dma semaphore(%arg21 : memref<!tpu.dma_semaphore, #tpu.memory_space<semaphore_mem>>) src(%arg15 : memref<128xf32, #tpu.memory_space<vmem>>) dst(%dma_wait3A_585 : memref<10240xf32, #tpu.memory_space<vmem_shared>>)
      %dma_start3A_586 = arith.constant 6 : i32
      %dma_start3A_587 = arith.constant 0 : i32
      %dma_start3A_588 = tpu.memref_slice %arg9[%dma_start3A_586, %dma_start3A_587] : memref<8x128xi32, #tpu.memory_space<vmem>> -> memref<1x128xi32, #tpu.memory_space<vmem>>
      %dma_start3A_589 = tpu.memref_squeeze %dma_start3A_588 : memref<1x128xi32, #tpu.memory_space<vmem>> -> memref<128xi32, #tpu.memory_space<vmem>>
      %dma_start3A_590 = arith.constant 0 : i32
      %dma_start3A_591 = tpu.memref_slice %arg8[%dma_start3A_590] : memref<10240xf32, #tpu.memory_space<vmem_shared>> -> memref<10240xf32, #tpu.memory_space<vmem_shared>>
      tpu.enqueue_indirect_dma source(%arg15 : memref<128xf32, #tpu.memory_space<vmem>>) target(%dma_start3A_591 : memref<10240xf32, #tpu.memory_space<vmem_shared>>) offsets(%dma_start3A_589 : memref<128xi32, #tpu.memory_space<vmem>>) semaphore(%arg21 : memref<!tpu.dma_semaphore, #tpu.memory_space<semaphore_mem>>) {add = true}
      %dma_wait3A_592 = arith.constant 5 : i32
      %dma_wait3A_593 = arith.constant 0 : i32
      %dma_wait3A_594 = tpu.memref_slice %arg9[%dma_wait3A_592, %dma_wait3A_593] : memref<8x128xi32, #tpu.memory_space<vmem>> -> memref<1x128xi32, #tpu.memory_space<vmem>>
      %dma_wait3A_595 = tpu.memref_squeeze %dma_wait3A_594 : memref<1x128xi32, #tpu.memory_space<vmem>> -> memref<128xi32, #tpu.memory_space<vmem>>
      %dma_wait3A_596 = arith.constant 0 : i32
      %dma_wait3A_597 = arith.constant 0 : i32
      %dma_wait3A_598 = tpu.memref_slice %arg7[%dma_wait3A_596, %dma_wait3A_597] : memref<10240x128xf32, #tpu.memory_space<vmem_shared>> -> memref<10240x128xf32, #tpu.memory_space<vmem_shared>>
      tpu.wait_indirect_dma semaphore(%arg20 : memref<!tpu.dma_semaphore, #tpu.memory_space<semaphore_mem>>) src(%arg14 : memref<128x128xf32, #tpu.memory_space<vmem>>) dst(%dma_wait3A_598 : memref<10240x128xf32, #tpu.memory_space<vmem_shared>>)
      %dma_wait3A_599 = arith.constant 0 : i32
      %dma_wait3A_600 = arith.constant 0 : i32
      %dma_wait3A_601 = tpu.memref_slice %arg3[%add3A, %dma_wait3A_599, %dma_wait3A_600] : memref<32x80x128xi32, #tpu.memory_space<hbm>> -> memref<1x80x128xi32, #tpu.memory_space<hbm>>
      %dma_wait3A_602 = tpu.memref_squeeze %dma_wait3A_601 : memref<1x80x128xi32, #tpu.memory_space<hbm>> -> memref<80x128xi32, #tpu.memory_space<hbm>>
      %dma_wait3A_603 = arith.constant 0 : i32
      %dma_wait3A_604 = arith.constant 0 : i32
      %dma_wait3A_605 = tpu.memref_slice %dma_wait3A_602[%dma_wait3A_603, %dma_wait3A_604] : memref<80x128xi32, #tpu.memory_space<hbm>> -> memref<8x128xi32, #tpu.memory_space<hbm>>
      %dma_wait3A_606 = arith.constant 0 : i32
      %dma_wait3A_607 = arith.constant 0 : i32
      %dma_wait3A_608 = tpu.memref_slice %arg3[%add3A, %dma_wait3A_606, %dma_wait3A_607] : memref<32x80x128xi32, #tpu.memory_space<hbm>> -> memref<1x80x128xi32, #tpu.memory_space<hbm>>
      %dma_wait3A_609 = tpu.memref_squeeze %dma_wait3A_608 : memref<1x80x128xi32, #tpu.memory_space<hbm>> -> memref<80x128xi32, #tpu.memory_space<hbm>>
      %dma_wait3A_610 = arith.constant 0 : i32
      %dma_wait3A_611 = arith.constant 0 : i32
      %dma_wait3A_612 = tpu.memref_slice %dma_wait3A_609[%dma_wait3A_610, %dma_wait3A_611] : memref<80x128xi32, #tpu.memory_space<hbm>> -> memref<8x128xi32, #tpu.memory_space<hbm>>
      tpu.wait_dma2 semaphore(%arg23 : memref<!tpu.dma_semaphore, #tpu.memory_space<semaphore_mem>>) src(%dma_wait3A_612 : memref<8x128xi32, #tpu.memory_space<hbm>>) dst(%arg11 : memref<8x128xi32, #tpu.memory_space<vmem>>)
      %dma_wait3A_613 = arith.constant 0 : i32
      %dma_wait3A_614 = arith.constant 0 : i32
      %dma_wait3A_615 = tpu.memref_slice %arg4[%add3A, %dma_wait3A_613, %dma_wait3A_614] : memref<32x80x128xi32, #tpu.memory_space<hbm>> -> memref<1x80x128xi32, #tpu.memory_space<hbm>>
      %dma_wait3A_616 = tpu.memref_squeeze %dma_wait3A_615 : memref<1x80x128xi32, #tpu.memory_space<hbm>> -> memref<80x128xi32, #tpu.memory_space<hbm>>
      %dma_wait3A_617 = arith.constant 0 : i32
      %dma_wait3A_618 = arith.constant 0 : i32
      %dma_wait3A_619 = tpu.memref_slice %dma_wait3A_616[%dma_wait3A_617, %dma_wait3A_618] : memref<80x128xi32, #tpu.memory_space<hbm>> -> memref<8x128xi32, #tpu.memory_space<hbm>>
      %dma_wait3A_620 = arith.constant 0 : i32
      %dma_wait3A_621 = arith.constant 0 : i32
      %dma_wait3A_622 = tpu.memref_slice %arg4[%add3A, %dma_wait3A_620, %dma_wait3A_621] : memref<32x80x128xi32, #tpu.memory_space<hbm>> -> memref<1x80x128xi32, #tpu.memory_space<hbm>>
      %dma_wait3A_623 = tpu.memref_squeeze %dma_wait3A_622 : memref<1x80x128xi32, #tpu.memory_space<hbm>> -> memref<80x128xi32, #tpu.memory_space<hbm>>
      %dma_wait3A_624 = arith.constant 0 : i32
      %dma_wait3A_625 = arith.constant 0 : i32
      %dma_wait3A_626 = tpu.memref_slice %dma_wait3A_623[%dma_wait3A_624, %dma_wait3A_625] : memref<80x128xi32, #tpu.memory_space<hbm>> -> memref<8x128xi32, #tpu.memory_space<hbm>>
      tpu.wait_dma2 semaphore(%arg23 : memref<!tpu.dma_semaphore, #tpu.memory_space<semaphore_mem>>) src(%dma_wait3A_626 : memref<8x128xi32, #tpu.memory_space<hbm>>) dst(%arg12 : memref<8x128xi32, #tpu.memory_space<vmem>>)
      %dma_start3A_627 = arith.constant 7 : i32
      %dma_start3A_628 = arith.constant 0 : i32
      %dma_start3A_629 = tpu.memref_slice %arg10[%dma_start3A_627, %dma_start3A_628] : memref<8x128xi32, #tpu.memory_space<vmem>> -> memref<1x128xi32, #tpu.memory_space<vmem>>
      %dma_start3A_630 = tpu.memref_squeeze %dma_start3A_629 : memref<1x128xi32, #tpu.memory_space<vmem>> -> memref<128xi32, #tpu.memory_space<vmem>>
      %dma_start3A_631 = arith.constant 0 : i32
      %dma_start3A_632 = arith.constant 0 : i32
      %dma_start3A_633 = tpu.memref_slice %arg2[%dma_start3A_631, %dma_start3A_632] : memref<10000x128xf32, #tpu.memory_space<hbm>> -> memref<10000x128xf32, #tpu.memory_space<hbm>>
      tpu.enqueue_indirect_dma source(%dma_start3A_633 : memref<10000x128xf32, #tpu.memory_space<hbm>>) target(%arg14 : memref<128x128xf32, #tpu.memory_space<vmem>>) offsets(%dma_start3A_630 : memref<128xi32, #tpu.memory_space<vmem>>) semaphore(%arg18 : memref<!tpu.dma_semaphore, #tpu.memory_space<semaphore_mem>>)
      %dma_wait3A_634 = arith.constant 7 : i32
      %dma_wait3A_635 = arith.constant 0 : i32
      %dma_wait3A_636 = tpu.memref_slice %arg10[%dma_wait3A_634, %dma_wait3A_635] : memref<8x128xi32, #tpu.memory_space<vmem>> -> memref<1x128xi32, #tpu.memory_space<vmem>>
      %dma_wait3A_637 = tpu.memref_squeeze %dma_wait3A_636 : memref<1x128xi32, #tpu.memory_space<vmem>> -> memref<128xi32, #tpu.memory_space<vmem>>
      %dma_wait3A_638 = arith.constant 0 : i32
      %dma_wait3A_639 = arith.constant 0 : i32
      %dma_wait3A_640 = tpu.memref_slice %arg2[%dma_wait3A_638, %dma_wait3A_639] : memref<10000x128xf32, #tpu.memory_space<hbm>> -> memref<10000x128xf32, #tpu.memory_space<hbm>>
      tpu.wait_indirect_dma semaphore(%arg18 : memref<!tpu.dma_semaphore, #tpu.memory_space<semaphore_mem>>) src(%dma_wait3A_640 : memref<10000x128xf32, #tpu.memory_space<hbm>>) dst(%arg14 : memref<128x128xf32, #tpu.memory_space<vmem>>)
      %dma_start3A_641 = arith.constant 7 : i32
      %dma_start3A_642 = arith.constant 0 : i32
      %dma_start3A_643 = tpu.memref_slice %arg9[%dma_start3A_641, %dma_start3A_642] : memref<8x128xi32, #tpu.memory_space<vmem>> -> memref<1x128xi32, #tpu.memory_space<vmem>>
      %dma_start3A_644 = tpu.memref_squeeze %dma_start3A_643 : memref<1x128xi32, #tpu.memory_space<vmem>> -> memref<128xi32, #tpu.memory_space<vmem>>
      %dma_start3A_645 = arith.constant 0 : i32
      %dma_start3A_646 = arith.constant 0 : i32
      %dma_start3A_647 = tpu.memref_slice %arg7[%dma_start3A_645, %dma_start3A_646] : memref<10240x128xf32, #tpu.memory_space<vmem_shared>> -> memref<10240x128xf32, #tpu.memory_space<vmem_shared>>
      tpu.enqueue_indirect_dma source(%arg14 : memref<128x128xf32, #tpu.memory_space<vmem>>) target(%dma_start3A_647 : memref<10240x128xf32, #tpu.memory_space<vmem_shared>>) offsets(%dma_start3A_644 : memref<128xi32, #tpu.memory_space<vmem>>) semaphore(%arg20 : memref<!tpu.dma_semaphore, #tpu.memory_space<semaphore_mem>>) {add = true}
      %dma_wait3A_648 = arith.constant 5 : i32
      %dma_wait3A_649 = arith.constant 0 : i32
      %dma_wait3A_650 = tpu.memref_slice %arg9[%dma_wait3A_648, %dma_wait3A_649] : memref<8x128xi32, #tpu.memory_space<vmem>> -> memref<1x128xi32, #tpu.memory_space<vmem>>
      %dma_wait3A_651 = tpu.memref_squeeze %dma_wait3A_650 : memref<1x128xi32, #tpu.memory_space<vmem>> -> memref<128xi32, #tpu.memory_space<vmem>>
      %dma_wait3A_652 = arith.constant 0 : i32
      %dma_wait3A_653 = tpu.memref_slice %arg8[%dma_wait3A_652] : memref<10240xf32, #tpu.memory_space<vmem_shared>> -> memref<10240xf32, #tpu.memory_space<vmem_shared>>
      tpu.wait_indirect_dma semaphore(%arg21 : memref<!tpu.dma_semaphore, #tpu.memory_space<semaphore_mem>>) src(%arg15 : memref<128xf32, #tpu.memory_space<vmem>>) dst(%dma_wait3A_653 : memref<10240xf32, #tpu.memory_space<vmem_shared>>)
      %dma_start3A_654 = arith.constant 7 : i32
      %dma_start3A_655 = arith.constant 0 : i32
      %dma_start3A_656 = tpu.memref_slice %arg9[%dma_start3A_654, %dma_start3A_655] : memref<8x128xi32, #tpu.memory_space<vmem>> -> memref<1x128xi32, #tpu.memory_space<vmem>>
      %dma_start3A_657 = tpu.memref_squeeze %dma_start3A_656 : memref<1x128xi32, #tpu.memory_space<vmem>> -> memref<128xi32, #tpu.memory_space<vmem>>
      %dma_start3A_658 = arith.constant 0 : i32
      %dma_start3A_659 = tpu.memref_slice %arg8[%dma_start3A_658] : memref<10240xf32, #tpu.memory_space<vmem_shared>> -> memref<10240xf32, #tpu.memory_space<vmem_shared>>
      tpu.enqueue_indirect_dma source(%arg15 : memref<128xf32, #tpu.memory_space<vmem>>) target(%dma_start3A_659 : memref<10240xf32, #tpu.memory_space<vmem_shared>>) offsets(%dma_start3A_657 : memref<128xi32, #tpu.memory_space<vmem>>) semaphore(%arg21 : memref<!tpu.dma_semaphore, #tpu.memory_space<semaphore_mem>>) {add = true}
      %dma_wait3A_660 = arith.constant 6 : i32
      %dma_wait3A_661 = arith.constant 0 : i32
      %dma_wait3A_662 = tpu.memref_slice %arg9[%dma_wait3A_660, %dma_wait3A_661] : memref<8x128xi32, #tpu.memory_space<vmem>> -> memref<1x128xi32, #tpu.memory_space<vmem>>
      %dma_wait3A_663 = tpu.memref_squeeze %dma_wait3A_662 : memref<1x128xi32, #tpu.memory_space<vmem>> -> memref<128xi32, #tpu.memory_space<vmem>>
      %dma_wait3A_664 = arith.constant 0 : i32
      %dma_wait3A_665 = arith.constant 0 : i32
      %dma_wait3A_666 = tpu.memref_slice %arg7[%dma_wait3A_664, %dma_wait3A_665] : memref<10240x128xf32, #tpu.memory_space<vmem_shared>> -> memref<10240x128xf32, #tpu.memory_space<vmem_shared>>
      tpu.wait_indirect_dma semaphore(%arg19 : memref<!tpu.dma_semaphore, #tpu.memory_space<semaphore_mem>>) src(%arg13 : memref<128x128xf32, #tpu.memory_space<vmem>>) dst(%dma_wait3A_666 : memref<10240x128xf32, #tpu.memory_space<vmem_shared>>)
      %dma_start3A_667 = arith.constant 0 : i32
      %dma_start3A_668 = arith.constant 0 : i32
      %dma_start3A_669 = tpu.memref_slice %arg12[%dma_start3A_667, %dma_start3A_668] : memref<8x128xi32, #tpu.memory_space<vmem>> -> memref<1x128xi32, #tpu.memory_space<vmem>>
      %dma_start3A_670 = tpu.memref_squeeze %dma_start3A_669 : memref<1x128xi32, #tpu.memory_space<vmem>> -> memref<128xi32, #tpu.memory_space<vmem>>
      %dma_start3A_671 = arith.constant 0 : i32
      %dma_start3A_672 = arith.constant 0 : i32
      %dma_start3A_673 = tpu.memref_slice %arg2[%dma_start3A_671, %dma_start3A_672] : memref<10000x128xf32, #tpu.memory_space<hbm>> -> memref<10000x128xf32, #tpu.memory_space<hbm>>
      tpu.enqueue_indirect_dma source(%dma_start3A_673 : memref<10000x128xf32, #tpu.memory_space<hbm>>) target(%arg13 : memref<128x128xf32, #tpu.memory_space<vmem>>) offsets(%dma_start3A_670 : memref<128xi32, #tpu.memory_space<vmem>>) semaphore(%arg17 : memref<!tpu.dma_semaphore, #tpu.memory_space<semaphore_mem>>)
      %dma_wait3A_674 = arith.constant 0 : i32
      %dma_wait3A_675 = arith.constant 0 : i32
      %dma_wait3A_676 = tpu.memref_slice %arg12[%dma_wait3A_674, %dma_wait3A_675] : memref<8x128xi32, #tpu.memory_space<vmem>> -> memref<1x128xi32, #tpu.memory_space<vmem>>
      %dma_wait3A_677 = tpu.memref_squeeze %dma_wait3A_676 : memref<1x128xi32, #tpu.memory_space<vmem>> -> memref<128xi32, #tpu.memory_space<vmem>>
      %dma_wait3A_678 = arith.constant 0 : i32
      %dma_wait3A_679 = arith.constant 0 : i32
      %dma_wait3A_680 = tpu.memref_slice %arg2[%dma_wait3A_678, %dma_wait3A_679] : memref<10000x128xf32, #tpu.memory_space<hbm>> -> memref<10000x128xf32, #tpu.memory_space<hbm>>
      tpu.wait_indirect_dma semaphore(%arg17 : memref<!tpu.dma_semaphore, #tpu.memory_space<semaphore_mem>>) src(%dma_wait3A_680 : memref<10000x128xf32, #tpu.memory_space<hbm>>) dst(%arg13 : memref<128x128xf32, #tpu.memory_space<vmem>>)
      %dma_start3A_681 = arith.constant 0 : i32
      %dma_start3A_682 = arith.constant 0 : i32
      %dma_start3A_683 = tpu.memref_slice %arg11[%dma_start3A_681, %dma_start3A_682] : memref<8x128xi32, #tpu.memory_space<vmem>> -> memref<1x128xi32, #tpu.memory_space<vmem>>
      %dma_start3A_684 = tpu.memref_squeeze %dma_start3A_683 : memref<1x128xi32, #tpu.memory_space<vmem>> -> memref<128xi32, #tpu.memory_space<vmem>>
      %dma_start3A_685 = arith.constant 0 : i32
      %dma_start3A_686 = arith.constant 0 : i32
      %dma_start3A_687 = tpu.memref_slice %arg7[%dma_start3A_685, %dma_start3A_686] : memref<10240x128xf32, #tpu.memory_space<vmem_shared>> -> memref<10240x128xf32, #tpu.memory_space<vmem_shared>>
      tpu.enqueue_indirect_dma source(%arg13 : memref<128x128xf32, #tpu.memory_space<vmem>>) target(%dma_start3A_687 : memref<10240x128xf32, #tpu.memory_space<vmem_shared>>) offsets(%dma_start3A_684 : memref<128xi32, #tpu.memory_space<vmem>>) semaphore(%arg19 : memref<!tpu.dma_semaphore, #tpu.memory_space<semaphore_mem>>) {add = true}
      %dma_wait3A_688 = arith.constant 6 : i32
      %dma_wait3A_689 = arith.constant 0 : i32
      %dma_wait3A_690 = tpu.memref_slice %arg9[%dma_wait3A_688, %dma_wait3A_689] : memref<8x128xi32, #tpu.memory_space<vmem>> -> memref<1x128xi32, #tpu.memory_space<vmem>>
      %dma_wait3A_691 = tpu.memref_squeeze %dma_wait3A_690 : memref<1x128xi32, #tpu.memory_space<vmem>> -> memref<128xi32, #tpu.memory_space<vmem>>
      %dma_wait3A_692 = arith.constant 0 : i32
      %dma_wait3A_693 = tpu.memref_slice %arg8[%dma_wait3A_692] : memref<10240xf32, #tpu.memory_space<vmem_shared>> -> memref<10240xf32, #tpu.memory_space<vmem_shared>>
      tpu.wait_indirect_dma semaphore(%arg21 : memref<!tpu.dma_semaphore, #tpu.memory_space<semaphore_mem>>) src(%arg15 : memref<128xf32, #tpu.memory_space<vmem>>) dst(%dma_wait3A_693 : memref<10240xf32, #tpu.memory_space<vmem_shared>>)
      %dma_start3A_694 = arith.constant 0 : i32
      %dma_start3A_695 = arith.constant 0 : i32
      %dma_start3A_696 = tpu.memref_slice %arg11[%dma_start3A_694, %dma_start3A_695] : memref<8x128xi32, #tpu.memory_space<vmem>> -> memref<1x128xi32, #tpu.memory_space<vmem>>
      %dma_start3A_697 = tpu.memref_squeeze %dma_start3A_696 : memref<1x128xi32, #tpu.memory_space<vmem>> -> memref<128xi32, #tpu.memory_space<vmem>>
      %dma_start3A_698 = arith.constant 0 : i32
      %dma_start3A_699 = tpu.memref_slice %arg8[%dma_start3A_698] : memref<10240xf32, #tpu.memory_space<vmem_shared>> -> memref<10240xf32, #tpu.memory_space<vmem_shared>>
      tpu.enqueue_indirect_dma source(%arg15 : memref<128xf32, #tpu.memory_space<vmem>>) target(%dma_start3A_699 : memref<10240xf32, #tpu.memory_space<vmem_shared>>) offsets(%dma_start3A_697 : memref<128xi32, #tpu.memory_space<vmem>>) semaphore(%arg21 : memref<!tpu.dma_semaphore, #tpu.memory_space<semaphore_mem>>) {add = true}
      %dma_wait3A_700 = arith.constant 7 : i32
      %dma_wait3A_701 = arith.constant 0 : i32
      %dma_wait3A_702 = tpu.memref_slice %arg9[%dma_wait3A_700, %dma_wait3A_701] : memref<8x128xi32, #tpu.memory_space<vmem>> -> memref<1x128xi32, #tpu.memory_space<vmem>>
      %dma_wait3A_703 = tpu.memref_squeeze %dma_wait3A_702 : memref<1x128xi32, #tpu.memory_space<vmem>> -> memref<128xi32, #tpu.memory_space<vmem>>
      %dma_wait3A_704 = arith.constant 0 : i32
      %dma_wait3A_705 = arith.constant 0 : i32
      %dma_wait3A_706 = tpu.memref_slice %arg7[%dma_wait3A_704, %dma_wait3A_705] : memref<10240x128xf32, #tpu.memory_space<vmem_shared>> -> memref<10240x128xf32, #tpu.memory_space<vmem_shared>>
      tpu.wait_indirect_dma semaphore(%arg20 : memref<!tpu.dma_semaphore, #tpu.memory_space<semaphore_mem>>) src(%arg14 : memref<128x128xf32, #tpu.memory_space<vmem>>) dst(%dma_wait3A_706 : memref<10240x128xf32, #tpu.memory_space<vmem_shared>>)
      %dma_start3A_707 = arith.constant 1 : i32
      %dma_start3A_708 = arith.constant 0 : i32
      %dma_start3A_709 = tpu.memref_slice %arg12[%dma_start3A_707, %dma_start3A_708] : memref<8x128xi32, #tpu.memory_space<vmem>> -> memref<1x128xi32, #tpu.memory_space<vmem>>
      %dma_start3A_710 = tpu.memref_squeeze %dma_start3A_709 : memref<1x128xi32, #tpu.memory_space<vmem>> -> memref<128xi32, #tpu.memory_space<vmem>>
      %dma_start3A_711 = arith.constant 0 : i32
      %dma_start3A_712 = arith.constant 0 : i32
      %dma_start3A_713 = tpu.memref_slice %arg2[%dma_start3A_711, %dma_start3A_712] : memref<10000x128xf32, #tpu.memory_space<hbm>> -> memref<10000x128xf32, #tpu.memory_space<hbm>>
      tpu.enqueue_indirect_dma source(%dma_start3A_713 : memref<10000x128xf32, #tpu.memory_space<hbm>>) target(%arg14 : memref<128x128xf32, #tpu.memory_space<vmem>>) offsets(%dma_start3A_710 : memref<128xi32, #tpu.memory_space<vmem>>) semaphore(%arg18 : memref<!tpu.dma_semaphore, #tpu.memory_space<semaphore_mem>>)
      %dma_wait3A_714 = arith.constant 1 : i32
      %dma_wait3A_715 = arith.constant 0 : i32
      %dma_wait3A_716 = tpu.memref_slice %arg12[%dma_wait3A_714, %dma_wait3A_715] : memref<8x128xi32, #tpu.memory_space<vmem>> -> memref<1x128xi32, #tpu.memory_space<vmem>>
      %dma_wait3A_717 = tpu.memref_squeeze %dma_wait3A_716 : memref<1x128xi32, #tpu.memory_space<vmem>> -> memref<128xi32, #tpu.memory_space<vmem>>
      %dma_wait3A_718 = arith.constant 0 : i32
      %dma_wait3A_719 = arith.constant 0 : i32
      %dma_wait3A_720 = tpu.memref_slice %arg2[%dma_wait3A_718, %dma_wait3A_719] : memref<10000x128xf32, #tpu.memory_space<hbm>> -> memref<10000x128xf32, #tpu.memory_space<hbm>>
      tpu.wait_indirect_dma semaphore(%arg18 : memref<!tpu.dma_semaphore, #tpu.memory_space<semaphore_mem>>) src(%dma_wait3A_720 : memref<10000x128xf32, #tpu.memory_space<hbm>>) dst(%arg14 : memref<128x128xf32, #tpu.memory_space<vmem>>)
      %dma_start3A_721 = arith.constant 1 : i32
      %dma_start3A_722 = arith.constant 0 : i32
      %dma_start3A_723 = tpu.memref_slice %arg11[%dma_start3A_721, %dma_start3A_722] : memref<8x128xi32, #tpu.memory_space<vmem>> -> memref<1x128xi32, #tpu.memory_space<vmem>>
      %dma_start3A_724 = tpu.memref_squeeze %dma_start3A_723 : memref<1x128xi32, #tpu.memory_space<vmem>> -> memref<128xi32, #tpu.memory_space<vmem>>
      %dma_start3A_725 = arith.constant 0 : i32
      %dma_start3A_726 = arith.constant 0 : i32
      %dma_start3A_727 = tpu.memref_slice %arg7[%dma_start3A_725, %dma_start3A_726] : memref<10240x128xf32, #tpu.memory_space<vmem_shared>> -> memref<10240x128xf32, #tpu.memory_space<vmem_shared>>
      tpu.enqueue_indirect_dma source(%arg14 : memref<128x128xf32, #tpu.memory_space<vmem>>) target(%dma_start3A_727 : memref<10240x128xf32, #tpu.memory_space<vmem_shared>>) offsets(%dma_start3A_724 : memref<128xi32, #tpu.memory_space<vmem>>) semaphore(%arg20 : memref<!tpu.dma_semaphore, #tpu.memory_space<semaphore_mem>>) {add = true}
      %dma_wait3A_728 = arith.constant 7 : i32
      %dma_wait3A_729 = arith.constant 0 : i32
      %dma_wait3A_730 = tpu.memref_slice %arg9[%dma_wait3A_728, %dma_wait3A_729] : memref<8x128xi32, #tpu.memory_space<vmem>> -> memref<1x128xi32, #tpu.memory_space<vmem>>
      %dma_wait3A_731 = tpu.memref_squeeze %dma_wait3A_730 : memref<1x128xi32, #tpu.memory_space<vmem>> -> memref<128xi32, #tpu.memory_space<vmem>>
      %dma_wait3A_732 = arith.constant 0 : i32
      %dma_wait3A_733 = tpu.memref_slice %arg8[%dma_wait3A_732] : memref<10240xf32, #tpu.memory_space<vmem_shared>> -> memref<10240xf32, #tpu.memory_space<vmem_shared>>
      tpu.wait_indirect_dma semaphore(%arg21 : memref<!tpu.dma_semaphore, #tpu.memory_space<semaphore_mem>>) src(%arg15 : memref<128xf32, #tpu.memory_space<vmem>>) dst(%dma_wait3A_733 : memref<10240xf32, #tpu.memory_space<vmem_shared>>)
      %dma_start3A_734 = arith.constant 1 : i32
      %dma_start3A_735 = arith.constant 0 : i32
      %dma_start3A_736 = tpu.memref_slice %arg11[%dma_start3A_734, %dma_start3A_735] : memref<8x128xi32, #tpu.memory_space<vmem>> -> memref<1x128xi32, #tpu.memory_space<vmem>>
      %dma_start3A_737 = tpu.memref_squeeze %dma_start3A_736 : memref<1x128xi32, #tpu.memory_space<vmem>> -> memref<128xi32, #tpu.memory_space<vmem>>
      %dma_start3A_738 = arith.constant 0 : i32
      %dma_start3A_739 = tpu.memref_slice %arg8[%dma_start3A_738] : memref<10240xf32, #tpu.memory_space<vmem_shared>> -> memref<10240xf32, #tpu.memory_space<vmem_shared>>
      tpu.enqueue_indirect_dma source(%arg15 : memref<128xf32, #tpu.memory_space<vmem>>) target(%dma_start3A_739 : memref<10240xf32, #tpu.memory_space<vmem_shared>>) offsets(%dma_start3A_737 : memref<128xi32, #tpu.memory_space<vmem>>) semaphore(%arg21 : memref<!tpu.dma_semaphore, #tpu.memory_space<semaphore_mem>>) {add = true}
      %dma_wait3A_740 = arith.constant 0 : i32
      %dma_wait3A_741 = arith.constant 0 : i32
      %dma_wait3A_742 = tpu.memref_slice %arg11[%dma_wait3A_740, %dma_wait3A_741] : memref<8x128xi32, #tpu.memory_space<vmem>> -> memref<1x128xi32, #tpu.memory_space<vmem>>
      %dma_wait3A_743 = tpu.memref_squeeze %dma_wait3A_742 : memref<1x128xi32, #tpu.memory_space<vmem>> -> memref<128xi32, #tpu.memory_space<vmem>>
      %dma_wait3A_744 = arith.constant 0 : i32
      %dma_wait3A_745 = arith.constant 0 : i32
      %dma_wait3A_746 = tpu.memref_slice %arg7[%dma_wait3A_744, %dma_wait3A_745] : memref<10240x128xf32, #tpu.memory_space<vmem_shared>> -> memref<10240x128xf32, #tpu.memory_space<vmem_shared>>
      tpu.wait_indirect_dma semaphore(%arg19 : memref<!tpu.dma_semaphore, #tpu.memory_space<semaphore_mem>>) src(%arg13 : memref<128x128xf32, #tpu.memory_space<vmem>>) dst(%dma_wait3A_746 : memref<10240x128xf32, #tpu.memory_space<vmem_shared>>)
      %lt3A = arith.constant 4 : i32
      %lt3A_747 = arith.cmpi slt, %scan3A_327, %lt3A : i32
      %convert_element_type3A_748 = arith.extui %lt3A_747 : i1 to i32
      %cond3A_749 = arith.constant 0 : i32
      %cond3A_750 = arith.cmpi ne, %convert_element_type3A_748, %cond3A_749 : i32
      scf.if %cond3A_750 {
        %mul3A_1001 = arith.constant 2 : i32
        %mul3A_1002 = arith.muli %mul3A_1001, %scan3A_327 : i32
        %add3A_1003 = arith.constant 2 : i32
        %add3A_1004 = arith.addi %mul3A_1002, %add3A_1003 : i32
        %mul3A_1005 = arith.constant 8 : i32
        %mul3A_1006 = arith.muli %add3A_1004, %mul3A_1005 : i32
        %dma_start3A_1007 = arith.constant 0 : i32
        %dma_start3A_1008 = arith.constant 0 : i32
        %dma_start3A_1009 = tpu.memref_slice %arg3[%add3A, %dma_start3A_1007, %dma_start3A_1008] : memref<32x80x128xi32, #tpu.memory_space<hbm>> -> memref<1x80x128xi32, #tpu.memory_space<hbm>>
        %dma_start3A_1010 = tpu.memref_squeeze %dma_start3A_1009 : memref<1x80x128xi32, #tpu.memory_space<hbm>> -> memref<80x128xi32, #tpu.memory_space<hbm>>
        %dma_start3A_1011 = arith.constant 0 : i32
        %dma_start3A_1012 = tpu.memref_slice %dma_start3A_1010[%mul3A_1006, %dma_start3A_1011] : memref<80x128xi32, #tpu.memory_space<hbm>> -> memref<8x128xi32, #tpu.memory_space<hbm>>
        %dma_start3A_1013 = arith.constant 0 : i32
        %dma_start3A_1014 = arith.constant 0 : i32
        %dma_start3A_1015 = tpu.memref_slice %arg3[%add3A, %dma_start3A_1013, %dma_start3A_1014] : memref<32x80x128xi32, #tpu.memory_space<hbm>> -> memref<1x80x128xi32, #tpu.memory_space<hbm>>
        %dma_start3A_1016 = tpu.memref_squeeze %dma_start3A_1015 : memref<1x80x128xi32, #tpu.memory_space<hbm>> -> memref<80x128xi32, #tpu.memory_space<hbm>>
        %dma_start3A_1017 = arith.constant 0 : i32
        %dma_start3A_1018 = tpu.memref_slice %dma_start3A_1016[%mul3A_1006, %dma_start3A_1017] : memref<80x128xi32, #tpu.memory_space<hbm>> -> memref<8x128xi32, #tpu.memory_space<hbm>>
        tpu.enqueue_dma source(%dma_start3A_1018 : memref<8x128xi32, #tpu.memory_space<hbm>>) target(%arg9 : memref<8x128xi32, #tpu.memory_space<vmem>>) target_semaphore(%arg22 : memref<!tpu.dma_semaphore, #tpu.memory_space<semaphore_mem>>)
        %mul3A_1019 = arith.constant 8 : i32
        %mul3A_1020 = arith.muli %add3A_1004, %mul3A_1019 : i32
        %dma_start3A_1021 = arith.constant 0 : i32
        %dma_start3A_1022 = arith.constant 0 : i32
        %dma_start3A_1023 = tpu.memref_slice %arg4[%add3A, %dma_start3A_1021, %dma_start3A_1022] : memref<32x80x128xi32, #tpu.memory_space<hbm>> -> memref<1x80x128xi32, #tpu.memory_space<hbm>>
        %dma_start3A_1024 = tpu.memref_squeeze %dma_start3A_1023 : memref<1x80x128xi32, #tpu.memory_space<hbm>> -> memref<80x128xi32, #tpu.memory_space<hbm>>
        %dma_start3A_1025 = arith.constant 0 : i32
        %dma_start3A_1026 = tpu.memref_slice %dma_start3A_1024[%mul3A_1020, %dma_start3A_1025] : memref<80x128xi32, #tpu.memory_space<hbm>> -> memref<8x128xi32, #tpu.memory_space<hbm>>
        %dma_start3A_1027 = arith.constant 0 : i32
        %dma_start3A_1028 = arith.constant 0 : i32
        %dma_start3A_1029 = tpu.memref_slice %arg4[%add3A, %dma_start3A_1027, %dma_start3A_1028] : memref<32x80x128xi32, #tpu.memory_space<hbm>> -> memref<1x80x128xi32, #tpu.memory_space<hbm>>
        %dma_start3A_1030 = tpu.memref_squeeze %dma_start3A_1029 : memref<1x80x128xi32, #tpu.memory_space<hbm>> -> memref<80x128xi32, #tpu.memory_space<hbm>>
        %dma_start3A_1031 = arith.constant 0 : i32
        %dma_start3A_1032 = tpu.memref_slice %dma_start3A_1030[%mul3A_1020, %dma_start3A_1031] : memref<80x128xi32, #tpu.memory_space<hbm>> -> memref<8x128xi32, #tpu.memory_space<hbm>>
        tpu.enqueue_dma source(%dma_start3A_1032 : memref<8x128xi32, #tpu.memory_space<hbm>>) target(%arg10 : memref<8x128xi32, #tpu.memory_space<vmem>>) target_semaphore(%arg22 : memref<!tpu.dma_semaphore, #tpu.memory_space<semaphore_mem>>)
      } else {
      }
      %dma_start3A_751 = arith.constant 2 : i32
      %dma_start3A_752 = arith.constant 0 : i32
      %dma_start3A_753 = tpu.memref_slice %arg12[%dma_start3A_751, %dma_start3A_752] : memref<8x128xi32, #tpu.memory_space<vmem>> -> memref<1x128xi32, #tpu.memory_space<vmem>>
      %dma_start3A_754 = tpu.memref_squeeze %dma_start3A_753 : memref<1x128xi32, #tpu.memory_space<vmem>> -> memref<128xi32, #tpu.memory_space<vmem>>
      %dma_start3A_755 = arith.constant 0 : i32
      %dma_start3A_756 = arith.constant 0 : i32
      %dma_start3A_757 = tpu.memref_slice %arg2[%dma_start3A_755, %dma_start3A_756] : memref<10000x128xf32, #tpu.memory_space<hbm>> -> memref<10000x128xf32, #tpu.memory_space<hbm>>
      tpu.enqueue_indirect_dma source(%dma_start3A_757 : memref<10000x128xf32, #tpu.memory_space<hbm>>) target(%arg13 : memref<128x128xf32, #tpu.memory_space<vmem>>) offsets(%dma_start3A_754 : memref<128xi32, #tpu.memory_space<vmem>>) semaphore(%arg17 : memref<!tpu.dma_semaphore, #tpu.memory_space<semaphore_mem>>)
      %dma_wait3A_758 = arith.constant 2 : i32
      %dma_wait3A_759 = arith.constant 0 : i32
      %dma_wait3A_760 = tpu.memref_slice %arg12[%dma_wait3A_758, %dma_wait3A_759] : memref<8x128xi32, #tpu.memory_space<vmem>> -> memref<1x128xi32, #tpu.memory_space<vmem>>
      %dma_wait3A_761 = tpu.memref_squeeze %dma_wait3A_760 : memref<1x128xi32, #tpu.memory_space<vmem>> -> memref<128xi32, #tpu.memory_space<vmem>>
      %dma_wait3A_762 = arith.constant 0 : i32
      %dma_wait3A_763 = arith.constant 0 : i32
      %dma_wait3A_764 = tpu.memref_slice %arg2[%dma_wait3A_762, %dma_wait3A_763] : memref<10000x128xf32, #tpu.memory_space<hbm>> -> memref<10000x128xf32, #tpu.memory_space<hbm>>
      tpu.wait_indirect_dma semaphore(%arg17 : memref<!tpu.dma_semaphore, #tpu.memory_space<semaphore_mem>>) src(%dma_wait3A_764 : memref<10000x128xf32, #tpu.memory_space<hbm>>) dst(%arg13 : memref<128x128xf32, #tpu.memory_space<vmem>>)
      %dma_start3A_765 = arith.constant 2 : i32
      %dma_start3A_766 = arith.constant 0 : i32
      %dma_start3A_767 = tpu.memref_slice %arg11[%dma_start3A_765, %dma_start3A_766] : memref<8x128xi32, #tpu.memory_space<vmem>> -> memref<1x128xi32, #tpu.memory_space<vmem>>
      %dma_start3A_768 = tpu.memref_squeeze %dma_start3A_767 : memref<1x128xi32, #tpu.memory_space<vmem>> -> memref<128xi32, #tpu.memory_space<vmem>>
      %dma_start3A_769 = arith.constant 0 : i32
      %dma_start3A_770 = arith.constant 0 : i32
      %dma_start3A_771 = tpu.memref_slice %arg7[%dma_start3A_769, %dma_start3A_770] : memref<10240x128xf32, #tpu.memory_space<vmem_shared>> -> memref<10240x128xf32, #tpu.memory_space<vmem_shared>>
      tpu.enqueue_indirect_dma source(%arg13 : memref<128x128xf32, #tpu.memory_space<vmem>>) target(%dma_start3A_771 : memref<10240x128xf32, #tpu.memory_space<vmem_shared>>) offsets(%dma_start3A_768 : memref<128xi32, #tpu.memory_space<vmem>>) semaphore(%arg19 : memref<!tpu.dma_semaphore, #tpu.memory_space<semaphore_mem>>) {add = true}
      %dma_wait3A_772 = arith.constant 0 : i32
      %dma_wait3A_773 = arith.constant 0 : i32
      %dma_wait3A_774 = tpu.memref_slice %arg11[%dma_wait3A_772, %dma_wait3A_773] : memref<8x128xi32, #tpu.memory_space<vmem>> -> memref<1x128xi32, #tpu.memory_space<vmem>>
      %dma_wait3A_775 = tpu.memref_squeeze %dma_wait3A_774 : memref<1x128xi32, #tpu.memory_space<vmem>> -> memref<128xi32, #tpu.memory_space<vmem>>
      %dma_wait3A_776 = arith.constant 0 : i32
      %dma_wait3A_777 = tpu.memref_slice %arg8[%dma_wait3A_776] : memref<10240xf32, #tpu.memory_space<vmem_shared>> -> memref<10240xf32, #tpu.memory_space<vmem_shared>>
      tpu.wait_indirect_dma semaphore(%arg21 : memref<!tpu.dma_semaphore, #tpu.memory_space<semaphore_mem>>) src(%arg15 : memref<128xf32, #tpu.memory_space<vmem>>) dst(%dma_wait3A_777 : memref<10240xf32, #tpu.memory_space<vmem_shared>>)
      %dma_start3A_778 = arith.constant 2 : i32
      %dma_start3A_779 = arith.constant 0 : i32
      %dma_start3A_780 = tpu.memref_slice %arg11[%dma_start3A_778, %dma_start3A_779] : memref<8x128xi32, #tpu.memory_space<vmem>> -> memref<1x128xi32, #tpu.memory_space<vmem>>
      %dma_start3A_781 = tpu.memref_squeeze %dma_start3A_780 : memref<1x128xi32, #tpu.memory_space<vmem>> -> memref<128xi32, #tpu.memory_space<vmem>>
      %dma_start3A_782 = arith.constant 0 : i32
      %dma_start3A_783 = tpu.memref_slice %arg8[%dma_start3A_782] : memref<10240xf32, #tpu.memory_space<vmem_shared>> -> memref<10240xf32, #tpu.memory_space<vmem_shared>>
      tpu.enqueue_indirect_dma source(%arg15 : memref<128xf32, #tpu.memory_space<vmem>>) target(%dma_start3A_783 : memref<10240xf32, #tpu.memory_space<vmem_shared>>) offsets(%dma_start3A_781 : memref<128xi32, #tpu.memory_space<vmem>>) semaphore(%arg21 : memref<!tpu.dma_semaphore, #tpu.memory_space<semaphore_mem>>) {add = true}
      %dma_wait3A_784 = arith.constant 1 : i32
      %dma_wait3A_785 = arith.constant 0 : i32
      %dma_wait3A_786 = tpu.memref_slice %arg11[%dma_wait3A_784, %dma_wait3A_785] : memref<8x128xi32, #tpu.memory_space<vmem>> -> memref<1x128xi32, #tpu.memory_space<vmem>>
      %dma_wait3A_787 = tpu.memref_squeeze %dma_wait3A_786 : memref<1x128xi32, #tpu.memory_space<vmem>> -> memref<128xi32, #tpu.memory_space<vmem>>
      %dma_wait3A_788 = arith.constant 0 : i32
      %dma_wait3A_789 = arith.constant 0 : i32
      %dma_wait3A_790 = tpu.memref_slice %arg7[%dma_wait3A_788, %dma_wait3A_789] : memref<10240x128xf32, #tpu.memory_space<vmem_shared>> -> memref<10240x128xf32, #tpu.memory_space<vmem_shared>>
      tpu.wait_indirect_dma semaphore(%arg20 : memref<!tpu.dma_semaphore, #tpu.memory_space<semaphore_mem>>) src(%arg14 : memref<128x128xf32, #tpu.memory_space<vmem>>) dst(%dma_wait3A_790 : memref<10240x128xf32, #tpu.memory_space<vmem_shared>>)
      %dma_start3A_791 = arith.constant 3 : i32
      %dma_start3A_792 = arith.constant 0 : i32
      %dma_start3A_793 = tpu.memref_slice %arg12[%dma_start3A_791, %dma_start3A_792] : memref<8x128xi32, #tpu.memory_space<vmem>> -> memref<1x128xi32, #tpu.memory_space<vmem>>
      %dma_start3A_794 = tpu.memref_squeeze %dma_start3A_793 : memref<1x128xi32, #tpu.memory_space<vmem>> -> memref<128xi32, #tpu.memory_space<vmem>>
      %dma_start3A_795 = arith.constant 0 : i32
      %dma_start3A_796 = arith.constant 0 : i32
      %dma_start3A_797 = tpu.memref_slice %arg2[%dma_start3A_795, %dma_start3A_796] : memref<10000x128xf32, #tpu.memory_space<hbm>> -> memref<10000x128xf32, #tpu.memory_space<hbm>>
      tpu.enqueue_indirect_dma source(%dma_start3A_797 : memref<10000x128xf32, #tpu.memory_space<hbm>>) target(%arg14 : memref<128x128xf32, #tpu.memory_space<vmem>>) offsets(%dma_start3A_794 : memref<128xi32, #tpu.memory_space<vmem>>) semaphore(%arg18 : memref<!tpu.dma_semaphore, #tpu.memory_space<semaphore_mem>>)
      %dma_wait3A_798 = arith.constant 3 : i32
      %dma_wait3A_799 = arith.constant 0 : i32
      %dma_wait3A_800 = tpu.memref_slice %arg12[%dma_wait3A_798, %dma_wait3A_799] : memref<8x128xi32, #tpu.memory_space<vmem>> -> memref<1x128xi32, #tpu.memory_space<vmem>>
      %dma_wait3A_801 = tpu.memref_squeeze %dma_wait3A_800 : memref<1x128xi32, #tpu.memory_space<vmem>> -> memref<128xi32, #tpu.memory_space<vmem>>
      %dma_wait3A_802 = arith.constant 0 : i32
      %dma_wait3A_803 = arith.constant 0 : i32
      %dma_wait3A_804 = tpu.memref_slice %arg2[%dma_wait3A_802, %dma_wait3A_803] : memref<10000x128xf32, #tpu.memory_space<hbm>> -> memref<10000x128xf32, #tpu.memory_space<hbm>>
      tpu.wait_indirect_dma semaphore(%arg18 : memref<!tpu.dma_semaphore, #tpu.memory_space<semaphore_mem>>) src(%dma_wait3A_804 : memref<10000x128xf32, #tpu.memory_space<hbm>>) dst(%arg14 : memref<128x128xf32, #tpu.memory_space<vmem>>)
      %dma_start3A_805 = arith.constant 3 : i32
      %dma_start3A_806 = arith.constant 0 : i32
      %dma_start3A_807 = tpu.memref_slice %arg11[%dma_start3A_805, %dma_start3A_806] : memref<8x128xi32, #tpu.memory_space<vmem>> -> memref<1x128xi32, #tpu.memory_space<vmem>>
      %dma_start3A_808 = tpu.memref_squeeze %dma_start3A_807 : memref<1x128xi32, #tpu.memory_space<vmem>> -> memref<128xi32, #tpu.memory_space<vmem>>
      %dma_start3A_809 = arith.constant 0 : i32
      %dma_start3A_810 = arith.constant 0 : i32
      %dma_start3A_811 = tpu.memref_slice %arg7[%dma_start3A_809, %dma_start3A_810] : memref<10240x128xf32, #tpu.memory_space<vmem_shared>> -> memref<10240x128xf32, #tpu.memory_space<vmem_shared>>
      tpu.enqueue_indirect_dma source(%arg14 : memref<128x128xf32, #tpu.memory_space<vmem>>) target(%dma_start3A_811 : memref<10240x128xf32, #tpu.memory_space<vmem_shared>>) offsets(%dma_start3A_808 : memref<128xi32, #tpu.memory_space<vmem>>) semaphore(%arg20 : memref<!tpu.dma_semaphore, #tpu.memory_space<semaphore_mem>>) {add = true}
      %dma_wait3A_812 = arith.constant 1 : i32
      %dma_wait3A_813 = arith.constant 0 : i32
      %dma_wait3A_814 = tpu.memref_slice %arg11[%dma_wait3A_812, %dma_wait3A_813] : memref<8x128xi32, #tpu.memory_space<vmem>> -> memref<1x128xi32, #tpu.memory_space<vmem>>
      %dma_wait3A_815 = tpu.memref_squeeze %dma_wait3A_814 : memref<1x128xi32, #tpu.memory_space<vmem>> -> memref<128xi32, #tpu.memory_space<vmem>>
      %dma_wait3A_816 = arith.constant 0 : i32
      %dma_wait3A_817 = tpu.memref_slice %arg8[%dma_wait3A_816] : memref<10240xf32, #tpu.memory_space<vmem_shared>> -> memref<10240xf32, #tpu.memory_space<vmem_shared>>
      tpu.wait_indirect_dma semaphore(%arg21 : memref<!tpu.dma_semaphore, #tpu.memory_space<semaphore_mem>>) src(%arg15 : memref<128xf32, #tpu.memory_space<vmem>>) dst(%dma_wait3A_817 : memref<10240xf32, #tpu.memory_space<vmem_shared>>)
      %dma_start3A_818 = arith.constant 3 : i32
      %dma_start3A_819 = arith.constant 0 : i32
      %dma_start3A_820 = tpu.memref_slice %arg11[%dma_start3A_818, %dma_start3A_819] : memref<8x128xi32, #tpu.memory_space<vmem>> -> memref<1x128xi32, #tpu.memory_space<vmem>>
      %dma_start3A_821 = tpu.memref_squeeze %dma_start3A_820 : memref<1x128xi32, #tpu.memory_space<vmem>> -> memref<128xi32, #tpu.memory_space<vmem>>
      %dma_start3A_822 = arith.constant 0 : i32
      %dma_start3A_823 = tpu.memref_slice %arg8[%dma_start3A_822] : memref<10240xf32, #tpu.memory_space<vmem_shared>> -> memref<10240xf32, #tpu.memory_space<vmem_shared>>
      tpu.enqueue_indirect_dma source(%arg15 : memref<128xf32, #tpu.memory_space<vmem>>) target(%dma_start3A_823 : memref<10240xf32, #tpu.memory_space<vmem_shared>>) offsets(%dma_start3A_821 : memref<128xi32, #tpu.memory_space<vmem>>) semaphore(%arg21 : memref<!tpu.dma_semaphore, #tpu.memory_space<semaphore_mem>>) {add = true}
      %dma_wait3A_824 = arith.constant 2 : i32
      %dma_wait3A_825 = arith.constant 0 : i32
      %dma_wait3A_826 = tpu.memref_slice %arg11[%dma_wait3A_824, %dma_wait3A_825] : memref<8x128xi32, #tpu.memory_space<vmem>> -> memref<1x128xi32, #tpu.memory_space<vmem>>
      %dma_wait3A_827 = tpu.memref_squeeze %dma_wait3A_826 : memref<1x128xi32, #tpu.memory_space<vmem>> -> memref<128xi32, #tpu.memory_space<vmem>>
      %dma_wait3A_828 = arith.constant 0 : i32
      %dma_wait3A_829 = arith.constant 0 : i32
      %dma_wait3A_830 = tpu.memref_slice %arg7[%dma_wait3A_828, %dma_wait3A_829] : memref<10240x128xf32, #tpu.memory_space<vmem_shared>> -> memref<10240x128xf32, #tpu.memory_space<vmem_shared>>
      tpu.wait_indirect_dma semaphore(%arg19 : memref<!tpu.dma_semaphore, #tpu.memory_space<semaphore_mem>>) src(%arg13 : memref<128x128xf32, #tpu.memory_space<vmem>>) dst(%dma_wait3A_830 : memref<10240x128xf32, #tpu.memory_space<vmem_shared>>)
      %dma_start3A_831 = arith.constant 4 : i32
      %dma_start3A_832 = arith.constant 0 : i32
      %dma_start3A_833 = tpu.memref_slice %arg12[%dma_start3A_831, %dma_start3A_832] : memref<8x128xi32, #tpu.memory_space<vmem>> -> memref<1x128xi32, #tpu.memory_space<vmem>>
      %dma_start3A_834 = tpu.memref_squeeze %dma_start3A_833 : memref<1x128xi32, #tpu.memory_space<vmem>> -> memref<128xi32, #tpu.memory_space<vmem>>
      %dma_start3A_835 = arith.constant 0 : i32
      %dma_start3A_836 = arith.constant 0 : i32
      %dma_start3A_837 = tpu.memref_slice %arg2[%dma_start3A_835, %dma_start3A_836] : memref<10000x128xf32, #tpu.memory_space<hbm>> -> memref<10000x128xf32, #tpu.memory_space<hbm>>
      tpu.enqueue_indirect_dma source(%dma_start3A_837 : memref<10000x128xf32, #tpu.memory_space<hbm>>) target(%arg13 : memref<128x128xf32, #tpu.memory_space<vmem>>) offsets(%dma_start3A_834 : memref<128xi32, #tpu.memory_space<vmem>>) semaphore(%arg17 : memref<!tpu.dma_semaphore, #tpu.memory_space<semaphore_mem>>)
      %dma_wait3A_838 = arith.constant 4 : i32
      %dma_wait3A_839 = arith.constant 0 : i32
      %dma_wait3A_840 = tpu.memref_slice %arg12[%dma_wait3A_838, %dma_wait3A_839] : memref<8x128xi32, #tpu.memory_space<vmem>> -> memref<1x128xi32, #tpu.memory_space<vmem>>
      %dma_wait3A_841 = tpu.memref_squeeze %dma_wait3A_840 : memref<1x128xi32, #tpu.memory_space<vmem>> -> memref<128xi32, #tpu.memory_space<vmem>>
      %dma_wait3A_842 = arith.constant 0 : i32
      %dma_wait3A_843 = arith.constant 0 : i32
      %dma_wait3A_844 = tpu.memref_slice %arg2[%dma_wait3A_842, %dma_wait3A_843] : memref<10000x128xf32, #tpu.memory_space<hbm>> -> memref<10000x128xf32, #tpu.memory_space<hbm>>
      tpu.wait_indirect_dma semaphore(%arg17 : memref<!tpu.dma_semaphore, #tpu.memory_space<semaphore_mem>>) src(%dma_wait3A_844 : memref<10000x128xf32, #tpu.memory_space<hbm>>) dst(%arg13 : memref<128x128xf32, #tpu.memory_space<vmem>>)
      %dma_start3A_845 = arith.constant 4 : i32
      %dma_start3A_846 = arith.constant 0 : i32
      %dma_start3A_847 = tpu.memref_slice %arg11[%dma_start3A_845, %dma_start3A_846] : memref<8x128xi32, #tpu.memory_space<vmem>> -> memref<1x128xi32, #tpu.memory_space<vmem>>
      %dma_start3A_848 = tpu.memref_squeeze %dma_start3A_847 : memref<1x128xi32, #tpu.memory_space<vmem>> -> memref<128xi32, #tpu.memory_space<vmem>>
      %dma_start3A_849 = arith.constant 0 : i32
      %dma_start3A_850 = arith.constant 0 : i32
      %dma_start3A_851 = tpu.memref_slice %arg7[%dma_start3A_849, %dma_start3A_850] : memref<10240x128xf32, #tpu.memory_space<vmem_shared>> -> memref<10240x128xf32, #tpu.memory_space<vmem_shared>>
      tpu.enqueue_indirect_dma source(%arg13 : memref<128x128xf32, #tpu.memory_space<vmem>>) target(%dma_start3A_851 : memref<10240x128xf32, #tpu.memory_space<vmem_shared>>) offsets(%dma_start3A_848 : memref<128xi32, #tpu.memory_space<vmem>>) semaphore(%arg19 : memref<!tpu.dma_semaphore, #tpu.memory_space<semaphore_mem>>) {add = true}
      %dma_wait3A_852 = arith.constant 2 : i32
      %dma_wait3A_853 = arith.constant 0 : i32
      %dma_wait3A_854 = tpu.memref_slice %arg11[%dma_wait3A_852, %dma_wait3A_853] : memref<8x128xi32, #tpu.memory_space<vmem>> -> memref<1x128xi32, #tpu.memory_space<vmem>>
      %dma_wait3A_855 = tpu.memref_squeeze %dma_wait3A_854 : memref<1x128xi32, #tpu.memory_space<vmem>> -> memref<128xi32, #tpu.memory_space<vmem>>
      %dma_wait3A_856 = arith.constant 0 : i32
      %dma_wait3A_857 = tpu.memref_slice %arg8[%dma_wait3A_856] : memref<10240xf32, #tpu.memory_space<vmem_shared>> -> memref<10240xf32, #tpu.memory_space<vmem_shared>>
      tpu.wait_indirect_dma semaphore(%arg21 : memref<!tpu.dma_semaphore, #tpu.memory_space<semaphore_mem>>) src(%arg15 : memref<128xf32, #tpu.memory_space<vmem>>) dst(%dma_wait3A_857 : memref<10240xf32, #tpu.memory_space<vmem_shared>>)
      %dma_start3A_858 = arith.constant 4 : i32
      %dma_start3A_859 = arith.constant 0 : i32
      %dma_start3A_860 = tpu.memref_slice %arg11[%dma_start3A_858, %dma_start3A_859] : memref<8x128xi32, #tpu.memory_space<vmem>> -> memref<1x128xi32, #tpu.memory_space<vmem>>
      %dma_start3A_861 = tpu.memref_squeeze %dma_start3A_860 : memref<1x128xi32, #tpu.memory_space<vmem>> -> memref<128xi32, #tpu.memory_space<vmem>>
      %dma_start3A_862 = arith.constant 0 : i32
      %dma_start3A_863 = tpu.memref_slice %arg8[%dma_start3A_862] : memref<10240xf32, #tpu.memory_space<vmem_shared>> -> memref<10240xf32, #tpu.memory_space<vmem_shared>>
      tpu.enqueue_indirect_dma source(%arg15 : memref<128xf32, #tpu.memory_space<vmem>>) target(%dma_start3A_863 : memref<10240xf32, #tpu.memory_space<vmem_shared>>) offsets(%dma_start3A_861 : memref<128xi32, #tpu.memory_space<vmem>>) semaphore(%arg21 : memref<!tpu.dma_semaphore, #tpu.memory_space<semaphore_mem>>) {add = true}
      %dma_wait3A_864 = arith.constant 3 : i32
      %dma_wait3A_865 = arith.constant 0 : i32
      %dma_wait3A_866 = tpu.memref_slice %arg11[%dma_wait3A_864, %dma_wait3A_865] : memref<8x128xi32, #tpu.memory_space<vmem>> -> memref<1x128xi32, #tpu.memory_space<vmem>>
      %dma_wait3A_867 = tpu.memref_squeeze %dma_wait3A_866 : memref<1x128xi32, #tpu.memory_space<vmem>> -> memref<128xi32, #tpu.memory_space<vmem>>
      %dma_wait3A_868 = arith.constant 0 : i32
      %dma_wait3A_869 = arith.constant 0 : i32
      %dma_wait3A_870 = tpu.memref_slice %arg7[%dma_wait3A_868, %dma_wait3A_869] : memref<10240x128xf32, #tpu.memory_space<vmem_shared>> -> memref<10240x128xf32, #tpu.memory_space<vmem_shared>>
      tpu.wait_indirect_dma semaphore(%arg20 : memref<!tpu.dma_semaphore, #tpu.memory_space<semaphore_mem>>) src(%arg14 : memref<128x128xf32, #tpu.memory_space<vmem>>) dst(%dma_wait3A_870 : memref<10240x128xf32, #tpu.memory_space<vmem_shared>>)
      %lt3A_871 = arith.constant 4 : i32
      %lt3A_872 = arith.cmpi slt, %scan3A_327, %lt3A_871 : i32
      %convert_element_type3A_873 = arith.extui %lt3A_872 : i1 to i32
      %cond3A_874 = arith.constant 0 : i32
      %cond3A_875 = arith.cmpi ne, %convert_element_type3A_873, %cond3A_874 : i32
      scf.if %cond3A_875 {
        %dma_wait3A_1001 = arith.constant 0 : i32
        %dma_wait3A_1002 = arith.constant 0 : i32
        %dma_wait3A_1003 = tpu.memref_slice %arg3[%add3A, %dma_wait3A_1001, %dma_wait3A_1002] : memref<32x80x128xi32, #tpu.memory_space<hbm>> -> memref<1x80x128xi32, #tpu.memory_space<hbm>>
        %dma_wait3A_1004 = tpu.memref_squeeze %dma_wait3A_1003 : memref<1x80x128xi32, #tpu.memory_space<hbm>> -> memref<80x128xi32, #tpu.memory_space<hbm>>
        %dma_wait3A_1005 = arith.constant 0 : i32
        %dma_wait3A_1006 = arith.constant 0 : i32
        %dma_wait3A_1007 = tpu.memref_slice %dma_wait3A_1004[%dma_wait3A_1005, %dma_wait3A_1006] : memref<80x128xi32, #tpu.memory_space<hbm>> -> memref<8x128xi32, #tpu.memory_space<hbm>>
        %dma_wait3A_1008 = arith.constant 0 : i32
        %dma_wait3A_1009 = arith.constant 0 : i32
        %dma_wait3A_1010 = tpu.memref_slice %arg3[%add3A, %dma_wait3A_1008, %dma_wait3A_1009] : memref<32x80x128xi32, #tpu.memory_space<hbm>> -> memref<1x80x128xi32, #tpu.memory_space<hbm>>
        %dma_wait3A_1011 = tpu.memref_squeeze %dma_wait3A_1010 : memref<1x80x128xi32, #tpu.memory_space<hbm>> -> memref<80x128xi32, #tpu.memory_space<hbm>>
        %dma_wait3A_1012 = arith.constant 0 : i32
        %dma_wait3A_1013 = arith.constant 0 : i32
        %dma_wait3A_1014 = tpu.memref_slice %dma_wait3A_1011[%dma_wait3A_1012, %dma_wait3A_1013] : memref<80x128xi32, #tpu.memory_space<hbm>> -> memref<8x128xi32, #tpu.memory_space<hbm>>
        tpu.wait_dma2 semaphore(%arg22 : memref<!tpu.dma_semaphore, #tpu.memory_space<semaphore_mem>>) src(%dma_wait3A_1014 : memref<8x128xi32, #tpu.memory_space<hbm>>) dst(%arg9 : memref<8x128xi32, #tpu.memory_space<vmem>>)
        %dma_wait3A_1015 = arith.constant 0 : i32
        %dma_wait3A_1016 = arith.constant 0 : i32
        %dma_wait3A_1017 = tpu.memref_slice %arg4[%add3A, %dma_wait3A_1015, %dma_wait3A_1016] : memref<32x80x128xi32, #tpu.memory_space<hbm>> -> memref<1x80x128xi32, #tpu.memory_space<hbm>>
        %dma_wait3A_1018 = tpu.memref_squeeze %dma_wait3A_1017 : memref<1x80x128xi32, #tpu.memory_space<hbm>> -> memref<80x128xi32, #tpu.memory_space<hbm>>
        %dma_wait3A_1019 = arith.constant 0 : i32
        %dma_wait3A_1020 = arith.constant 0 : i32
        %dma_wait3A_1021 = tpu.memref_slice %dma_wait3A_1018[%dma_wait3A_1019, %dma_wait3A_1020] : memref<80x128xi32, #tpu.memory_space<hbm>> -> memref<8x128xi32, #tpu.memory_space<hbm>>
        %dma_wait3A_1022 = arith.constant 0 : i32
        %dma_wait3A_1023 = arith.constant 0 : i32
        %dma_wait3A_1024 = tpu.memref_slice %arg4[%add3A, %dma_wait3A_1022, %dma_wait3A_1023] : memref<32x80x128xi32, #tpu.memory_space<hbm>> -> memref<1x80x128xi32, #tpu.memory_space<hbm>>
        %dma_wait3A_1025 = tpu.memref_squeeze %dma_wait3A_1024 : memref<1x80x128xi32, #tpu.memory_space<hbm>> -> memref<80x128xi32, #tpu.memory_space<hbm>>
        %dma_wait3A_1026 = arith.constant 0 : i32
        %dma_wait3A_1027 = arith.constant 0 : i32
        %dma_wait3A_1028 = tpu.memref_slice %dma_wait3A_1025[%dma_wait3A_1026, %dma_wait3A_1027] : memref<80x128xi32, #tpu.memory_space<hbm>> -> memref<8x128xi32, #tpu.memory_space<hbm>>
        tpu.wait_dma2 semaphore(%arg22 : memref<!tpu.dma_semaphore, #tpu.memory_space<semaphore_mem>>) src(%dma_wait3A_1028 : memref<8x128xi32, #tpu.memory_space<hbm>>) dst(%arg10 : memref<8x128xi32, #tpu.memory_space<vmem>>)
      } else {
      }
      %dma_start3A_876 = arith.constant 5 : i32
      %dma_start3A_877 = arith.constant 0 : i32
      %dma_start3A_878 = tpu.memref_slice %arg12[%dma_start3A_876, %dma_start3A_877] : memref<8x128xi32, #tpu.memory_space<vmem>> -> memref<1x128xi32, #tpu.memory_space<vmem>>
      %dma_start3A_879 = tpu.memref_squeeze %dma_start3A_878 : memref<1x128xi32, #tpu.memory_space<vmem>> -> memref<128xi32, #tpu.memory_space<vmem>>
      %dma_start3A_880 = arith.constant 0 : i32
      %dma_start3A_881 = arith.constant 0 : i32
      %dma_start3A_882 = tpu.memref_slice %arg2[%dma_start3A_880, %dma_start3A_881] : memref<10000x128xf32, #tpu.memory_space<hbm>> -> memref<10000x128xf32, #tpu.memory_space<hbm>>
      tpu.enqueue_indirect_dma source(%dma_start3A_882 : memref<10000x128xf32, #tpu.memory_space<hbm>>) target(%arg14 : memref<128x128xf32, #tpu.memory_space<vmem>>) offsets(%dma_start3A_879 : memref<128xi32, #tpu.memory_space<vmem>>) semaphore(%arg18 : memref<!tpu.dma_semaphore, #tpu.memory_space<semaphore_mem>>)
      %dma_wait3A_883 = arith.constant 5 : i32
      %dma_wait3A_884 = arith.constant 0 : i32
      %dma_wait3A_885 = tpu.memref_slice %arg12[%dma_wait3A_883, %dma_wait3A_884] : memref<8x128xi32, #tpu.memory_space<vmem>> -> memref<1x128xi32, #tpu.memory_space<vmem>>
      %dma_wait3A_886 = tpu.memref_squeeze %dma_wait3A_885 : memref<1x128xi32, #tpu.memory_space<vmem>> -> memref<128xi32, #tpu.memory_space<vmem>>
      %dma_wait3A_887 = arith.constant 0 : i32
      %dma_wait3A_888 = arith.constant 0 : i32
      %dma_wait3A_889 = tpu.memref_slice %arg2[%dma_wait3A_887, %dma_wait3A_888] : memref<10000x128xf32, #tpu.memory_space<hbm>> -> memref<10000x128xf32, #tpu.memory_space<hbm>>
      tpu.wait_indirect_dma semaphore(%arg18 : memref<!tpu.dma_semaphore, #tpu.memory_space<semaphore_mem>>) src(%dma_wait3A_889 : memref<10000x128xf32, #tpu.memory_space<hbm>>) dst(%arg14 : memref<128x128xf32, #tpu.memory_space<vmem>>)
      %dma_start3A_890 = arith.constant 5 : i32
      %dma_start3A_891 = arith.constant 0 : i32
      %dma_start3A_892 = tpu.memref_slice %arg11[%dma_start3A_890, %dma_start3A_891] : memref<8x128xi32, #tpu.memory_space<vmem>> -> memref<1x128xi32, #tpu.memory_space<vmem>>
      %dma_start3A_893 = tpu.memref_squeeze %dma_start3A_892 : memref<1x128xi32, #tpu.memory_space<vmem>> -> memref<128xi32, #tpu.memory_space<vmem>>
      %dma_start3A_894 = arith.constant 0 : i32
      %dma_start3A_895 = arith.constant 0 : i32
      %dma_start3A_896 = tpu.memref_slice %arg7[%dma_start3A_894, %dma_start3A_895] : memref<10240x128xf32, #tpu.memory_space<vmem_shared>> -> memref<10240x128xf32, #tpu.memory_space<vmem_shared>>
      tpu.enqueue_indirect_dma source(%arg14 : memref<128x128xf32, #tpu.memory_space<vmem>>) target(%dma_start3A_896 : memref<10240x128xf32, #tpu.memory_space<vmem_shared>>) offsets(%dma_start3A_893 : memref<128xi32, #tpu.memory_space<vmem>>) semaphore(%arg20 : memref<!tpu.dma_semaphore, #tpu.memory_space<semaphore_mem>>) {add = true}
      %dma_wait3A_897 = arith.constant 3 : i32
      %dma_wait3A_898 = arith.constant 0 : i32
      %dma_wait3A_899 = tpu.memref_slice %arg11[%dma_wait3A_897, %dma_wait3A_898] : memref<8x128xi32, #tpu.memory_space<vmem>> -> memref<1x128xi32, #tpu.memory_space<vmem>>
      %dma_wait3A_900 = tpu.memref_squeeze %dma_wait3A_899 : memref<1x128xi32, #tpu.memory_space<vmem>> -> memref<128xi32, #tpu.memory_space<vmem>>
      %dma_wait3A_901 = arith.constant 0 : i32
      %dma_wait3A_902 = tpu.memref_slice %arg8[%dma_wait3A_901] : memref<10240xf32, #tpu.memory_space<vmem_shared>> -> memref<10240xf32, #tpu.memory_space<vmem_shared>>
      tpu.wait_indirect_dma semaphore(%arg21 : memref<!tpu.dma_semaphore, #tpu.memory_space<semaphore_mem>>) src(%arg15 : memref<128xf32, #tpu.memory_space<vmem>>) dst(%dma_wait3A_902 : memref<10240xf32, #tpu.memory_space<vmem_shared>>)
      %dma_start3A_903 = arith.constant 5 : i32
      %dma_start3A_904 = arith.constant 0 : i32
      %dma_start3A_905 = tpu.memref_slice %arg11[%dma_start3A_903, %dma_start3A_904] : memref<8x128xi32, #tpu.memory_space<vmem>> -> memref<1x128xi32, #tpu.memory_space<vmem>>
      %dma_start3A_906 = tpu.memref_squeeze %dma_start3A_905 : memref<1x128xi32, #tpu.memory_space<vmem>> -> memref<128xi32, #tpu.memory_space<vmem>>
      %dma_start3A_907 = arith.constant 0 : i32
      %dma_start3A_908 = tpu.memref_slice %arg8[%dma_start3A_907] : memref<10240xf32, #tpu.memory_space<vmem_shared>> -> memref<10240xf32, #tpu.memory_space<vmem_shared>>
      tpu.enqueue_indirect_dma source(%arg15 : memref<128xf32, #tpu.memory_space<vmem>>) target(%dma_start3A_908 : memref<10240xf32, #tpu.memory_space<vmem_shared>>) offsets(%dma_start3A_906 : memref<128xi32, #tpu.memory_space<vmem>>) semaphore(%arg21 : memref<!tpu.dma_semaphore, #tpu.memory_space<semaphore_mem>>) {add = true}
      %dma_wait3A_909 = arith.constant 4 : i32
      %dma_wait3A_910 = arith.constant 0 : i32
      %dma_wait3A_911 = tpu.memref_slice %arg11[%dma_wait3A_909, %dma_wait3A_910] : memref<8x128xi32, #tpu.memory_space<vmem>> -> memref<1x128xi32, #tpu.memory_space<vmem>>
      %dma_wait3A_912 = tpu.memref_squeeze %dma_wait3A_911 : memref<1x128xi32, #tpu.memory_space<vmem>> -> memref<128xi32, #tpu.memory_space<vmem>>
      %dma_wait3A_913 = arith.constant 0 : i32
      %dma_wait3A_914 = arith.constant 0 : i32
      %dma_wait3A_915 = tpu.memref_slice %arg7[%dma_wait3A_913, %dma_wait3A_914] : memref<10240x128xf32, #tpu.memory_space<vmem_shared>> -> memref<10240x128xf32, #tpu.memory_space<vmem_shared>>
      tpu.wait_indirect_dma semaphore(%arg19 : memref<!tpu.dma_semaphore, #tpu.memory_space<semaphore_mem>>) src(%arg13 : memref<128x128xf32, #tpu.memory_space<vmem>>) dst(%dma_wait3A_915 : memref<10240x128xf32, #tpu.memory_space<vmem_shared>>)
      %dma_start3A_916 = arith.constant 6 : i32
      %dma_start3A_917 = arith.constant 0 : i32
      %dma_start3A_918 = tpu.memref_slice %arg12[%dma_start3A_916, %dma_start3A_917] : memref<8x128xi32, #tpu.memory_space<vmem>> -> memref<1x128xi32, #tpu.memory_space<vmem>>
      %dma_start3A_919 = tpu.memref_squeeze %dma_start3A_918 : memref<1x128xi32, #tpu.memory_space<vmem>> -> memref<128xi32, #tpu.memory_space<vmem>>
      %dma_start3A_920 = arith.constant 0 : i32
      %dma_start3A_921 = arith.constant 0 : i32
      %dma_start3A_922 = tpu.memref_slice %arg2[%dma_start3A_920, %dma_start3A_921] : memref<10000x128xf32, #tpu.memory_space<hbm>> -> memref<10000x128xf32, #tpu.memory_space<hbm>>
      tpu.enqueue_indirect_dma source(%dma_start3A_922 : memref<10000x128xf32, #tpu.memory_space<hbm>>) target(%arg13 : memref<128x128xf32, #tpu.memory_space<vmem>>) offsets(%dma_start3A_919 : memref<128xi32, #tpu.memory_space<vmem>>) semaphore(%arg17 : memref<!tpu.dma_semaphore, #tpu.memory_space<semaphore_mem>>)
      %dma_wait3A_923 = arith.constant 6 : i32
      %dma_wait3A_924 = arith.constant 0 : i32
      %dma_wait3A_925 = tpu.memref_slice %arg12[%dma_wait3A_923, %dma_wait3A_924] : memref<8x128xi32, #tpu.memory_space<vmem>> -> memref<1x128xi32, #tpu.memory_space<vmem>>
      %dma_wait3A_926 = tpu.memref_squeeze %dma_wait3A_925 : memref<1x128xi32, #tpu.memory_space<vmem>> -> memref<128xi32, #tpu.memory_space<vmem>>
      %dma_wait3A_927 = arith.constant 0 : i32
      %dma_wait3A_928 = arith.constant 0 : i32
      %dma_wait3A_929 = tpu.memref_slice %arg2[%dma_wait3A_927, %dma_wait3A_928] : memref<10000x128xf32, #tpu.memory_space<hbm>> -> memref<10000x128xf32, #tpu.memory_space<hbm>>
      tpu.wait_indirect_dma semaphore(%arg17 : memref<!tpu.dma_semaphore, #tpu.memory_space<semaphore_mem>>) src(%dma_wait3A_929 : memref<10000x128xf32, #tpu.memory_space<hbm>>) dst(%arg13 : memref<128x128xf32, #tpu.memory_space<vmem>>)
      %dma_start3A_930 = arith.constant 6 : i32
      %dma_start3A_931 = arith.constant 0 : i32
      %dma_start3A_932 = tpu.memref_slice %arg11[%dma_start3A_930, %dma_start3A_931] : memref<8x128xi32, #tpu.memory_space<vmem>> -> memref<1x128xi32, #tpu.memory_space<vmem>>
      %dma_start3A_933 = tpu.memref_squeeze %dma_start3A_932 : memref<1x128xi32, #tpu.memory_space<vmem>> -> memref<128xi32, #tpu.memory_space<vmem>>
      %dma_start3A_934 = arith.constant 0 : i32
      %dma_start3A_935 = arith.constant 0 : i32
      %dma_start3A_936 = tpu.memref_slice %arg7[%dma_start3A_934, %dma_start3A_935] : memref<10240x128xf32, #tpu.memory_space<vmem_shared>> -> memref<10240x128xf32, #tpu.memory_space<vmem_shared>>
      tpu.enqueue_indirect_dma source(%arg13 : memref<128x128xf32, #tpu.memory_space<vmem>>) target(%dma_start3A_936 : memref<10240x128xf32, #tpu.memory_space<vmem_shared>>) offsets(%dma_start3A_933 : memref<128xi32, #tpu.memory_space<vmem>>) semaphore(%arg19 : memref<!tpu.dma_semaphore, #tpu.memory_space<semaphore_mem>>) {add = true}
      %dma_wait3A_937 = arith.constant 4 : i32
      %dma_wait3A_938 = arith.constant 0 : i32
      %dma_wait3A_939 = tpu.memref_slice %arg11[%dma_wait3A_937, %dma_wait3A_938] : memref<8x128xi32, #tpu.memory_space<vmem>> -> memref<1x128xi32, #tpu.memory_space<vmem>>
      %dma_wait3A_940 = tpu.memref_squeeze %dma_wait3A_939 : memref<1x128xi32, #tpu.memory_space<vmem>> -> memref<128xi32, #tpu.memory_space<vmem>>
      %dma_wait3A_941 = arith.constant 0 : i32
      %dma_wait3A_942 = tpu.memref_slice %arg8[%dma_wait3A_941] : memref<10240xf32, #tpu.memory_space<vmem_shared>> -> memref<10240xf32, #tpu.memory_space<vmem_shared>>
      tpu.wait_indirect_dma semaphore(%arg21 : memref<!tpu.dma_semaphore, #tpu.memory_space<semaphore_mem>>) src(%arg15 : memref<128xf32, #tpu.memory_space<vmem>>) dst(%dma_wait3A_942 : memref<10240xf32, #tpu.memory_space<vmem_shared>>)
      %dma_start3A_943 = arith.constant 6 : i32
      %dma_start3A_944 = arith.constant 0 : i32
      %dma_start3A_945 = tpu.memref_slice %arg11[%dma_start3A_943, %dma_start3A_944] : memref<8x128xi32, #tpu.memory_space<vmem>> -> memref<1x128xi32, #tpu.memory_space<vmem>>
      %dma_start3A_946 = tpu.memref_squeeze %dma_start3A_945 : memref<1x128xi32, #tpu.memory_space<vmem>> -> memref<128xi32, #tpu.memory_space<vmem>>
      %dma_start3A_947 = arith.constant 0 : i32
      %dma_start3A_948 = tpu.memref_slice %arg8[%dma_start3A_947] : memref<10240xf32, #tpu.memory_space<vmem_shared>> -> memref<10240xf32, #tpu.memory_space<vmem_shared>>
      tpu.enqueue_indirect_dma source(%arg15 : memref<128xf32, #tpu.memory_space<vmem>>) target(%dma_start3A_948 : memref<10240xf32, #tpu.memory_space<vmem_shared>>) offsets(%dma_start3A_946 : memref<128xi32, #tpu.memory_space<vmem>>) semaphore(%arg21 : memref<!tpu.dma_semaphore, #tpu.memory_space<semaphore_mem>>) {add = true}
      %dma_wait3A_949 = arith.constant 5 : i32
      %dma_wait3A_950 = arith.constant 0 : i32
      %dma_wait3A_951 = tpu.memref_slice %arg11[%dma_wait3A_949, %dma_wait3A_950] : memref<8x128xi32, #tpu.memory_space<vmem>> -> memref<1x128xi32, #tpu.memory_space<vmem>>
      %dma_wait3A_952 = tpu.memref_squeeze %dma_wait3A_951 : memref<1x128xi32, #tpu.memory_space<vmem>> -> memref<128xi32, #tpu.memory_space<vmem>>
      %dma_wait3A_953 = arith.constant 0 : i32
      %dma_wait3A_954 = arith.constant 0 : i32
      %dma_wait3A_955 = tpu.memref_slice %arg7[%dma_wait3A_953, %dma_wait3A_954] : memref<10240x128xf32, #tpu.memory_space<vmem_shared>> -> memref<10240x128xf32, #tpu.memory_space<vmem_shared>>
      tpu.wait_indirect_dma semaphore(%arg20 : memref<!tpu.dma_semaphore, #tpu.memory_space<semaphore_mem>>) src(%arg14 : memref<128x128xf32, #tpu.memory_space<vmem>>) dst(%dma_wait3A_955 : memref<10240x128xf32, #tpu.memory_space<vmem_shared>>)
      %dma_start3A_956 = arith.constant 7 : i32
      %dma_start3A_957 = arith.constant 0 : i32
      %dma_start3A_958 = tpu.memref_slice %arg12[%dma_start3A_956, %dma_start3A_957] : memref<8x128xi32, #tpu.memory_space<vmem>> -> memref<1x128xi32, #tpu.memory_space<vmem>>
      %dma_start3A_959 = tpu.memref_squeeze %dma_start3A_958 : memref<1x128xi32, #tpu.memory_space<vmem>> -> memref<128xi32, #tpu.memory_space<vmem>>
      %dma_start3A_960 = arith.constant 0 : i32
      %dma_start3A_961 = arith.constant 0 : i32
      %dma_start3A_962 = tpu.memref_slice %arg2[%dma_start3A_960, %dma_start3A_961] : memref<10000x128xf32, #tpu.memory_space<hbm>> -> memref<10000x128xf32, #tpu.memory_space<hbm>>
      tpu.enqueue_indirect_dma source(%dma_start3A_962 : memref<10000x128xf32, #tpu.memory_space<hbm>>) target(%arg14 : memref<128x128xf32, #tpu.memory_space<vmem>>) offsets(%dma_start3A_959 : memref<128xi32, #tpu.memory_space<vmem>>) semaphore(%arg18 : memref<!tpu.dma_semaphore, #tpu.memory_space<semaphore_mem>>)
      %dma_wait3A_963 = arith.constant 7 : i32
      %dma_wait3A_964 = arith.constant 0 : i32
      %dma_wait3A_965 = tpu.memref_slice %arg12[%dma_wait3A_963, %dma_wait3A_964] : memref<8x128xi32, #tpu.memory_space<vmem>> -> memref<1x128xi32, #tpu.memory_space<vmem>>
      %dma_wait3A_966 = tpu.memref_squeeze %dma_wait3A_965 : memref<1x128xi32, #tpu.memory_space<vmem>> -> memref<128xi32, #tpu.memory_space<vmem>>
      %dma_wait3A_967 = arith.constant 0 : i32
      %dma_wait3A_968 = arith.constant 0 : i32
      %dma_wait3A_969 = tpu.memref_slice %arg2[%dma_wait3A_967, %dma_wait3A_968] : memref<10000x128xf32, #tpu.memory_space<hbm>> -> memref<10000x128xf32, #tpu.memory_space<hbm>>
      tpu.wait_indirect_dma semaphore(%arg18 : memref<!tpu.dma_semaphore, #tpu.memory_space<semaphore_mem>>) src(%dma_wait3A_969 : memref<10000x128xf32, #tpu.memory_space<hbm>>) dst(%arg14 : memref<128x128xf32, #tpu.memory_space<vmem>>)
      %dma_start3A_970 = arith.constant 7 : i32
      %dma_start3A_971 = arith.constant 0 : i32
      %dma_start3A_972 = tpu.memref_slice %arg11[%dma_start3A_970, %dma_start3A_971] : memref<8x128xi32, #tpu.memory_space<vmem>> -> memref<1x128xi32, #tpu.memory_space<vmem>>
      %dma_start3A_973 = tpu.memref_squeeze %dma_start3A_972 : memref<1x128xi32, #tpu.memory_space<vmem>> -> memref<128xi32, #tpu.memory_space<vmem>>
      %dma_start3A_974 = arith.constant 0 : i32
      %dma_start3A_975 = arith.constant 0 : i32
      %dma_start3A_976 = tpu.memref_slice %arg7[%dma_start3A_974, %dma_start3A_975] : memref<10240x128xf32, #tpu.memory_space<vmem_shared>> -> memref<10240x128xf32, #tpu.memory_space<vmem_shared>>
      tpu.enqueue_indirect_dma source(%arg14 : memref<128x128xf32, #tpu.memory_space<vmem>>) target(%dma_start3A_976 : memref<10240x128xf32, #tpu.memory_space<vmem_shared>>) offsets(%dma_start3A_973 : memref<128xi32, #tpu.memory_space<vmem>>) semaphore(%arg20 : memref<!tpu.dma_semaphore, #tpu.memory_space<semaphore_mem>>) {add = true}
      %dma_wait3A_977 = arith.constant 5 : i32
      %dma_wait3A_978 = arith.constant 0 : i32
      %dma_wait3A_979 = tpu.memref_slice %arg11[%dma_wait3A_977, %dma_wait3A_978] : memref<8x128xi32, #tpu.memory_space<vmem>> -> memref<1x128xi32, #tpu.memory_space<vmem>>
      %dma_wait3A_980 = tpu.memref_squeeze %dma_wait3A_979 : memref<1x128xi32, #tpu.memory_space<vmem>> -> memref<128xi32, #tpu.memory_space<vmem>>
      %dma_wait3A_981 = arith.constant 0 : i32
      %dma_wait3A_982 = tpu.memref_slice %arg8[%dma_wait3A_981] : memref<10240xf32, #tpu.memory_space<vmem_shared>> -> memref<10240xf32, #tpu.memory_space<vmem_shared>>
      tpu.wait_indirect_dma semaphore(%arg21 : memref<!tpu.dma_semaphore, #tpu.memory_space<semaphore_mem>>) src(%arg15 : memref<128xf32, #tpu.memory_space<vmem>>) dst(%dma_wait3A_982 : memref<10240xf32, #tpu.memory_space<vmem_shared>>)
      %dma_start3A_983 = arith.constant 7 : i32
      %dma_start3A_984 = arith.constant 0 : i32
      %dma_start3A_985 = tpu.memref_slice %arg11[%dma_start3A_983, %dma_start3A_984] : memref<8x128xi32, #tpu.memory_space<vmem>> -> memref<1x128xi32, #tpu.memory_space<vmem>>
      %dma_start3A_986 = tpu.memref_squeeze %dma_start3A_985 : memref<1x128xi32, #tpu.memory_space<vmem>> -> memref<128xi32, #tpu.memory_space<vmem>>
      %dma_start3A_987 = arith.constant 0 : i32
      %dma_start3A_988 = tpu.memref_slice %arg8[%dma_start3A_987] : memref<10240xf32, #tpu.memory_space<vmem_shared>> -> memref<10240xf32, #tpu.memory_space<vmem_shared>>
      tpu.enqueue_indirect_dma source(%arg15 : memref<128xf32, #tpu.memory_space<vmem>>) target(%dma_start3A_988 : memref<10240xf32, #tpu.memory_space<vmem_shared>>) offsets(%dma_start3A_986 : memref<128xi32, #tpu.memory_space<vmem>>) semaphore(%arg21 : memref<!tpu.dma_semaphore, #tpu.memory_space<semaphore_mem>>) {add = true}
      %dma_wait3A_989 = arith.constant 6 : i32
      %dma_wait3A_990 = arith.constant 0 : i32
      %dma_wait3A_991 = tpu.memref_slice %arg11[%dma_wait3A_989, %dma_wait3A_990] : memref<8x128xi32, #tpu.memory_space<vmem>> -> memref<1x128xi32, #tpu.memory_space<vmem>>
      %dma_wait3A_992 = tpu.memref_squeeze %dma_wait3A_991 : memref<1x128xi32, #tpu.memory_space<vmem>> -> memref<128xi32, #tpu.memory_space<vmem>>
      %dma_wait3A_993 = arith.constant 0 : i32
      %dma_wait3A_994 = arith.constant 0 : i32
      %dma_wait3A_995 = tpu.memref_slice %arg7[%dma_wait3A_993, %dma_wait3A_994] : memref<10240x128xf32, #tpu.memory_space<vmem_shared>> -> memref<10240x128xf32, #tpu.memory_space<vmem_shared>>
      tpu.wait_indirect_dma semaphore(%arg19 : memref<!tpu.dma_semaphore, #tpu.memory_space<semaphore_mem>>) src(%arg13 : memref<128x128xf32, #tpu.memory_space<vmem>>) dst(%dma_wait3A_995 : memref<10240x128xf32, #tpu.memory_space<vmem_shared>>)
      %lt3A_996 = arith.constant 4 : i32
      %lt3A_997 = arith.cmpi slt, %scan3A_327, %lt3A_996 : i32
      %convert_element_type3A_998 = arith.extui %lt3A_997 : i1 to i32
      %cond3A_999 = arith.constant 0 : i32
      %cond3A_1000 = arith.cmpi ne, %convert_element_type3A_998, %cond3A_999 : i32
      scf.if %cond3A_1000 {
        %dma_start3A_1001 = arith.constant 0 : i32
        %dma_start3A_1002 = arith.constant 0 : i32
        %dma_start3A_1003 = tpu.memref_slice %arg10[%dma_start3A_1001, %dma_start3A_1002] : memref<8x128xi32, #tpu.memory_space<vmem>> -> memref<1x128xi32, #tpu.memory_space<vmem>>
        %dma_start3A_1004 = tpu.memref_squeeze %dma_start3A_1003 : memref<1x128xi32, #tpu.memory_space<vmem>> -> memref<128xi32, #tpu.memory_space<vmem>>
        %dma_start3A_1005 = arith.constant 0 : i32
        %dma_start3A_1006 = arith.constant 0 : i32
        %dma_start3A_1007 = tpu.memref_slice %arg2[%dma_start3A_1005, %dma_start3A_1006] : memref<10000x128xf32, #tpu.memory_space<hbm>> -> memref<10000x128xf32, #tpu.memory_space<hbm>>
        tpu.enqueue_indirect_dma source(%dma_start3A_1007 : memref<10000x128xf32, #tpu.memory_space<hbm>>) target(%arg13 : memref<128x128xf32, #tpu.memory_space<vmem>>) offsets(%dma_start3A_1004 : memref<128xi32, #tpu.memory_space<vmem>>) semaphore(%arg17 : memref<!tpu.dma_semaphore, #tpu.memory_space<semaphore_mem>>)
      } else {
      }
    }
    %scan3A_306 = arith.constant 5 : i32
    %dma_wait3A_307 = arith.constant 7 : i32
    %dma_wait3A_308 = arith.constant 0 : i32
    %dma_wait3A_309 = tpu.memref_slice %arg11[%dma_wait3A_307, %dma_wait3A_308] : memref<8x128xi32, #tpu.memory_space<vmem>> -> memref<1x128xi32, #tpu.memory_space<vmem>>
    %dma_wait3A_310 = tpu.memref_squeeze %dma_wait3A_309 : memref<1x128xi32, #tpu.memory_space<vmem>> -> memref<128xi32, #tpu.memory_space<vmem>>
    %dma_wait3A_311 = arith.constant 0 : i32
    %dma_wait3A_312 = arith.constant 0 : i32
    %dma_wait3A_313 = tpu.memref_slice %arg7[%dma_wait3A_311, %dma_wait3A_312] : memref<10240x128xf32, #tpu.memory_space<vmem_shared>> -> memref<10240x128xf32, #tpu.memory_space<vmem_shared>>
    tpu.wait_indirect_dma semaphore(%arg20 : memref<!tpu.dma_semaphore, #tpu.memory_space<semaphore_mem>>) src(%arg14 : memref<128x128xf32, #tpu.memory_space<vmem>>) dst(%dma_wait3A_313 : memref<10240x128xf32, #tpu.memory_space<vmem_shared>>)
    %dma_wait3A_314 = arith.constant 0 : i32
    %dma_wait3A_315 = arith.constant 0 : i32
    %dma_wait3A_316 = tpu.memref_slice %arg9[%dma_wait3A_314, %dma_wait3A_315] : memref<8x128xi32, #tpu.memory_space<vmem>> -> memref<1x128xi32, #tpu.memory_space<vmem>>
    %dma_wait3A_317 = tpu.memref_squeeze %dma_wait3A_316 : memref<1x128xi32, #tpu.memory_space<vmem>> -> memref<128xi32, #tpu.memory_space<vmem>>
    %dma_wait3A_318 = arith.constant 0 : i32
    %dma_wait3A_319 = tpu.memref_slice %arg8[%dma_wait3A_318] : memref<10240xf32, #tpu.memory_space<vmem_shared>> -> memref<10240xf32, #tpu.memory_space<vmem_shared>>
    tpu.wait_indirect_dma semaphore(%arg21 : memref<!tpu.dma_semaphore, #tpu.memory_space<semaphore_mem>>) src(%arg15 : memref<128xf32, #tpu.memory_space<vmem>>) dst(%dma_wait3A_319 : memref<10240xf32, #tpu.memory_space<vmem_shared>>)
    %dma_wait3A_320 = arith.constant 1 : i32
    %dma_wait3A_321 = arith.constant 0 : i32
    %dma_wait3A_322 = tpu.memref_slice %arg9[%dma_wait3A_320, %dma_wait3A_321] : memref<8x128xi32, #tpu.memory_space<vmem>> -> memref<1x128xi32, #tpu.memory_space<vmem>>
    %dma_wait3A_323 = tpu.memref_squeeze %dma_wait3A_322 : memref<1x128xi32, #tpu.memory_space<vmem>> -> memref<128xi32, #tpu.memory_space<vmem>>
    %dma_wait3A_324 = arith.constant 0 : i32
    %dma_wait3A_325 = tpu.memref_slice %arg8[%dma_wait3A_324] : memref<10240xf32, #tpu.memory_space<vmem_shared>> -> memref<10240xf32, #tpu.memory_space<vmem_shared>>
    tpu.wait_indirect_dma semaphore(%arg21 : memref<!tpu.dma_semaphore, #tpu.memory_space<semaphore_mem>>) src(%arg15 : memref<128xf32, #tpu.memory_space<vmem>>) dst(%dma_wait3A_325 : memref<10240xf32, #tpu.memory_space<vmem_shared>>)
    %barrier3A_326 = arith.constant 0 : index
    tpu.barrier barrier_id(%barrier3A_326)
    "tpu.region"() ({
      %run_scoped3A = tpu.sem_alloc : memref<!tpu.dma_semaphore, #tpu.memory_space<semaphore_mem>>
      %dma_start3A_327 = arith.constant 0 : i32
      %dma_start3A_328 = tpu.memref_slice %arg5[%arg0, %mul3A_201, %dma_start3A_327] : memref<2x10240x128xf32, #tpu.memory_space<hbm>> -> memref<1x640x128xf32, #tpu.memory_space<hbm>>
      %dma_start3A_329 = tpu.memref_squeeze %dma_start3A_328 : memref<1x640x128xf32, #tpu.memory_space<hbm>> -> memref<640x128xf32, #tpu.memory_space<hbm>>
      %dma_start3A_330 = arith.constant 0 : i32
      %dma_start3A_331 = tpu.memref_slice %arg7[%mul3A_201, %dma_start3A_330] : memref<10240x128xf32, #tpu.memory_space<vmem_shared>> -> memref<640x128xf32, #tpu.memory_space<vmem_shared>>
      tpu.enqueue_dma source(%dma_start3A_331 : memref<640x128xf32, #tpu.memory_space<vmem_shared>>) target(%dma_start3A_329 : memref<640x128xf32, #tpu.memory_space<hbm>>) target_semaphore(%run_scoped3A : memref<!tpu.dma_semaphore, #tpu.memory_space<semaphore_mem>>)
      %dma_wait3A_332 = arith.constant 0 : i32
      %dma_wait3A_333 = tpu.memref_slice %arg5[%arg0, %mul3A_201, %dma_wait3A_332] : memref<2x10240x128xf32, #tpu.memory_space<hbm>> -> memref<1x640x128xf32, #tpu.memory_space<hbm>>
      %dma_wait3A_334 = tpu.memref_squeeze %dma_wait3A_333 : memref<1x640x128xf32, #tpu.memory_space<hbm>> -> memref<640x128xf32, #tpu.memory_space<hbm>>
      %dma_wait3A_335 = arith.constant 0 : i32
      %dma_wait3A_336 = tpu.memref_slice %arg7[%mul3A_201, %dma_wait3A_335] : memref<10240x128xf32, #tpu.memory_space<vmem_shared>> -> memref<640x128xf32, #tpu.memory_space<vmem_shared>>
      tpu.wait_dma2 semaphore(%run_scoped3A : memref<!tpu.dma_semaphore, #tpu.memory_space<semaphore_mem>>) src(%dma_wait3A_336 : memref<640x128xf32, #tpu.memory_space<vmem_shared>>) dst(%dma_wait3A_334 : memref<640x128xf32, #tpu.memory_space<hbm>>)
      tpu.yield
    }) : () -> ()
    "tpu.region"() ({
      %run_scoped3A = tpu.sem_alloc : memref<!tpu.dma_semaphore, #tpu.memory_space<semaphore_mem>>
      %dma_start3A_327 = tpu.memref_slice %arg6[%arg0, %mul3A_201] : memref<2x10240xf32, #tpu.memory_space<hbm>> -> memref<1x640xf32, #tpu.memory_space<hbm>>
      %dma_start3A_328 = tpu.memref_squeeze %dma_start3A_327 : memref<1x640xf32, #tpu.memory_space<hbm>> -> memref<640xf32, #tpu.memory_space<hbm>>
      %dma_start3A_329 = tpu.memref_slice %arg8[%mul3A_201] : memref<10240xf32, #tpu.memory_space<vmem_shared>> -> memref<640xf32, #tpu.memory_space<vmem_shared>>
      tpu.enqueue_dma source(%dma_start3A_329 : memref<640xf32, #tpu.memory_space<vmem_shared>>) target(%dma_start3A_328 : memref<640xf32, #tpu.memory_space<hbm>>) target_semaphore(%run_scoped3A : memref<!tpu.dma_semaphore, #tpu.memory_space<semaphore_mem>>)
      %dma_wait3A_330 = tpu.memref_slice %arg6[%arg0, %mul3A_201] : memref<2x10240xf32, #tpu.memory_space<hbm>> -> memref<1x640xf32, #tpu.memory_space<hbm>>
      %dma_wait3A_331 = tpu.memref_squeeze %dma_wait3A_330 : memref<1x640xf32, #tpu.memory_space<hbm>> -> memref<640xf32, #tpu.memory_space<hbm>>
      %dma_wait3A_332 = tpu.memref_slice %arg8[%mul3A_201] : memref<10240xf32, #tpu.memory_space<vmem_shared>> -> memref<640xf32, #tpu.memory_space<vmem_shared>>
      tpu.wait_dma2 semaphore(%run_scoped3A : memref<!tpu.dma_semaphore, #tpu.memory_space<semaphore_mem>>) src(%dma_wait3A_332 : memref<640xf32, #tpu.memory_space<vmem_shared>>) dst(%dma_wait3A_331 : memref<640xf32, #tpu.memory_space<hbm>>)
      tpu.yield
    }) : () -> ()
    return
  }
}

module attributes {stable_mosaic.version = 14 : i64} {
  func.func @_lin1_body(%arg0: i32, %arg1: memref<2000x128xf32, #tpu.memory_space<vmem>>, %arg2: memref<128x128xf32, #tpu.memory_space<vmem>>, %arg3: memref<2000x128xf32, #tpu.memory_space<vmem>>) attributes {dimension_semantics = [#tpu.dimension_semantics<arbitrary>], iteration_bounds = array<i64: 5>, scalar_prefetch = 0 : i64, scratch_operands = 0 : i64, tpu.core_type = #tpu.core_type<tc>, window_params = [{transform_indices = @transform_0, window_bounds = array<i64: 2000, 128>}, {pipeline_mode = #tpu.pipeline_mode<synchronous>, transform_indices = @transform_1, window_bounds = array<i64: 128, 128>}, {transform_indices = @transform_2, window_bounds = array<i64: 2000, 128>}]} {
    %get3A = arith.constant 0 : index
    %get3A_0 = arith.constant 0 : index
    %get3A_1 = vector.load %arg1[%get3A, %get3A_0] : memref<2000x128xf32, #tpu.memory_space<vmem>>, vector<2000x128xf32>
    %get3A_2 = arith.constant 0 : index
    %get3A_3 = arith.constant 0 : index
    %get3A_4 = vector.load %arg2[%get3A_2, %get3A_3] : memref<128x128xf32, #tpu.memory_space<vmem>>, vector<128x128xf32>
    %dot_general3A = arith.constant dense<0.000000e+00> : vector<2000x128xf32>
    %dot_general3A_5 = tpu.matmul %get3A_1, %get3A_4, %dot_general3A {dimension_numbers = #tpu.dot_dimension_numbers<[1], [0], [0], [1], [0, 0, 1, 1], [], []>, transpose_lhs_hint = false} : vector<2000x128xf32>, vector<128x128xf32>, vector<2000x128xf32> -> vector<2000x128xf32>
    %swap3A = arith.constant 0 : index
    %swap3A_6 = arith.constant 0 : index
    %swap3A_7 = vector.load %arg3[%swap3A, %swap3A_6] : memref<2000x128xf32, #tpu.memory_space<vmem>>, vector<2000x128xf32>
    tpu.vector_store %arg3[%swap3A, %swap3A_6], %dot_general3A_5 {strides = array<i32>} : memref<2000x128xf32, #tpu.memory_space<vmem>>, vector<2000x128xf32>,
    return
  }
  func.func @transform_0(%arg0: i32) -> (i32, i32) {
    %c0_i32 = arith.constant 0 : i32
    %c0_i32_0 = arith.constant 0 : i32
    return %arg0, %c0_i32 : i32, i32
  }
  func.func @transform_1(%arg0: i32) -> (i32, i32) {
    %c0_i32 = arith.constant 0 : i32
    %c0_i32_0 = arith.constant 0 : i32
    %c0_i32_1 = arith.constant 0 : i32
    return %c0_i32, %c0_i32_0 : i32, i32
  }
  func.func @transform_2(%arg0: i32) -> (i32, i32) {
    %c0_i32 = arith.constant 0 : i32
    %c0_i32_0 = arith.constant 0 : i32
    return %arg0, %c0_i32 : i32, i32
  }
}

module attributes {stable_mosaic.version = 14 : i64} {
  func.func @_mid_body(%arg0: i32, %arg1: memref<2000x128xf32, #tpu.memory_space<vmem>>, %arg2: memref<2000x128xf32, #tpu.memory_space<vmem>>, %arg3: memref<2000x1xf32, #tpu.memory_space<vmem>>, %arg4: memref<2000x1xf32, #tpu.memory_space<vmem>>, %arg5: memref<1x128xf32, #tpu.memory_space<vmem>>, %arg6: memref<128x128xf32, #tpu.memory_space<vmem>>, %arg7: memref<2000x128xf32, #tpu.memory_space<vmem>>) attributes {dimension_semantics = [#tpu.dimension_semantics<arbitrary>], iteration_bounds = array<i64: 5>, scalar_prefetch = 0 : i64, scratch_operands = 0 : i64, tpu.core_type = #tpu.core_type<tc>, window_params = [{transform_indices = @transform_0, window_bounds = array<i64: 2000, 128>}, {transform_indices = @transform_1, window_bounds = array<i64: 2000, 128>}, {transform_indices = @transform_2, window_bounds = array<i64: 2000, 1>}, {transform_indices = @transform_3, window_bounds = array<i64: 2000, 1>}, {pipeline_mode = #tpu.pipeline_mode<synchronous>, transform_indices = @transform_4, window_bounds = array<i64: 1, 128>}, {pipeline_mode = #tpu.pipeline_mode<synchronous>, transform_indices = @transform_5, window_bounds = array<i64: 128, 128>}, {transform_indices = @transform_6, window_bounds = array<i64: 2000, 128>}]} {
    %get3A = arith.constant 0 : index
    %get3A_0 = arith.constant 0 : index
    %get3A_1 = vector.load %arg3[%get3A, %get3A_0] : memref<2000x1xf32, #tpu.memory_space<vmem>>, vector<2000x1xf32>
    %get3A_2 = arith.constant 0 : index
    %get3A_3 = arith.constant 0 : index
    %get3A_4 = vector.load %arg4[%get3A_2, %get3A_3] : memref<2000x1xf32, #tpu.memory_space<vmem>>, vector<2000x1xf32>
    %add3A = arith.addf %get3A_1, %get3A_4 : vector<2000x1xf32>
    %get3A_5 = arith.constant 0 : index
    %get3A_6 = arith.constant 0 : index
    %get3A_7 = vector.load %arg1[%get3A_5, %get3A_6] : memref<2000x128xf32, #tpu.memory_space<vmem>>, vector<2000x128xf32>
    %get3A_8 = arith.constant 0 : index
    %get3A_9 = arith.constant 0 : index
    %get3A_10 = vector.load %arg2[%get3A_8, %get3A_9] : memref<2000x128xf32, #tpu.memory_space<vmem>>, vector<2000x128xf32>
    %add3A_11 = arith.addf %get3A_7, %get3A_10 : vector<2000x128xf32>
    %div3A = arith.constant 1.000000e+00 : f32
    %div3A_12 = vector.broadcast %div3A : f32 to vector<2000x1xf32>
    %div3A_13 = arith.divf %div3A_12, %add3A : vector<2000x1xf32>
    %mul3A = vector.broadcast %div3A_13 : vector<2000x1xf32> to vector<2000x128xf32>
    %mul3A_14 = arith.mulf %add3A_11, %mul3A : vector<2000x128xf32>
    %get3A_15 = arith.constant 0 : index
    %get3A_16 = arith.constant 0 : index
    %get3A_17 = vector.load %arg5[%get3A_15, %get3A_16] : memref<1x128xf32, #tpu.memory_space<vmem>>, vector<1x128xf32>
    %add3A_18 = vector.broadcast %get3A_17 : vector<1x128xf32> to vector<2000x128xf32>
    %add3A_19 = arith.addf %mul3A_14, %add3A_18 : vector<2000x128xf32>
    %max3A = arith.constant 0.000000e+00 : f32
    %max3A_20 = vector.broadcast %max3A : f32 to vector<2000x128xf32>
    %max3A_21 = arith.maximumf %add3A_19, %max3A_20 : vector<2000x128xf32>
    %get3A_22 = arith.constant 0 : index
    %get3A_23 = arith.constant 0 : index
    %get3A_24 = vector.load %arg6[%get3A_22, %get3A_23] : memref<128x128xf32, #tpu.memory_space<vmem>>, vector<128x128xf32>
    %dot_general3A = arith.constant dense<0.000000e+00> : vector<2000x128xf32>
    %dot_general3A_25 = tpu.matmul %max3A_21, %get3A_24, %dot_general3A {dimension_numbers = #tpu.dot_dimension_numbers<[1], [0], [0], [1], [0, 0, 1, 1], [], []>, transpose_lhs_hint = false} : vector<2000x128xf32>, vector<128x128xf32>, vector<2000x128xf32> -> vector<2000x128xf32>
    %swap3A = arith.constant 0 : index
    %swap3A_26 = arith.constant 0 : index
    %swap3A_27 = vector.load %arg7[%swap3A, %swap3A_26] : memref<2000x128xf32, #tpu.memory_space<vmem>>, vector<2000x128xf32>
    tpu.vector_store %arg7[%swap3A, %swap3A_26], %dot_general3A_25 {strides = array<i32>} : memref<2000x128xf32, #tpu.memory_space<vmem>>, vector<2000x128xf32>,
    return
  }
  func.func @transform_0(%arg0: i32) -> (i32, i32) {
    %c0_i32 = arith.constant 0 : i32
    %c0_i32_0 = arith.constant 0 : i32
    return %arg0, %c0_i32 : i32, i32
  }
  func.func @transform_1(%arg0: i32) -> (i32, i32) {
    %c0_i32 = arith.constant 0 : i32
    %c0_i32_0 = arith.constant 0 : i32
    return %arg0, %c0_i32 : i32, i32
  }
  func.func @transform_2(%arg0: i32) -> (i32, i32) {
    %c0_i32 = arith.constant 0 : i32
    %c0_i32_0 = arith.constant 0 : i32
    return %arg0, %c0_i32 : i32, i32
  }
  func.func @transform_3(%arg0: i32) -> (i32, i32) {
    %c0_i32 = arith.constant 0 : i32
    %c0_i32_0 = arith.constant 0 : i32
    return %arg0, %c0_i32 : i32, i32
  }
  func.func @transform_4(%arg0: i32) -> (i32, i32) {
    %c0_i32 = arith.constant 0 : i32
    %c0_i32_0 = arith.constant 0 : i32
    %c0_i32_1 = arith.constant 0 : i32
    return %c0_i32, %c0_i32_0 : i32, i32
  }
  func.func @transform_5(%arg0: i32) -> (i32, i32) {
    %c0_i32 = arith.constant 0 : i32
    %c0_i32_0 = arith.constant 0 : i32
    %c0_i32_1 = arith.constant 0 : i32
    return %c0_i32, %c0_i32_0 : i32, i32
  }
  func.func @transform_6(%arg0: i32) -> (i32, i32) {
    %c0_i32 = arith.constant 0 : i32
    %c0_i32_0 = arith.constant 0 : i32
    return %arg0, %c0_i32 : i32, i32
  }
}

module attributes {stable_mosaic.version = 14 : i64} {
  func.func @_out_body(%arg0: i32, %arg1: memref<2000x128xf32, #tpu.memory_space<vmem>>, %arg2: memref<2000x128xf32, #tpu.memory_space<vmem>>, %arg3: memref<2000x1xf32, #tpu.memory_space<vmem>>, %arg4: memref<2000x1xf32, #tpu.memory_space<vmem>>, %arg5: memref<1x128xf32, #tpu.memory_space<vmem>>, %arg6: memref<2000x47xf32, #tpu.memory_space<vmem>>) attributes {dimension_semantics = [#tpu.dimension_semantics<arbitrary>], iteration_bounds = array<i64: 5>, scalar_prefetch = 0 : i64, scratch_operands = 0 : i64, tpu.core_type = #tpu.core_type<tc>, window_params = [{transform_indices = @transform_0, window_bounds = array<i64: 2000, 128>}, {transform_indices = @transform_1, window_bounds = array<i64: 2000, 128>}, {transform_indices = @transform_2, window_bounds = array<i64: 2000, 1>}, {transform_indices = @transform_3, window_bounds = array<i64: 2000, 1>}, {pipeline_mode = #tpu.pipeline_mode<synchronous>, transform_indices = @transform_4, window_bounds = array<i64: 1, 128>}, {transform_indices = @transform_5, window_bounds = array<i64: 2000, 47>}]} {
    %get3A = arith.constant 0 : index
    %get3A_0 = arith.constant 0 : index
    %get3A_1 = vector.load %arg3[%get3A, %get3A_0] : memref<2000x1xf32, #tpu.memory_space<vmem>>, vector<2000x1xf32>
    %get3A_2 = arith.constant 0 : index
    %get3A_3 = arith.constant 0 : index
    %get3A_4 = vector.load %arg4[%get3A_2, %get3A_3] : memref<2000x1xf32, #tpu.memory_space<vmem>>, vector<2000x1xf32>
    %add3A = arith.addf %get3A_1, %get3A_4 : vector<2000x1xf32>
    %get3A_5 = arith.constant 0 : index
    %get3A_6 = arith.constant 0 : index
    %get3A_7 = vector.load %arg1[%get3A_5, %get3A_6] : memref<2000x128xf32, #tpu.memory_space<vmem>>, vector<2000x128xf32>
    %get3A_8 = arith.constant 0 : index
    %get3A_9 = arith.constant 0 : index
    %get3A_10 = vector.load %arg2[%get3A_8, %get3A_9] : memref<2000x128xf32, #tpu.memory_space<vmem>>, vector<2000x128xf32>
    %add3A_11 = arith.addf %get3A_7, %get3A_10 : vector<2000x128xf32>
    %div3A = arith.constant 1.000000e+00 : f32
    %div3A_12 = vector.broadcast %div3A : f32 to vector<2000x1xf32>
    %div3A_13 = arith.divf %div3A_12, %add3A : vector<2000x1xf32>
    %mul3A = vector.broadcast %div3A_13 : vector<2000x1xf32> to vector<2000x128xf32>
    %mul3A_14 = arith.mulf %add3A_11, %mul3A : vector<2000x128xf32>
    %get3A_15 = arith.constant 0 : index
    %get3A_16 = arith.constant 0 : index
    %get3A_17 = vector.load %arg5[%get3A_15, %get3A_16] : memref<1x128xf32, #tpu.memory_space<vmem>>, vector<1x128xf32>
    %add3A_18 = vector.broadcast %get3A_17 : vector<1x128xf32> to vector<2000x128xf32>
    %add3A_19 = arith.addf %mul3A_14, %add3A_18 : vector<2000x128xf32>
    %iota3A = tpu.iota {dimensions = array<i32: 1>} : vector<2000x128xi32>
    %lt3A = arith.constant 47 : i32
    %lt3A_20 = vector.broadcast %lt3A : i32 to vector<2000x128xi32>
    %lt3A_21 = arith.cmpi slt, %iota3A, %lt3A_20 : vector<2000x128xi32>
    %jit3A = arith.constant 0xFF800000 : f32
    %broadcast_in_dim3A = vector.broadcast %jit3A : f32 to vector<2000x128xf32>
    %select_n3A = arith.select %lt3A_21, %add3A_19, %broadcast_in_dim3A : vector<2000x128xi1>, vector<2000x128xf32>
    %reduce_max3A = arith.constant dense<0xFF800000> : vector<2000xf32>
    %reduce_max3A_22 = vector.multi_reduction <maximumf>, %select_n3A, %reduce_max3A [1] : vector<2000x128xf32> to vector<2000xf32>
    %broadcast_in_dim3A_23 = vector.shape_cast %reduce_max3A_22 : vector<2000xf32> to vector<2000x1xf32>
    %sub3A = vector.broadcast %broadcast_in_dim3A_23 : vector<2000x1xf32> to vector<2000x128xf32>
    %sub3A_24 = arith.subf %add3A_19, %sub3A : vector<2000x128xf32>
    %exp3A = math.exp %sub3A_24 : vector<2000x128xf32>
    %jit3A_25 = arith.constant 0.000000e+00 : f32
    %broadcast_in_dim3A_26 = vector.broadcast %jit3A_25 : f32 to vector<2000x128xf32>
    %select_n3A_27 = arith.select %lt3A_21, %exp3A, %broadcast_in_dim3A_26 : vector<2000x128xi1>, vector<2000x128xf32>
    %reduce_sum3A = arith.constant dense<0.000000e+00> : vector<2000xf32>
    %reduce_sum3A_28 = vector.multi_reduction <add>, %select_n3A_27, %reduce_sum3A [1] : vector<2000x128xf32> to vector<2000xf32>
    %broadcast_in_dim3A_29 = vector.shape_cast %reduce_sum3A_28 : vector<2000xf32> to vector<2000x1xf32>
    %sub3A_30 = vector.broadcast %broadcast_in_dim3A_23 : vector<2000x1xf32> to vector<2000x128xf32>
    %sub3A_31 = arith.subf %add3A_19, %sub3A_30 : vector<2000x128xf32>
    %log3A = math.log %broadcast_in_dim3A_29 : vector<2000x1xf32>
    %sub3A_32 = vector.broadcast %log3A : vector<2000x1xf32> to vector<2000x128xf32>
    %sub3A_33 = arith.subf %sub3A_31, %sub3A_32 : vector<2000x128xf32>
    %slice3A = vector.extract_strided_slice %sub3A_33 {offsets = [0, 0], sizes = [2000, 47], strides = [1, 1]} : vector<2000x128xf32> to vector<2000x47xf32>
    %swap3A = arith.constant 0 : index
    %swap3A_34 = arith.constant 0 : index
    %swap3A_35 = vector.load %arg6[%swap3A, %swap3A_34] : memref<2000x47xf32, #tpu.memory_space<vmem>>, vector<2000x47xf32>
    tpu.vector_store %arg6[%swap3A, %swap3A_34], %slice3A {strides = array<i32>} : memref<2000x47xf32, #tpu.memory_space<vmem>>, vector<2000x47xf32>,
    return
  }
  func.func @transform_0(%arg0: i32) -> (i32, i32) {
    %c0_i32 = arith.constant 0 : i32
    %c0_i32_0 = arith.constant 0 : i32
    return %arg0, %c0_i32 : i32, i32
  }
  func.func @transform_1(%arg0: i32) -> (i32, i32) {
    %c0_i32 = arith.constant 0 : i32
    %c0_i32_0 = arith.constant 0 : i32
    return %arg0, %c0_i32 : i32, i32
  }
  func.func @transform_2(%arg0: i32) -> (i32, i32) {
    %c0_i32 = arith.constant 0 : i32
    %c0_i32_0 = arith.constant 0 : i32
    return %arg0, %c0_i32 : i32, i32
  }
  func.func @transform_3(%arg0: i32) -> (i32, i32) {
    %c0_i32 = arith.constant 0 : i32
    %c0_i32_0 = arith.constant 0 : i32
    return %arg0, %c0_i32 : i32, i32
  }
  func.func @transform_4(%arg0: i32) -> (i32, i32) {
    %c0_i32 = arith.constant 0 : i32
    %c0_i32_0 = arith.constant 0 : i32
    %c0_i32_1 = arith.constant 0 : i32
    return %c0_i32, %c0_i32_0 : i32, i32
  }
  func.func @transform_5(%arg0: i32) -> (i32, i32) {
    %c0_i32 = arith.constant 0 : i32
    %c0_i32_0 = arith.constant 0 : i32
    return %arg0, %c0_i32 : i32, i32
  }
}

</mosaic_0001>

<sc_bundles>
// kernel: kernel.10.cloned.1.call-start
scs
__scs_entry_jumppad:
0x0: {  	(pc) =	sbr.rel $0x88, $3  }
0x1: {  	(tag) =	ssettag $0x0;
	lr =	simm.s32 $0x1  }
0x2: {  	[smem:$0x3F9B] =	sst lr;
	_ =	strace $0xD0000000  }
0x3: {  	_ = 	snop  }
0x4: {  	_ = 	snop  }
0x5: {  	_ = 	snop  }
0x6: {  	_ = 	snop  }
0x7: {  	_ = 	snop  }
__scs_overlays_trampoline_lowered:
0x8: {  	[smem:$0x3FAA] =	sst s0  }
0x9: {  	[smem:$0x3FAB] =	sst s1  }
0xa: {  	[smem:$0x3FAC] =	sst s2  }
0xb: {  	[smem:$0x3FAD] =	sst s3  }
0xc: {  	[smem:$0x3FAE] =	sst s4  }
0xd: {  	[smem:$0x3FAF] =	sst s5  }
0xe: {  	[smem:$0x3FB0] =	sst s6  }
0xf: {  	[smem:$0x3FB1] =	sst s7  }
0x10: {  	[smem:$0x3FB2] =	sst s8  }
0x11: {  	[smem:$0x3FB3] =	sst s9;
	s0 =	simm.s32 @!p0 $0x0  }
0x12: {  	s1 =	sld [smem:$0x3F99];
	s0 =	simm.s32 @p0 $0x1  }
0x13: {  	[smem:$0x3FB4] =	sst s0;
	s0 =	simm.s32 @!p1 $0x0  }
0x14: {  	s2 =	sld [smem:$0x3F98];
	s0 =	simm.s32 @p1 $0x1  }
0x15: {  	[smem:$0x3FB5] =	sst s0;
	s0 =	simm.s32 @!p2 $0x0  }
0x16: {  	s3 =	sld [smem:$0x3FDB];
	s0 =	simm.s32 @p2 $0x1  }
0x17: {  	s4 =	simm.s32 $0x1BF5;
	[smem:$0x3FB7] =	sst s0  }
0x18: {  	s0 =	sld [smem:$0x3F9A];
	_ =	swait.ge [sflag:s4], $0x0  }
0x19: {  	s7 =	sld [smem:$0x3F9B]  }
0x1a: {  	s8 =	sadd.s32 $0xFFFFE003, lr  }
0x1b: {  	s9 =	sadd.s32 $0xFFFFFEF7, lr;
	s5 =	simm.s32 $0xFFFFFFFF;
	p2 =	slt.u32 s8, $0xFFFFF086  }
0x1c: {  	p1 =	slt.u32 s9, $0xF7A;
	s5 =	simm.s32 @!p2 $0x0  }
0x1d: {  	s5 =	simm.s32 @p1 $0x1;
	p0 =	seq.s32 s7, s2  }
0x1e: {  	s7 =	smul.u32 @!p0 $0xF7A, s2;
	p2 =	seq.s32 @!p0 s5, $0x0  }
0x1f: {  	s9 =	smul.u32 $0xF7A, s1;
	s8 =	simm.s32 @!p0 $0x1BF5;
	p2 =	por !p2, p0  }
0x20: {  	[sflag:s8] =	ssyncset.s32 @!p0 $0xFFFFF086;
	s6 =	sadd.s32 @!p0 s3, s7;
	s7 =	simm.s32 @!p0 $0x108  }
0x21: {  	s3 =	sadd.s32 s3, s9;
	s6 =	sadd.s32 @!p0 $0x88, s6;
	s7 =	simm.s32 @p2 $0x1082  }
0x22: {  	[simem:s7], [sflag:s8] =	dma.local @!p0 [hbm:s6], $0xF7A  }
0x23: {  	s9 =	sor.u32 $0xD0000000, s2;
	s6 =	simm.s32 $0x108;
	_ =	swait.ge @!p0 [sflag:s8], $0x0  }
0x24: {  	s3 =	sadd.s32 $0x88, s3;
	s6 =	simm.s32 @!p1 $0x1082;
	[sflag:s4] =	ssyncset.s32 $0xFFFFF086  }
0x25: {  	[simem:s6], [sflag:s4] =	dma.local [hbm:s3], $0xF7A  }
0x26: {  	[smem:$0x3F9B] =	sst s1;
	(tag) =	ssettag s2;
	_ =	strace s9  }
0x27: {  	s1 =	sld [smem:$0x3FAB]  }
0x28: {  	s2 =	sld [smem:$0x3FAC]  }
0x29: {  	s4 =	sld [smem:$0x3FAE]  }
0x2a: {  	p0 =	seq.s32 s5, $0x0;
	s5 =	sld [smem:$0x3FAF]  }
0x2b: {  	s6 =	sld [smem:$0x3FB0]  }
0x2c: {  	s7 =	sld [smem:$0x3FB1]  }
0x2d: {  	s3 =	simm.s32 $0x108;
	s8 =	sld [smem:$0x3FB2]  }
0x2e: {  	s3 =	simm.s32 @!p0 $0x1082;
	s9 =	sld [smem:$0x3FB3]  }
0x2f: {  	lr =	sadd.s32 s0, s3;
	s0 =	sld [smem:$0x3FAA]  }
0x30: {  	s3 =	sld [smem:$0x3FAD]  }
0x31: {  	[smem:$0x3FB6] =	sst s10  }
0x32: {  	s10 =	sld [smem:$0x3FB4];
	_ =	sdelay $0x3  }
0x33: {  	p0 =	seq.s32 s10, $0x1;
	s10 =	sld [smem:$0x3FB6];
	_ =	sdelay $0x3  }
0x34: {  	[smem:$0x3FB6] =	sst s10  }
0x35: {  	s10 =	sld [smem:$0x3FB5];
	_ =	sdelay $0x3  }
0x36: {  	p1 =	seq.s32 s10, $0x1;
	s10 =	sld [smem:$0x3FB6];
	_ =	sdelay $0x3  }
0x37: {  	[smem:$0x3FB6] =	sst s10  }
0x38: {  	s10 =	sld [smem:$0x3FB7]  }
0x39: {  	_ = 	snop;
	(pc) =	sbr.ind lr, $3  }
0x3a: {  	_ = 	snop  }
0x3b: {  	_ = 	snop  }
0x3c: {  	p2 =	seq.s32 s10, $0x1;
	s10 =	sld [smem:$0x3FB6]  }
0x3d: {  	_ =	shalt  }
0x3e: {  	_ =	shalt  }
0x3f: {  	_ =	shalt  }
0x40: {  	_ =	shalt  }
0x41: {  	_ =	shalt  }
0x42: {  	_ =	shalt  }
0x43: {  	_ =	shalt  }
0x44: {  	_ =	shalt  }
0x45: {  	_ =	shalt  }
0x46: {  	_ =	shalt  }
0x47: {  	_ =	shalt  }
0x48: {  	_ =	shalt  }
0x49: {  	_ =	shalt  }
0x4a: {  	_ =	shalt  }
0x4b: {  	_ =	shalt  }
0x4c: {  	_ =	shalt  }
0x4d: {  	_ =	shalt  }
0x4e: {  	_ =	shalt  }
0x4f: {  	_ =	shalt  }
0x50: {  	_ =	shalt  }
0x51: {  	_ =	shalt  }
0x52: {  	_ =	shalt  }
0x53: {  	_ =	shalt  }
0x54: {  	_ =	shalt  }
0x55: {  	_ =	shalt  }
0x56: {  	_ =	shalt  }
0x57: {  	_ =	shalt  }
0x58: {  	_ =	shalt  }
0x59: {  	_ =	shalt  }
0x5a: {  	_ =	shalt  }
0x5b: {  	_ =	shalt  }
0x5c: {  	_ =	shalt  }
0x5d: {  	_ =	shalt  }
0x5e: {  	_ =	shalt  }
0x5f: {  	_ =	shalt  }
0x60: {  	_ =	shalt  }
0x61: {  	_ =	shalt  }
0x62: {  	_ =	shalt  }
0x63: {  	_ =	shalt  }
0x64: {  	_ =	shalt  }
0x65: {  	_ =	shalt  }
0x66: {  	_ =	shalt  }
0x67: {  	_ =	shalt  }
0x68: {  	_ =	shalt  }
0x69: {  	_ =	shalt  }
0x6a: {  	_ =	shalt  }
0x6b: {  	_ =	shalt  }
0x6c: {  	_ =	shalt  }
0x6d: {  	_ =	shalt  }
0x6e: {  	_ =	shalt  }
0x6f: {  	_ =	shalt  }
0x70: {  	_ =	shalt  }
0x71: {  	_ =	shalt  }
0x72: {  	_ =	shalt  }
0x73: {  	_ =	shalt  }
0x74: {  	_ =	shalt  }
0x75: {  	_ =	shalt  }
0x76: {  	_ =	shalt  }
0x77: {  	_ =	shalt  }
0x78: {  	_ =	shalt  }
0x79: {  	_ =	shalt  }
0x7a: {  	_ =	shalt  }
0x7b: {  	_ =	shalt  }
0x7c: {  	_ =	shalt  }
0x7d: {  	_ =	shalt  }
0x7e: {  	_ =	shalt  }
0x7f: {  	_ =	shalt  }
0x80: {  	_ =	shalt  }
0x81: {  	_ =	shalt  }
0x82: {  	_ =	shalt  }
0x83: {  	_ =	shalt  }
0x84: {  	_ =	shalt  }
0x85: {  	_ =	shalt  }
0x86: {  	_ =	shalt  }
0x87: {  	_ =	shalt  }
.Lfunc_end0:
.L_simem_size_0:
called_computation.1_lowered:
.L_overlay_start_0:
0x88: {  	s2 =	sld [smem:$0x3FD9]  }
0x89: {  	s3 =	sld [smem:$0x3FFE];
	_ =	sdelay $0x1  }
0x8a: {  	s1 =	srdreg.scid  }
0x8b: {  	s0 =	sand.u32 $0x1, s1  }
0x8c: {  	s17 =	sshll.u32 s0, $0xA;
	s2 =	sadd.s32 s3, s2  }
0x8d: {  	s2 =	sadd.s32 s2, s17  }
0x8e: {  	[smem:$0x3FC2] =	sst s2  }
0x8f: {  	_ = 	snop  }
0x90: {  	s2 =	sld [smem:$0x3FD0];
	(tm) =	ssettm $0x1  }
0x91: {  	s18 =	sld [smem:$0x3FFB];
	_ =	sdelay $0x3  }
0x92: {  	_ =	strace s18  }
0x93: {  	s3 =	sld [smem:$0x3FFC];
	_ =	sdelay $0x3  }
0x94: {  	_ =	strace s3  }
0x95: {  	s3 =	sld [smem:$0x3FFD];
	_ =	sdelay $0x3  }
0x96: {  	_ =	strace s3  }
0x97: {  	_ =	strace $0x8FFFFFFF  }
0x98: {  	s19 =	sld [smem:$0x3FDB];
	_ =	sdelay $0x1  }
0x99: {  	s4 =	simm.s32 $_scs_section_size  }
0x9a: {  	s5 =	simm.s32 $_size__tile_overlayer_lowered;
	s6 =	simm.s32 $_tile_overlayer_lowered  }
0x9b: {  	s22 =	simm.s32 $0x1BFF;
	s21 =	sshll.u32 s6, $0x1;
	s3 =	sadd.s32 s4, s19  }
0x9c: {  	s7 =	simm.s32 $0x0;
	s20 =	sshll.u32 s5, $0x1;
	s5 =	sadd.s32 s21, s3  }
0x9d: {  	[timem:s7], [sflag:s22] =	dma.local [hbm:s5], s20  }
0x9e: {  	_ =	swait.ge [sflag:s22], s20  }
0x9f: {  	s4 =	ssub.s32 $0x0, s20;
	[sflag:s22] =	ssyncset.done $0x0  }
0xa0: {  	[sflag:s22] =	ssyncadd.s32 s4;
	_ =	sdelay $0x1  }
0xa1: {  	s23 =	simm.s32 $0x1B8B  }
0xa2: {  	_ =	swait.ge [sflag:s23], $0x1  }
0xa3: {  	[sflag:s23] =	ssyncset.done $0x0  }
0xa4: {  	s25 =	simm.s32 $0x1B8E;
	s24 =	sld [smem:$0x3FFE];
	[sflag:s23] =	ssyncadd.s32 $0xFFFFFFFF  }
0xa5: {  	s26 =	simm.s32 $execute0_lowered;
	[smem:$0x3FD2] =	sst s25  }
0xa6: {  	s5 =	sshll.u32 s26, $0x1;
	_ =	strace $0x80000049;
	[dreg:$0x1] =	wrdreg $0xFFFFFFFF  }
0xa7: {  	s28 =	simm.s32 $_size_execute0_lowered;
	s3 =	sadd.s32 s3, s5;
	[dreg:$0x0] =	wrdreg $0x0  }
0xa8: {  	s5 =	sshll.u32 s28, $0x1;
	[dreg:$0x2] =	wrdreg s3  }
0xa9: {  	[dreg:$0x3] =	wrdreg s5  }
0xaa: {  	[dreg:$0x4] =	wrdreg $0xC0  }
0xab: {  	_ =	task [dreg:s7], $0x5FFFF  }
0xac: {  	[dreg:$0x1] =	wrdreg $0xFFFFFFFF  }
0xad: {  	[dreg:$0x0] =	wrdreg $0x60  }
0xae: {  	[dreg:$0x2] =	wrdreg s24  }
0xaf: {  	[dreg:$0x3] =	wrdreg s2  }
0xb0: {  	[dreg:$0x4] =	wrdreg $0x0  }
0xb1: {  	[dreg:$0x5] =	wrdreg $0x9  }
0xb2: {  	_ =	task.clear_ibuf [dreg:s7], $0x6FFFF;
	_ =	strace $0x90000049  }
0xb3: {  	s29 =	simm.s32 $0x9;
	_ =	strace $0x8000004B  }
0xb4: {  	_ =	swait.ge [sflag:s29], $0x1  }
0xb5: {  	[sflag:s29] =	ssyncadd.s32 $0xFFFFFFFF  }
0xb6: {  	_ =	strace $0x9000004B  }
0xb7: {  	_ =	sfence  }
0xb8: {  	s30 =	sld [smem:$0x0];
	_ =	sdelay $0x2  }
0xb9: {  	s31 =	sshll.u32 s1, $0xD;
	s1 =	sshrl.u32 s1, $0x2  }
0xba: {  	s3 =	sand.u32 $0x4000, s31;
	s1 =	sadd.s32 s1, s30  }
0xbb: {  	s0 =	sor.u32 s3, s0;
	s1 =	sshll.u32 s1, $0x11  }
0xbc: {  	s0 =	sor.u32 s1, s0  }
0xbd: {  	s0 =	sadd.s32 $0x8F2B, s0  }
0xbe: {  	[sflag:s0] =	ssyncadd.remote.s32 $0x1  }
0xbf: {  	_ =	sfence.sel $0xFFFF  }
0xc0: {  	[dreg:$0x0] =	wrdreg $0xFFFFFFFF;
	(pc) =	sbr.abs _section_cstart, $3  }
0xc1: {  	[dreg:$0x1] =	wrdreg $0xFFFFFFFF  }
0xc2: {  	_ =	task.clear_ibuf [dreg:s7], $0x2FFFF;
	_ =	strace $0x9FFFFFFF  }
0xc3: {  	(tm) =	ssettm $0x7FFFFFFF  }
tec
execute0_lowered:
.L_overlay_start_1:
0x0: {  	(tag) =	ssettag $0x1  }
0x1: {  	s3 =	rddreg [dreg:$0x0]  }
0x2: {  	s0 =	srdreg.scid;
	s5 =	rddreg [dreg:$0x1]  }
0x3: {  	s4 =	stileid.u32;
	s2 =	rddreg [dreg:$0x2]  }
0x4: {  	s13 =	simm.s32 $0x0;
	s14 =	simm.s32 $0x15000;
	s28 =	simm.s32 $0x2  }
0x5: {  	s30 =	simm.s32 $0x3;
	s15 =	simm.s32 $0x14C80;
	s16 =	simm.s32 $0x14D00  }
0x6: {  	s29 =	simm.s32 $0x14D80;
	s31 =	simm.s32 $0x14E00;
	s12 =	simm.s32 $0x14B80  }
0x7: {  	s0 =	sand.u32 $0x1, s0;
	s1 =	sshll.u32 s4, $0x1;
	s7 =	smul.u32 $0x14000, s4  }
0x8: {  	[smem:$0x7FF] =	sst s13;
	s8 =	smul.u32 $0x50000, s4;
	s4 =	sadd.s32 $0x32E00, s3  }
0x9: {  	s1 =	sor.u32 s0, s1;
	s6 =	smul.u32 $0x140000, s0;
	_ =	strace $0x8000004A  }
0xa: {  	s0 =	ssub.s32 $0x2, s0;
	s1 =	smul.u32 $0x500, s1;
	s17 =	sshrl.u32 s8, $0x2  }
0xb: {  	s18 =	sshrl.u32 s0, $0x1;
	s8 =	simm.s32 $0x14B00;
	s6 =	sadd.s32 s7, s6  }
0xc: {  	s20 =	sadd.s32 s17, s2;
	s0 =	ssub.s32 s0, s18;
	s17 =	simm.s32 $0x14900  }
0xd: {  	s7 =	simm.s32 $0x14F00;
	s9 =	sadd.s32 s1, s3;
	s6 =	sshrl.u32 s6, $0x3  }
0xe: {  	s19 =	sadd.s32 $0x4000, s20;
	s21 =	sadd.s32 $0x8000, s20;
	[dreg:$0x5] =	wrdreg s20  }
0xf: {  	s22 =	sadd.s32 $0xC000, s20;
	s23 =	sadd.s32 $0x10000, s20;
	[dreg:$0x6] =	wrdreg s19  }
0x10: {  	s10 =	sadd.s32 s5, s1;
	s0 =	smax.u32 s0, $0x1;
	[dreg:$0x7] =	wrdreg s21  }
0x11: {  	s5 =	simm.s32 $0x6;
	s1 =	simm.s32 $0x14E80;
	[dreg:$0x8] =	wrdreg s22  }
0x12: {  	s3 =	sadd.s32 s6, s3;
	[dreg:$0x9] =	wrdreg s23;
	s11 =	sadd.s32 $0x1C00, s9  }
0x13: {  	[dreg:$0xb] =	wrdreg s0;
	s22 =	simm.s32 $0x7;
	s25 =	sadd.s32 $0x80, s10  }
.Ltmp0:
0x14: {  	s23 =	simm.s32 $0x80;
	s0 =	simm.s32 $0x4;
	(pc) =	sbr.rel .LBB2_1-.Ltmp0, $4  }
0x15: {  	s19 =	simm.s32 $0x14980;
	s21 =	simm.s32 $0x14A00;
	s6 =	simm.s32 $0x14A80  }
0x16: {  	s9 =	simm.s32 $0x14F80;
	s24 =	sadd.s32 $0x83A00, s3;
	[dreg:$0xc] =	wrdreg s25  }
0x17: {  	s26 =	sadd.s32 $0x80, s11;
	s25 =	simm.s32 $0x14880;
	[dreg:$0xa] =	wrdreg s24  }
0x18: {  	v0 =	vimm.f32 $0.0e+00;
	[dreg:$0xd] =	wrdreg s26;
	s24 =	simm.s32 $0x1;
	s26 =	simm.s32 $0x19000  }
.LBB2_6:
0x19: {  	_ =	swait.ge [sflag:s0], $0x4000  }
0x1a: {  	[sflag:s0] =	ssyncset.done $0x0  }
0x1b: {  	[sflag:s0] =	ssyncadd.s32 $0xFFFFC000  }
0x1c: {  	s13 =	stileid.u32;
	[bflag:$0x0] =	sbarrier.arrive $0xFFFF  }
0x1d: {  	s13 =	sshll.u32 s13, $0x6;
	s20 =	rddreg [dreg:$0x5]  }
0x1e: {  	s13 =	sor.u32 $0x1C07, s13;
	s22 =	rddreg [dreg:$0xa];
	s18 =	sshrl.u32 s20, $0x3  }
0x1f: {  	[hbm:s22], [sflag:s13] =	dma.local [spmem:s18], $0x2800  }
0x20: {  	s22 =	simm.s32 $0x7  }
0x21: {  	_ =	swait.ge [sflag:s22], $0x2800  }
0x22: {  	s18 =	rddreg [dreg:$0x4]  }
0x23: {  	s3 =	rddreg [dreg:$0xb];
	s13 =	sadd.s32 $0x1, s18  }
0x24: {  	p0 =	sne.s32 s13, s3  }
.Ltmp1:
0x25: {  	_ = 	snop;
	(pc) =	sbr.rel @!p0 .LBB2_7-.Ltmp1, $3  }
0x26: {  	_ =	sdelay $0x1  }
0x27: {  	[sflag:s22] =	ssyncset.done $0x0  }
0x28: {  	[sflag:s22] =	ssyncadd.s32 $0xFFFFD800  }
.LBB2_1:
0x29: {  	[dreg:$0x4] =	wrdreg s13;
	s13 =	simm.s32 $0x0;
	s18 =	simm.s32 $0x200  }
.LBB2_2:
0x2a: {  	p0 =	sne.s32 s18, $0xFE00;
	[tilespmem:s13+$0x15070] =	vst v0  }
0x2b: {  	[tilespmem:s13+$0x15000] =	vst v0  }
0x2c: {  	[tilespmem:s13+$0x15010] =	vst v0  }
.Ltmp2:
0x2d: {  	[tilespmem:s13+$0x15020] =	vst v0;
	(pc) =	sbr.rel @p0 .LBB2_2-.Ltmp2, $4  }
0x2e: {  	[tilespmem:s13+$0x15030] =	vst v0  }
0x2f: {  	[tilespmem:s13+$0x15040] =	vst v0  }
0x30: {  	[tilespmem:s13+$0x15050] =	vst v0  }
0x31: {  	[tilespmem:s13+$0x15060] =	vst v0;
	s13 =	sshra.s32 s18, $0x2;
	s18 =	sadd.s32 $0x200, s18  }
0x32: {  	[tilespmem:s13+$0x15070] =	vst v0  }
0x33: {  	[tilespmem:s13+$0x15000] =	vst v0  }
0x34: {  	[tilespmem:s13+$0x15010] =	vst v0  }
0x35: {  	[tilespmem:s13+$0x15020] =	vst v0  }
0x36: {  	[tilespmem:s13+$0x15030] =	vst v0  }
0x37: {  	[tilespmem:s13+$0x15040] =	vst v0  }
0x38: {  	[tilespmem:s13+$0x15050] =	vst v0  }
0x39: {  	[tilespmem:s13+$0x15060] =	vst v0  }
0x3a: {  	[spmem:s20] =	stream.linear.scatter [tilespmem:s14], [sflag:$0x7], $0x4000, $0x38;
	[tilespmem:$0x1D000] =	vst v63  }
0x3b: {  	_ =	swait.ge [sflag:s22], $0x4000  }
0x3c: {  	[sflag:s22] =	ssyncset.done $0x0  }
0x3d: {  	s20 =	rddreg [dreg:$0x6];
	[sflag:s22] =	ssyncadd.s32 $0xFFFFC000  }
0x3e: {  	[spmem:s20] =	stream.linear.scatter [tilespmem:s14], [sflag:$0x7], $0x4000, $0x38;
	[tilespmem:$0x1D000] =	vst v63  }
0x3f: {  	_ =	swait.ge [sflag:s22], $0x4000  }
0x40: {  	[sflag:s22] =	ssyncset.done $0x0  }
0x41: {  	s3 =	rddreg [dreg:$0x7];
	[sflag:s22] =	ssyncadd.s32 $0xFFFFC000  }
0x42: {  	[spmem:s3] =	stream.linear.scatter [tilespmem:s14], [sflag:$0x7], $0x4000, $0x38;
	[tilespmem:$0x1D000] =	vst v63  }
0x43: {  	_ =	swait.ge [sflag:s22], $0x4000  }
0x44: {  	[sflag:s22] =	ssyncset.done $0x0  }
0x45: {  	s18 =	rddreg [dreg:$0x8];
	[sflag:s22] =	ssyncadd.s32 $0xFFFFC000  }
0x46: {  	[spmem:s18] =	stream.linear.scatter [tilespmem:s14], [sflag:$0x7], $0x4000, $0x38;
	[tilespmem:$0x1D000] =	vst v63  }
0x47: {  	_ =	swait.ge [sflag:s22], $0x4000  }
0x48: {  	[sflag:s22] =	ssyncset.done $0x0  }
0x49: {  	s20 =	rddreg [dreg:$0x9];
	[sflag:s22] =	ssyncadd.s32 $0xFFFFC000  }
0x4a: {  	[spmem:s20] =	stream.linear.scatter [tilespmem:s14], [sflag:$0x7], $0x4000, $0x38;
	[tilespmem:$0x1D000] =	vst v63  }
0x4b: {  	_ =	swait.ge [sflag:s22], $0x4000  }
0x4c: {  	[sflag:s22] =	ssyncset.done $0x0  }
0x4d: {  	s13 =	simm.s32 $0x0;
	s18 =	simm.s32 $0x14000;
	[sflag:s22] =	ssyncadd.s32 $0xFFFFC000  }
0x4e: {  	[tilespmem:s18], [sflag:$0x5] =	stream.linear.gather [hbm4b:s10+s13], $0x400, $0x38;
	[tilespmem:$0x1D000] =	vst v63  }
0x4f: {  	s18 =	simm.s32 $0x14400  }
0x50: {  	[tilespmem:s18], [sflag:$0x5] =	stream.linear.gather [hbm4b:s11+s13], $0x400, $0x38;
	[tilespmem:$0x1D000] =	vst v63  }
0x51: {  	s3 =	rddreg [dreg:$0xc];
	s22 =	simm.s32 $0x14800  }
0x52: {  	[tilespmem:s22], [sflag:$0x6] =	stream.linear.gather [hbm4b:s3+s13], $0x400, $0x38;
	[tilespmem:$0x1D000] =	vst v63  }
0x53: {  	s20 =	rddreg [dreg:$0xd];
	s22 =	simm.s32 $0x14C00  }
0x54: {  	[tilespmem:s22], [sflag:$0x6] =	stream.linear.gather [hbm4b:s20+s13], $0x400, $0x38;
	[tilespmem:$0x1D000] =	vst v63  }
0x55: {  	s22 =	simm.s32 $0x5  }
0x56: {  	_ =	swait.ge [sflag:s22], $0x400  }
0x57: {  	[sflag:s22] =	ssyncset.done $0x0  }
0x58: {  	[sflag:s22] =	ssyncadd.s32 $0xFFFFFC00  }
0x59: {  	_ =	swait.ge [sflag:s22], $0x400  }
0x5a: {  	[sflag:s22] =	ssyncset.done $0x0  }
0x5b: {  	[sflag:s22] =	ssyncadd.s32 $0xFFFFFC00  }
0x5c: {  	[tilespmem:s14], [sflag:$0x1] =	stream.indirect.gather [hbm4b:s4+s23], $0x80, s18, s23, $0xb8;
	[tilespmem:$0x1D000] =	vst v63  }
0x5d: {  	s3 =	simm.s32 $0x14400;
	[bflag:$0x0] =	sbarrier.arrive $0xFFFF  }
.LBB2_4:
0x5e: {  	_ =	swait.ge [sflag:s24], $0x4000  }
0x5f: {  	[sflag:s24] =	ssyncset.done $0x0  }
0x60: {  	s18 =	simm.s32 $0x14000;
	p0 =	seq.s32 s13, $0x0;
	[sflag:s24] =	ssyncadd.s32 $0xFFFFC000  }
0x61: {  	[spmem:s2] =	stream.indirect.scatter.add.f32 [tilespmem:s14], [sflag:$0x3], $0x80, s18, s23, $0xb8;
	[tilespmem:$0x1D000] =	vst v63  }
0x62: {  	s18 =	simm.s32 @!p0 $0x4  }
0x63: {  	_ =	swait.ge @!p0 [sflag:s18], $0x4000  }
0x64: {  	[sflag:s18] =	ssyncset.done @!p0 $0x0  }
0x65: {  	s20 =	simm.s32 $0x14480;
	[sflag:s18] =	ssyncadd.s32 @!p0 $0xFFFFC000  }
0x66: {  	[tilespmem:s26], [sflag:$0x2] =	stream.indirect.gather [hbm4b:s4+s23], $0x80, s20, s23, $0xb8;
	[tilespmem:$0x1D000] =	vst v63  }
0x67: {  	_ =	swait.ge [sflag:s28], $0x4000  }
0x68: {  	[sflag:s28] =	ssyncset.done $0x0  }
0x69: {  	s22 =	simm.s32 $0x14080;
	[sflag:s28] =	ssyncadd.s32 $0xFFFFC000  }
0x6a: {  	[spmem:s2] =	stream.indirect.scatter.add.f32 [tilespmem:s26], [sflag:$0x4], $0x80, s22, s23, $0xb8;
	[tilespmem:$0x1D000] =	vst v63  }
0x6b: {  	_ =	swait.ge [sflag:s30], $0x4000  }
0x6c: {  	[sflag:s30] =	ssyncset.done $0x0  }
0x6d: {  	s20 =	simm.s32 $0x14500;
	[sflag:s30] =	ssyncadd.s32 $0xFFFFC000  }
0x6e: {  	[tilespmem:s14], [sflag:$0x1] =	stream.indirect.gather [hbm4b:s4+s23], $0x80, s20, s23, $0xb8;
	[tilespmem:$0x1D000] =	vst v63  }
0x6f: {  	_ =	swait.ge [sflag:s24], $0x4000  }
0x70: {  	[sflag:s24] =	ssyncset.done $0x0  }
0x71: {  	s22 =	simm.s32 $0x14100;
	[sflag:s24] =	ssyncadd.s32 $0xFFFFC000  }
0x72: {  	[spmem:s2] =	stream.indirect.scatter.add.f32 [tilespmem:s14], [sflag:$0x3], $0x80, s22, s23, $0xb8;
	[tilespmem:$0x1D000] =	vst v63  }
0x73: {  	s18 =	sadd.s32 @!p0 s13, s10;
	_ =	swait.ge [sflag:s0], $0x4000  }
0x74: {  	s18 =	sadd.s32 @!p0 $0x80, s18;
	[sflag:s0] =	ssyncset.done $0x0  }
0x75: {  	s20 =	simm.s32 @!p0 $0x0;
	s22 =	simm.s32 @!p0 $0x14800;
	[sflag:s0] =	ssyncadd.s32 $0xFFFFC000  }
0x76: {  	[tilespmem:s22], [sflag:$0x6] =	stream.linear.gather @!p0 [hbm4b:s18+s20], $0x400, $0x38;
	[tilespmem:$0x1D000] =	vst v63  }
0x77: {  	s18 =	sadd.s32 @!p0 s13, s11  }
0x78: {  	s22 =	simm.s32 @!p0 $0x14C00;
	s18 =	sadd.s32 @!p0 $0x80, s18  }
0x79: {  	[tilespmem:s22], [sflag:$0x6] =	stream.linear.gather @!p0 [hbm4b:s18+s20], $0x400, $0x38;
	[tilespmem:$0x1D000] =	vst v63  }
0x7a: {  	s20 =	simm.s32 $0x14580  }
0x7b: {  	[tilespmem:s26], [sflag:$0x2] =	stream.indirect.gather [hbm4b:s4+s23], $0x80, s20, s23, $0xb8;
	[tilespmem:$0x1D000] =	vst v63  }
0x7c: {  	_ =	swait.ge [sflag:s28], $0x4000  }
0x7d: {  	[sflag:s28] =	ssyncset.done $0x0  }
0x7e: {  	s22 =	simm.s32 $0x14180;
	[sflag:s28] =	ssyncadd.s32 $0xFFFFC000  }
0x7f: {  	[spmem:s2] =	stream.indirect.scatter.add.f32 [tilespmem:s26], [sflag:$0x4], $0x80, s22, s23, $0xb8;
	[tilespmem:$0x1D000] =	vst v63  }
0x80: {  	_ =	swait.ge [sflag:s30], $0x4000  }
0x81: {  	[sflag:s30] =	ssyncset.done $0x0  }
0x82: {  	s20 =	simm.s32 $0x14600;
	[sflag:s30] =	ssyncadd.s32 $0xFFFFC000  }
0x83: {  	[tilespmem:s14], [sflag:$0x1] =	stream.indirect.gather [hbm4b:s4+s23], $0x80, s20, s23, $0xb8;
	[tilespmem:$0x1D000] =	vst v63  }
0x84: {  	_ =	swait.ge [sflag:s24], $0x4000  }
0x85: {  	[sflag:s24] =	ssyncset.done $0x0  }
0x86: {  	s22 =	simm.s32 $0x14200;
	[sflag:s24] =	ssyncadd.s32 $0xFFFFC000  }
0x87: {  	[spmem:s2] =	stream.indirect.scatter.add.f32 [tilespmem:s14], [sflag:$0x3], $0x80, s22, s23, $0xb8;
	[tilespmem:$0x1D000] =	vst v63  }
0x88: {  	_ =	swait.ge [sflag:s0], $0x4000  }
0x89: {  	[sflag:s0] =	ssyncset.done $0x0  }
0x8a: {  	s20 =	simm.s32 $0x14680;
	[sflag:s0] =	ssyncadd.s32 $0xFFFFC000  }
0x8b: {  	[tilespmem:s26], [sflag:$0x2] =	stream.indirect.gather [hbm4b:s4+s23], $0x80, s20, s23, $0xb8;
	[tilespmem:$0x1D000] =	vst v63  }
0x8c: {  	_ =	swait.ge [sflag:s28], $0x4000  }
0x8d: {  	[sflag:s28] =	ssyncset.done $0x0  }
0x8e: {  	s22 =	simm.s32 $0x14280;
	[sflag:s28] =	ssyncadd.s32 $0xFFFFC000  }
0x8f: {  	[spmem:s2] =	stream.indirect.scatter.add.f32 [tilespmem:s26], [sflag:$0x4], $0x80, s22, s23, $0xb8;
	[tilespmem:$0x1D000] =	vst v63  }
0x90: {  	_ =	swait.ge [sflag:s30], $0x4000  }
0x91: {  	[sflag:s30] =	ssyncset.done $0x0  }
0x92: {  	s20 =	simm.s32 $0x14700;
	[sflag:s30] =	ssyncadd.s32 $0xFFFFC000  }
0x93: {  	[tilespmem:s14], [sflag:$0x1] =	stream.indirect.gather [hbm4b:s4+s23], $0x80, s20, s23, $0xb8;
	[tilespmem:$0x1D000] =	vst v63  }
0x94: {  	_ =	swait.ge [sflag:s24], $0x4000  }
0x95: {  	[sflag:s24] =	ssyncset.done $0x0  }
0x96: {  	s22 =	simm.s32 $0x14300;
	[sflag:s24] =	ssyncadd.s32 $0xFFFFC000  }
0x97: {  	[spmem:s2] =	stream.indirect.scatter.add.f32 [tilespmem:s14], [sflag:$0x3], $0x80, s22, s23, $0xb8;
	[tilespmem:$0x1D000] =	vst v63  }
0x98: {  	_ =	swait.ge [sflag:s0], $0x4000  }
0x99: {  	[sflag:s0] =	ssyncset.done $0x0  }
0x9a: {  	[sflag:s0] =	ssyncadd.s32 $0xFFFFC000  }
0x9b: {  	_ =	swait.ge [sflag:s5], $0x400  }
0x9c: {  	[sflag:s5] =	ssyncset.done $0x0  }
0x9d: {  	[sflag:s5] =	ssyncadd.s32 $0xFFFFFC00  }
0x9e: {  	_ =	swait.ge [sflag:s5], $0x400  }
0x9f: {  	[sflag:s5] =	ssyncset.done $0x0  }
0xa0: {  	s20 =	simm.s32 $0x14780;
	[sflag:s5] =	ssyncadd.s32 $0xFFFFFC00  }
0xa1: {  	[tilespmem:s26], [sflag:$0x2] =	stream.indirect.gather [hbm4b:s4+s23], $0x80, s20, s23, $0xb8;
	[tilespmem:$0x1D000] =	vst v63  }
0xa2: {  	_ =	swait.ge [sflag:s28], $0x4000  }
0xa3: {  	[sflag:s28] =	ssyncset.done $0x0  }
0xa4: {  	s22 =	simm.s32 $0x14380;
	[sflag:s28] =	ssyncadd.s32 $0xFFFFC000  }
0xa5: {  	[spmem:s2] =	stream.indirect.scatter.add.f32 [tilespmem:s26], [sflag:$0x4], $0x80, s22, s23, $0xb8;
	[tilespmem:$0x1D000] =	vst v63  }
0xa6: {  	_ =	swait.ge [sflag:s30], $0x4000  }
0xa7: {  	[sflag:s30] =	ssyncset.done $0x0  }
0xa8: {  	s20 =	simm.s32 $0x14C00;
	[sflag:s30] =	ssyncadd.s32 $0xFFFFC000  }
0xa9: {  	[tilespmem:s14], [sflag:$0x1] =	stream.indirect.gather [hbm4b:s4+s23], $0x80, s20, s23, $0xb8;
	[tilespmem:$0x1D000] =	vst v63  }
0xaa: {  	_ =	swait.ge [sflag:s24], $0x4000  }
0xab: {  	[sflag:s24] =	ssyncset.done $0x0  }
0xac: {  	s22 =	simm.s32 $0x14800;
	[sflag:s24] =	ssyncadd.s32 $0xFFFFC000  }
0xad: {  	[spmem:s2] =	stream.indirect.scatter.add.f32 [tilespmem:s14], [sflag:$0x3], $0x80, s22, s23, $0xb8;
	[tilespmem:$0x1D000] =	vst v63  }
0xae: {  	_ =	swait.ge [sflag:s0], $0x4000  }
0xaf: {  	[sflag:s0] =	ssyncset.done $0x0  }
0xb0: {  	[sflag:s0] =	ssyncadd.s32 $0xFFFFC000  }
0xb1: {  	[tilespmem:s26], [sflag:$0x2] =	stream.indirect.gather [hbm4b:s4+s23], $0x80, s15, s23, $0xb8;
	[tilespmem:$0x1D000] =	vst v63  }
0xb2: {  	_ =	swait.ge [sflag:s28], $0x4000  }
0xb3: {  	[sflag:s28] =	ssyncset.done $0x0  }
0xb4: {  	p0 =	seq.s32 s13, $0x400;
	[sflag:s28] =	ssyncadd.s32 $0xFFFFC000  }
0xb5: {  	[spmem:s2] =	stream.indirect.scatter.add.f32 [tilespmem:s26], [sflag:$0x4], $0x80, s25, s23, $0xb8;
	[tilespmem:$0x1D000] =	vst v63  }
0xb6: {  	s18 =	sadd.s32 @!p0 s13, s10;
	_ =	swait.ge [sflag:s30], $0x4000  }
0xb7: {  	s18 =	sadd.s32 @!p0 $0x100, s18;
	[sflag:s30] =	ssyncset.done $0x0  }
0xb8: {  	s20 =	simm.s32 @!p0 $0x0;
	s22 =	simm.s32 @!p0 $0x14000;
	[sflag:s30] =	ssyncadd.s32 $0xFFFFC000  }
0xb9: {  	[tilespmem:s22], [sflag:$0x5] =	stream.linear.gather @!p0 [hbm4b:s18+s20], $0x400, $0x38;
	[tilespmem:$0x1D000] =	vst v63  }
0xba: {  	s18 =	sadd.s32 @!p0 s13, s11  }
0xbb: {  	s22 =	simm.s32 @!p0 $0x14400;
	s18 =	sadd.s32 @!p0 $0x100, s18  }
0xbc: {  	[tilespmem:s22], [sflag:$0x5] =	stream.linear.gather @!p0 [hbm4b:s18+s20], $0x400, $0x38;
	[tilespmem:$0x1D000] =	vst v63  }
0xbd: {  	_ = 	snop  }
0xbe: {  	[tilespmem:s14], [sflag:$0x1] =	stream.indirect.gather [hbm4b:s4+s23], $0x80, s16, s23, $0xb8;
	[tilespmem:$0x1D000] =	vst v63  }
0xbf: {  	_ =	swait.ge [sflag:s24], $0x4000  }
0xc0: {  	[sflag:s24] =	ssyncset.done $0x0  }
0xc1: {  	[sflag:s24] =	ssyncadd.s32 $0xFFFFC000  }
0xc2: {  	[spmem:s2] =	stream.indirect.scatter.add.f32 [tilespmem:s14], [sflag:$0x3], $0x80, s17, s23, $0xb8;
	[tilespmem:$0x1D000] =	vst v63  }
0xc3: {  	_ =	swait.ge [sflag:s0], $0x4000  }
0xc4: {  	[sflag:s0] =	ssyncset.done $0x0  }
0xc5: {  	[sflag:s0] =	ssyncadd.s32 $0xFFFFC000  }
0xc6: {  	[tilespmem:s26], [sflag:$0x2] =	stream.indirect.gather [hbm4b:s4+s23], $0x80, s29, s23, $0xb8;
	[tilespmem:$0x1D000] =	vst v63  }
0xc7: {  	_ =	swait.ge [sflag:s28], $0x4000  }
0xc8: {  	[sflag:s28] =	ssyncset.done $0x0  }
0xc9: {  	[sflag:s28] =	ssyncadd.s32 $0xFFFFC000  }
0xca: {  	[spmem:s2] =	stream.indirect.scatter.add.f32 [tilespmem:s26], [sflag:$0x4], $0x80, s19, s23, $0xb8;
	[tilespmem:$0x1D000] =	vst v63  }
0xcb: {  	_ =	swait.ge [sflag:s30], $0x4000  }
0xcc: {  	[sflag:s30] =	ssyncset.done $0x0  }
0xcd: {  	[sflag:s30] =	ssyncadd.s32 $0xFFFFC000  }
0xce: {  	[tilespmem:s14], [sflag:$0x1] =	stream.indirect.gather [hbm4b:s4+s23], $0x80, s31, s23, $0xb8;
	[tilespmem:$0x1D000] =	vst v63  }
0xcf: {  	_ =	swait.ge [sflag:s24], $0x4000  }
0xd0: {  	[sflag:s24] =	ssyncset.done $0x0  }
0xd1: {  	[sflag:s24] =	ssyncadd.s32 $0xFFFFC000  }
0xd2: {  	[spmem:s2] =	stream.indirect.scatter.add.f32 [tilespmem:s14], [sflag:$0x3], $0x80, s21, s23, $0xb8;
	[tilespmem:$0x1D000] =	vst v63  }
0xd3: {  	_ =	swait.ge [sflag:s0], $0x4000  }
0xd4: {  	[sflag:s0] =	ssyncset.done $0x0  }
0xd5: {  	s18 =	simm.s32 @!p0 $0x5;
	[sflag:s0] =	ssyncadd.s32 $0xFFFFC000  }
0xd6: {  	_ =	swait.ge @!p0 [sflag:s18], $0x400  }
0xd7: {  	[sflag:s18] =	ssyncset.done @!p0 $0x0  }
0xd8: {  	[sflag:s18] =	ssyncadd.s32 @!p0 $0xFFFFFC00  }
0xd9: {  	_ =	swait.ge @!p0 [sflag:s18], $0x400  }
0xda: {  	[sflag:s18] =	ssyncset.done @!p0 $0x0  }
0xdb: {  	[sflag:s18] =	ssyncadd.s32 @!p0 $0xFFFFFC00  }
0xdc: {  	[tilespmem:s26], [sflag:$0x2] =	stream.indirect.gather [hbm4b:s4+s23], $0x80, s1, s23, $0xb8;
	[tilespmem:$0x1D000] =	vst v63  }
0xdd: {  	_ =	swait.ge [sflag:s28], $0x4000  }
0xde: {  	[sflag:s28] =	ssyncset.done $0x0  }
0xdf: {  	[sflag:s28] =	ssyncadd.s32 $0xFFFFC000  }
0xe0: {  	[spmem:s2] =	stream.indirect.scatter.add.f32 [tilespmem:s26], [sflag:$0x4], $0x80, s6, s23, $0xb8;
	[tilespmem:$0x1D000] =	vst v63  }
0xe1: {  	_ =	swait.ge [sflag:s30], $0x4000  }
0xe2: {  	[sflag:s30] =	ssyncset.done $0x0  }
0xe3: {  	[sflag:s30] =	ssyncadd.s32 $0xFFFFC000  }
0xe4: {  	[tilespmem:s14], [sflag:$0x1] =	stream.indirect.gather [hbm4b:s4+s23], $0x80, s7, s23, $0xb8;
	[tilespmem:$0x1D000] =	vst v63  }
0xe5: {  	_ =	swait.ge [sflag:s24], $0x4000  }
0xe6: {  	[sflag:s24] =	ssyncset.done $0x0  }
0xe7: {  	[sflag:s24] =	ssyncadd.s32 $0xFFFFC000  }
0xe8: {  	[spmem:s2] =	stream.indirect.scatter.add.f32 [tilespmem:s14], [sflag:$0x3], $0x80, s8, s23, $0xb8;
	[tilespmem:$0x1D000] =	vst v63  }
0xe9: {  	_ =	swait.ge [sflag:s0], $0x4000  }
0xea: {  	[sflag:s0] =	ssyncset.done $0x0  }
0xeb: {  	[sflag:s0] =	ssyncadd.s32 $0xFFFFC000  }
0xec: {  	[tilespmem:s26], [sflag:$0x2] =	stream.indirect.gather [hbm4b:s4+s23], $0x80, s9, s23, $0xb8;
	[tilespmem:$0x1D000] =	vst v63  }
0xed: {  	_ =	swait.ge [sflag:s28], $0x4000  }
0xee: {  	[sflag:s28] =	ssyncset.done $0x0  }
.Ltmp3:
0xef: {  	[sflag:s28] =	ssyncadd.s32 $0xFFFFC000;
	(pc) =	sbr.rel @p0 .LBB2_6-.Ltmp3, $4  }
0xf0: {  	[spmem:s2] =	stream.indirect.scatter.add.f32 [tilespmem:s26], [sflag:$0x4], $0x80, s12, s23, $0xb8;
	[tilespmem:$0x1D000] =	vst v63  }
0xf1: {  	_ =	swait.ge [sflag:s30], $0x4000  }
0xf2: {  	[sflag:s30] =	ssyncset.done $0x0  }
0xf3: {  	[sflag:s30] =	ssyncadd.s32 $0xFFFFC000  }
.Ltmp4:
0xf4: {  	(pc) =	sbr.rel .LBB2_4-.Ltmp4, $3  }
0xf5: {  	_ =	sdelay $0x1  }
0xf6: {  	[tilespmem:s14], [sflag:$0x1] =	stream.indirect.gather [hbm4b:s4+s23], $0x80, s3, s23, $0xb8;
	[tilespmem:$0x1D000] =	vst v63  }
0xf7: {  	s13 =	sadd.s32 $0x100, s13  }
.LBB2_7:
0xf8: {  	_ =	sfence.sel $0x180000  }
0xf9: {  	[bflag:$0x0] =	sbarrier.arrive $0xFFFF  }
0xfa: {  	_ =	strace $0x9000004A  }
0xfb: {  	s0 =	stileid.u32;
	[bflag:$0x2] =	sbarrier.arrive $0xFFFF  }
0xfc: {  	p0 =	sne.s32 s0, $0x0;
	s0 =	rddreg [dreg:$0x3]  }
0xfd: {  	s0 =	sadd.s32 @!p0 $0x100000, s0  }
0xfe: {  	[sflag:s0] =	ssyncadd.tile.s32 @!p0 $0x1;
	_ =	shalt  }
.Lfunc_end2:
_tile_overlayer_lowered:
.L_overlay_start_2:
0xff: {  	(tag) =	ssettag $0x2  }
0x100: {  	s0 =	rddreg [dreg:$0x0];
	s2 =	stileid.u32  }
0x101: {  	s1 =	rddreg [dreg:$0x1];
	p0 =	sne.s32 s2, $0x0  }
0x102: {  	s3 =	rddreg [dreg:$0x2];
	[bflag:$0x3] =	sbarrier.arrive $0xFFFF;
	s2 =	simm.s32 @!p0 $0x1C07  }
0x103: {  	[timem:s3], [sflag:s2] =	dma.local @!p0 [hbm:s0], s1  }
0x104: {  	s0 =	simm.s32 @!p0 $0x7  }
0x105: {  	_ =	swait.ge @!p0 [sflag:s0], s1  }
0x106: {  	s1 =	ssub.s32 @!p0 $0x0, s1;
	[sflag:s0] =	ssyncset.done @!p0 $0x0  }
0x107: {  	[sflag:s0] =	ssyncadd.s32 @!p0 s1  }
0x108: {  	[bflag:$0x3] =	sbarrier.arrive $0xFFFF  }
0x109: {  	_ =	shalt  }

// kernel: kernel.7.cloned.1.call-start
scs
__scs_entry_jumppad:
0x0: {  	(pc) =	sbr.rel $0x88, $3  }
0x1: {  	(tag) =	ssettag $0x0;
	lr =	simm.s32 $0x1  }
0x2: {  	[smem:$0x3F9B] =	sst lr;
	_ =	strace $0xD0000000  }
0x3: {  	_ = 	snop  }
0x4: {  	_ = 	snop  }
0x5: {  	_ = 	snop  }
0x6: {  	_ = 	snop  }
0x7: {  	_ = 	snop  }
__scs_overlays_trampoline_lowered:
0x8: {  	[smem:$0x3FAA] =	sst s0  }
0x9: {  	[smem:$0x3FAB] =	sst s1  }
0xa: {  	[smem:$0x3FAC] =	sst s2  }
0xb: {  	[smem:$0x3FAD] =	sst s3  }
0xc: {  	[smem:$0x3FAE] =	sst s4  }
0xd: {  	[smem:$0x3FAF] =	sst s5  }
0xe: {  	[smem:$0x3FB0] =	sst s6  }
0xf: {  	[smem:$0x3FB1] =	sst s7  }
0x10: {  	[smem:$0x3FB2] =	sst s8  }
0x11: {  	[smem:$0x3FB3] =	sst s9;
	s0 =	simm.s32 @!p0 $0x0  }
0x12: {  	s1 =	sld [smem:$0x3F99];
	s0 =	simm.s32 @p0 $0x1  }
0x13: {  	[smem:$0x3FB4] =	sst s0;
	s0 =	simm.s32 @!p1 $0x0  }
0x14: {  	s2 =	sld [smem:$0x3F98];
	s0 =	simm.s32 @p1 $0x1  }
0x15: {  	[smem:$0x3FB5] =	sst s0;
	s0 =	simm.s32 @!p2 $0x0  }
0x16: {  	s3 =	sld [smem:$0x3FDB];
	s0 =	simm.s32 @p2 $0x1  }
0x17: {  	s4 =	simm.s32 $0x1BF5;
	[smem:$0x3FB7] =	sst s0  }
0x18: {  	s0 =	sld [smem:$0x3F9A];
	_ =	swait.ge [sflag:s4], $0x0  }
0x19: {  	s7 =	sld [smem:$0x3F9B]  }
0x1a: {  	s8 =	sadd.s32 $0xFFFFE003, lr  }
0x1b: {  	s9 =	sadd.s32 $0xFFFFFEF7, lr;
	s5 =	simm.s32 $0xFFFFFFFF;
	p2 =	slt.u32 s8, $0xFFFFF086  }
0x1c: {  	p1 =	slt.u32 s9, $0xF7A;
	s5 =	simm.s32 @!p2 $0x0  }
0x1d: {  	s5 =	simm.s32 @p1 $0x1;
	p0 =	seq.s32 s7, s2  }
0x1e: {  	s7 =	smul.u32 @!p0 $0xF7A, s2;
	p2 =	seq.s32 @!p0 s5, $0x0  }
0x1f: {  	s9 =	smul.u32 $0xF7A, s1;
	s8 =	simm.s32 @!p0 $0x1BF5;
	p2 =	por !p2, p0  }
0x20: {  	[sflag:s8] =	ssyncset.s32 @!p0 $0xFFFFF086;
	s6 =	sadd.s32 @!p0 s3, s7;
	s7 =	simm.s32 @!p0 $0x108  }
0x21: {  	s3 =	sadd.s32 s3, s9;
	s6 =	sadd.s32 @!p0 $0x88, s6;
	s7 =	simm.s32 @p2 $0x1082  }
0x22: {  	[simem:s7], [sflag:s8] =	dma.local @!p0 [hbm:s6], $0xF7A  }
0x23: {  	s9 =	sor.u32 $0xD0000000, s2;
	s6 =	simm.s32 $0x108;
	_ =	swait.ge @!p0 [sflag:s8], $0x0  }
0x24: {  	s3 =	sadd.s32 $0x88, s3;
	s6 =	simm.s32 @!p1 $0x1082;
	[sflag:s4] =	ssyncset.s32 $0xFFFFF086  }
0x25: {  	[simem:s6], [sflag:s4] =	dma.local [hbm:s3], $0xF7A  }
0x26: {  	[smem:$0x3F9B] =	sst s1;
	(tag) =	ssettag s2;
	_ =	strace s9  }
0x27: {  	s1 =	sld [smem:$0x3FAB]  }
0x28: {  	s2 =	sld [smem:$0x3FAC]  }
0x29: {  	s4 =	sld [smem:$0x3FAE]  }
0x2a: {  	p0 =	seq.s32 s5, $0x0;
	s5 =	sld [smem:$0x3FAF]  }
0x2b: {  	s6 =	sld [smem:$0x3FB0]  }
0x2c: {  	s7 =	sld [smem:$0x3FB1]  }
0x2d: {  	s3 =	simm.s32 $0x108;
	s8 =	sld [smem:$0x3FB2]  }
0x2e: {  	s3 =	simm.s32 @!p0 $0x1082;
	s9 =	sld [smem:$0x3FB3]  }
0x2f: {  	lr =	sadd.s32 s0, s3;
	s0 =	sld [smem:$0x3FAA]  }
0x30: {  	s3 =	sld [smem:$0x3FAD]  }
0x31: {  	[smem:$0x3FB6] =	sst s10  }
0x32: {  	s10 =	sld [smem:$0x3FB4];
	_ =	sdelay $0x3  }
0x33: {  	p0 =	seq.s32 s10, $0x1;
	s10 =	sld [smem:$0x3FB6];
	_ =	sdelay $0x3  }
0x34: {  	[smem:$0x3FB6] =	sst s10  }
0x35: {  	s10 =	sld [smem:$0x3FB5];
	_ =	sdelay $0x3  }
0x36: {  	p1 =	seq.s32 s10, $0x1;
	s10 =	sld [smem:$0x3FB6];
	_ =	sdelay $0x3  }
0x37: {  	[smem:$0x3FB6] =	sst s10  }
0x38: {  	s10 =	sld [smem:$0x3FB7]  }
0x39: {  	_ = 	snop;
	(pc) =	sbr.ind lr, $3  }
0x3a: {  	_ = 	snop  }
0x3b: {  	_ = 	snop  }
0x3c: {  	p2 =	seq.s32 s10, $0x1;
	s10 =	sld [smem:$0x3FB6]  }
0x3d: {  	_ =	shalt  }
0x3e: {  	_ =	shalt  }
0x3f: {  	_ =	shalt  }
0x40: {  	_ =	shalt  }
0x41: {  	_ =	shalt  }
0x42: {  	_ =	shalt  }
0x43: {  	_ =	shalt  }
0x44: {  	_ =	shalt  }
0x45: {  	_ =	shalt  }
0x46: {  	_ =	shalt  }
0x47: {  	_ =	shalt  }
0x48: {  	_ =	shalt  }
0x49: {  	_ =	shalt  }
0x4a: {  	_ =	shalt  }
0x4b: {  	_ =	shalt  }
0x4c: {  	_ =	shalt  }
0x4d: {  	_ =	shalt  }
0x4e: {  	_ =	shalt  }
0x4f: {  	_ =	shalt  }
0x50: {  	_ =	shalt  }
0x51: {  	_ =	shalt  }
0x52: {  	_ =	shalt  }
0x53: {  	_ =	shalt  }
0x54: {  	_ =	shalt  }
0x55: {  	_ =	shalt  }
0x56: {  	_ =	shalt  }
0x57: {  	_ =	shalt  }
0x58: {  	_ =	shalt  }
0x59: {  	_ =	shalt  }
0x5a: {  	_ =	shalt  }
0x5b: {  	_ =	shalt  }
0x5c: {  	_ =	shalt  }
0x5d: {  	_ =	shalt  }
0x5e: {  	_ =	shalt  }
0x5f: {  	_ =	shalt  }
0x60: {  	_ =	shalt  }
0x61: {  	_ =	shalt  }
0x62: {  	_ =	shalt  }
0x63: {  	_ =	shalt  }
0x64: {  	_ =	shalt  }
0x65: {  	_ =	shalt  }
0x66: {  	_ =	shalt  }
0x67: {  	_ =	shalt  }
0x68: {  	_ =	shalt  }
0x69: {  	_ =	shalt  }
0x6a: {  	_ =	shalt  }
0x6b: {  	_ =	shalt  }
0x6c: {  	_ =	shalt  }
0x6d: {  	_ =	shalt  }
0x6e: {  	_ =	shalt  }
0x6f: {  	_ =	shalt  }
0x70: {  	_ =	shalt  }
0x71: {  	_ =	shalt  }
0x72: {  	_ =	shalt  }
0x73: {  	_ =	shalt  }
0x74: {  	_ =	shalt  }
0x75: {  	_ =	shalt  }
0x76: {  	_ =	shalt  }
0x77: {  	_ =	shalt  }
0x78: {  	_ =	shalt  }
0x79: {  	_ =	shalt  }
0x7a: {  	_ =	shalt  }
0x7b: {  	_ =	shalt  }
0x7c: {  	_ =	shalt  }
0x7d: {  	_ =	shalt  }
0x7e: {  	_ =	shalt  }
0x7f: {  	_ =	shalt  }
0x80: {  	_ =	shalt  }
0x81: {  	_ =	shalt  }
0x82: {  	_ =	shalt  }
0x83: {  	_ =	shalt  }
0x84: {  	_ =	shalt  }
0x85: {  	_ =	shalt  }
0x86: {  	_ =	shalt  }
0x87: {  	_ =	shalt  }
.Lfunc_end0:
.L_simem_size_0:
called_computation_lowered:
.L_overlay_start_0:
0x88: {  	s2 =	sld [smem:$0x3FD9]  }
0x89: {  	s3 =	sld [smem:$0x3FFE];
	_ =	sdelay $0x1  }
0x8a: {  	s1 =	srdreg.scid  }
0x8b: {  	s0 =	sand.u32 $0x1, s1  }
0x8c: {  	s17 =	sshll.u32 s0, $0xA;
	s2 =	sadd.s32 s3, s2  }
0x8d: {  	s2 =	sadd.s32 s2, s17  }
0x8e: {  	[smem:$0x3FC2] =	sst s2  }
0x8f: {  	_ = 	snop  }
0x90: {  	s2 =	sld [smem:$0x3FD0];
	(tm) =	ssettm $0x1  }
0x91: {  	s18 =	sld [smem:$0x3FFB];
	_ =	sdelay $0x3  }
0x92: {  	_ =	strace s18  }
0x93: {  	s3 =	sld [smem:$0x3FFC];
	_ =	sdelay $0x3  }
0x94: {  	_ =	strace s3  }
0x95: {  	s3 =	sld [smem:$0x3FFD];
	_ =	sdelay $0x3  }
0x96: {  	_ =	strace s3  }
0x97: {  	_ =	strace $0x8FFFFFFF  }
0x98: {  	s19 =	sld [smem:$0x3FDB];
	_ =	sdelay $0x1  }
0x99: {  	s4 =	simm.s32 $_scs_section_size  }
0x9a: {  	s5 =	simm.s32 $_size__tile_overlayer_lowered;
	s6 =	simm.s32 $_tile_overlayer_lowered  }
0x9b: {  	s22 =	simm.s32 $0x1BFF;
	s21 =	sshll.u32 s6, $0x1;
	s3 =	sadd.s32 s4, s19  }
0x9c: {  	s7 =	simm.s32 $0x0;
	s20 =	sshll.u32 s5, $0x1;
	s5 =	sadd.s32 s21, s3  }
0x9d: {  	[timem:s7], [sflag:s22] =	dma.local [hbm:s5], s20  }
0x9e: {  	_ =	swait.ge [sflag:s22], s20  }
0x9f: {  	s4 =	ssub.s32 $0x0, s20;
	[sflag:s22] =	ssyncset.done $0x0  }
0xa0: {  	[sflag:s22] =	ssyncadd.s32 s4;
	_ =	sdelay $0x1  }
0xa1: {  	s23 =	simm.s32 $0x1B8B  }
0xa2: {  	_ =	swait.ge [sflag:s23], $0x1  }
0xa3: {  	[sflag:s23] =	ssyncset.done $0x0  }
0xa4: {  	s25 =	simm.s32 $0x1B8E;
	s24 =	sld [smem:$0x3FFE];
	[sflag:s23] =	ssyncadd.s32 $0xFFFFFFFF  }
0xa5: {  	s26 =	simm.s32 $execute0_lowered;
	[smem:$0x3FD2] =	sst s25  }
0xa6: {  	s5 =	sshll.u32 s26, $0x1;
	_ =	strace $0x80000046;
	[dreg:$0x1] =	wrdreg $0xFFFFFFFF  }
0xa7: {  	s28 =	simm.s32 $_size_execute0_lowered;
	s3 =	sadd.s32 s3, s5;
	[dreg:$0x0] =	wrdreg $0x0  }
0xa8: {  	s5 =	sshll.u32 s28, $0x1;
	[dreg:$0x2] =	wrdreg s3  }
0xa9: {  	[dreg:$0x3] =	wrdreg s5  }
0xaa: {  	[dreg:$0x4] =	wrdreg $0xC0  }
0xab: {  	_ =	task [dreg:s7], $0x5FFFF  }
0xac: {  	[dreg:$0x1] =	wrdreg $0xFFFFFFFF  }
0xad: {  	[dreg:$0x0] =	wrdreg $0x60  }
0xae: {  	[dreg:$0x2] =	wrdreg s24  }
0xaf: {  	[dreg:$0x3] =	wrdreg s2  }
0xb0: {  	[dreg:$0x4] =	wrdreg $0x0  }
0xb1: {  	[dreg:$0x5] =	wrdreg $0x140000  }
0xb2: {  	[dreg:$0x6] =	wrdreg $0x9  }
0xb3: {  	_ =	task.clear_ibuf [dreg:s7], $0x7FFFF;
	_ =	strace $0x90000046  }
0xb4: {  	s29 =	simm.s32 $0x9;
	_ =	strace $0x80000048  }
0xb5: {  	_ =	swait.ge [sflag:s29], $0x1  }
0xb6: {  	[sflag:s29] =	ssyncadd.s32 $0xFFFFFFFF  }
0xb7: {  	_ =	strace $0x90000048  }
0xb8: {  	_ =	sfence  }
0xb9: {  	s30 =	sld [smem:$0x0];
	_ =	sdelay $0x2  }
0xba: {  	s31 =	sshll.u32 s1, $0xD;
	s1 =	sshrl.u32 s1, $0x2  }
0xbb: {  	s3 =	sand.u32 $0x4000, s31;
	s1 =	sadd.s32 s1, s30  }
0xbc: {  	s0 =	sor.u32 s3, s0;
	s1 =	sshll.u32 s1, $0x11  }
0xbd: {  	s0 =	sor.u32 s1, s0  }
0xbe: {  	s0 =	sadd.s32 $0x8F2B, s0  }
0xbf: {  	[sflag:s0] =	ssyncadd.remote.s32 $0x1  }
0xc0: {  	_ =	sfence.sel $0xFFFF  }
0xc1: {  	[dreg:$0x0] =	wrdreg $0xFFFFFFFF;
	(pc) =	sbr.abs _section_cstart, $3  }
0xc2: {  	[dreg:$0x1] =	wrdreg $0xFFFFFFFF  }
0xc3: {  	_ =	task.clear_ibuf [dreg:s7], $0x2FFFF;
	_ =	strace $0x9FFFFFFF  }
0xc4: {  	(tm) =	ssettm $0x7FFFFFFF  }
0xc5: {  	_ =	shalt  }
tec
execute0_lowered:
.L_overlay_start_1:
0x0: {  	(tag) =	ssettag $0x1  }
0x1: {  	s0 =	rddreg [dreg:$0x0]  }
0x2: {  	s1 =	rddreg [dreg:$0x1]  }
0x3: {  	s2 =	rddreg [dreg:$0x2]  }
0x4: {  	s3 =	rddreg [dreg:$0x3]  }
0x5: {  	s4 =	srdreg.scid;
	s12 =	stileid.u32  }
0x6: {  	s14 =	simm.s32 $0x0;
	s31 =	simm.s32 $0x14A80;
	s7 =	smul.u32 $0x14000, s12  }
0x7: {  	s29 =	simm.s32 $0x19280;
	s30 =	simm.s32 $0x2;
	s16 =	smul.u32 $0x500, s12  }
0x8: {  	s28 =	simm.s32 $0x14C80;
	s15 =	simm.s32 $0x14E00;
	s10 =	smul.u32 $0x50000, s12  }
0x9: {  	s4 =	sand.u32 $0x1, s4;
	s5 =	sshll.u32 s12, $0x1;
	s19 =	smul.u32 $0xA00, s12  }
0xa: {  	[smem:$0x7FF] =	sst s14;
	s6 =	smul.u32 $0x140000, s4;
	s5 =	sor.u32 s4, s5  }
0xb: {  	_ =	strace $0x80000047;
	s9 =	sshll.u32 s4, $0x7;
	s4 =	ssub.s32 $0x2, s4  }
0xc: {  	s8 =	smul.u32 $0x500, s5;
	s5 =	sadd.s32 $0xBC00, s0;
	s17 =	sshrl.u32 s10, $0x2  }
0xd: {  	s18 =	sshrl.u32 s4, $0x1;
	s23 =	sshrl.u32 s19, $0x2;
	s19 =	simm.s32 $0x3  }
0xe: {  	s10 =	simm.s32 $0x14B80;
	s6 =	sadd.s32 s7, s6;
	s7 =	sor.u32 s9, s16  }
0xf: {  	s13 =	sadd.s32 s17, s2;
	s4 =	ssub.s32 s4, s18;
	s17 =	simm.s32 $0x15280  }
0x10: {  	s9 =	simm.s32 $0x4;
	s16 =	simm.s32 $0x14480;
	s18 =	simm.s32 $0x7  }
0x11: {  	s6 =	sshrl.u32 s6, $0x3;
	s11 =	sadd.s32 s8, s0;
	s7 =	sshrl.u32 s7, $0x3  }
0x12: {  	s20 =	sadd.s32 $0x4000, s13;
	s21 =	sadd.s32 $0x8000, s13;
	s22 =	sadd.s32 $0xC000, s13  }
0x13: {  	[dreg:$0x6] =	wrdreg s13;
	s24 =	sadd.s32 $0x10000, s13;
	s12 =	sadd.s32 s1, s8  }
0x14: {  	s26 =	smax.u32 s4, $0x1;
	s8 =	simm.s32 $0x5;
	[dreg:$0x7] =	wrdreg s20  }
0x15: {  	s4 =	simm.s32 $0x14580;
	s1 =	simm.s32 $0x14600;
	[dreg:$0x8] =	wrdreg s21  }
0x16: {  	s6 =	sadd.s32 s6, s0;
	s0 =	sadd.s32 s7, s0;
	[dreg:$0x9] =	wrdreg s22  }
0x17: {  	[dreg:$0xa] =	wrdreg s24;
	s7 =	sadd.s32 s23, s3;
	s13 =	sadd.s32 $0x1C00, s11  }
.Ltmp0:
0x18: {  	[dreg:$0xe] =	wrdreg s26;
	s26 =	simm.s32 $0x1;
	(pc) =	sbr.rel .LBB2_1-.Ltmp0, $4  }
0x19: {  	s21 =	simm.s32 $0x14B00;
	s11 =	simm.s32 $0x14C00;
	s23 =	simm.s32 $0x14D00  }
0x1a: {  	s24 =	simm.s32 $0x14D80;
	[dreg:$0xb] =	wrdreg s7;
	s25 =	sadd.s32 $0x32E00, s6  }
0x1b: {  	s0 =	sadd.s32 $0x82E00, s0;
	s6 =	simm.s32 $0x14500;
	[dreg:$0xc] =	wrdreg s25  }
0x1c: {  	v0 =	vimm.f32 $0.0e+00;
	v1 =	vimm.f32 $1.000000000e+00;
	[dreg:$0xd] =	wrdreg s0;
	s25 =	simm.s32 $0x80;
	s0 =	simm.s32 $0x1D280  }
.LBB2_6:
0x1d: {  	_ =	swait.ge [sflag:s9], $0x4000  }
0x1e: {  	[sflag:s9] =	ssyncset.done $0x0  }
0x1f: {  	[sflag:s9] =	ssyncadd.s32 $0xFFFFC000  }
0x20: {  	_ =	swait.ge [sflag:s8], $0x80  }
0x21: {  	[sflag:s8] =	ssyncset.done $0x0  }
0x22: {  	[sflag:s8] =	ssyncadd.s32 $0xFFFFFF80  }
0x23: {  	_ =	swait.ge [sflag:s8], $0x80  }
0x24: {  	[sflag:s8] =	ssyncset.done $0x0  }
0x25: {  	[sflag:s8] =	ssyncadd.s32 $0xFFFFFF80  }
0x26: {  	s7 =	stileid.u32;
	[bflag:$0x0] =	sbarrier.arrive $0xFFFF  }
0x27: {  	s22 =	simm.s32 $0x8;
	s7 =	sshll.u32 s7, $0x6;
	s6 =	rddreg [dreg:$0x6]  }
0x28: {  	s7 =	sor.u32 $0x1C08, s7;
	s20 =	rddreg [dreg:$0xc];
	s14 =	sshrl.u32 s6, $0x3  }
0x29: {  	[hbm:s20], [sflag:s7] =	dma.local [spmem:s14], $0x2800  }
0x2a: {  	_ =	swait.ge [sflag:s22], $0x2800  }
0x2b: {  	s6 =	rddreg [dreg:$0xb]  }
0x2c: {  	s16 =	simm.s32 $0x20;
	[sflag:s22] =	ssyncset.done $0x0;
	s20 =	rddreg [dreg:$0xd]  }
0x2d: {  	[sflag:s22] =	ssyncadd.s32 $0xFFFFD800;
	s14 =	sshrl.u32 s6, $0x3;
	s6 =	simm.s32 $0x10  }
0x2e: {  	[hbm:s20@s16], [sflag:s7] =	dma.strided [spmem:s14@s6], $0x50, s26, $0x10   }
0x2f: {  	_ =	swait.ge [sflag:s22], $0x50  }
0x30: {  	s7 =	rddreg [dreg:$0x5]  }
0x31: {  	s20 =	rddreg [dreg:$0xe];
	s14 =	sadd.s32 $0x1, s7  }
0x32: {  	p0 =	sne.s32 s14, s20  }
.Ltmp1:
0x33: {  	_ = 	snop;
	(pc) =	sbr.rel @!p0 .LBB2_7-.Ltmp1, $3  }
0x34: {  	_ =	sdelay $0x1  }
0x35: {  	[sflag:s22] =	ssyncset.done $0x0  }
0x36: {  	s6 =	simm.s32 $0x14500;
	s16 =	simm.s32 $0x14480;
	[sflag:s22] =	ssyncadd.s32 $0xFFFFFFB0  }
.LBB2_1:
0x37: {  	[dreg:$0x5] =	wrdreg s14;
	s20 =	simm.s32 $0x0;
	s22 =	simm.s32 $0x200  }
.LBB2_2:
0x38: {  	p0 =	sne.s32 s22, $0xFE00;
	[tilespmem:s20+$0x152F0] =	vst v0  }
0x39: {  	[tilespmem:s20+$0x15280] =	vst v0  }
0x3a: {  	[tilespmem:s20+$0x15290] =	vst v0  }
.Ltmp2:
0x3b: {  	[tilespmem:s20+$0x152A0] =	vst v0;
	(pc) =	sbr.rel @p0 .LBB2_2-.Ltmp2, $4  }
0x3c: {  	[tilespmem:s20+$0x152B0] =	vst v0  }
0x3d: {  	[tilespmem:s20+$0x152C0] =	vst v0  }
0x3e: {  	[tilespmem:s20+$0x152D0] =	vst v0  }
0x3f: {  	[tilespmem:s20+$0x152E0] =	vst v0;
	s20 =	sshra.s32 s22, $0x2;
	s22 =	sadd.s32 $0x200, s22  }
0x40: {  	[tilespmem:s20+$0x152F0] =	vst v0  }
0x41: {  	[tilespmem:s20+$0x15280] =	vst v0  }
0x42: {  	[tilespmem:s20+$0x15290] =	vst v0  }
0x43: {  	[tilespmem:s20+$0x152A0] =	vst v0  }
0x44: {  	[tilespmem:s20+$0x152B0] =	vst v0  }
0x45: {  	[tilespmem:s20+$0x152C0] =	vst v0  }
0x46: {  	[tilespmem:s20+$0x152D0] =	vst v0  }
0x47: {  	[tilespmem:s20+$0x152E0] =	vst v0  }
0x48: {  	[tilespmem:$0x1D280] =	vst v1  }
0x49: {  	[tilespmem:$0x1D290] =	vst v1  }
0x4a: {  	[tilespmem:$0x1D2A0] =	vst v1  }
0x4b: {  	[tilespmem:$0x1D2B0] =	vst v1  }
0x4c: {  	[tilespmem:$0x1D2C0] =	vst v1  }
0x4d: {  	[tilespmem:$0x1D2D0] =	vst v1  }
0x4e: {  	[tilespmem:$0x1D2E0] =	vst v1  }
0x4f: {  	[tilespmem:$0x1D2F0] =	vst v1  }
0x50: {  	[tilespmem:$0x1D300] =	vst v0  }
0x51: {  	[tilespmem:$0x1D310] =	vst v0  }
0x52: {  	[tilespmem:$0x1D320] =	vst v0  }
0x53: {  	[tilespmem:$0x1D330] =	vst v0  }
0x54: {  	[tilespmem:$0x1D340] =	vst v0  }
0x55: {  	[tilespmem:$0x1D350] =	vst v0  }
0x56: {  	[tilespmem:$0x1D360] =	vst v0  }
0x57: {  	[tilespmem:$0x1D370] =	vst v0  }
0x58: {  	[tilespmem:$0x1D380] =	vst v0  }
0x59: {  	[tilespmem:$0x1D390] =	vst v0  }
0x5a: {  	[tilespmem:$0x1D3A0] =	vst v0  }
0x5b: {  	[tilespmem:$0x1D3B0] =	vst v0  }
0x5c: {  	[tilespmem:$0x1D3C0] =	vst v0  }
0x5d: {  	[tilespmem:$0x1D3D0] =	vst v0  }
0x5e: {  	[tilespmem:$0x1D3E0] =	vst v0  }
0x5f: {  	[tilespmem:$0x1D3F0] =	vst v0  }
0x60: {  	[tilespmem:$0x1D400] =	vst v0  }
0x61: {  	[tilespmem:$0x1D410] =	vst v0  }
0x62: {  	[tilespmem:$0x1D420] =	vst v0  }
0x63: {  	[tilespmem:$0x1D430] =	vst v0  }
0x64: {  	[tilespmem:$0x1D440] =	vst v0  }
0x65: {  	[tilespmem:$0x1D450] =	vst v0  }
0x66: {  	[tilespmem:$0x1D460] =	vst v0  }
0x67: {  	[tilespmem:$0x1D470] =	vst v0  }
0x68: {  	[tilespmem:$0x1D480] =	vst v0  }
0x69: {  	[tilespmem:$0x1D490] =	vst v0  }
0x6a: {  	[tilespmem:$0x1D4A0] =	vst v0  }
0x6b: {  	[tilespmem:$0x1D4B0] =	vst v0  }
0x6c: {  	[tilespmem:$0x1D4C0] =	vst v0  }
0x6d: {  	[tilespmem:$0x1D4D0] =	vst v0  }
0x6e: {  	[tilespmem:$0x1D4E0] =	vst v0  }
0x6f: {  	[tilespmem:$0x1D4F0] =	vst v0  }
0x70: {  	[tilespmem:$0x1D500] =	vst v0  }
0x71: {  	[tilespmem:$0x1D510] =	vst v0  }
0x72: {  	[tilespmem:$0x1D520] =	vst v0  }
0x73: {  	[tilespmem:$0x1D530] =	vst v0  }
0x74: {  	[tilespmem:$0x1D540] =	vst v0  }
0x75: {  	[tilespmem:$0x1D550] =	vst v0  }
0x76: {  	[tilespmem:$0x1D560] =	vst v0  }
0x77: {  	s7 =	rddreg [dreg:$0x6];
	s14 =	simm.s32 $0x8;
	[tilespmem:$0x1D570] =	vst v0  }
0x78: {  	[spmem:s7] =	stream.linear.scatter [tilespmem:s17], [sflag:$0x8], $0x4000, $0x38;
	[tilespmem:$0x1D580] =	vst v63  }
0x79: {  	_ =	swait.ge [sflag:s14], $0x4000  }
0x7a: {  	[sflag:s14] =	ssyncset.done $0x0  }
0x7b: {  	s20 =	rddreg [dreg:$0x7];
	[sflag:s14] =	ssyncadd.s32 $0xFFFFC000  }
0x7c: {  	[spmem:s20] =	stream.linear.scatter [tilespmem:s17], [sflag:$0x8], $0x4000, $0x38;
	[tilespmem:$0x1D580] =	vst v63  }
0x7d: {  	_ =	swait.ge [sflag:s14], $0x4000  }
0x7e: {  	[sflag:s14] =	ssyncset.done $0x0  }
0x7f: {  	s22 =	rddreg [dreg:$0x8];
	[sflag:s14] =	ssyncadd.s32 $0xFFFFC000  }
0x80: {  	[spmem:s22] =	stream.linear.scatter [tilespmem:s17], [sflag:$0x8], $0x4000, $0x38;
	[tilespmem:$0x1D580] =	vst v63  }
0x81: {  	_ =	swait.ge [sflag:s14], $0x4000  }
0x82: {  	[sflag:s14] =	ssyncset.done $0x0  }
0x83: {  	s20 =	rddreg [dreg:$0x9];
	[sflag:s14] =	ssyncadd.s32 $0xFFFFC000  }
0x84: {  	[spmem:s20] =	stream.linear.scatter [tilespmem:s17], [sflag:$0x8], $0x4000, $0x38;
	[tilespmem:$0x1D580] =	vst v63  }
0x85: {  	_ =	swait.ge [sflag:s14], $0x4000  }
0x86: {  	[sflag:s14] =	ssyncset.done $0x0  }
0x87: {  	s22 =	rddreg [dreg:$0xa];
	[sflag:s14] =	ssyncadd.s32 $0xFFFFC000  }
0x88: {  	[spmem:s22] =	stream.linear.scatter [tilespmem:s17], [sflag:$0x8], $0x4000, $0x38;
	[tilespmem:$0x1D580] =	vst v63  }
0x89: {  	_ =	swait.ge [sflag:s14], $0x4000  }
0x8a: {  	[sflag:s14] =	ssyncset.done $0x0  }
0x8b: {  	s22 =	simm.s32 $0x1D300;
	s20 =	rddreg [dreg:$0xb];
	[sflag:s14] =	ssyncadd.s32 $0xFFFFC000  }
0x8c: {  	[spmem:s20] =	stream.linear.scatter [tilespmem:s22], [sflag:$0x8], $0x280, $0x38;
	[tilespmem:$0x1D580] =	vst v63  }
0x8d: {  	_ =	swait.ge [sflag:s14], $0x280  }
0x8e: {  	[sflag:s14] =	ssyncset.done $0x0  }
0x8f: {  	s20 =	simm.s32 $0x0;
	s22 =	simm.s32 $0x14280;
	[sflag:s14] =	ssyncadd.s32 $0xFFFFFD80  }
0x90: {  	[tilespmem:s22], [sflag:$0x6] =	stream.linear.gather [hbm4b:s12+s20], $0x400, $0x38;
	[tilespmem:$0x1D580] =	vst v63  }
0x91: {  	s7 =	simm.s32 $0x14680  }
0x92: {  	[tilespmem:s7], [sflag:$0x6] =	stream.linear.gather [hbm4b:s13+s20], $0x400, $0x38;
	[tilespmem:$0x1D580] =	vst v63  }
0x93: {  	s22 =	sadd.s32 $0x80, s12  }
0x94: {  	[tilespmem:s31], [sflag:$0x7] =	stream.linear.gather [hbm4b:s22+s20], $0x400, $0x38;
	[tilespmem:$0x1D580] =	vst v63  }
0x95: {  	s14 =	sadd.s32 $0x80, s13;
	s31 =	simm.s32 $0x14E80  }
0x96: {  	[tilespmem:s31], [sflag:$0x7] =	stream.linear.gather [hbm4b:s14+s20], $0x400, $0x38;
	[tilespmem:$0x1D580] =	vst v63  }
0x97: {  	s31 =	simm.s32 $0x6  }
0x98: {  	_ =	swait.ge [sflag:s31], $0x400  }
0x99: {  	[sflag:s31] =	ssyncset.done $0x0  }
0x9a: {  	[sflag:s31] =	ssyncadd.s32 $0xFFFFFC00  }
0x9b: {  	_ =	swait.ge [sflag:s31], $0x400  }
0x9c: {  	[sflag:s31] =	ssyncset.done $0x0  }
0x9d: {  	[sflag:s31] =	ssyncadd.s32 $0xFFFFFC00  }
0x9e: {  	[tilespmem:s17], [sflag:$0x1] =	stream.indirect.gather [hbm4b:s5+s25], $0x80, s7, s25, $0xb8;
	[tilespmem:$0x1D580] =	vst v63  }
0x9f: {  	[bflag:$0x0] =	sbarrier.arrive $0xFFFF  }
.LBB2_4:
0xa0: {  	_ =	swait.ge [sflag:s26], $0x4000  }
0xa1: {  	[sflag:s26] =	ssyncset.done $0x0  }
0xa2: {  	s7 =	simm.s32 $0x14280;
	p0 =	seq.s32 s20, $0x0;
	[sflag:s26] =	ssyncadd.s32 $0xFFFFC000  }
0xa3: {  	[spmem:s2] =	stream.indirect.scatter.add.f32 [tilespmem:s17], [sflag:$0x3], $0x80, s7, s25, $0xb8;
	[tilespmem:$0x1D580] =	vst v63  }
0xa4: {  	s22 =	simm.s32 @p0 $0x80;
	s31 =	simm.s32 @p0 $0x14280;
	s7 =	simm.s32 @p0 $0x1D280  }
0xa5: {  	[spmem:s3] =	stream.indirect.scatter.add.f32 @p0 [tilespmem:s7], [sflag:$0x5], $0x1, s31, s22, $0xb8;
	[tilespmem:$0x1D580] =	vst v63  }
0xa6: {  	s7 =	simm.s32 @!p0 $0x5  }
0xa7: {  	_ =	swait.ge @!p0 [sflag:s7], $0x80  }
0xa8: {  	s14 =	simm.s32 @!p0 $0x1D280;
	[sflag:s7] =	ssyncset.done @!p0 $0x0  }
0xa9: {  	s22 =	simm.s32 @!p0 $0x80;
	s31 =	simm.s32 @!p0 $0x14280;
	[sflag:s7] =	ssyncadd.s32 @!p0 $0xFFFFFF80  }
0xaa: {  	[spmem:s3] =	stream.indirect.scatter.add.f32 @!p0 [tilespmem:s14], [sflag:$0x5], $0x1, s31, s22, $0xb8;
	[tilespmem:$0x1D580] =	vst v63  }
0xab: {  	s14 =	simm.s32 @!p0 $0x4  }
0xac: {  	_ =	swait.ge @!p0 [sflag:s14], $0x4000  }
0xad: {  	[sflag:s14] =	ssyncset.done @!p0 $0x0  }
0xae: {  	s22 =	simm.s32 $0x14700;
	[sflag:s14] =	ssyncadd.s32 @!p0 $0xFFFFC000  }
0xaf: {  	[tilespmem:s29], [sflag:$0x2] =	stream.indirect.gather [hbm4b:s5+s25], $0x80, s22, s25, $0xb8;
	[tilespmem:$0x1D580] =	vst v63  }
0xb0: {  	_ =	swait.ge [sflag:s30], $0x4000  }
0xb1: {  	[sflag:s30] =	ssyncset.done $0x0  }
0xb2: {  	s22 =	simm.s32 $0x14300;
	[sflag:s30] =	ssyncadd.s32 $0xFFFFC000  }
0xb3: {  	[spmem:s2] =	stream.indirect.scatter.add.f32 [tilespmem:s29], [sflag:$0x4], $0x80, s22, s25, $0xb8;
	[tilespmem:$0x1D580] =	vst v63  }
0xb4: {  	_ =	swait.ge @!p0 [sflag:s7], $0x80  }
0xb5: {  	[sflag:s7] =	ssyncset.done @!p0 $0x0  }
0xb6: {  	[sflag:s7] =	ssyncadd.s32 @!p0 $0xFFFFFF80  }
0xb7: {  	[spmem:s3] =	stream.indirect.scatter.add.f32 [tilespmem:s0], [sflag:$0x5], $0x1, s22, s25, $0xb8;
	[tilespmem:$0x1D580] =	vst v63  }
0xb8: {  	_ =	swait.ge [sflag:s19], $0x4000  }
0xb9: {  	[sflag:s19] =	ssyncset.done $0x0  }
0xba: {  	s22 =	simm.s32 $0x14780;
	[sflag:s19] =	ssyncadd.s32 $0xFFFFC000  }
0xbb: {  	[tilespmem:s17], [sflag:$0x1] =	stream.indirect.gather [hbm4b:s5+s25], $0x80, s22, s25, $0xb8;
	[tilespmem:$0x1D580] =	vst v63  }
0xbc: {  	_ =	swait.ge [sflag:s26], $0x4000  }
0xbd: {  	[sflag:s26] =	ssyncset.done $0x0  }
0xbe: {  	s14 =	simm.s32 $0x14380;
	[sflag:s26] =	ssyncadd.s32 $0xFFFFC000  }
0xbf: {  	[spmem:s2] =	stream.indirect.scatter.add.f32 [tilespmem:s17], [sflag:$0x3], $0x80, s14, s25, $0xb8;
	[tilespmem:$0x1D580] =	vst v63  }
0xc0: {  	_ =	swait.ge [sflag:s8], $0x80  }
0xc1: {  	[sflag:s8] =	ssyncset.done $0x0  }
0xc2: {  	[sflag:s8] =	ssyncadd.s32 $0xFFFFFF80  }
0xc3: {  	[spmem:s3] =	stream.indirect.scatter.add.f32 [tilespmem:s0], [sflag:$0x5], $0x1, s14, s25, $0xb8;
	[tilespmem:$0x1D580] =	vst v63  }
0xc4: {  	s7 =	sadd.s32 @!p0 s20, s12;
	_ =	swait.ge [sflag:s9], $0x4000  }
0xc5: {  	s7 =	sadd.s32 @!p0 $0x80, s7;
	[sflag:s9] =	ssyncset.done $0x0  }
0xc6: {  	s22 =	simm.s32 @!p0 $0x14A80;
	s14 =	simm.s32 @!p0 $0x0;
	[sflag:s9] =	ssyncadd.s32 $0xFFFFC000  }
0xc7: {  	[tilespmem:s22], [sflag:$0x7] =	stream.linear.gather @!p0 [hbm4b:s7+s14], $0x400, $0x38;
	[tilespmem:$0x1D580] =	vst v63  }
0xc8: {  	s7 =	sadd.s32 @!p0 s20, s13  }
0xc9: {  	s22 =	simm.s32 @!p0 $0x14E80;
	s7 =	sadd.s32 @!p0 $0x80, s7  }
0xca: {  	[tilespmem:s22], [sflag:$0x7] =	stream.linear.gather @!p0 [hbm4b:s7+s14], $0x400, $0x38;
	[tilespmem:$0x1D580] =	vst v63  }
0xcb: {  	s22 =	simm.s32 $0x14800  }
0xcc: {  	[tilespmem:s29], [sflag:$0x2] =	stream.indirect.gather [hbm4b:s5+s25], $0x80, s22, s25, $0xb8;
	[tilespmem:$0x1D580] =	vst v63  }
0xcd: {  	_ =	swait.ge [sflag:s30], $0x4000  }
0xce: {  	[sflag:s30] =	ssyncset.done $0x0  }
0xcf: {  	s14 =	simm.s32 $0x14400;
	[sflag:s30] =	ssyncadd.s32 $0xFFFFC000  }
0xd0: {  	[spmem:s2] =	stream.indirect.scatter.add.f32 [tilespmem:s29], [sflag:$0x4], $0x80, s14, s25, $0xb8;
	[tilespmem:$0x1D580] =	vst v63  }
0xd1: {  	_ =	swait.ge [sflag:s8], $0x80  }
0xd2: {  	[sflag:s8] =	ssyncset.done $0x0  }
0xd3: {  	[sflag:s8] =	ssyncadd.s32 $0xFFFFFF80  }
0xd4: {  	[spmem:s3] =	stream.indirect.scatter.add.f32 [tilespmem:s0], [sflag:$0x5], $0x1, s14, s25, $0xb8;
	[tilespmem:$0x1D580] =	vst v63  }
0xd5: {  	_ =	swait.ge [sflag:s19], $0x4000  }
0xd6: {  	[sflag:s19] =	ssyncset.done $0x0  }
0xd7: {  	s22 =	simm.s32 $0x14880;
	[sflag:s19] =	ssyncadd.s32 $0xFFFFC000  }
0xd8: {  	[tilespmem:s17], [sflag:$0x1] =	stream.indirect.gather [hbm4b:s5+s25], $0x80, s22, s25, $0xb8;
	[tilespmem:$0x1D580] =	vst v63  }
0xd9: {  	_ =	swait.ge [sflag:s26], $0x4000  }
0xda: {  	[sflag:s26] =	ssyncset.done $0x0  }
0xdb: {  	[sflag:s26] =	ssyncadd.s32 $0xFFFFC000  }
0xdc: {  	[spmem:s2] =	stream.indirect.scatter.add.f32 [tilespmem:s17], [sflag:$0x3], $0x80, s16, s25, $0xb8;
	[tilespmem:$0x1D580] =	vst v63  }
0xdd: {  	_ =	swait.ge [sflag:s8], $0x80  }
0xde: {  	[sflag:s8] =	ssyncset.done $0x0  }
0xdf: {  	[sflag:s8] =	ssyncadd.s32 $0xFFFFFF80  }
0xe0: {  	[spmem:s3] =	stream.indirect.scatter.add.f32 [tilespmem:s0], [sflag:$0x5], $0x1, s16, s25, $0xb8;
	[tilespmem:$0x1D580] =	vst v63  }
0xe1: {  	_ =	swait.ge [sflag:s9], $0x4000  }
0xe2: {  	[sflag:s9] =	ssyncset.done $0x0  }
0xe3: {  	s14 =	simm.s32 $0x14900;
	[sflag:s9] =	ssyncadd.s32 $0xFFFFC000  }
0xe4: {  	[tilespmem:s29], [sflag:$0x2] =	stream.indirect.gather [hbm4b:s5+s25], $0x80, s14, s25, $0xb8;
	[tilespmem:$0x1D580] =	vst v63  }
0xe5: {  	_ =	swait.ge [sflag:s30], $0x4000  }
0xe6: {  	[sflag:s30] =	ssyncset.done $0x0  }
0xe7: {  	[sflag:s30] =	ssyncadd.s32 $0xFFFFC000  }
0xe8: {  	[spmem:s2] =	stream.indirect.scatter.add.f32 [tilespmem:s29], [sflag:$0x4], $0x80, s6, s25, $0xb8;
	[tilespmem:$0x1D580] =	vst v63  }
0xe9: {  	_ =	swait.ge [sflag:s8], $0x80  }
0xea: {  	[sflag:s8] =	ssyncset.done $0x0  }
0xeb: {  	[sflag:s8] =	ssyncadd.s32 $0xFFFFFF80  }
0xec: {  	[spmem:s3] =	stream.indirect.scatter.add.f32 [tilespmem:s0], [sflag:$0x5], $0x1, s6, s25, $0xb8;
	[tilespmem:$0x1D580] =	vst v63  }
0xed: {  	_ =	swait.ge [sflag:s19], $0x4000  }
0xee: {  	[sflag:s19] =	ssyncset.done $0x0  }
0xef: {  	s22 =	simm.s32 $0x14980;
	[sflag:s19] =	ssyncadd.s32 $0xFFFFC000  }
0xf0: {  	[tilespmem:s17], [sflag:$0x1] =	stream.indirect.gather [hbm4b:s5+s25], $0x80, s22, s25, $0xb8;
	[tilespmem:$0x1D580] =	vst v63  }
0xf1: {  	_ =	swait.ge [sflag:s26], $0x4000  }
0xf2: {  	[sflag:s26] =	ssyncset.done $0x0  }
0xf3: {  	[sflag:s26] =	ssyncadd.s32 $0xFFFFC000  }
0xf4: {  	[spmem:s2] =	stream.indirect.scatter.add.f32 [tilespmem:s17], [sflag:$0x3], $0x80, s4, s25, $0xb8;
	[tilespmem:$0x1D580] =	vst v63  }
0xf5: {  	_ =	swait.ge [sflag:s8], $0x80  }
0xf6: {  	[sflag:s8] =	ssyncset.done $0x0  }
0xf7: {  	[sflag:s8] =	ssyncadd.s32 $0xFFFFFF80  }
0xf8: {  	[spmem:s3] =	stream.indirect.scatter.add.f32 [tilespmem:s0], [sflag:$0x5], $0x1, s4, s25, $0xb8;
	[tilespmem:$0x1D580] =	vst v63  }
0xf9: {  	_ =	swait.ge [sflag:s9], $0x4000  }
0xfa: {  	[sflag:s9] =	ssyncset.done $0x0  }
0xfb: {  	[sflag:s9] =	ssyncadd.s32 $0xFFFFC000  }
0xfc: {  	_ =	swait.ge [sflag:s18], $0x400  }
0xfd: {  	[sflag:s18] =	ssyncset.done $0x0  }
0xfe: {  	[sflag:s18] =	ssyncadd.s32 $0xFFFFFC00  }
0xff: {  	_ =	swait.ge [sflag:s18], $0x400  }
0x100: {  	[sflag:s18] =	ssyncset.done $0x0  }
0x101: {  	s14 =	simm.s32 $0x14A00;
	[sflag:s18] =	ssyncadd.s32 $0xFFFFFC00  }
0x102: {  	[tilespmem:s29], [sflag:$0x2] =	stream.indirect.gather [hbm4b:s5+s25], $0x80, s14, s25, $0xb8;
	[tilespmem:$0x1D580] =	vst v63  }
0x103: {  	_ =	swait.ge [sflag:s30], $0x4000  }
0x104: {  	[sflag:s30] =	ssyncset.done $0x0  }
0x105: {  	[sflag:s30] =	ssyncadd.s32 $0xFFFFC000  }
0x106: {  	[spmem:s2] =	stream.indirect.scatter.add.f32 [tilespmem:s29], [sflag:$0x4], $0x80, s1, s25, $0xb8;
	[tilespmem:$0x1D580] =	vst v63  }
0x107: {  	_ =	swait.ge [sflag:s8], $0x80  }
0x108: {  	[sflag:s8] =	ssyncset.done $0x0  }
0x109: {  	[sflag:s8] =	ssyncadd.s32 $0xFFFFFF80  }
0x10a: {  	[spmem:s3] =	stream.indirect.scatter.add.f32 [tilespmem:s0], [sflag:$0x5], $0x1, s1, s25, $0xb8;
	[tilespmem:$0x1D580] =	vst v63  }
0x10b: {  	_ =	swait.ge [sflag:s19], $0x4000  }
0x10c: {  	[sflag:s19] =	ssyncset.done $0x0  }
0x10d: {  	s22 =	simm.s32 $0x14E80;
	[sflag:s19] =	ssyncadd.s32 $0xFFFFC000  }
0x10e: {  	[tilespmem:s17], [sflag:$0x1] =	stream.indirect.gather [hbm4b:s5+s25], $0x80, s22, s25, $0xb8;
	[tilespmem:$0x1D580] =	vst v63  }
0x10f: {  	_ =	swait.ge [sflag:s26], $0x4000  }
0x110: {  	[sflag:s26] =	ssyncset.done $0x0  }
0x111: {  	s14 =	simm.s32 $0x14A80;
	[sflag:s26] =	ssyncadd.s32 $0xFFFFC000  }
0x112: {  	[spmem:s2] =	stream.indirect.scatter.add.f32 [tilespmem:s17], [sflag:$0x3], $0x80, s14, s25, $0xb8;
	[tilespmem:$0x1D580] =	vst v63  }
0x113: {  	_ =	swait.ge [sflag:s8], $0x80  }
0x114: {  	[sflag:s8] =	ssyncset.done $0x0  }
0x115: {  	[sflag:s8] =	ssyncadd.s32 $0xFFFFFF80  }
0x116: {  	[spmem:s3] =	stream.indirect.scatter.add.f32 [tilespmem:s0], [sflag:$0x5], $0x1, s14, s25, $0xb8;
	[tilespmem:$0x1D580] =	vst v63  }
0x117: {  	_ =	swait.ge [sflag:s9], $0x4000  }
0x118: {  	[sflag:s9] =	ssyncset.done $0x0  }
0x119: {  	s22 =	simm.s32 $0x14F00;
	[sflag:s9] =	ssyncadd.s32 $0xFFFFC000  }
0x11a: {  	[tilespmem:s29], [sflag:$0x2] =	stream.indirect.gather [hbm4b:s5+s25], $0x80, s22, s25, $0xb8;
	[tilespmem:$0x1D580] =	vst v63  }
0x11b: {  	_ =	swait.ge [sflag:s30], $0x4000  }
0x11c: {  	[sflag:s30] =	ssyncset.done $0x0  }
0x11d: {  	[sflag:s30] =	ssyncadd.s32 $0xFFFFC000  }
0x11e: {  	[spmem:s2] =	stream.indirect.scatter.add.f32 [tilespmem:s29], [sflag:$0x4], $0x80, s21, s25, $0xb8;
	[tilespmem:$0x1D580] =	vst v63  }
0x11f: {  	_ =	swait.ge [sflag:s8], $0x80  }
0x120: {  	[sflag:s8] =	ssyncset.done $0x0  }
0x121: {  	p0 =	seq.s32 s20, $0x400;
	[sflag:s8] =	ssyncadd.s32 $0xFFFFFF80  }
0x122: {  	[spmem:s3] =	stream.indirect.scatter.add.f32 [tilespmem:s0], [sflag:$0x5], $0x1, s21, s25, $0xb8;
	[tilespmem:$0x1D580] =	vst v63  }
0x123: {  	s7 =	sadd.s32 @!p0 s20, s12;
	_ =	swait.ge [sflag:s19], $0x4000  }
0x124: {  	s7 =	sadd.s32 @!p0 $0x100, s7;
	[sflag:s19] =	ssyncset.done $0x0  }
0x125: {  	s14 =	simm.s32 @!p0 $0x0;
	s22 =	simm.s32 @!p0 $0x14280;
	[sflag:s19] =	ssyncadd.s32 $0xFFFFC000  }
0x126: {  	[tilespmem:s22], [sflag:$0x6] =	stream.linear.gather @!p0 [hbm4b:s7+s14], $0x400, $0x38;
	[tilespmem:$0x1D580] =	vst v63  }
0x127: {  	s7 =	sadd.s32 @!p0 s20, s13  }
0x128: {  	s22 =	simm.s32 @!p0 $0x14680;
	s7 =	sadd.s32 @!p0 $0x100, s7  }
0x129: {  	[tilespmem:s22], [sflag:$0x6] =	stream.linear.gather @!p0 [hbm4b:s7+s14], $0x400, $0x38;
	[tilespmem:$0x1D580] =	vst v63  }
0x12a: {  	s14 =	simm.s32 $0x14F80  }
0x12b: {  	[tilespmem:s17], [sflag:$0x1] =	stream.indirect.gather [hbm4b:s5+s25], $0x80, s14, s25, $0xb8;
	[tilespmem:$0x1D580] =	vst v63  }
0x12c: {  	_ =	swait.ge [sflag:s26], $0x4000  }
0x12d: {  	[sflag:s26] =	ssyncset.done $0x0  }
0x12e: {  	[sflag:s26] =	ssyncadd.s32 $0xFFFFC000  }
0x12f: {  	[spmem:s2] =	stream.indirect.scatter.add.f32 [tilespmem:s17], [sflag:$0x3], $0x80, s10, s25, $0xb8;
	[tilespmem:$0x1D580] =	vst v63  }
0x130: {  	_ =	swait.ge [sflag:s8], $0x80  }
0x131: {  	[sflag:s8] =	ssyncset.done $0x0  }
0x132: {  	[sflag:s8] =	ssyncadd.s32 $0xFFFFFF80  }
0x133: {  	[spmem:s3] =	stream.indirect.scatter.add.f32 [tilespmem:s0], [sflag:$0x5], $0x1, s10, s25, $0xb8;
	[tilespmem:$0x1D580] =	vst v63  }
0x134: {  	_ =	swait.ge [sflag:s9], $0x4000  }
0x135: {  	[sflag:s9] =	ssyncset.done $0x0  }
0x136: {  	s22 =	simm.s32 $0x15000;
	[sflag:s9] =	ssyncadd.s32 $0xFFFFC000  }
0x137: {  	[tilespmem:s29], [sflag:$0x2] =	stream.indirect.gather [hbm4b:s5+s25], $0x80, s22, s25, $0xb8;
	[tilespmem:$0x1D580] =	vst v63  }
0x138: {  	_ =	swait.ge [sflag:s30], $0x4000  }
0x139: {  	[sflag:s30] =	ssyncset.done $0x0  }
0x13a: {  	[sflag:s30] =	ssyncadd.s32 $0xFFFFC000  }
0x13b: {  	[spmem:s2] =	stream.indirect.scatter.add.f32 [tilespmem:s29], [sflag:$0x4], $0x80, s11, s25, $0xb8;
	[tilespmem:$0x1D580] =	vst v63  }
0x13c: {  	_ =	swait.ge [sflag:s8], $0x80  }
0x13d: {  	[sflag:s8] =	ssyncset.done $0x0  }
0x13e: {  	[sflag:s8] =	ssyncadd.s32 $0xFFFFFF80  }
0x13f: {  	[spmem:s3] =	stream.indirect.scatter.add.f32 [tilespmem:s0], [sflag:$0x5], $0x1, s11, s25, $0xb8;
	[tilespmem:$0x1D580] =	vst v63  }
0x140: {  	_ =	swait.ge [sflag:s19], $0x4000  }
0x141: {  	[sflag:s19] =	ssyncset.done $0x0  }
0x142: {  	s14 =	simm.s32 $0x15080;
	[sflag:s19] =	ssyncadd.s32 $0xFFFFC000  }
0x143: {  	[tilespmem:s17], [sflag:$0x1] =	stream.indirect.gather [hbm4b:s5+s25], $0x80, s14, s25, $0xb8;
	[tilespmem:$0x1D580] =	vst v63  }
0x144: {  	_ =	swait.ge [sflag:s26], $0x4000  }
0x145: {  	[sflag:s26] =	ssyncset.done $0x0  }
0x146: {  	[sflag:s26] =	ssyncadd.s32 $0xFFFFC000  }
0x147: {  	[spmem:s2] =	stream.indirect.scatter.add.f32 [tilespmem:s17], [sflag:$0x3], $0x80, s28, s25, $0xb8;
	[tilespmem:$0x1D580] =	vst v63  }
0x148: {  	_ =	swait.ge [sflag:s8], $0x80  }
0x149: {  	[sflag:s8] =	ssyncset.done $0x0  }
0x14a: {  	[sflag:s8] =	ssyncadd.s32 $0xFFFFFF80  }
0x14b: {  	[spmem:s3] =	stream.indirect.scatter.add.f32 [tilespmem:s0], [sflag:$0x5], $0x1, s28, s25, $0xb8;
	[tilespmem:$0x1D580] =	vst v63  }
0x14c: {  	_ =	swait.ge [sflag:s9], $0x4000  }
0x14d: {  	[sflag:s9] =	ssyncset.done $0x0  }
0x14e: {  	s7 =	simm.s32 @!p0 $0x6;
	[sflag:s9] =	ssyncadd.s32 $0xFFFFC000  }
0x14f: {  	_ =	swait.ge @!p0 [sflag:s7], $0x400  }
0x150: {  	[sflag:s7] =	ssyncset.done @!p0 $0x0  }
0x151: {  	[sflag:s7] =	ssyncadd.s32 @!p0 $0xFFFFFC00  }
0x152: {  	_ =	swait.ge @!p0 [sflag:s7], $0x400  }
0x153: {  	[sflag:s7] =	ssyncset.done @!p0 $0x0  }
0x154: {  	s22 =	simm.s32 $0x15100;
	[sflag:s7] =	ssyncadd.s32 @!p0 $0xFFFFFC00  }
0x155: {  	[tilespmem:s29], [sflag:$0x2] =	stream.indirect.gather [hbm4b:s5+s25], $0x80, s22, s25, $0xb8;
	[tilespmem:$0x1D580] =	vst v63  }
0x156: {  	_ =	swait.ge [sflag:s30], $0x4000  }
0x157: {  	[sflag:s30] =	ssyncset.done $0x0  }
0x158: {  	[sflag:s30] =	ssyncadd.s32 $0xFFFFC000  }
0x159: {  	[spmem:s2] =	stream.indirect.scatter.add.f32 [tilespmem:s29], [sflag:$0x4], $0x80, s23, s25, $0xb8;
	[tilespmem:$0x1D580] =	vst v63  }
0x15a: {  	_ =	swait.ge [sflag:s8], $0x80  }
0x15b: {  	[sflag:s8] =	ssyncset.done $0x0  }
0x15c: {  	[sflag:s8] =	ssyncadd.s32 $0xFFFFFF80  }
0x15d: {  	[spmem:s3] =	stream.indirect.scatter.add.f32 [tilespmem:s0], [sflag:$0x5], $0x1, s23, s25, $0xb8;
	[tilespmem:$0x1D580] =	vst v63  }
0x15e: {  	_ =	swait.ge [sflag:s19], $0x4000  }
0x15f: {  	[sflag:s19] =	ssyncset.done $0x0  }
0x160: {  	s14 =	simm.s32 $0x15180;
	[sflag:s19] =	ssyncadd.s32 $0xFFFFC000  }
0x161: {  	[tilespmem:s17], [sflag:$0x1] =	stream.indirect.gather [hbm4b:s5+s25], $0x80, s14, s25, $0xb8;
	[tilespmem:$0x1D580] =	vst v63  }
0x162: {  	_ =	swait.ge [sflag:s26], $0x4000  }
0x163: {  	[sflag:s26] =	ssyncset.done $0x0  }
0x164: {  	[sflag:s26] =	ssyncadd.s32 $0xFFFFC000  }
0x165: {  	[spmem:s2] =	stream.indirect.scatter.add.f32 [tilespmem:s17], [sflag:$0x3], $0x80, s24, s25, $0xb8;
	[tilespmem:$0x1D580] =	vst v63  }
0x166: {  	_ =	swait.ge [sflag:s8], $0x80  }
0x167: {  	[sflag:s8] =	ssyncset.done $0x0  }
0x168: {  	[sflag:s8] =	ssyncadd.s32 $0xFFFFFF80  }
0x169: {  	[spmem:s3] =	stream.indirect.scatter.add.f32 [tilespmem:s0], [sflag:$0x5], $0x1, s24, s25, $0xb8;
	[tilespmem:$0x1D580] =	vst v63  }
0x16a: {  	_ =	swait.ge [sflag:s9], $0x4000  }
0x16b: {  	[sflag:s9] =	ssyncset.done $0x0  }
0x16c: {  	s22 =	simm.s32 $0x15200;
	[sflag:s9] =	ssyncadd.s32 $0xFFFFC000  }
0x16d: {  	[tilespmem:s29], [sflag:$0x2] =	stream.indirect.gather [hbm4b:s5+s25], $0x80, s22, s25, $0xb8;
	[tilespmem:$0x1D580] =	vst v63  }
0x16e: {  	_ =	swait.ge [sflag:s30], $0x4000  }
0x16f: {  	[sflag:s30] =	ssyncset.done $0x0  }
0x170: {  	[sflag:s30] =	ssyncadd.s32 $0xFFFFC000  }
0x171: {  	[spmem:s2] =	stream.indirect.scatter.add.f32 [tilespmem:s29], [sflag:$0x4], $0x80, s15, s25, $0xb8;
	[tilespmem:$0x1D580] =	vst v63  }
0x172: {  	_ =	swait.ge [sflag:s8], $0x80  }
0x173: {  	[sflag:s8] =	ssyncset.done $0x0  }
.Ltmp3:
0x174: {  	[sflag:s8] =	ssyncadd.s32 $0xFFFFFF80;
	(pc) =	sbr.rel @p0 .LBB2_6-.Ltmp3, $4  }
0x175: {  	[spmem:s3] =	stream.indirect.scatter.add.f32 [tilespmem:s0], [sflag:$0x5], $0x1, s15, s25, $0xb8;
	[tilespmem:$0x1D580] =	vst v63  }
0x176: {  	_ =	swait.ge [sflag:s19], $0x4000  }
0x177: {  	[sflag:s19] =	ssyncset.done $0x0  }
0x178: {  	s31 =	simm.s32 $0x14A80;
	[sflag:s19] =	ssyncadd.s32 $0xFFFFC000  }
.Ltmp4:
0x179: {  	(pc) =	sbr.rel .LBB2_4-.Ltmp4, $3  }
0x17a: {  	_ =	sdelay $0x1  }
0x17b: {  	s7 =	simm.s32 $0x14680;
	s20 =	sadd.s32 $0x100, s20  }
0x17c: {  	[tilespmem:s17], [sflag:$0x1] =	stream.indirect.gather [hbm4b:s5+s25], $0x80, s7, s25, $0xb8;
	[tilespmem:$0x1D580] =	vst v63  }
.LBB2_7:
0x17d: {  	_ =	sfence.sel $0x180000  }
0x17e: {  	[bflag:$0x0] =	sbarrier.arrive $0xFFFF  }
0x17f: {  	_ =	strace $0x90000047  }
0x180: {  	s0 =	stileid.u32;
	[bflag:$0x2] =	sbarrier.arrive $0xFFFF  }
0x181: {  	p0 =	sne.s32 s0, $0x0;
	s0 =	rddreg [dreg:$0x4]  }
0x182: {  	s0 =	sadd.s32 @!p0 $0x100000, s0  }
0x183: {  	[sflag:s0] =	ssyncadd.tile.s32 @!p0 $0x1;
	_ =	shalt  }
.Lfunc_end2:
_tile_overlayer_lowered:
.L_overlay_start_2:
0x184: {  	(tag) =	ssettag $0x2  }
0x185: {  	s0 =	rddreg [dreg:$0x0];
	s2 =	stileid.u32  }
0x186: {  	s1 =	rddreg [dreg:$0x1];
	p0 =	sne.s32 s2, $0x0  }
0x187: {  	s3 =	rddreg [dreg:$0x2];
	[bflag:$0x3] =	sbarrier.arrive $0xFFFF;
	s2 =	simm.s32 @!p0 $0x1C08  }
0x188: {  	[timem:s3], [sflag:s2] =	dma.local @!p0 [hbm:s0], s1  }
0x189: {  	s0 =	simm.s32 @!p0 $0x8  }
0x18a: {  	_ =	swait.ge @!p0 [sflag:s0], s1  }
0x18b: {  	s1 =	ssub.s32 @!p0 $0x0, s1;
	[sflag:s0] =	ssyncset.done @!p0 $0x0  }
0x18c: {  	[sflag:s0] =	ssyncadd.s32 @!p0 s1  }
0x18d: {  	[bflag:$0x3] =	sbarrier.arrive $0xFFFF  }
0x18e: {  	_ =	shalt  }

</sc_bundles>
